<compile_context>
chip_gen: v7x
topology: tpu7x:2x2x1
jax: 0.10.2.dev20260603
libtpu: 0.0.44.dev20260713+nightly
codegen_flags: <defaults>
</compile_context>

<pallas_src>
import jax
import jax.numpy as jnp
from jax import lax
from jax.experimental import pallas as pl
from jax.experimental.pallas import tpu as pltpu
from jax.experimental.pallas import tpu_sc as plsc

NC = 2
NS = 16
NW = NC * NS
BATCH = 16384
DIM = 32
B_PER_W = BATCH // NW
RING = 11
LANE = 16
NGROUP = B_PER_W // LANE


def _gmf_body(ut, it, uidx, iidx, out,
              uidx_v, iidx_v, ucol_v, icol_v, uslot, islot,
              upack, ipack, out_v, sem):
    wid = lax.axis_index("s") * NC + lax.axis_index("c")

    pltpu.sync_copy(uidx.at[wid], uidx_v)
    pltpu.sync_copy(iidx.at[wid], iidx_v)

    lane = lax.iota(jnp.int32, LANE)

    def fire(k, j, ubase16, ibase16):
        slot = lax.rem(k, RING)
        sel = lane == j
        ub = pl.multiple_of(jnp.sum(jnp.where(sel, ubase16, 0)), 128)
        ib = pl.multiple_of(jnp.sum(jnp.where(sel, ibase16, 0)), 128)
        pltpu.async_copy(ut.at[:, pl.ds(ub, 128)], uslot.at[slot],
                         sem.at[slot])
        pltpu.async_copy(it.at[:, pl.ds(ib, 128)], islot.at[slot],
                         sem.at[slot])

    def collect(k):
        slot = lax.rem(k, RING)
        pltpu.make_async_copy(ut.at[:, pl.ds(0, 128)],
                              uslot.at[slot], sem.at[slot]).wait()
        pltpu.make_async_copy(ut.at[:, pl.ds(0, 128)],
                              islot.at[slot], sem.at[slot]).wait()
        kk = jnp.full((LANE,), k, jnp.int32)
        uc = plsc.load_gather(ucol_v, [kk])
        ic = plsc.load_gather(icol_v, [kk])
        for half in range(2):
            d16 = lane + half * LANE
            u16 = plsc.load_gather(uslot.at[slot], [d16, uc])
            i16 = plsc.load_gather(islot.at[slot], [d16, ic])
            plsc.store_scatter(upack, [d16, kk], u16)
            plsc.store_scatter(ipack, [d16, kk], i16)

    def group_loop(g, carry):
        base = pl.multiple_of(g * LANE, LANE)
        u16 = uidx_v[pl.ds(base, LANE)]
        i16 = iidx_v[pl.ds(base, LANE)]
        ubase16 = (u16 >> 7) << 7
        ibase16 = (i16 >> 7) << 7
        ucol_v[pl.ds(base, LANE)] = u16 & 127
        icol_v[pl.ds(base, LANE)] = i16 & 127
        for j in range(LANE):
            k = base + j

            @pl.when(k >= RING)
            def _():
                collect(k - RING)

            fire(k, j, ubase16, ibase16)
        return carry

    lax.fori_loop(0, NGROUP, group_loop, 0)

    def tail_loop(k, carry):
        collect(k)
        return carry

    lax.fori_loop(B_PER_W - RING, B_PER_W, tail_loop, 0)

    def block(b, carry):
        base = b * LANE
        acc = jnp.zeros((LANE,), jnp.float32)
        for d in range(DIM):
            acc = acc + upack[d, pl.ds(base, LANE)] * ipack[d, pl.ds(base, LANE)]
        out_v[pl.ds(base, LANE)] = 1.0 / (1.0 + jnp.exp(-acc))
        return carry

    lax.fori_loop(0, B_PER_W // LANE, block, 0)

    pltpu.sync_copy(out_v, out.at[pl.ds(wid * B_PER_W, B_PER_W)])


def kernel(user, item, user_table, item_table):
    uidx = user.astype(jnp.int32).reshape(NW, B_PER_W)
    iidx = item.astype(jnp.int32).reshape(NW, B_PER_W)
    ut = user_table.T
    it = item_table.T

    mesh = plsc.VectorSubcoreMesh(
        core_axis_name="c", subcore_axis_name="s",
        num_cores=NC, num_subcores=NS)

    run = pl.kernel(
        _gmf_body,
        out_type=jax.ShapeDtypeStruct((BATCH,), jnp.float32),
        mesh=mesh,
        scratch_types=[
            pltpu.VMEM((B_PER_W,), jnp.int32),
            pltpu.VMEM((B_PER_W,), jnp.int32),
            pltpu.VMEM((B_PER_W,), jnp.int32),
            pltpu.VMEM((B_PER_W,), jnp.int32),
            pltpu.VMEM((RING, DIM, 128), jnp.float32),
            pltpu.VMEM((RING, DIM, 128), jnp.float32),
            pltpu.VMEM((DIM, B_PER_W), jnp.float32),
            pltpu.VMEM((DIM, B_PER_W), jnp.float32),
            pltpu.VMEM((B_PER_W,), jnp.float32),
            pltpu.SemaphoreType.DMA((RING,)),
        ],
        compiler_params=pltpu.CompilerParams(needs_layout_passes=False),
    )
    return run(ut, it, uidx, iidx)

# --- scband reference (transcript-rebuilt; emitter-appended) ---
"""Pipeline reference for scband-gmf-8967891714451 (READ-ONLY COPY).

The authoritative reference and input builder live on the scoring server;
editing this copy changes nothing except your own understanding.
"""

import jax, jax.numpy as jnp
import numpy as np

N_USERS = 1000000
N_ITEMS = 1000000
DIM = 32
BATCH = 16384

def setup_inputs(seed: int = 0) -> dict:
    key = jax.random.key(seed)
    k1, k2, k3, k4 = jax.random.split(key, 4)
    bound = DIM ** (-0.5)
    user_table = jax.random.uniform(k1, (N_USERS, DIM), dtype=jnp.float32, minval=-bound, maxval=bound)
    item_table = jax.random.uniform(k2, (N_ITEMS, DIM), dtype=jnp.float32, minval=-bound, maxval=bound)
    user = jax.random.randint(k3, (BATCH,), 0, N_USERS, dtype=jnp.int64 if jax.config.jax_enable_x64 else jnp.int32)
    item = jax.random.randint(k4, (BATCH,), 0, N_ITEMS, dtype=jnp.int64 if jax.config.jax_enable_x64 else jnp.int32)
    return {"user": user, "item": item, "user_table": user_table, "item_table": item_table}

def reference(user, item, user_table, item_table):
    user_emb = jnp.take(user_table, user, axis=0)
    item_emb = jnp.take(item_table, item, axis=0)
    mix = user_emb * item_emb
    return jax.nn.sigmoid(mix.sum(-1))

if __name__ == "__main__":
    import jax
    _d = setup_inputs()
    print(jax.jit(kernel)(*tuple(_d.values())))

</pallas_src>

<mosaic_0001>
#map = affine_map<(d0, d1) -> (0, 0)>
#map1 = affine_map<(d0, d1) -> (0)>
module attributes {stable_mosaic.version = 14 : i64} {
  func.func @_gmf_body(%arg0: i32, %arg1: i32, %arg2: memref<32x1000000xf32, #tpu.memory_space<hbm>>, %arg3: memref<32x1000000xf32, #tpu.memory_space<hbm>>, %arg4: memref<32x512xi32, #tpu.memory_space<hbm>>, %arg5: memref<32x512xi32, #tpu.memory_space<hbm>>, %arg6: memref<16384xf32, #tpu.memory_space<hbm>>, %arg7: memref<512xi32, #tpu.memory_space<vmem>>, %arg8: memref<512xi32, #tpu.memory_space<vmem>>, %arg9: memref<512xi32, #tpu.memory_space<vmem>>, %arg10: memref<512xi32, #tpu.memory_space<vmem>>, %arg11: memref<11x32x128xf32, #tpu.memory_space<vmem>>, %arg12: memref<11x32x128xf32, #tpu.memory_space<vmem>>, %arg13: memref<32x512xf32, #tpu.memory_space<vmem>>, %arg14: memref<32x512xf32, #tpu.memory_space<vmem>>, %arg15: memref<512xf32, #tpu.memory_space<vmem>>, %arg16: memref<11x!tpu.dma_semaphore, #tpu.memory_space<semaphore_mem>>) attributes {dimension_semantics = [#tpu.dimension_semantics<core_parallel>, #tpu.dimension_semantics<subcore_parallel>], iteration_bounds = array<i64: 2, 16>, scalar_prefetch = 0 : i64, scratch_operands = 10 : i64, tpu.core_type = #tpu.core_type<sc_vector_subcore>, window_params = [{transform_indices = #map}, {transform_indices = #map}, {transform_indices = #map}, {transform_indices = #map}, {transform_indices = #map1}]} {
    %mul3A = arith.constant 2 : i32
    %mul3A_0 = arith.muli %arg1, %mul3A : i32
    %add3A = arith.addi %mul3A_0, %arg0 : i32
    "tpu.region"() ({
      %run_scoped3A = tpu.sem_alloc : memref<!tpu.dma_semaphore, #tpu.memory_space<semaphore_mem>>
      %dma_start3A = arith.constant 0 : i32
      %dma_start3A_20 = tpu.memref_slice %arg4[%add3A, %dma_start3A] : memref<32x512xi32, #tpu.memory_space<hbm>> -> memref<1x512xi32, #tpu.memory_space<hbm>>
      %dma_start3A_21 = tpu.memref_squeeze %dma_start3A_20 : memref<1x512xi32, #tpu.memory_space<hbm>> -> memref<512xi32, #tpu.memory_space<hbm>>
      %dma_start3A_22 = arith.constant 0 : i32
      %dma_start3A_23 = tpu.memref_slice %arg4[%add3A, %dma_start3A_22] : memref<32x512xi32, #tpu.memory_space<hbm>> -> memref<1x512xi32, #tpu.memory_space<hbm>>
      %dma_start3A_24 = tpu.memref_squeeze %dma_start3A_23 : memref<1x512xi32, #tpu.memory_space<hbm>> -> memref<512xi32, #tpu.memory_space<hbm>>
      tpu.enqueue_dma source(%dma_start3A_24 : memref<512xi32, #tpu.memory_space<hbm>>) target(%arg7 : memref<512xi32, #tpu.memory_space<vmem>>) target_semaphore(%run_scoped3A : memref<!tpu.dma_semaphore, #tpu.memory_space<semaphore_mem>>)
      %dma_wait3A = arith.constant 0 : i32
      %dma_wait3A_25 = tpu.memref_slice %arg4[%add3A, %dma_wait3A] : memref<32x512xi32, #tpu.memory_space<hbm>> -> memref<1x512xi32, #tpu.memory_space<hbm>>
      %dma_wait3A_26 = tpu.memref_squeeze %dma_wait3A_25 : memref<1x512xi32, #tpu.memory_space<hbm>> -> memref<512xi32, #tpu.memory_space<hbm>>
      %dma_wait3A_27 = arith.constant 0 : i32
      %dma_wait3A_28 = tpu.memref_slice %arg4[%add3A, %dma_wait3A_27] : memref<32x512xi32, #tpu.memory_space<hbm>> -> memref<1x512xi32, #tpu.memory_space<hbm>>
      %dma_wait3A_29 = tpu.memref_squeeze %dma_wait3A_28 : memref<1x512xi32, #tpu.memory_space<hbm>> -> memref<512xi32, #tpu.memory_space<hbm>>
      tpu.wait_dma2 semaphore(%run_scoped3A : memref<!tpu.dma_semaphore, #tpu.memory_space<semaphore_mem>>) src(%dma_wait3A_29 : memref<512xi32, #tpu.memory_space<hbm>>) dst(%arg7 : memref<512xi32, #tpu.memory_space<vmem>>)
      tpu.yield
    }) : () -> ()
    "tpu.region"() ({
      %run_scoped3A = tpu.sem_alloc : memref<!tpu.dma_semaphore, #tpu.memory_space<semaphore_mem>>
      %dma_start3A = arith.constant 0 : i32
      %dma_start3A_20 = tpu.memref_slice %arg5[%add3A, %dma_start3A] : memref<32x512xi32, #tpu.memory_space<hbm>> -> memref<1x512xi32, #tpu.memory_space<hbm>>
      %dma_start3A_21 = tpu.memref_squeeze %dma_start3A_20 : memref<1x512xi32, #tpu.memory_space<hbm>> -> memref<512xi32, #tpu.memory_space<hbm>>
      %dma_start3A_22 = arith.constant 0 : i32
      %dma_start3A_23 = tpu.memref_slice %arg5[%add3A, %dma_start3A_22] : memref<32x512xi32, #tpu.memory_space<hbm>> -> memref<1x512xi32, #tpu.memory_space<hbm>>
      %dma_start3A_24 = tpu.memref_squeeze %dma_start3A_23 : memref<1x512xi32, #tpu.memory_space<hbm>> -> memref<512xi32, #tpu.memory_space<hbm>>
      tpu.enqueue_dma source(%dma_start3A_24 : memref<512xi32, #tpu.memory_space<hbm>>) target(%arg8 : memref<512xi32, #tpu.memory_space<vmem>>) target_semaphore(%run_scoped3A : memref<!tpu.dma_semaphore, #tpu.memory_space<semaphore_mem>>)
      %dma_wait3A = arith.constant 0 : i32
      %dma_wait3A_25 = tpu.memref_slice %arg5[%add3A, %dma_wait3A] : memref<32x512xi32, #tpu.memory_space<hbm>> -> memref<1x512xi32, #tpu.memory_space<hbm>>
      %dma_wait3A_26 = tpu.memref_squeeze %dma_wait3A_25 : memref<1x512xi32, #tpu.memory_space<hbm>> -> memref<512xi32, #tpu.memory_space<hbm>>
      %dma_wait3A_27 = arith.constant 0 : i32
      %dma_wait3A_28 = tpu.memref_slice %arg5[%add3A, %dma_wait3A_27] : memref<32x512xi32, #tpu.memory_space<hbm>> -> memref<1x512xi32, #tpu.memory_space<hbm>>
      %dma_wait3A_29 = tpu.memref_squeeze %dma_wait3A_28 : memref<1x512xi32, #tpu.memory_space<hbm>> -> memref<512xi32, #tpu.memory_space<hbm>>
      tpu.wait_dma2 semaphore(%run_scoped3A : memref<!tpu.dma_semaphore, #tpu.memory_space<semaphore_mem>>) src(%dma_wait3A_29 : memref<512xi32, #tpu.memory_space<hbm>>) dst(%arg8 : memref<512xi32, #tpu.memory_space<vmem>>)
      tpu.yield
    }) : () -> ()
    %iota3A = tpu.iota {dimensions = array<i32: 0>} : vector<16xi32>
    %scan3A = arith.constant 0 : i32
    %scan3A_1 = arith.constant 0 : i32
    %scan3A_2 = arith.constant 32 : i32
    %scan3A_3 = arith.addi %scan3A_1, %scan3A_2 : i32
    %scan3A_4 = arith.constant 1 : i32
    scf.for %scan3A_20 = %scan3A_1 to %scan3A_3 step %scan3A_4  : i32 {
      %mul3A_21 = arith.constant 16 : i32
      %mul3A_22 = arith.muli %scan3A_20, %mul3A_21 : i32
      %multiple_of3A = tpu.assume_multiple %mul3A_22, 16 : i32
      %get3A = arith.index_cast %multiple_of3A : i32 to index
      %get3A_23 = tpu.vector_load %arg7[%get3A] {strides = array<i32>} : memref<512xi32, #tpu.memory_space<vmem>>, vector<16xi32>,
      %get3A_24 = arith.index_cast %multiple_of3A : i32 to index
      %get3A_25 = tpu.vector_load %arg8[%get3A_24] {strides = array<i32>} : memref<512xi32, #tpu.memory_space<vmem>>, vector<16xi32>,
      %shift_right_arithmetic3A = arith.constant 7 : i32
      %shift_right_arithmetic3A_26 = vector.broadcast %shift_right_arithmetic3A : i32 to vector<16xi32>
      %shift_right_arithmetic3A_27 = arith.shrsi %get3A_23, %shift_right_arithmetic3A_26 : vector<16xi32>
      %shift_left3A = arith.constant 7 : i32
      %shift_left3A_28 = vector.broadcast %shift_left3A : i32 to vector<16xi32>
      %shift_left3A_29 = arith.shli %shift_right_arithmetic3A_27, %shift_left3A_28 : vector<16xi32>
      %shift_right_arithmetic3A_30 = arith.constant 7 : i32
      %shift_right_arithmetic3A_31 = vector.broadcast %shift_right_arithmetic3A_30 : i32 to vector<16xi32>
      %shift_right_arithmetic3A_32 = arith.shrsi %get3A_25, %shift_right_arithmetic3A_31 : vector<16xi32>
      %shift_left3A_33 = arith.constant 7 : i32
      %shift_left3A_34 = vector.broadcast %shift_left3A_33 : i32 to vector<16xi32>
      %shift_left3A_35 = arith.shli %shift_right_arithmetic3A_32, %shift_left3A_34 : vector<16xi32>
      %and3A = arith.constant 127 : i32
      %and3A_36 = vector.broadcast %and3A : i32 to vector<16xi32>
      %and3A_37 = arith.andi %get3A_23, %and3A_36 : vector<16xi32>
      %swap3A = arith.index_cast %multiple_of3A : i32 to index
      %swap3A_38 = tpu.vector_load %arg9[%swap3A] {strides = array<i32>} : memref<512xi32, #tpu.memory_space<vmem>>, vector<16xi32>,
      tpu.vector_store %arg9[%swap3A], %and3A_37 {strides = array<i32>} : memref<512xi32, #tpu.memory_space<vmem>>, vector<16xi32>,
      %and3A_39 = arith.constant 127 : i32
      %and3A_40 = vector.broadcast %and3A_39 : i32 to vector<16xi32>
      %and3A_41 = arith.andi %get3A_25, %and3A_40 : vector<16xi32>
      %swap3A_42 = arith.index_cast %multiple_of3A : i32 to index
      %swap3A_43 = tpu.vector_load %arg10[%swap3A_42] {strides = array<i32>} : memref<512xi32, #tpu.memory_space<vmem>>, vector<16xi32>,
      tpu.vector_store %arg10[%swap3A_42], %and3A_41 {strides = array<i32>} : memref<512xi32, #tpu.memory_space<vmem>>, vector<16xi32>,
      %add3A_44 = arith.constant 0 : i32
      %add3A_45 = arith.addi %multiple_of3A, %add3A_44 : i32
      %ge3A = arith.constant 11 : i32
      %ge3A_46 = arith.cmpi sge, %add3A_45, %ge3A : i32
      %convert_element_type3A = arith.extui %ge3A_46 : i1 to i32
      %cond3A = arith.constant 0 : i32
      %cond3A_47 = arith.cmpi ne, %convert_element_type3A, %cond3A : i32
      scf.if %cond3A_47 {
        %sub3A = arith.constant 11 : i32
        %sub3A_930 = arith.subi %add3A_45, %sub3A : i32
        %rem3A_931 = arith.constant 11 : i32
        %rem3A_932 = arith.remsi %sub3A_930, %rem3A_931 : i32
        %dma_wait3A = arith.constant 0 : i32
        %dma_wait3A_933 = arith.constant 0 : i32
        %dma_wait3A_934 = tpu.memref_slice %arg11[%rem3A_932, %dma_wait3A, %dma_wait3A_933] : memref<11x32x128xf32, #tpu.memory_space<vmem>> -> memref<1x32x128xf32, #tpu.memory_space<vmem>>
        %dma_wait3A_935 = tpu.memref_squeeze %dma_wait3A_934 : memref<1x32x128xf32, #tpu.memory_space<vmem>> -> memref<32x128xf32, #tpu.memory_space<vmem>>
        %dma_wait3A_936 = arith.constant 0 : i32
        %dma_wait3A_937 = arith.constant 0 : i32
        %dma_wait3A_938 = tpu.memref_slice %arg2[%dma_wait3A_936, %dma_wait3A_937] : memref<32x1000000xf32, #tpu.memory_space<hbm>> -> memref<32x128xf32, #tpu.memory_space<hbm>>
        %dma_wait3A_939 = tpu.memref_slice %arg16[%rem3A_932] : memref<11x!tpu.dma_semaphore, #tpu.memory_space<semaphore_mem>> -> memref<1x!tpu.dma_semaphore, #tpu.memory_space<semaphore_mem>>
        %dma_wait3A_940 = tpu.memref_squeeze %dma_wait3A_939 : memref<1x!tpu.dma_semaphore, #tpu.memory_space<semaphore_mem>> -> memref<!tpu.dma_semaphore, #tpu.memory_space<semaphore_mem>>
        %dma_wait3A_941 = arith.constant 0 : i32
        %dma_wait3A_942 = arith.constant 0 : i32
        %dma_wait3A_943 = tpu.memref_slice %arg11[%rem3A_932, %dma_wait3A_941, %dma_wait3A_942] : memref<11x32x128xf32, #tpu.memory_space<vmem>> -> memref<1x32x128xf32, #tpu.memory_space<vmem>>
        %dma_wait3A_944 = tpu.memref_squeeze %dma_wait3A_943 : memref<1x32x128xf32, #tpu.memory_space<vmem>> -> memref<32x128xf32, #tpu.memory_space<vmem>>
        %dma_wait3A_945 = arith.constant 0 : i32
        %dma_wait3A_946 = arith.constant 0 : i32
        %dma_wait3A_947 = tpu.memref_slice %arg2[%dma_wait3A_945, %dma_wait3A_946] : memref<32x1000000xf32, #tpu.memory_space<hbm>> -> memref<32x128xf32, #tpu.memory_space<hbm>>
        tpu.wait_dma2 semaphore(%dma_wait3A_940 : memref<!tpu.dma_semaphore, #tpu.memory_space<semaphore_mem>>) src(%dma_wait3A_947 : memref<32x128xf32, #tpu.memory_space<hbm>>) dst(%dma_wait3A_944 : memref<32x128xf32, #tpu.memory_space<vmem>>)
        %dma_wait3A_948 = arith.constant 0 : i32
        %dma_wait3A_949 = arith.constant 0 : i32
        %dma_wait3A_950 = tpu.memref_slice %arg12[%rem3A_932, %dma_wait3A_948, %dma_wait3A_949] : memref<11x32x128xf32, #tpu.memory_space<vmem>> -> memref<1x32x128xf32, #tpu.memory_space<vmem>>
        %dma_wait3A_951 = tpu.memref_squeeze %dma_wait3A_950 : memref<1x32x128xf32, #tpu.memory_space<vmem>> -> memref<32x128xf32, #tpu.memory_space<vmem>>
        %dma_wait3A_952 = arith.constant 0 : i32
        %dma_wait3A_953 = arith.constant 0 : i32
        %dma_wait3A_954 = tpu.memref_slice %arg2[%dma_wait3A_952, %dma_wait3A_953] : memref<32x1000000xf32, #tpu.memory_space<hbm>> -> memref<32x128xf32, #tpu.memory_space<hbm>>
        %dma_wait3A_955 = tpu.memref_slice %arg16[%rem3A_932] : memref<11x!tpu.dma_semaphore, #tpu.memory_space<semaphore_mem>> -> memref<1x!tpu.dma_semaphore, #tpu.memory_space<semaphore_mem>>
        %dma_wait3A_956 = tpu.memref_squeeze %dma_wait3A_955 : memref<1x!tpu.dma_semaphore, #tpu.memory_space<semaphore_mem>> -> memref<!tpu.dma_semaphore, #tpu.memory_space<semaphore_mem>>
        %dma_wait3A_957 = arith.constant 0 : i32
        %dma_wait3A_958 = arith.constant 0 : i32
        %dma_wait3A_959 = tpu.memref_slice %arg12[%rem3A_932, %dma_wait3A_957, %dma_wait3A_958] : memref<11x32x128xf32, #tpu.memory_space<vmem>> -> memref<1x32x128xf32, #tpu.memory_space<vmem>>
        %dma_wait3A_960 = tpu.memref_squeeze %dma_wait3A_959 : memref<1x32x128xf32, #tpu.memory_space<vmem>> -> memref<32x128xf32, #tpu.memory_space<vmem>>
        %dma_wait3A_961 = arith.constant 0 : i32
        %dma_wait3A_962 = arith.constant 0 : i32
        %dma_wait3A_963 = tpu.memref_slice %arg2[%dma_wait3A_961, %dma_wait3A_962] : memref<32x1000000xf32, #tpu.memory_space<hbm>> -> memref<32x128xf32, #tpu.memory_space<hbm>>
        tpu.wait_dma2 semaphore(%dma_wait3A_956 : memref<!tpu.dma_semaphore, #tpu.memory_space<semaphore_mem>>) src(%dma_wait3A_963 : memref<32x128xf32, #tpu.memory_space<hbm>>) dst(%dma_wait3A_960 : memref<32x128xf32, #tpu.memory_space<vmem>>)
        %broadcast_in_dim3A_964 = vector.broadcast %sub3A_930 : i32 to vector<16xi32>
        %gather3A = tpu.vector_load_idx %arg9[%broadcast_in_dim3A_964] : memref<512xi32, #tpu.memory_space<vmem>>[vector<16xi32>], vector<16xi32>,
        %gather3A_965 = tpu.vector_load_idx %arg10[%broadcast_in_dim3A_964] : memref<512xi32, #tpu.memory_space<vmem>>[vector<16xi32>], vector<16xi32>,
        %add3A_966 = arith.constant 0 : i32
        %add3A_967 = vector.broadcast %add3A_966 : i32 to vector<16xi32>
        %add3A_968 = arith.addi %iota3A, %add3A_967 : vector<16xi32>
        %gather3A_969 = arith.constant 0 : i32
        %gather3A_970 = arith.constant 0 : i32
        %gather3A_971 = tpu.memref_slice %arg11[%rem3A_932, %gather3A_969, %gather3A_970] : memref<11x32x128xf32, #tpu.memory_space<vmem>> -> memref<1x32x128xf32, #tpu.memory_space<vmem>>
        %gather3A_972 = tpu.memref_squeeze %gather3A_971 : memref<1x32x128xf32, #tpu.memory_space<vmem>> -> memref<32x128xf32, #tpu.memory_space<vmem>>
        %gather3A_973 = tpu.vector_load_idx %gather3A_972[%add3A_968, %gather3A] : memref<32x128xf32, #tpu.memory_space<vmem>>[vector<16xi32>, vector<16xi32>], vector<16xf32>,
        %gather3A_974 = arith.constant 0 : i32
        %gather3A_975 = arith.constant 0 : i32
        %gather3A_976 = tpu.memref_slice %arg12[%rem3A_932, %gather3A_974, %gather3A_975] : memref<11x32x128xf32, #tpu.memory_space<vmem>> -> memref<1x32x128xf32, #tpu.memory_space<vmem>>
        %gather3A_977 = tpu.memref_squeeze %gather3A_976 : memref<1x32x128xf32, #tpu.memory_space<vmem>> -> memref<32x128xf32, #tpu.memory_space<vmem>>
        %gather3A_978 = tpu.vector_load_idx %gather3A_977[%add3A_968, %gather3A_965] : memref<32x128xf32, #tpu.memory_space<vmem>>[vector<16xi32>, vector<16xi32>], vector<16xf32>,
        tpu.vector_store_idx %arg13[%add3A_968, %broadcast_in_dim3A_964], %gather3A_973 : memref<32x512xf32, #tpu.memory_space<vmem>>[vector<16xi32>, vector<16xi32>], vector<16xf32>,
        tpu.vector_store_idx %arg14[%add3A_968, %broadcast_in_dim3A_964], %gather3A_978 : memref<32x512xf32, #tpu.memory_space<vmem>>[vector<16xi32>, vector<16xi32>], vector<16xf32>,
        %add3A_979 = arith.constant 16 : i32
        %add3A_980 = vector.broadcast %add3A_979 : i32 to vector<16xi32>
        %add3A_981 = arith.addi %iota3A, %add3A_980 : vector<16xi32>
        %gather3A_982 = arith.constant 0 : i32
        %gather3A_983 = arith.constant 0 : i32
        %gather3A_984 = tpu.memref_slice %arg11[%rem3A_932, %gather3A_982, %gather3A_983] : memref<11x32x128xf32, #tpu.memory_space<vmem>> -> memref<1x32x128xf32, #tpu.memory_space<vmem>>
        %gather3A_985 = tpu.memref_squeeze %gather3A_984 : memref<1x32x128xf32, #tpu.memory_space<vmem>> -> memref<32x128xf32, #tpu.memory_space<vmem>>
        %gather3A_986 = tpu.vector_load_idx %gather3A_985[%add3A_981, %gather3A] : memref<32x128xf32, #tpu.memory_space<vmem>>[vector<16xi32>, vector<16xi32>], vector<16xf32>,
        %gather3A_987 = arith.constant 0 : i32
        %gather3A_988 = arith.constant 0 : i32
        %gather3A_989 = tpu.memref_slice %arg12[%rem3A_932, %gather3A_987, %gather3A_988] : memref<11x32x128xf32, #tpu.memory_space<vmem>> -> memref<1x32x128xf32, #tpu.memory_space<vmem>>
        %gather3A_990 = tpu.memref_squeeze %gather3A_989 : memref<1x32x128xf32, #tpu.memory_space<vmem>> -> memref<32x128xf32, #tpu.memory_space<vmem>>
        %gather3A_991 = tpu.vector_load_idx %gather3A_990[%add3A_981, %gather3A_965] : memref<32x128xf32, #tpu.memory_space<vmem>>[vector<16xi32>, vector<16xi32>], vector<16xf32>,
        tpu.vector_store_idx %arg13[%add3A_981, %broadcast_in_dim3A_964], %gather3A_986 : memref<32x512xf32, #tpu.memory_space<vmem>>[vector<16xi32>, vector<16xi32>], vector<16xf32>,
        tpu.vector_store_idx %arg14[%add3A_981, %broadcast_in_dim3A_964], %gather3A_991 : memref<32x512xf32, #tpu.memory_space<vmem>>[vector<16xi32>, vector<16xi32>], vector<16xf32>,
      } else {
      }
      %rem3A = arith.constant 11 : i32
      %rem3A_48 = arith.remsi %add3A_45, %rem3A : i32
      %eq3A = arith.constant 0 : i32
      %eq3A_49 = vector.broadcast %eq3A : i32 to vector<16xi32>
      %eq3A_50 = arith.cmpi eq, %iota3A, %eq3A_49 : vector<16xi32>
      %jit3A = arith.constant 0 : i32
      %broadcast_in_dim3A = vector.broadcast %jit3A : i32 to vector<16xi32>
      %select_n3A = arith.select %eq3A_50, %shift_left3A_29, %broadcast_in_dim3A : vector<16xi1>, vector<16xi32>
      %reduce_sum3A = arith.constant true
      %reduce_sum3A_51 = vector.broadcast %reduce_sum3A : i1 to vector<16xi1>
      %reduce_sum3A_52 = tpu.scan <sum>, %select_n3A masked %reduce_sum3A_51 : vector<16xi32>, vector<16xi1> -> vector<16xi32>
      %reduce_sum3A_53 = vector.extract %reduce_sum3A_52[15] : i32 from vector<16xi32>
      %multiple_of3A_54 = tpu.assume_multiple %reduce_sum3A_53, 128 : i32
      %jit3A_55 = arith.constant 0 : i32
      %broadcast_in_dim3A_56 = vector.broadcast %jit3A_55 : i32 to vector<16xi32>
      %select_n3A_57 = arith.select %eq3A_50, %shift_left3A_35, %broadcast_in_dim3A_56 : vector<16xi1>, vector<16xi32>
      %reduce_sum3A_58 = arith.constant true
      %reduce_sum3A_59 = vector.broadcast %reduce_sum3A_58 : i1 to vector<16xi1>
      %reduce_sum3A_60 = tpu.scan <sum>, %select_n3A_57 masked %reduce_sum3A_59 : vector<16xi32>, vector<16xi1> -> vector<16xi32>
      %reduce_sum3A_61 = vector.extract %reduce_sum3A_60[15] : i32 from vector<16xi32>
      %multiple_of3A_62 = tpu.assume_multiple %reduce_sum3A_61, 128 : i32
      %dma_start3A = arith.constant 0 : i32
      %dma_start3A_63 = arith.constant 0 : i32
      %dma_start3A_64 = tpu.memref_slice %arg11[%rem3A_48, %dma_start3A, %dma_start3A_63] : memref<11x32x128xf32, #tpu.memory_space<vmem>> -> memref<1x32x128xf32, #tpu.memory_space<vmem>>
      %dma_start3A_65 = tpu.memref_squeeze %dma_start3A_64 : memref<1x32x128xf32, #tpu.memory_space<vmem>> -> memref<32x128xf32, #tpu.memory_space<vmem>>
      %dma_start3A_66 = arith.constant 0 : i32
      %dma_start3A_67 = tpu.memref_slice %arg2[%dma_start3A_66, %multiple_of3A_54] : memref<32x1000000xf32, #tpu.memory_space<hbm>> -> memref<32x128xf32, #tpu.memory_space<hbm>>
      %dma_start3A_68 = tpu.memref_slice %arg16[%rem3A_48] : memref<11x!tpu.dma_semaphore, #tpu.memory_space<semaphore_mem>> -> memref<1x!tpu.dma_semaphore, #tpu.memory_space<semaphore_mem>>
      %dma_start3A_69 = tpu.memref_squeeze %dma_start3A_68 : memref<1x!tpu.dma_semaphore, #tpu.memory_space<semaphore_mem>> -> memref<!tpu.dma_semaphore, #tpu.memory_space<semaphore_mem>>
      %dma_start3A_70 = arith.constant 0 : i32
      %dma_start3A_71 = arith.constant 0 : i32
      %dma_start3A_72 = tpu.memref_slice %arg11[%rem3A_48, %dma_start3A_70, %dma_start3A_71] : memref<11x32x128xf32, #tpu.memory_space<vmem>> -> memref<1x32x128xf32, #tpu.memory_space<vmem>>
      %dma_start3A_73 = tpu.memref_squeeze %dma_start3A_72 : memref<1x32x128xf32, #tpu.memory_space<vmem>> -> memref<32x128xf32, #tpu.memory_space<vmem>>
      %dma_start3A_74 = arith.constant 0 : i32
      %dma_start3A_75 = tpu.memref_slice %arg2[%dma_start3A_74, %multiple_of3A_54] : memref<32x1000000xf32, #tpu.memory_space<hbm>> -> memref<32x128xf32, #tpu.memory_space<hbm>>
      tpu.enqueue_dma source(%dma_start3A_75 : memref<32x128xf32, #tpu.memory_space<hbm>>) target(%dma_start3A_73 : memref<32x128xf32, #tpu.memory_space<vmem>>) target_semaphore(%dma_start3A_69 : memref<!tpu.dma_semaphore, #tpu.memory_space<semaphore_mem>>)
      %dma_start3A_76 = arith.constant 0 : i32
      %dma_start3A_77 = arith.constant 0 : i32
      %dma_start3A_78 = tpu.memref_slice %arg12[%rem3A_48, %dma_start3A_76, %dma_start3A_77] : memref<11x32x128xf32, #tpu.memory_space<vmem>> -> memref<1x32x128xf32, #tpu.memory_space<vmem>>
      %dma_start3A_79 = tpu.memref_squeeze %dma_start3A_78 : memref<1x32x128xf32, #tpu.memory_space<vmem>> -> memref<32x128xf32, #tpu.memory_space<vmem>>
      %dma_start3A_80 = arith.constant 0 : i32
      %dma_start3A_81 = tpu.memref_slice %arg3[%dma_start3A_80, %multiple_of3A_62] : memref<32x1000000xf32, #tpu.memory_space<hbm>> -> memref<32x128xf32, #tpu.memory_space<hbm>>
      %dma_start3A_82 = tpu.memref_slice %arg16[%rem3A_48] : memref<11x!tpu.dma_semaphore, #tpu.memory_space<semaphore_mem>> -> memref<1x!tpu.dma_semaphore, #tpu.memory_space<semaphore_mem>>
      %dma_start3A_83 = tpu.memref_squeeze %dma_start3A_82 : memref<1x!tpu.dma_semaphore, #tpu.memory_space<semaphore_mem>> -> memref<!tpu.dma_semaphore, #tpu.memory_space<semaphore_mem>>
      %dma_start3A_84 = arith.constant 0 : i32
      %dma_start3A_85 = arith.constant 0 : i32
      %dma_start3A_86 = tpu.memref_slice %arg12[%rem3A_48, %dma_start3A_84, %dma_start3A_85] : memref<11x32x128xf32, #tpu.memory_space<vmem>> -> memref<1x32x128xf32, #tpu.memory_space<vmem>>
      %dma_start3A_87 = tpu.memref_squeeze %dma_start3A_86 : memref<1x32x128xf32, #tpu.memory_space<vmem>> -> memref<32x128xf32, #tpu.memory_space<vmem>>
      %dma_start3A_88 = arith.constant 0 : i32
      %dma_start3A_89 = tpu.memref_slice %arg3[%dma_start3A_88, %multiple_of3A_62] : memref<32x1000000xf32, #tpu.memory_space<hbm>> -> memref<32x128xf32, #tpu.memory_space<hbm>>
      tpu.enqueue_dma source(%dma_start3A_89 : memref<32x128xf32, #tpu.memory_space<hbm>>) target(%dma_start3A_87 : memref<32x128xf32, #tpu.memory_space<vmem>>) target_semaphore(%dma_start3A_83 : memref<!tpu.dma_semaphore, #tpu.memory_space<semaphore_mem>>)
      %add3A_90 = arith.constant 1 : i32
      %add3A_91 = arith.addi %multiple_of3A, %add3A_90 : i32
      %ge3A_92 = arith.constant 11 : i32
      %ge3A_93 = arith.cmpi sge, %add3A_91, %ge3A_92 : i32
      %convert_element_type3A_94 = arith.extui %ge3A_93 : i1 to i32
      %cond3A_95 = arith.constant 0 : i32
      %cond3A_96 = arith.cmpi ne, %convert_element_type3A_94, %cond3A_95 : i32
      scf.if %cond3A_96 {
        %sub3A = arith.constant 11 : i32
        %sub3A_930 = arith.subi %add3A_91, %sub3A : i32
        %rem3A_931 = arith.constant 11 : i32
        %rem3A_932 = arith.remsi %sub3A_930, %rem3A_931 : i32
        %dma_wait3A = arith.constant 0 : i32
        %dma_wait3A_933 = arith.constant 0 : i32
        %dma_wait3A_934 = tpu.memref_slice %arg11[%rem3A_932, %dma_wait3A, %dma_wait3A_933] : memref<11x32x128xf32, #tpu.memory_space<vmem>> -> memref<1x32x128xf32, #tpu.memory_space<vmem>>
        %dma_wait3A_935 = tpu.memref_squeeze %dma_wait3A_934 : memref<1x32x128xf32, #tpu.memory_space<vmem>> -> memref<32x128xf32, #tpu.memory_space<vmem>>
        %dma_wait3A_936 = arith.constant 0 : i32
        %dma_wait3A_937 = arith.constant 0 : i32
        %dma_wait3A_938 = tpu.memref_slice %arg2[%dma_wait3A_936, %dma_wait3A_937] : memref<32x1000000xf32, #tpu.memory_space<hbm>> -> memref<32x128xf32, #tpu.memory_space<hbm>>
        %dma_wait3A_939 = tpu.memref_slice %arg16[%rem3A_932] : memref<11x!tpu.dma_semaphore, #tpu.memory_space<semaphore_mem>> -> memref<1x!tpu.dma_semaphore, #tpu.memory_space<semaphore_mem>>
        %dma_wait3A_940 = tpu.memref_squeeze %dma_wait3A_939 : memref<1x!tpu.dma_semaphore, #tpu.memory_space<semaphore_mem>> -> memref<!tpu.dma_semaphore, #tpu.memory_space<semaphore_mem>>
        %dma_wait3A_941 = arith.constant 0 : i32
        %dma_wait3A_942 = arith.constant 0 : i32
        %dma_wait3A_943 = tpu.memref_slice %arg11[%rem3A_932, %dma_wait3A_941, %dma_wait3A_942] : memref<11x32x128xf32, #tpu.memory_space<vmem>> -> memref<1x32x128xf32, #tpu.memory_space<vmem>>
        %dma_wait3A_944 = tpu.memref_squeeze %dma_wait3A_943 : memref<1x32x128xf32, #tpu.memory_space<vmem>> -> memref<32x128xf32, #tpu.memory_space<vmem>>
        %dma_wait3A_945 = arith.constant 0 : i32
        %dma_wait3A_946 = arith.constant 0 : i32
        %dma_wait3A_947 = tpu.memref_slice %arg2[%dma_wait3A_945, %dma_wait3A_946] : memref<32x1000000xf32, #tpu.memory_space<hbm>> -> memref<32x128xf32, #tpu.memory_space<hbm>>
        tpu.wait_dma2 semaphore(%dma_wait3A_940 : memref<!tpu.dma_semaphore, #tpu.memory_space<semaphore_mem>>) src(%dma_wait3A_947 : memref<32x128xf32, #tpu.memory_space<hbm>>) dst(%dma_wait3A_944 : memref<32x128xf32, #tpu.memory_space<vmem>>)
        %dma_wait3A_948 = arith.constant 0 : i32
        %dma_wait3A_949 = arith.constant 0 : i32
        %dma_wait3A_950 = tpu.memref_slice %arg12[%rem3A_932, %dma_wait3A_948, %dma_wait3A_949] : memref<11x32x128xf32, #tpu.memory_space<vmem>> -> memref<1x32x128xf32, #tpu.memory_space<vmem>>
        %dma_wait3A_951 = tpu.memref_squeeze %dma_wait3A_950 : memref<1x32x128xf32, #tpu.memory_space<vmem>> -> memref<32x128xf32, #tpu.memory_space<vmem>>
        %dma_wait3A_952 = arith.constant 0 : i32
        %dma_wait3A_953 = arith.constant 0 : i32
        %dma_wait3A_954 = tpu.memref_slice %arg2[%dma_wait3A_952, %dma_wait3A_953] : memref<32x1000000xf32, #tpu.memory_space<hbm>> -> memref<32x128xf32, #tpu.memory_space<hbm>>
        %dma_wait3A_955 = tpu.memref_slice %arg16[%rem3A_932] : memref<11x!tpu.dma_semaphore, #tpu.memory_space<semaphore_mem>> -> memref<1x!tpu.dma_semaphore, #tpu.memory_space<semaphore_mem>>
        %dma_wait3A_956 = tpu.memref_squeeze %dma_wait3A_955 : memref<1x!tpu.dma_semaphore, #tpu.memory_space<semaphore_mem>> -> memref<!tpu.dma_semaphore, #tpu.memory_space<semaphore_mem>>
        %dma_wait3A_957 = arith.constant 0 : i32
        %dma_wait3A_958 = arith.constant 0 : i32
        %dma_wait3A_959 = tpu.memref_slice %arg12[%rem3A_932, %dma_wait3A_957, %dma_wait3A_958] : memref<11x32x128xf32, #tpu.memory_space<vmem>> -> memref<1x32x128xf32, #tpu.memory_space<vmem>>
        %dma_wait3A_960 = tpu.memref_squeeze %dma_wait3A_959 : memref<1x32x128xf32, #tpu.memory_space<vmem>> -> memref<32x128xf32, #tpu.memory_space<vmem>>
        %dma_wait3A_961 = arith.constant 0 : i32
        %dma_wait3A_962 = arith.constant 0 : i32
        %dma_wait3A_963 = tpu.memref_slice %arg2[%dma_wait3A_961, %dma_wait3A_962] : memref<32x1000000xf32, #tpu.memory_space<hbm>> -> memref<32x128xf32, #tpu.memory_space<hbm>>
        tpu.wait_dma2 semaphore(%dma_wait3A_956 : memref<!tpu.dma_semaphore, #tpu.memory_space<semaphore_mem>>) src(%dma_wait3A_963 : memref<32x128xf32, #tpu.memory_space<hbm>>) dst(%dma_wait3A_960 : memref<32x128xf32, #tpu.memory_space<vmem>>)
        %broadcast_in_dim3A_964 = vector.broadcast %sub3A_930 : i32 to vector<16xi32>
        %gather3A = tpu.vector_load_idx %arg9[%broadcast_in_dim3A_964] : memref<512xi32, #tpu.memory_space<vmem>>[vector<16xi32>], vector<16xi32>,
        %gather3A_965 = tpu.vector_load_idx %arg10[%broadcast_in_dim3A_964] : memref<512xi32, #tpu.memory_space<vmem>>[vector<16xi32>], vector<16xi32>,
        %add3A_966 = arith.constant 0 : i32
        %add3A_967 = vector.broadcast %add3A_966 : i32 to vector<16xi32>
        %add3A_968 = arith.addi %iota3A, %add3A_967 : vector<16xi32>
        %gather3A_969 = arith.constant 0 : i32
        %gather3A_970 = arith.constant 0 : i32
        %gather3A_971 = tpu.memref_slice %arg11[%rem3A_932, %gather3A_969, %gather3A_970] : memref<11x32x128xf32, #tpu.memory_space<vmem>> -> memref<1x32x128xf32, #tpu.memory_space<vmem>>
        %gather3A_972 = tpu.memref_squeeze %gather3A_971 : memref<1x32x128xf32, #tpu.memory_space<vmem>> -> memref<32x128xf32, #tpu.memory_space<vmem>>
        %gather3A_973 = tpu.vector_load_idx %gather3A_972[%add3A_968, %gather3A] : memref<32x128xf32, #tpu.memory_space<vmem>>[vector<16xi32>, vector<16xi32>], vector<16xf32>,
        %gather3A_974 = arith.constant 0 : i32
        %gather3A_975 = arith.constant 0 : i32
        %gather3A_976 = tpu.memref_slice %arg12[%rem3A_932, %gather3A_974, %gather3A_975] : memref<11x32x128xf32, #tpu.memory_space<vmem>> -> memref<1x32x128xf32, #tpu.memory_space<vmem>>
        %gather3A_977 = tpu.memref_squeeze %gather3A_976 : memref<1x32x128xf32, #tpu.memory_space<vmem>> -> memref<32x128xf32, #tpu.memory_space<vmem>>
        %gather3A_978 = tpu.vector_load_idx %gather3A_977[%add3A_968, %gather3A_965] : memref<32x128xf32, #tpu.memory_space<vmem>>[vector<16xi32>, vector<16xi32>], vector<16xf32>,
        tpu.vector_store_idx %arg13[%add3A_968, %broadcast_in_dim3A_964], %gather3A_973 : memref<32x512xf32, #tpu.memory_space<vmem>>[vector<16xi32>, vector<16xi32>], vector<16xf32>,
        tpu.vector_store_idx %arg14[%add3A_968, %broadcast_in_dim3A_964], %gather3A_978 : memref<32x512xf32, #tpu.memory_space<vmem>>[vector<16xi32>, vector<16xi32>], vector<16xf32>,
        %add3A_979 = arith.constant 16 : i32
        %add3A_980 = vector.broadcast %add3A_979 : i32 to vector<16xi32>
        %add3A_981 = arith.addi %iota3A, %add3A_980 : vector<16xi32>
        %gather3A_982 = arith.constant 0 : i32
        %gather3A_983 = arith.constant 0 : i32
        %gather3A_984 = tpu.memref_slice %arg11[%rem3A_932, %gather3A_982, %gather3A_983] : memref<11x32x128xf32, #tpu.memory_space<vmem>> -> memref<1x32x128xf32, #tpu.memory_space<vmem>>
        %gather3A_985 = tpu.memref_squeeze %gather3A_984 : memref<1x32x128xf32, #tpu.memory_space<vmem>> -> memref<32x128xf32, #tpu.memory_space<vmem>>
        %gather3A_986 = tpu.vector_load_idx %gather3A_985[%add3A_981, %gather3A] : memref<32x128xf32, #tpu.memory_space<vmem>>[vector<16xi32>, vector<16xi32>], vector<16xf32>,
        %gather3A_987 = arith.constant 0 : i32
        %gather3A_988 = arith.constant 0 : i32
        %gather3A_989 = tpu.memref_slice %arg12[%rem3A_932, %gather3A_987, %gather3A_988] : memref<11x32x128xf32, #tpu.memory_space<vmem>> -> memref<1x32x128xf32, #tpu.memory_space<vmem>>
        %gather3A_990 = tpu.memref_squeeze %gather3A_989 : memref<1x32x128xf32, #tpu.memory_space<vmem>> -> memref<32x128xf32, #tpu.memory_space<vmem>>
        %gather3A_991 = tpu.vector_load_idx %gather3A_990[%add3A_981, %gather3A_965] : memref<32x128xf32, #tpu.memory_space<vmem>>[vector<16xi32>, vector<16xi32>], vector<16xf32>,
        tpu.vector_store_idx %arg13[%add3A_981, %broadcast_in_dim3A_964], %gather3A_986 : memref<32x512xf32, #tpu.memory_space<vmem>>[vector<16xi32>, vector<16xi32>], vector<16xf32>,
        tpu.vector_store_idx %arg14[%add3A_981, %broadcast_in_dim3A_964], %gather3A_991 : memref<32x512xf32, #tpu.memory_space<vmem>>[vector<16xi32>, vector<16xi32>], vector<16xf32>,
      } else {
      }
      %rem3A_97 = arith.constant 11 : i32
      %rem3A_98 = arith.remsi %add3A_91, %rem3A_97 : i32
      %eq3A_99 = arith.constant 1 : i32
      %eq3A_100 = vector.broadcast %eq3A_99 : i32 to vector<16xi32>
      %eq3A_101 = arith.cmpi eq, %iota3A, %eq3A_100 : vector<16xi32>
      %jit3A_102 = arith.constant 0 : i32
      %broadcast_in_dim3A_103 = vector.broadcast %jit3A_102 : i32 to vector<16xi32>
      %select_n3A_104 = arith.select %eq3A_101, %shift_left3A_29, %broadcast_in_dim3A_103 : vector<16xi1>, vector<16xi32>
      %reduce_sum3A_105 = arith.constant true
      %reduce_sum3A_106 = vector.broadcast %reduce_sum3A_105 : i1 to vector<16xi1>
      %reduce_sum3A_107 = tpu.scan <sum>, %select_n3A_104 masked %reduce_sum3A_106 : vector<16xi32>, vector<16xi1> -> vector<16xi32>
      %reduce_sum3A_108 = vector.extract %reduce_sum3A_107[15] : i32 from vector<16xi32>
      %multiple_of3A_109 = tpu.assume_multiple %reduce_sum3A_108, 128 : i32
      %jit3A_110 = arith.constant 0 : i32
      %broadcast_in_dim3A_111 = vector.broadcast %jit3A_110 : i32 to vector<16xi32>
      %select_n3A_112 = arith.select %eq3A_101, %shift_left3A_35, %broadcast_in_dim3A_111 : vector<16xi1>, vector<16xi32>
      %reduce_sum3A_113 = arith.constant true
      %reduce_sum3A_114 = vector.broadcast %reduce_sum3A_113 : i1 to vector<16xi1>
      %reduce_sum3A_115 = tpu.scan <sum>, %select_n3A_112 masked %reduce_sum3A_114 : vector<16xi32>, vector<16xi1> -> vector<16xi32>
      %reduce_sum3A_116 = vector.extract %reduce_sum3A_115[15] : i32 from vector<16xi32>
      %multiple_of3A_117 = tpu.assume_multiple %reduce_sum3A_116, 128 : i32
      %dma_start3A_118 = arith.constant 0 : i32
      %dma_start3A_119 = arith.constant 0 : i32
      %dma_start3A_120 = tpu.memref_slice %arg11[%rem3A_98, %dma_start3A_118, %dma_start3A_119] : memref<11x32x128xf32, #tpu.memory_space<vmem>> -> memref<1x32x128xf32, #tpu.memory_space<vmem>>
      %dma_start3A_121 = tpu.memref_squeeze %dma_start3A_120 : memref<1x32x128xf32, #tpu.memory_space<vmem>> -> memref<32x128xf32, #tpu.memory_space<vmem>>
      %dma_start3A_122 = arith.constant 0 : i32
      %dma_start3A_123 = tpu.memref_slice %arg2[%dma_start3A_122, %multiple_of3A_109] : memref<32x1000000xf32, #tpu.memory_space<hbm>> -> memref<32x128xf32, #tpu.memory_space<hbm>>
      %dma_start3A_124 = tpu.memref_slice %arg16[%rem3A_98] : memref<11x!tpu.dma_semaphore, #tpu.memory_space<semaphore_mem>> -> memref<1x!tpu.dma_semaphore, #tpu.memory_space<semaphore_mem>>
      %dma_start3A_125 = tpu.memref_squeeze %dma_start3A_124 : memref<1x!tpu.dma_semaphore, #tpu.memory_space<semaphore_mem>> -> memref<!tpu.dma_semaphore, #tpu.memory_space<semaphore_mem>>
      %dma_start3A_126 = arith.constant 0 : i32
      %dma_start3A_127 = arith.constant 0 : i32
      %dma_start3A_128 = tpu.memref_slice %arg11[%rem3A_98, %dma_start3A_126, %dma_start3A_127] : memref<11x32x128xf32, #tpu.memory_space<vmem>> -> memref<1x32x128xf32, #tpu.memory_space<vmem>>
      %dma_start3A_129 = tpu.memref_squeeze %dma_start3A_128 : memref<1x32x128xf32, #tpu.memory_space<vmem>> -> memref<32x128xf32, #tpu.memory_space<vmem>>
      %dma_start3A_130 = arith.constant 0 : i32
      %dma_start3A_131 = tpu.memref_slice %arg2[%dma_start3A_130, %multiple_of3A_109] : memref<32x1000000xf32, #tpu.memory_space<hbm>> -> memref<32x128xf32, #tpu.memory_space<hbm>>
      tpu.enqueue_dma source(%dma_start3A_131 : memref<32x128xf32, #tpu.memory_space<hbm>>) target(%dma_start3A_129 : memref<32x128xf32, #tpu.memory_space<vmem>>) target_semaphore(%dma_start3A_125 : memref<!tpu.dma_semaphore, #tpu.memory_space<semaphore_mem>>)
      %dma_start3A_132 = arith.constant 0 : i32
      %dma_start3A_133 = arith.constant 0 : i32
      %dma_start3A_134 = tpu.memref_slice %arg12[%rem3A_98, %dma_start3A_132, %dma_start3A_133] : memref<11x32x128xf32, #tpu.memory_space<vmem>> -> memref<1x32x128xf32, #tpu.memory_space<vmem>>
      %dma_start3A_135 = tpu.memref_squeeze %dma_start3A_134 : memref<1x32x128xf32, #tpu.memory_space<vmem>> -> memref<32x128xf32, #tpu.memory_space<vmem>>
      %dma_start3A_136 = arith.constant 0 : i32
      %dma_start3A_137 = tpu.memref_slice %arg3[%dma_start3A_136, %multiple_of3A_117] : memref<32x1000000xf32, #tpu.memory_space<hbm>> -> memref<32x128xf32, #tpu.memory_space<hbm>>
      %dma_start3A_138 = tpu.memref_slice %arg16[%rem3A_98] : memref<11x!tpu.dma_semaphore, #tpu.memory_space<semaphore_mem>> -> memref<1x!tpu.dma_semaphore, #tpu.memory_space<semaphore_mem>>
      %dma_start3A_139 = tpu.memref_squeeze %dma_start3A_138 : memref<1x!tpu.dma_semaphore, #tpu.memory_space<semaphore_mem>> -> memref<!tpu.dma_semaphore, #tpu.memory_space<semaphore_mem>>
      %dma_start3A_140 = arith.constant 0 : i32
      %dma_start3A_141 = arith.constant 0 : i32
      %dma_start3A_142 = tpu.memref_slice %arg12[%rem3A_98, %dma_start3A_140, %dma_start3A_141] : memref<11x32x128xf32, #tpu.memory_space<vmem>> -> memref<1x32x128xf32, #tpu.memory_space<vmem>>
      %dma_start3A_143 = tpu.memref_squeeze %dma_start3A_142 : memref<1x32x128xf32, #tpu.memory_space<vmem>> -> memref<32x128xf32, #tpu.memory_space<vmem>>
      %dma_start3A_144 = arith.constant 0 : i32
      %dma_start3A_145 = tpu.memref_slice %arg3[%dma_start3A_144, %multiple_of3A_117] : memref<32x1000000xf32, #tpu.memory_space<hbm>> -> memref<32x128xf32, #tpu.memory_space<hbm>>
      tpu.enqueue_dma source(%dma_start3A_145 : memref<32x128xf32, #tpu.memory_space<hbm>>) target(%dma_start3A_143 : memref<32x128xf32, #tpu.memory_space<vmem>>) target_semaphore(%dma_start3A_139 : memref<!tpu.dma_semaphore, #tpu.memory_space<semaphore_mem>>)
      %add3A_146 = arith.constant 2 : i32
      %add3A_147 = arith.addi %multiple_of3A, %add3A_146 : i32
      %ge3A_148 = arith.constant 11 : i32
      %ge3A_149 = arith.cmpi sge, %add3A_147, %ge3A_148 : i32
      %convert_element_type3A_150 = arith.extui %ge3A_149 : i1 to i32
      %cond3A_151 = arith.constant 0 : i32
      %cond3A_152 = arith.cmpi ne, %convert_element_type3A_150, %cond3A_151 : i32
      scf.if %cond3A_152 {
        %sub3A = arith.constant 11 : i32
        %sub3A_930 = arith.subi %add3A_147, %sub3A : i32
        %rem3A_931 = arith.constant 11 : i32
        %rem3A_932 = arith.remsi %sub3A_930, %rem3A_931 : i32
        %dma_wait3A = arith.constant 0 : i32
        %dma_wait3A_933 = arith.constant 0 : i32
        %dma_wait3A_934 = tpu.memref_slice %arg11[%rem3A_932, %dma_wait3A, %dma_wait3A_933] : memref<11x32x128xf32, #tpu.memory_space<vmem>> -> memref<1x32x128xf32, #tpu.memory_space<vmem>>
        %dma_wait3A_935 = tpu.memref_squeeze %dma_wait3A_934 : memref<1x32x128xf32, #tpu.memory_space<vmem>> -> memref<32x128xf32, #tpu.memory_space<vmem>>
        %dma_wait3A_936 = arith.constant 0 : i32
        %dma_wait3A_937 = arith.constant 0 : i32
        %dma_wait3A_938 = tpu.memref_slice %arg2[%dma_wait3A_936, %dma_wait3A_937] : memref<32x1000000xf32, #tpu.memory_space<hbm>> -> memref<32x128xf32, #tpu.memory_space<hbm>>
        %dma_wait3A_939 = tpu.memref_slice %arg16[%rem3A_932] : memref<11x!tpu.dma_semaphore, #tpu.memory_space<semaphore_mem>> -> memref<1x!tpu.dma_semaphore, #tpu.memory_space<semaphore_mem>>
        %dma_wait3A_940 = tpu.memref_squeeze %dma_wait3A_939 : memref<1x!tpu.dma_semaphore, #tpu.memory_space<semaphore_mem>> -> memref<!tpu.dma_semaphore, #tpu.memory_space<semaphore_mem>>
        %dma_wait3A_941 = arith.constant 0 : i32
        %dma_wait3A_942 = arith.constant 0 : i32
        %dma_wait3A_943 = tpu.memref_slice %arg11[%rem3A_932, %dma_wait3A_941, %dma_wait3A_942] : memref<11x32x128xf32, #tpu.memory_space<vmem>> -> memref<1x32x128xf32, #tpu.memory_space<vmem>>
        %dma_wait3A_944 = tpu.memref_squeeze %dma_wait3A_943 : memref<1x32x128xf32, #tpu.memory_space<vmem>> -> memref<32x128xf32, #tpu.memory_space<vmem>>
        %dma_wait3A_945 = arith.constant 0 : i32
        %dma_wait3A_946 = arith.constant 0 : i32
        %dma_wait3A_947 = tpu.memref_slice %arg2[%dma_wait3A_945, %dma_wait3A_946] : memref<32x1000000xf32, #tpu.memory_space<hbm>> -> memref<32x128xf32, #tpu.memory_space<hbm>>
        tpu.wait_dma2 semaphore(%dma_wait3A_940 : memref<!tpu.dma_semaphore, #tpu.memory_space<semaphore_mem>>) src(%dma_wait3A_947 : memref<32x128xf32, #tpu.memory_space<hbm>>) dst(%dma_wait3A_944 : memref<32x128xf32, #tpu.memory_space<vmem>>)
        %dma_wait3A_948 = arith.constant 0 : i32
        %dma_wait3A_949 = arith.constant 0 : i32
        %dma_wait3A_950 = tpu.memref_slice %arg12[%rem3A_932, %dma_wait3A_948, %dma_wait3A_949] : memref<11x32x128xf32, #tpu.memory_space<vmem>> -> memref<1x32x128xf32, #tpu.memory_space<vmem>>
        %dma_wait3A_951 = tpu.memref_squeeze %dma_wait3A_950 : memref<1x32x128xf32, #tpu.memory_space<vmem>> -> memref<32x128xf32, #tpu.memory_space<vmem>>
        %dma_wait3A_952 = arith.constant 0 : i32
        %dma_wait3A_953 = arith.constant 0 : i32
        %dma_wait3A_954 = tpu.memref_slice %arg2[%dma_wait3A_952, %dma_wait3A_953] : memref<32x1000000xf32, #tpu.memory_space<hbm>> -> memref<32x128xf32, #tpu.memory_space<hbm>>
        %dma_wait3A_955 = tpu.memref_slice %arg16[%rem3A_932] : memref<11x!tpu.dma_semaphore, #tpu.memory_space<semaphore_mem>> -> memref<1x!tpu.dma_semaphore, #tpu.memory_space<semaphore_mem>>
        %dma_wait3A_956 = tpu.memref_squeeze %dma_wait3A_955 : memref<1x!tpu.dma_semaphore, #tpu.memory_space<semaphore_mem>> -> memref<!tpu.dma_semaphore, #tpu.memory_space<semaphore_mem>>
        %dma_wait3A_957 = arith.constant 0 : i32
        %dma_wait3A_958 = arith.constant 0 : i32
        %dma_wait3A_959 = tpu.memref_slice %arg12[%rem3A_932, %dma_wait3A_957, %dma_wait3A_958] : memref<11x32x128xf32, #tpu.memory_space<vmem>> -> memref<1x32x128xf32, #tpu.memory_space<vmem>>
        %dma_wait3A_960 = tpu.memref_squeeze %dma_wait3A_959 : memref<1x32x128xf32, #tpu.memory_space<vmem>> -> memref<32x128xf32, #tpu.memory_space<vmem>>
        %dma_wait3A_961 = arith.constant 0 : i32
        %dma_wait3A_962 = arith.constant 0 : i32
        %dma_wait3A_963 = tpu.memref_slice %arg2[%dma_wait3A_961, %dma_wait3A_962] : memref<32x1000000xf32, #tpu.memory_space<hbm>> -> memref<32x128xf32, #tpu.memory_space<hbm>>
        tpu.wait_dma2 semaphore(%dma_wait3A_956 : memref<!tpu.dma_semaphore, #tpu.memory_space<semaphore_mem>>) src(%dma_wait3A_963 : memref<32x128xf32, #tpu.memory_space<hbm>>) dst(%dma_wait3A_960 : memref<32x128xf32, #tpu.memory_space<vmem>>)
        %broadcast_in_dim3A_964 = vector.broadcast %sub3A_930 : i32 to vector<16xi32>
        %gather3A = tpu.vector_load_idx %arg9[%broadcast_in_dim3A_964] : memref<512xi32, #tpu.memory_space<vmem>>[vector<16xi32>], vector<16xi32>,
        %gather3A_965 = tpu.vector_load_idx %arg10[%broadcast_in_dim3A_964] : memref<512xi32, #tpu.memory_space<vmem>>[vector<16xi32>], vector<16xi32>,
        %add3A_966 = arith.constant 0 : i32
        %add3A_967 = vector.broadcast %add3A_966 : i32 to vector<16xi32>
        %add3A_968 = arith.addi %iota3A, %add3A_967 : vector<16xi32>
        %gather3A_969 = arith.constant 0 : i32
        %gather3A_970 = arith.constant 0 : i32
        %gather3A_971 = tpu.memref_slice %arg11[%rem3A_932, %gather3A_969, %gather3A_970] : memref<11x32x128xf32, #tpu.memory_space<vmem>> -> memref<1x32x128xf32, #tpu.memory_space<vmem>>
        %gather3A_972 = tpu.memref_squeeze %gather3A_971 : memref<1x32x128xf32, #tpu.memory_space<vmem>> -> memref<32x128xf32, #tpu.memory_space<vmem>>
        %gather3A_973 = tpu.vector_load_idx %gather3A_972[%add3A_968, %gather3A] : memref<32x128xf32, #tpu.memory_space<vmem>>[vector<16xi32>, vector<16xi32>], vector<16xf32>,
        %gather3A_974 = arith.constant 0 : i32
        %gather3A_975 = arith.constant 0 : i32
        %gather3A_976 = tpu.memref_slice %arg12[%rem3A_932, %gather3A_974, %gather3A_975] : memref<11x32x128xf32, #tpu.memory_space<vmem>> -> memref<1x32x128xf32, #tpu.memory_space<vmem>>
        %gather3A_977 = tpu.memref_squeeze %gather3A_976 : memref<1x32x128xf32, #tpu.memory_space<vmem>> -> memref<32x128xf32, #tpu.memory_space<vmem>>
        %gather3A_978 = tpu.vector_load_idx %gather3A_977[%add3A_968, %gather3A_965] : memref<32x128xf32, #tpu.memory_space<vmem>>[vector<16xi32>, vector<16xi32>], vector<16xf32>,
        tpu.vector_store_idx %arg13[%add3A_968, %broadcast_in_dim3A_964], %gather3A_973 : memref<32x512xf32, #tpu.memory_space<vmem>>[vector<16xi32>, vector<16xi32>], vector<16xf32>,
        tpu.vector_store_idx %arg14[%add3A_968, %broadcast_in_dim3A_964], %gather3A_978 : memref<32x512xf32, #tpu.memory_space<vmem>>[vector<16xi32>, vector<16xi32>], vector<16xf32>,
        %add3A_979 = arith.constant 16 : i32
        %add3A_980 = vector.broadcast %add3A_979 : i32 to vector<16xi32>
        %add3A_981 = arith.addi %iota3A, %add3A_980 : vector<16xi32>
        %gather3A_982 = arith.constant 0 : i32
        %gather3A_983 = arith.constant 0 : i32
        %gather3A_984 = tpu.memref_slice %arg11[%rem3A_932, %gather3A_982, %gather3A_983] : memref<11x32x128xf32, #tpu.memory_space<vmem>> -> memref<1x32x128xf32, #tpu.memory_space<vmem>>
        %gather3A_985 = tpu.memref_squeeze %gather3A_984 : memref<1x32x128xf32, #tpu.memory_space<vmem>> -> memref<32x128xf32, #tpu.memory_space<vmem>>
        %gather3A_986 = tpu.vector_load_idx %gather3A_985[%add3A_981, %gather3A] : memref<32x128xf32, #tpu.memory_space<vmem>>[vector<16xi32>, vector<16xi32>], vector<16xf32>,
        %gather3A_987 = arith.constant 0 : i32
        %gather3A_988 = arith.constant 0 : i32
        %gather3A_989 = tpu.memref_slice %arg12[%rem3A_932, %gather3A_987, %gather3A_988] : memref<11x32x128xf32, #tpu.memory_space<vmem>> -> memref<1x32x128xf32, #tpu.memory_space<vmem>>
        %gather3A_990 = tpu.memref_squeeze %gather3A_989 : memref<1x32x128xf32, #tpu.memory_space<vmem>> -> memref<32x128xf32, #tpu.memory_space<vmem>>
        %gather3A_991 = tpu.vector_load_idx %gather3A_990[%add3A_981, %gather3A_965] : memref<32x128xf32, #tpu.memory_space<vmem>>[vector<16xi32>, vector<16xi32>], vector<16xf32>,
        tpu.vector_store_idx %arg13[%add3A_981, %broadcast_in_dim3A_964], %gather3A_986 : memref<32x512xf32, #tpu.memory_space<vmem>>[vector<16xi32>, vector<16xi32>], vector<16xf32>,
        tpu.vector_store_idx %arg14[%add3A_981, %broadcast_in_dim3A_964], %gather3A_991 : memref<32x512xf32, #tpu.memory_space<vmem>>[vector<16xi32>, vector<16xi32>], vector<16xf32>,
      } else {
      }
      %rem3A_153 = arith.constant 11 : i32
      %rem3A_154 = arith.remsi %add3A_147, %rem3A_153 : i32
      %eq3A_155 = arith.constant 2 : i32
      %eq3A_156 = vector.broadcast %eq3A_155 : i32 to vector<16xi32>
      %eq3A_157 = arith.cmpi eq, %iota3A, %eq3A_156 : vector<16xi32>
      %jit3A_158 = arith.constant 0 : i32
      %broadcast_in_dim3A_159 = vector.broadcast %jit3A_158 : i32 to vector<16xi32>
      %select_n3A_160 = arith.select %eq3A_157, %shift_left3A_29, %broadcast_in_dim3A_159 : vector<16xi1>, vector<16xi32>
      %reduce_sum3A_161 = arith.constant true
      %reduce_sum3A_162 = vector.broadcast %reduce_sum3A_161 : i1 to vector<16xi1>
      %reduce_sum3A_163 = tpu.scan <sum>, %select_n3A_160 masked %reduce_sum3A_162 : vector<16xi32>, vector<16xi1> -> vector<16xi32>
      %reduce_sum3A_164 = vector.extract %reduce_sum3A_163[15] : i32 from vector<16xi32>
      %multiple_of3A_165 = tpu.assume_multiple %reduce_sum3A_164, 128 : i32
      %jit3A_166 = arith.constant 0 : i32
      %broadcast_in_dim3A_167 = vector.broadcast %jit3A_166 : i32 to vector<16xi32>
      %select_n3A_168 = arith.select %eq3A_157, %shift_left3A_35, %broadcast_in_dim3A_167 : vector<16xi1>, vector<16xi32>
      %reduce_sum3A_169 = arith.constant true
      %reduce_sum3A_170 = vector.broadcast %reduce_sum3A_169 : i1 to vector<16xi1>
      %reduce_sum3A_171 = tpu.scan <sum>, %select_n3A_168 masked %reduce_sum3A_170 : vector<16xi32>, vector<16xi1> -> vector<16xi32>
      %reduce_sum3A_172 = vector.extract %reduce_sum3A_171[15] : i32 from vector<16xi32>
      %multiple_of3A_173 = tpu.assume_multiple %reduce_sum3A_172, 128 : i32
      %dma_start3A_174 = arith.constant 0 : i32
      %dma_start3A_175 = arith.constant 0 : i32
      %dma_start3A_176 = tpu.memref_slice %arg11[%rem3A_154, %dma_start3A_174, %dma_start3A_175] : memref<11x32x128xf32, #tpu.memory_space<vmem>> -> memref<1x32x128xf32, #tpu.memory_space<vmem>>
      %dma_start3A_177 = tpu.memref_squeeze %dma_start3A_176 : memref<1x32x128xf32, #tpu.memory_space<vmem>> -> memref<32x128xf32, #tpu.memory_space<vmem>>
      %dma_start3A_178 = arith.constant 0 : i32
      %dma_start3A_179 = tpu.memref_slice %arg2[%dma_start3A_178, %multiple_of3A_165] : memref<32x1000000xf32, #tpu.memory_space<hbm>> -> memref<32x128xf32, #tpu.memory_space<hbm>>
      %dma_start3A_180 = tpu.memref_slice %arg16[%rem3A_154] : memref<11x!tpu.dma_semaphore, #tpu.memory_space<semaphore_mem>> -> memref<1x!tpu.dma_semaphore, #tpu.memory_space<semaphore_mem>>
      %dma_start3A_181 = tpu.memref_squeeze %dma_start3A_180 : memref<1x!tpu.dma_semaphore, #tpu.memory_space<semaphore_mem>> -> memref<!tpu.dma_semaphore, #tpu.memory_space<semaphore_mem>>
      %dma_start3A_182 = arith.constant 0 : i32
      %dma_start3A_183 = arith.constant 0 : i32
      %dma_start3A_184 = tpu.memref_slice %arg11[%rem3A_154, %dma_start3A_182, %dma_start3A_183] : memref<11x32x128xf32, #tpu.memory_space<vmem>> -> memref<1x32x128xf32, #tpu.memory_space<vmem>>
      %dma_start3A_185 = tpu.memref_squeeze %dma_start3A_184 : memref<1x32x128xf32, #tpu.memory_space<vmem>> -> memref<32x128xf32, #tpu.memory_space<vmem>>
      %dma_start3A_186 = arith.constant 0 : i32
      %dma_start3A_187 = tpu.memref_slice %arg2[%dma_start3A_186, %multiple_of3A_165] : memref<32x1000000xf32, #tpu.memory_space<hbm>> -> memref<32x128xf32, #tpu.memory_space<hbm>>
      tpu.enqueue_dma source(%dma_start3A_187 : memref<32x128xf32, #tpu.memory_space<hbm>>) target(%dma_start3A_185 : memref<32x128xf32, #tpu.memory_space<vmem>>) target_semaphore(%dma_start3A_181 : memref<!tpu.dma_semaphore, #tpu.memory_space<semaphore_mem>>)
      %dma_start3A_188 = arith.constant 0 : i32
      %dma_start3A_189 = arith.constant 0 : i32
      %dma_start3A_190 = tpu.memref_slice %arg12[%rem3A_154, %dma_start3A_188, %dma_start3A_189] : memref<11x32x128xf32, #tpu.memory_space<vmem>> -> memref<1x32x128xf32, #tpu.memory_space<vmem>>
      %dma_start3A_191 = tpu.memref_squeeze %dma_start3A_190 : memref<1x32x128xf32, #tpu.memory_space<vmem>> -> memref<32x128xf32, #tpu.memory_space<vmem>>
      %dma_start3A_192 = arith.constant 0 : i32
      %dma_start3A_193 = tpu.memref_slice %arg3[%dma_start3A_192, %multiple_of3A_173] : memref<32x1000000xf32, #tpu.memory_space<hbm>> -> memref<32x128xf32, #tpu.memory_space<hbm>>
      %dma_start3A_194 = tpu.memref_slice %arg16[%rem3A_154] : memref<11x!tpu.dma_semaphore, #tpu.memory_space<semaphore_mem>> -> memref<1x!tpu.dma_semaphore, #tpu.memory_space<semaphore_mem>>
      %dma_start3A_195 = tpu.memref_squeeze %dma_start3A_194 : memref<1x!tpu.dma_semaphore, #tpu.memory_space<semaphore_mem>> -> memref<!tpu.dma_semaphore, #tpu.memory_space<semaphore_mem>>
      %dma_start3A_196 = arith.constant 0 : i32
      %dma_start3A_197 = arith.constant 0 : i32
      %dma_start3A_198 = tpu.memref_slice %arg12[%rem3A_154, %dma_start3A_196, %dma_start3A_197] : memref<11x32x128xf32, #tpu.memory_space<vmem>> -> memref<1x32x128xf32, #tpu.memory_space<vmem>>
      %dma_start3A_199 = tpu.memref_squeeze %dma_start3A_198 : memref<1x32x128xf32, #tpu.memory_space<vmem>> -> memref<32x128xf32, #tpu.memory_space<vmem>>
      %dma_start3A_200 = arith.constant 0 : i32
      %dma_start3A_201 = tpu.memref_slice %arg3[%dma_start3A_200, %multiple_of3A_173] : memref<32x1000000xf32, #tpu.memory_space<hbm>> -> memref<32x128xf32, #tpu.memory_space<hbm>>
      tpu.enqueue_dma source(%dma_start3A_201 : memref<32x128xf32, #tpu.memory_space<hbm>>) target(%dma_start3A_199 : memref<32x128xf32, #tpu.memory_space<vmem>>) target_semaphore(%dma_start3A_195 : memref<!tpu.dma_semaphore, #tpu.memory_space<semaphore_mem>>)
      %add3A_202 = arith.constant 3 : i32
      %add3A_203 = arith.addi %multiple_of3A, %add3A_202 : i32
      %ge3A_204 = arith.constant 11 : i32
      %ge3A_205 = arith.cmpi sge, %add3A_203, %ge3A_204 : i32
      %convert_element_type3A_206 = arith.extui %ge3A_205 : i1 to i32
      %cond3A_207 = arith.constant 0 : i32
      %cond3A_208 = arith.cmpi ne, %convert_element_type3A_206, %cond3A_207 : i32
      scf.if %cond3A_208 {
        %sub3A = arith.constant 11 : i32
        %sub3A_930 = arith.subi %add3A_203, %sub3A : i32
        %rem3A_931 = arith.constant 11 : i32
        %rem3A_932 = arith.remsi %sub3A_930, %rem3A_931 : i32
        %dma_wait3A = arith.constant 0 : i32
        %dma_wait3A_933 = arith.constant 0 : i32
        %dma_wait3A_934 = tpu.memref_slice %arg11[%rem3A_932, %dma_wait3A, %dma_wait3A_933] : memref<11x32x128xf32, #tpu.memory_space<vmem>> -> memref<1x32x128xf32, #tpu.memory_space<vmem>>
        %dma_wait3A_935 = tpu.memref_squeeze %dma_wait3A_934 : memref<1x32x128xf32, #tpu.memory_space<vmem>> -> memref<32x128xf32, #tpu.memory_space<vmem>>
        %dma_wait3A_936 = arith.constant 0 : i32
        %dma_wait3A_937 = arith.constant 0 : i32
        %dma_wait3A_938 = tpu.memref_slice %arg2[%dma_wait3A_936, %dma_wait3A_937] : memref<32x1000000xf32, #tpu.memory_space<hbm>> -> memref<32x128xf32, #tpu.memory_space<hbm>>
        %dma_wait3A_939 = tpu.memref_slice %arg16[%rem3A_932] : memref<11x!tpu.dma_semaphore, #tpu.memory_space<semaphore_mem>> -> memref<1x!tpu.dma_semaphore, #tpu.memory_space<semaphore_mem>>
        %dma_wait3A_940 = tpu.memref_squeeze %dma_wait3A_939 : memref<1x!tpu.dma_semaphore, #tpu.memory_space<semaphore_mem>> -> memref<!tpu.dma_semaphore, #tpu.memory_space<semaphore_mem>>
        %dma_wait3A_941 = arith.constant 0 : i32
        %dma_wait3A_942 = arith.constant 0 : i32
        %dma_wait3A_943 = tpu.memref_slice %arg11[%rem3A_932, %dma_wait3A_941, %dma_wait3A_942] : memref<11x32x128xf32, #tpu.memory_space<vmem>> -> memref<1x32x128xf32, #tpu.memory_space<vmem>>
        %dma_wait3A_944 = tpu.memref_squeeze %dma_wait3A_943 : memref<1x32x128xf32, #tpu.memory_space<vmem>> -> memref<32x128xf32, #tpu.memory_space<vmem>>
        %dma_wait3A_945 = arith.constant 0 : i32
        %dma_wait3A_946 = arith.constant 0 : i32
        %dma_wait3A_947 = tpu.memref_slice %arg2[%dma_wait3A_945, %dma_wait3A_946] : memref<32x1000000xf32, #tpu.memory_space<hbm>> -> memref<32x128xf32, #tpu.memory_space<hbm>>
        tpu.wait_dma2 semaphore(%dma_wait3A_940 : memref<!tpu.dma_semaphore, #tpu.memory_space<semaphore_mem>>) src(%dma_wait3A_947 : memref<32x128xf32, #tpu.memory_space<hbm>>) dst(%dma_wait3A_944 : memref<32x128xf32, #tpu.memory_space<vmem>>)
        %dma_wait3A_948 = arith.constant 0 : i32
        %dma_wait3A_949 = arith.constant 0 : i32
        %dma_wait3A_950 = tpu.memref_slice %arg12[%rem3A_932, %dma_wait3A_948, %dma_wait3A_949] : memref<11x32x128xf32, #tpu.memory_space<vmem>> -> memref<1x32x128xf32, #tpu.memory_space<vmem>>
        %dma_wait3A_951 = tpu.memref_squeeze %dma_wait3A_950 : memref<1x32x128xf32, #tpu.memory_space<vmem>> -> memref<32x128xf32, #tpu.memory_space<vmem>>
        %dma_wait3A_952 = arith.constant 0 : i32
        %dma_wait3A_953 = arith.constant 0 : i32
        %dma_wait3A_954 = tpu.memref_slice %arg2[%dma_wait3A_952, %dma_wait3A_953] : memref<32x1000000xf32, #tpu.memory_space<hbm>> -> memref<32x128xf32, #tpu.memory_space<hbm>>
        %dma_wait3A_955 = tpu.memref_slice %arg16[%rem3A_932] : memref<11x!tpu.dma_semaphore, #tpu.memory_space<semaphore_mem>> -> memref<1x!tpu.dma_semaphore, #tpu.memory_space<semaphore_mem>>
        %dma_wait3A_956 = tpu.memref_squeeze %dma_wait3A_955 : memref<1x!tpu.dma_semaphore, #tpu.memory_space<semaphore_mem>> -> memref<!tpu.dma_semaphore, #tpu.memory_space<semaphore_mem>>
        %dma_wait3A_957 = arith.constant 0 : i32
        %dma_wait3A_958 = arith.constant 0 : i32
        %dma_wait3A_959 = tpu.memref_slice %arg12[%rem3A_932, %dma_wait3A_957, %dma_wait3A_958] : memref<11x32x128xf32, #tpu.memory_space<vmem>> -> memref<1x32x128xf32, #tpu.memory_space<vmem>>
        %dma_wait3A_960 = tpu.memref_squeeze %dma_wait3A_959 : memref<1x32x128xf32, #tpu.memory_space<vmem>> -> memref<32x128xf32, #tpu.memory_space<vmem>>
        %dma_wait3A_961 = arith.constant 0 : i32
        %dma_wait3A_962 = arith.constant 0 : i32
        %dma_wait3A_963 = tpu.memref_slice %arg2[%dma_wait3A_961, %dma_wait3A_962] : memref<32x1000000xf32, #tpu.memory_space<hbm>> -> memref<32x128xf32, #tpu.memory_space<hbm>>
        tpu.wait_dma2 semaphore(%dma_wait3A_956 : memref<!tpu.dma_semaphore, #tpu.memory_space<semaphore_mem>>) src(%dma_wait3A_963 : memref<32x128xf32, #tpu.memory_space<hbm>>) dst(%dma_wait3A_960 : memref<32x128xf32, #tpu.memory_space<vmem>>)
        %broadcast_in_dim3A_964 = vector.broadcast %sub3A_930 : i32 to vector<16xi32>
        %gather3A = tpu.vector_load_idx %arg9[%broadcast_in_dim3A_964] : memref<512xi32, #tpu.memory_space<vmem>>[vector<16xi32>], vector<16xi32>,
        %gather3A_965 = tpu.vector_load_idx %arg10[%broadcast_in_dim3A_964] : memref<512xi32, #tpu.memory_space<vmem>>[vector<16xi32>], vector<16xi32>,
        %add3A_966 = arith.constant 0 : i32
        %add3A_967 = vector.broadcast %add3A_966 : i32 to vector<16xi32>
        %add3A_968 = arith.addi %iota3A, %add3A_967 : vector<16xi32>
        %gather3A_969 = arith.constant 0 : i32
        %gather3A_970 = arith.constant 0 : i32
        %gather3A_971 = tpu.memref_slice %arg11[%rem3A_932, %gather3A_969, %gather3A_970] : memref<11x32x128xf32, #tpu.memory_space<vmem>> -> memref<1x32x128xf32, #tpu.memory_space<vmem>>
        %gather3A_972 = tpu.memref_squeeze %gather3A_971 : memref<1x32x128xf32, #tpu.memory_space<vmem>> -> memref<32x128xf32, #tpu.memory_space<vmem>>
        %gather3A_973 = tpu.vector_load_idx %gather3A_972[%add3A_968, %gather3A] : memref<32x128xf32, #tpu.memory_space<vmem>>[vector<16xi32>, vector<16xi32>], vector<16xf32>,
        %gather3A_974 = arith.constant 0 : i32
        %gather3A_975 = arith.constant 0 : i32
        %gather3A_976 = tpu.memref_slice %arg12[%rem3A_932, %gather3A_974, %gather3A_975] : memref<11x32x128xf32, #tpu.memory_space<vmem>> -> memref<1x32x128xf32, #tpu.memory_space<vmem>>
        %gather3A_977 = tpu.memref_squeeze %gather3A_976 : memref<1x32x128xf32, #tpu.memory_space<vmem>> -> memref<32x128xf32, #tpu.memory_space<vmem>>
        %gather3A_978 = tpu.vector_load_idx %gather3A_977[%add3A_968, %gather3A_965] : memref<32x128xf32, #tpu.memory_space<vmem>>[vector<16xi32>, vector<16xi32>], vector<16xf32>,
        tpu.vector_store_idx %arg13[%add3A_968, %broadcast_in_dim3A_964], %gather3A_973 : memref<32x512xf32, #tpu.memory_space<vmem>>[vector<16xi32>, vector<16xi32>], vector<16xf32>,
        tpu.vector_store_idx %arg14[%add3A_968, %broadcast_in_dim3A_964], %gather3A_978 : memref<32x512xf32, #tpu.memory_space<vmem>>[vector<16xi32>, vector<16xi32>], vector<16xf32>,
        %add3A_979 = arith.constant 16 : i32
        %add3A_980 = vector.broadcast %add3A_979 : i32 to vector<16xi32>
        %add3A_981 = arith.addi %iota3A, %add3A_980 : vector<16xi32>
        %gather3A_982 = arith.constant 0 : i32
        %gather3A_983 = arith.constant 0 : i32
        %gather3A_984 = tpu.memref_slice %arg11[%rem3A_932, %gather3A_982, %gather3A_983] : memref<11x32x128xf32, #tpu.memory_space<vmem>> -> memref<1x32x128xf32, #tpu.memory_space<vmem>>
        %gather3A_985 = tpu.memref_squeeze %gather3A_984 : memref<1x32x128xf32, #tpu.memory_space<vmem>> -> memref<32x128xf32, #tpu.memory_space<vmem>>
        %gather3A_986 = tpu.vector_load_idx %gather3A_985[%add3A_981, %gather3A] : memref<32x128xf32, #tpu.memory_space<vmem>>[vector<16xi32>, vector<16xi32>], vector<16xf32>,
        %gather3A_987 = arith.constant 0 : i32
        %gather3A_988 = arith.constant 0 : i32
        %gather3A_989 = tpu.memref_slice %arg12[%rem3A_932, %gather3A_987, %gather3A_988] : memref<11x32x128xf32, #tpu.memory_space<vmem>> -> memref<1x32x128xf32, #tpu.memory_space<vmem>>
        %gather3A_990 = tpu.memref_squeeze %gather3A_989 : memref<1x32x128xf32, #tpu.memory_space<vmem>> -> memref<32x128xf32, #tpu.memory_space<vmem>>
        %gather3A_991 = tpu.vector_load_idx %gather3A_990[%add3A_981, %gather3A_965] : memref<32x128xf32, #tpu.memory_space<vmem>>[vector<16xi32>, vector<16xi32>], vector<16xf32>,
        tpu.vector_store_idx %arg13[%add3A_981, %broadcast_in_dim3A_964], %gather3A_986 : memref<32x512xf32, #tpu.memory_space<vmem>>[vector<16xi32>, vector<16xi32>], vector<16xf32>,
        tpu.vector_store_idx %arg14[%add3A_981, %broadcast_in_dim3A_964], %gather3A_991 : memref<32x512xf32, #tpu.memory_space<vmem>>[vector<16xi32>, vector<16xi32>], vector<16xf32>,
      } else {
      }
      %rem3A_209 = arith.constant 11 : i32
      %rem3A_210 = arith.remsi %add3A_203, %rem3A_209 : i32
      %eq3A_211 = arith.constant 3 : i32
      %eq3A_212 = vector.broadcast %eq3A_211 : i32 to vector<16xi32>
      %eq3A_213 = arith.cmpi eq, %iota3A, %eq3A_212 : vector<16xi32>
      %jit3A_214 = arith.constant 0 : i32
      %broadcast_in_dim3A_215 = vector.broadcast %jit3A_214 : i32 to vector<16xi32>
      %select_n3A_216 = arith.select %eq3A_213, %shift_left3A_29, %broadcast_in_dim3A_215 : vector<16xi1>, vector<16xi32>
      %reduce_sum3A_217 = arith.constant true
      %reduce_sum3A_218 = vector.broadcast %reduce_sum3A_217 : i1 to vector<16xi1>
      %reduce_sum3A_219 = tpu.scan <sum>, %select_n3A_216 masked %reduce_sum3A_218 : vector<16xi32>, vector<16xi1> -> vector<16xi32>
      %reduce_sum3A_220 = vector.extract %reduce_sum3A_219[15] : i32 from vector<16xi32>
      %multiple_of3A_221 = tpu.assume_multiple %reduce_sum3A_220, 128 : i32
      %jit3A_222 = arith.constant 0 : i32
      %broadcast_in_dim3A_223 = vector.broadcast %jit3A_222 : i32 to vector<16xi32>
      %select_n3A_224 = arith.select %eq3A_213, %shift_left3A_35, %broadcast_in_dim3A_223 : vector<16xi1>, vector<16xi32>
      %reduce_sum3A_225 = arith.constant true
      %reduce_sum3A_226 = vector.broadcast %reduce_sum3A_225 : i1 to vector<16xi1>
      %reduce_sum3A_227 = tpu.scan <sum>, %select_n3A_224 masked %reduce_sum3A_226 : vector<16xi32>, vector<16xi1> -> vector<16xi32>
      %reduce_sum3A_228 = vector.extract %reduce_sum3A_227[15] : i32 from vector<16xi32>
      %multiple_of3A_229 = tpu.assume_multiple %reduce_sum3A_228, 128 : i32
      %dma_start3A_230 = arith.constant 0 : i32
      %dma_start3A_231 = arith.constant 0 : i32
      %dma_start3A_232 = tpu.memref_slice %arg11[%rem3A_210, %dma_start3A_230, %dma_start3A_231] : memref<11x32x128xf32, #tpu.memory_space<vmem>> -> memref<1x32x128xf32, #tpu.memory_space<vmem>>
      %dma_start3A_233 = tpu.memref_squeeze %dma_start3A_232 : memref<1x32x128xf32, #tpu.memory_space<vmem>> -> memref<32x128xf32, #tpu.memory_space<vmem>>
      %dma_start3A_234 = arith.constant 0 : i32
      %dma_start3A_235 = tpu.memref_slice %arg2[%dma_start3A_234, %multiple_of3A_221] : memref<32x1000000xf32, #tpu.memory_space<hbm>> -> memref<32x128xf32, #tpu.memory_space<hbm>>
      %dma_start3A_236 = tpu.memref_slice %arg16[%rem3A_210] : memref<11x!tpu.dma_semaphore, #tpu.memory_space<semaphore_mem>> -> memref<1x!tpu.dma_semaphore, #tpu.memory_space<semaphore_mem>>
      %dma_start3A_237 = tpu.memref_squeeze %dma_start3A_236 : memref<1x!tpu.dma_semaphore, #tpu.memory_space<semaphore_mem>> -> memref<!tpu.dma_semaphore, #tpu.memory_space<semaphore_mem>>
      %dma_start3A_238 = arith.constant 0 : i32
      %dma_start3A_239 = arith.constant 0 : i32
      %dma_start3A_240 = tpu.memref_slice %arg11[%rem3A_210, %dma_start3A_238, %dma_start3A_239] : memref<11x32x128xf32, #tpu.memory_space<vmem>> -> memref<1x32x128xf32, #tpu.memory_space<vmem>>
      %dma_start3A_241 = tpu.memref_squeeze %dma_start3A_240 : memref<1x32x128xf32, #tpu.memory_space<vmem>> -> memref<32x128xf32, #tpu.memory_space<vmem>>
      %dma_start3A_242 = arith.constant 0 : i32
      %dma_start3A_243 = tpu.memref_slice %arg2[%dma_start3A_242, %multiple_of3A_221] : memref<32x1000000xf32, #tpu.memory_space<hbm>> -> memref<32x128xf32, #tpu.memory_space<hbm>>
      tpu.enqueue_dma source(%dma_start3A_243 : memref<32x128xf32, #tpu.memory_space<hbm>>) target(%dma_start3A_241 : memref<32x128xf32, #tpu.memory_space<vmem>>) target_semaphore(%dma_start3A_237 : memref<!tpu.dma_semaphore, #tpu.memory_space<semaphore_mem>>)
      %dma_start3A_244 = arith.constant 0 : i32
      %dma_start3A_245 = arith.constant 0 : i32
      %dma_start3A_246 = tpu.memref_slice %arg12[%rem3A_210, %dma_start3A_244, %dma_start3A_245] : memref<11x32x128xf32, #tpu.memory_space<vmem>> -> memref<1x32x128xf32, #tpu.memory_space<vmem>>
      %dma_start3A_247 = tpu.memref_squeeze %dma_start3A_246 : memref<1x32x128xf32, #tpu.memory_space<vmem>> -> memref<32x128xf32, #tpu.memory_space<vmem>>
      %dma_start3A_248 = arith.constant 0 : i32
      %dma_start3A_249 = tpu.memref_slice %arg3[%dma_start3A_248, %multiple_of3A_229] : memref<32x1000000xf32, #tpu.memory_space<hbm>> -> memref<32x128xf32, #tpu.memory_space<hbm>>
      %dma_start3A_250 = tpu.memref_slice %arg16[%rem3A_210] : memref<11x!tpu.dma_semaphore, #tpu.memory_space<semaphore_mem>> -> memref<1x!tpu.dma_semaphore, #tpu.memory_space<semaphore_mem>>
      %dma_start3A_251 = tpu.memref_squeeze %dma_start3A_250 : memref<1x!tpu.dma_semaphore, #tpu.memory_space<semaphore_mem>> -> memref<!tpu.dma_semaphore, #tpu.memory_space<semaphore_mem>>
      %dma_start3A_252 = arith.constant 0 : i32
      %dma_start3A_253 = arith.constant 0 : i32
      %dma_start3A_254 = tpu.memref_slice %arg12[%rem3A_210, %dma_start3A_252, %dma_start3A_253] : memref<11x32x128xf32, #tpu.memory_space<vmem>> -> memref<1x32x128xf32, #tpu.memory_space<vmem>>
      %dma_start3A_255 = tpu.memref_squeeze %dma_start3A_254 : memref<1x32x128xf32, #tpu.memory_space<vmem>> -> memref<32x128xf32, #tpu.memory_space<vmem>>
      %dma_start3A_256 = arith.constant 0 : i32
      %dma_start3A_257 = tpu.memref_slice %arg3[%dma_start3A_256, %multiple_of3A_229] : memref<32x1000000xf32, #tpu.memory_space<hbm>> -> memref<32x128xf32, #tpu.memory_space<hbm>>
      tpu.enqueue_dma source(%dma_start3A_257 : memref<32x128xf32, #tpu.memory_space<hbm>>) target(%dma_start3A_255 : memref<32x128xf32, #tpu.memory_space<vmem>>) target_semaphore(%dma_start3A_251 : memref<!tpu.dma_semaphore, #tpu.memory_space<semaphore_mem>>)
      %add3A_258 = arith.constant 4 : i32
      %add3A_259 = arith.addi %multiple_of3A, %add3A_258 : i32
      %ge3A_260 = arith.constant 11 : i32
      %ge3A_261 = arith.cmpi sge, %add3A_259, %ge3A_260 : i32
      %convert_element_type3A_262 = arith.extui %ge3A_261 : i1 to i32
      %cond3A_263 = arith.constant 0 : i32
      %cond3A_264 = arith.cmpi ne, %convert_element_type3A_262, %cond3A_263 : i32
      scf.if %cond3A_264 {
        %sub3A = arith.constant 11 : i32
        %sub3A_930 = arith.subi %add3A_259, %sub3A : i32
        %rem3A_931 = arith.constant 11 : i32
        %rem3A_932 = arith.remsi %sub3A_930, %rem3A_931 : i32
        %dma_wait3A = arith.constant 0 : i32
        %dma_wait3A_933 = arith.constant 0 : i32
        %dma_wait3A_934 = tpu.memref_slice %arg11[%rem3A_932, %dma_wait3A, %dma_wait3A_933] : memref<11x32x128xf32, #tpu.memory_space<vmem>> -> memref<1x32x128xf32, #tpu.memory_space<vmem>>
        %dma_wait3A_935 = tpu.memref_squeeze %dma_wait3A_934 : memref<1x32x128xf32, #tpu.memory_space<vmem>> -> memref<32x128xf32, #tpu.memory_space<vmem>>
        %dma_wait3A_936 = arith.constant 0 : i32
        %dma_wait3A_937 = arith.constant 0 : i32
        %dma_wait3A_938 = tpu.memref_slice %arg2[%dma_wait3A_936, %dma_wait3A_937] : memref<32x1000000xf32, #tpu.memory_space<hbm>> -> memref<32x128xf32, #tpu.memory_space<hbm>>
        %dma_wait3A_939 = tpu.memref_slice %arg16[%rem3A_932] : memref<11x!tpu.dma_semaphore, #tpu.memory_space<semaphore_mem>> -> memref<1x!tpu.dma_semaphore, #tpu.memory_space<semaphore_mem>>
        %dma_wait3A_940 = tpu.memref_squeeze %dma_wait3A_939 : memref<1x!tpu.dma_semaphore, #tpu.memory_space<semaphore_mem>> -> memref<!tpu.dma_semaphore, #tpu.memory_space<semaphore_mem>>
        %dma_wait3A_941 = arith.constant 0 : i32
        %dma_wait3A_942 = arith.constant 0 : i32
        %dma_wait3A_943 = tpu.memref_slice %arg11[%rem3A_932, %dma_wait3A_941, %dma_wait3A_942] : memref<11x32x128xf32, #tpu.memory_space<vmem>> -> memref<1x32x128xf32, #tpu.memory_space<vmem>>
        %dma_wait3A_944 = tpu.memref_squeeze %dma_wait3A_943 : memref<1x32x128xf32, #tpu.memory_space<vmem>> -> memref<32x128xf32, #tpu.memory_space<vmem>>
        %dma_wait3A_945 = arith.constant 0 : i32
        %dma_wait3A_946 = arith.constant 0 : i32
        %dma_wait3A_947 = tpu.memref_slice %arg2[%dma_wait3A_945, %dma_wait3A_946] : memref<32x1000000xf32, #tpu.memory_space<hbm>> -> memref<32x128xf32, #tpu.memory_space<hbm>>
        tpu.wait_dma2 semaphore(%dma_wait3A_940 : memref<!tpu.dma_semaphore, #tpu.memory_space<semaphore_mem>>) src(%dma_wait3A_947 : memref<32x128xf32, #tpu.memory_space<hbm>>) dst(%dma_wait3A_944 : memref<32x128xf32, #tpu.memory_space<vmem>>)
        %dma_wait3A_948 = arith.constant 0 : i32
        %dma_wait3A_949 = arith.constant 0 : i32
        %dma_wait3A_950 = tpu.memref_slice %arg12[%rem3A_932, %dma_wait3A_948, %dma_wait3A_949] : memref<11x32x128xf32, #tpu.memory_space<vmem>> -> memref<1x32x128xf32, #tpu.memory_space<vmem>>
        %dma_wait3A_951 = tpu.memref_squeeze %dma_wait3A_950 : memref<1x32x128xf32, #tpu.memory_space<vmem>> -> memref<32x128xf32, #tpu.memory_space<vmem>>
        %dma_wait3A_952 = arith.constant 0 : i32
        %dma_wait3A_953 = arith.constant 0 : i32
        %dma_wait3A_954 = tpu.memref_slice %arg2[%dma_wait3A_952, %dma_wait3A_953] : memref<32x1000000xf32, #tpu.memory_space<hbm>> -> memref<32x128xf32, #tpu.memory_space<hbm>>
        %dma_wait3A_955 = tpu.memref_slice %arg16[%rem3A_932] : memref<11x!tpu.dma_semaphore, #tpu.memory_space<semaphore_mem>> -> memref<1x!tpu.dma_semaphore, #tpu.memory_space<semaphore_mem>>
        %dma_wait3A_956 = tpu.memref_squeeze %dma_wait3A_955 : memref<1x!tpu.dma_semaphore, #tpu.memory_space<semaphore_mem>> -> memref<!tpu.dma_semaphore, #tpu.memory_space<semaphore_mem>>
        %dma_wait3A_957 = arith.constant 0 : i32
        %dma_wait3A_958 = arith.constant 0 : i32
        %dma_wait3A_959 = tpu.memref_slice %arg12[%rem3A_932, %dma_wait3A_957, %dma_wait3A_958] : memref<11x32x128xf32, #tpu.memory_space<vmem>> -> memref<1x32x128xf32, #tpu.memory_space<vmem>>
        %dma_wait3A_960 = tpu.memref_squeeze %dma_wait3A_959 : memref<1x32x128xf32, #tpu.memory_space<vmem>> -> memref<32x128xf32, #tpu.memory_space<vmem>>
        %dma_wait3A_961 = arith.constant 0 : i32
        %dma_wait3A_962 = arith.constant 0 : i32
        %dma_wait3A_963 = tpu.memref_slice %arg2[%dma_wait3A_961, %dma_wait3A_962] : memref<32x1000000xf32, #tpu.memory_space<hbm>> -> memref<32x128xf32, #tpu.memory_space<hbm>>
        tpu.wait_dma2 semaphore(%dma_wait3A_956 : memref<!tpu.dma_semaphore, #tpu.memory_space<semaphore_mem>>) src(%dma_wait3A_963 : memref<32x128xf32, #tpu.memory_space<hbm>>) dst(%dma_wait3A_960 : memref<32x128xf32, #tpu.memory_space<vmem>>)
        %broadcast_in_dim3A_964 = vector.broadcast %sub3A_930 : i32 to vector<16xi32>
        %gather3A = tpu.vector_load_idx %arg9[%broadcast_in_dim3A_964] : memref<512xi32, #tpu.memory_space<vmem>>[vector<16xi32>], vector<16xi32>,
        %gather3A_965 = tpu.vector_load_idx %arg10[%broadcast_in_dim3A_964] : memref<512xi32, #tpu.memory_space<vmem>>[vector<16xi32>], vector<16xi32>,
        %add3A_966 = arith.constant 0 : i32
        %add3A_967 = vector.broadcast %add3A_966 : i32 to vector<16xi32>
        %add3A_968 = arith.addi %iota3A, %add3A_967 : vector<16xi32>
        %gather3A_969 = arith.constant 0 : i32
        %gather3A_970 = arith.constant 0 : i32
        %gather3A_971 = tpu.memref_slice %arg11[%rem3A_932, %gather3A_969, %gather3A_970] : memref<11x32x128xf32, #tpu.memory_space<vmem>> -> memref<1x32x128xf32, #tpu.memory_space<vmem>>
        %gather3A_972 = tpu.memref_squeeze %gather3A_971 : memref<1x32x128xf32, #tpu.memory_space<vmem>> -> memref<32x128xf32, #tpu.memory_space<vmem>>
        %gather3A_973 = tpu.vector_load_idx %gather3A_972[%add3A_968, %gather3A] : memref<32x128xf32, #tpu.memory_space<vmem>>[vector<16xi32>, vector<16xi32>], vector<16xf32>,
        %gather3A_974 = arith.constant 0 : i32
        %gather3A_975 = arith.constant 0 : i32
        %gather3A_976 = tpu.memref_slice %arg12[%rem3A_932, %gather3A_974, %gather3A_975] : memref<11x32x128xf32, #tpu.memory_space<vmem>> -> memref<1x32x128xf32, #tpu.memory_space<vmem>>
        %gather3A_977 = tpu.memref_squeeze %gather3A_976 : memref<1x32x128xf32, #tpu.memory_space<vmem>> -> memref<32x128xf32, #tpu.memory_space<vmem>>
        %gather3A_978 = tpu.vector_load_idx %gather3A_977[%add3A_968, %gather3A_965] : memref<32x128xf32, #tpu.memory_space<vmem>>[vector<16xi32>, vector<16xi32>], vector<16xf32>,
        tpu.vector_store_idx %arg13[%add3A_968, %broadcast_in_dim3A_964], %gather3A_973 : memref<32x512xf32, #tpu.memory_space<vmem>>[vector<16xi32>, vector<16xi32>], vector<16xf32>,
        tpu.vector_store_idx %arg14[%add3A_968, %broadcast_in_dim3A_964], %gather3A_978 : memref<32x512xf32, #tpu.memory_space<vmem>>[vector<16xi32>, vector<16xi32>], vector<16xf32>,
        %add3A_979 = arith.constant 16 : i32
        %add3A_980 = vector.broadcast %add3A_979 : i32 to vector<16xi32>
        %add3A_981 = arith.addi %iota3A, %add3A_980 : vector<16xi32>
        %gather3A_982 = arith.constant 0 : i32
        %gather3A_983 = arith.constant 0 : i32
        %gather3A_984 = tpu.memref_slice %arg11[%rem3A_932, %gather3A_982, %gather3A_983] : memref<11x32x128xf32, #tpu.memory_space<vmem>> -> memref<1x32x128xf32, #tpu.memory_space<vmem>>
        %gather3A_985 = tpu.memref_squeeze %gather3A_984 : memref<1x32x128xf32, #tpu.memory_space<vmem>> -> memref<32x128xf32, #tpu.memory_space<vmem>>
        %gather3A_986 = tpu.vector_load_idx %gather3A_985[%add3A_981, %gather3A] : memref<32x128xf32, #tpu.memory_space<vmem>>[vector<16xi32>, vector<16xi32>], vector<16xf32>,
        %gather3A_987 = arith.constant 0 : i32
        %gather3A_988 = arith.constant 0 : i32
        %gather3A_989 = tpu.memref_slice %arg12[%rem3A_932, %gather3A_987, %gather3A_988] : memref<11x32x128xf32, #tpu.memory_space<vmem>> -> memref<1x32x128xf32, #tpu.memory_space<vmem>>
        %gather3A_990 = tpu.memref_squeeze %gather3A_989 : memref<1x32x128xf32, #tpu.memory_space<vmem>> -> memref<32x128xf32, #tpu.memory_space<vmem>>
        %gather3A_991 = tpu.vector_load_idx %gather3A_990[%add3A_981, %gather3A_965] : memref<32x128xf32, #tpu.memory_space<vmem>>[vector<16xi32>, vector<16xi32>], vector<16xf32>,
        tpu.vector_store_idx %arg13[%add3A_981, %broadcast_in_dim3A_964], %gather3A_986 : memref<32x512xf32, #tpu.memory_space<vmem>>[vector<16xi32>, vector<16xi32>], vector<16xf32>,
        tpu.vector_store_idx %arg14[%add3A_981, %broadcast_in_dim3A_964], %gather3A_991 : memref<32x512xf32, #tpu.memory_space<vmem>>[vector<16xi32>, vector<16xi32>], vector<16xf32>,
      } else {
      }
      %rem3A_265 = arith.constant 11 : i32
      %rem3A_266 = arith.remsi %add3A_259, %rem3A_265 : i32
      %eq3A_267 = arith.constant 4 : i32
      %eq3A_268 = vector.broadcast %eq3A_267 : i32 to vector<16xi32>
      %eq3A_269 = arith.cmpi eq, %iota3A, %eq3A_268 : vector<16xi32>
      %jit3A_270 = arith.constant 0 : i32
      %broadcast_in_dim3A_271 = vector.broadcast %jit3A_270 : i32 to vector<16xi32>
      %select_n3A_272 = arith.select %eq3A_269, %shift_left3A_29, %broadcast_in_dim3A_271 : vector<16xi1>, vector<16xi32>
      %reduce_sum3A_273 = arith.constant true
      %reduce_sum3A_274 = vector.broadcast %reduce_sum3A_273 : i1 to vector<16xi1>
      %reduce_sum3A_275 = tpu.scan <sum>, %select_n3A_272 masked %reduce_sum3A_274 : vector<16xi32>, vector<16xi1> -> vector<16xi32>
      %reduce_sum3A_276 = vector.extract %reduce_sum3A_275[15] : i32 from vector<16xi32>
      %multiple_of3A_277 = tpu.assume_multiple %reduce_sum3A_276, 128 : i32
      %jit3A_278 = arith.constant 0 : i32
      %broadcast_in_dim3A_279 = vector.broadcast %jit3A_278 : i32 to vector<16xi32>
      %select_n3A_280 = arith.select %eq3A_269, %shift_left3A_35, %broadcast_in_dim3A_279 : vector<16xi1>, vector<16xi32>
      %reduce_sum3A_281 = arith.constant true
      %reduce_sum3A_282 = vector.broadcast %reduce_sum3A_281 : i1 to vector<16xi1>
      %reduce_sum3A_283 = tpu.scan <sum>, %select_n3A_280 masked %reduce_sum3A_282 : vector<16xi32>, vector<16xi1> -> vector<16xi32>
      %reduce_sum3A_284 = vector.extract %reduce_sum3A_283[15] : i32 from vector<16xi32>
      %multiple_of3A_285 = tpu.assume_multiple %reduce_sum3A_284, 128 : i32
      %dma_start3A_286 = arith.constant 0 : i32
      %dma_start3A_287 = arith.constant 0 : i32
      %dma_start3A_288 = tpu.memref_slice %arg11[%rem3A_266, %dma_start3A_286, %dma_start3A_287] : memref<11x32x128xf32, #tpu.memory_space<vmem>> -> memref<1x32x128xf32, #tpu.memory_space<vmem>>
      %dma_start3A_289 = tpu.memref_squeeze %dma_start3A_288 : memref<1x32x128xf32, #tpu.memory_space<vmem>> -> memref<32x128xf32, #tpu.memory_space<vmem>>
      %dma_start3A_290 = arith.constant 0 : i32
      %dma_start3A_291 = tpu.memref_slice %arg2[%dma_start3A_290, %multiple_of3A_277] : memref<32x1000000xf32, #tpu.memory_space<hbm>> -> memref<32x128xf32, #tpu.memory_space<hbm>>
      %dma_start3A_292 = tpu.memref_slice %arg16[%rem3A_266] : memref<11x!tpu.dma_semaphore, #tpu.memory_space<semaphore_mem>> -> memref<1x!tpu.dma_semaphore, #tpu.memory_space<semaphore_mem>>
      %dma_start3A_293 = tpu.memref_squeeze %dma_start3A_292 : memref<1x!tpu.dma_semaphore, #tpu.memory_space<semaphore_mem>> -> memref<!tpu.dma_semaphore, #tpu.memory_space<semaphore_mem>>
      %dma_start3A_294 = arith.constant 0 : i32
      %dma_start3A_295 = arith.constant 0 : i32
      %dma_start3A_296 = tpu.memref_slice %arg11[%rem3A_266, %dma_start3A_294, %dma_start3A_295] : memref<11x32x128xf32, #tpu.memory_space<vmem>> -> memref<1x32x128xf32, #tpu.memory_space<vmem>>
      %dma_start3A_297 = tpu.memref_squeeze %dma_start3A_296 : memref<1x32x128xf32, #tpu.memory_space<vmem>> -> memref<32x128xf32, #tpu.memory_space<vmem>>
      %dma_start3A_298 = arith.constant 0 : i32
      %dma_start3A_299 = tpu.memref_slice %arg2[%dma_start3A_298, %multiple_of3A_277] : memref<32x1000000xf32, #tpu.memory_space<hbm>> -> memref<32x128xf32, #tpu.memory_space<hbm>>
      tpu.enqueue_dma source(%dma_start3A_299 : memref<32x128xf32, #tpu.memory_space<hbm>>) target(%dma_start3A_297 : memref<32x128xf32, #tpu.memory_space<vmem>>) target_semaphore(%dma_start3A_293 : memref<!tpu.dma_semaphore, #tpu.memory_space<semaphore_mem>>)
      %dma_start3A_300 = arith.constant 0 : i32
      %dma_start3A_301 = arith.constant 0 : i32
      %dma_start3A_302 = tpu.memref_slice %arg12[%rem3A_266, %dma_start3A_300, %dma_start3A_301] : memref<11x32x128xf32, #tpu.memory_space<vmem>> -> memref<1x32x128xf32, #tpu.memory_space<vmem>>
      %dma_start3A_303 = tpu.memref_squeeze %dma_start3A_302 : memref<1x32x128xf32, #tpu.memory_space<vmem>> -> memref<32x128xf32, #tpu.memory_space<vmem>>
      %dma_start3A_304 = arith.constant 0 : i32
      %dma_start3A_305 = tpu.memref_slice %arg3[%dma_start3A_304, %multiple_of3A_285] : memref<32x1000000xf32, #tpu.memory_space<hbm>> -> memref<32x128xf32, #tpu.memory_space<hbm>>
      %dma_start3A_306 = tpu.memref_slice %arg16[%rem3A_266] : memref<11x!tpu.dma_semaphore, #tpu.memory_space<semaphore_mem>> -> memref<1x!tpu.dma_semaphore, #tpu.memory_space<semaphore_mem>>
      %dma_start3A_307 = tpu.memref_squeeze %dma_start3A_306 : memref<1x!tpu.dma_semaphore, #tpu.memory_space<semaphore_mem>> -> memref<!tpu.dma_semaphore, #tpu.memory_space<semaphore_mem>>
      %dma_start3A_308 = arith.constant 0 : i32
      %dma_start3A_309 = arith.constant 0 : i32
      %dma_start3A_310 = tpu.memref_slice %arg12[%rem3A_266, %dma_start3A_308, %dma_start3A_309] : memref<11x32x128xf32, #tpu.memory_space<vmem>> -> memref<1x32x128xf32, #tpu.memory_space<vmem>>
      %dma_start3A_311 = tpu.memref_squeeze %dma_start3A_310 : memref<1x32x128xf32, #tpu.memory_space<vmem>> -> memref<32x128xf32, #tpu.memory_space<vmem>>
      %dma_start3A_312 = arith.constant 0 : i32
      %dma_start3A_313 = tpu.memref_slice %arg3[%dma_start3A_312, %multiple_of3A_285] : memref<32x1000000xf32, #tpu.memory_space<hbm>> -> memref<32x128xf32, #tpu.memory_space<hbm>>
      tpu.enqueue_dma source(%dma_start3A_313 : memref<32x128xf32, #tpu.memory_space<hbm>>) target(%dma_start3A_311 : memref<32x128xf32, #tpu.memory_space<vmem>>) target_semaphore(%dma_start3A_307 : memref<!tpu.dma_semaphore, #tpu.memory_space<semaphore_mem>>)
      %add3A_314 = arith.constant 5 : i32
      %add3A_315 = arith.addi %multiple_of3A, %add3A_314 : i32
      %ge3A_316 = arith.constant 11 : i32
      %ge3A_317 = arith.cmpi sge, %add3A_315, %ge3A_316 : i32
      %convert_element_type3A_318 = arith.extui %ge3A_317 : i1 to i32
      %cond3A_319 = arith.constant 0 : i32
      %cond3A_320 = arith.cmpi ne, %convert_element_type3A_318, %cond3A_319 : i32
      scf.if %cond3A_320 {
        %sub3A = arith.constant 11 : i32
        %sub3A_930 = arith.subi %add3A_315, %sub3A : i32
        %rem3A_931 = arith.constant 11 : i32
        %rem3A_932 = arith.remsi %sub3A_930, %rem3A_931 : i32
        %dma_wait3A = arith.constant 0 : i32
        %dma_wait3A_933 = arith.constant 0 : i32
        %dma_wait3A_934 = tpu.memref_slice %arg11[%rem3A_932, %dma_wait3A, %dma_wait3A_933] : memref<11x32x128xf32, #tpu.memory_space<vmem>> -> memref<1x32x128xf32, #tpu.memory_space<vmem>>
        %dma_wait3A_935 = tpu.memref_squeeze %dma_wait3A_934 : memref<1x32x128xf32, #tpu.memory_space<vmem>> -> memref<32x128xf32, #tpu.memory_space<vmem>>
        %dma_wait3A_936 = arith.constant 0 : i32
        %dma_wait3A_937 = arith.constant 0 : i32
        %dma_wait3A_938 = tpu.memref_slice %arg2[%dma_wait3A_936, %dma_wait3A_937] : memref<32x1000000xf32, #tpu.memory_space<hbm>> -> memref<32x128xf32, #tpu.memory_space<hbm>>
        %dma_wait3A_939 = tpu.memref_slice %arg16[%rem3A_932] : memref<11x!tpu.dma_semaphore, #tpu.memory_space<semaphore_mem>> -> memref<1x!tpu.dma_semaphore, #tpu.memory_space<semaphore_mem>>
        %dma_wait3A_940 = tpu.memref_squeeze %dma_wait3A_939 : memref<1x!tpu.dma_semaphore, #tpu.memory_space<semaphore_mem>> -> memref<!tpu.dma_semaphore, #tpu.memory_space<semaphore_mem>>
        %dma_wait3A_941 = arith.constant 0 : i32
        %dma_wait3A_942 = arith.constant 0 : i32
        %dma_wait3A_943 = tpu.memref_slice %arg11[%rem3A_932, %dma_wait3A_941, %dma_wait3A_942] : memref<11x32x128xf32, #tpu.memory_space<vmem>> -> memref<1x32x128xf32, #tpu.memory_space<vmem>>
        %dma_wait3A_944 = tpu.memref_squeeze %dma_wait3A_943 : memref<1x32x128xf32, #tpu.memory_space<vmem>> -> memref<32x128xf32, #tpu.memory_space<vmem>>
        %dma_wait3A_945 = arith.constant 0 : i32
        %dma_wait3A_946 = arith.constant 0 : i32
        %dma_wait3A_947 = tpu.memref_slice %arg2[%dma_wait3A_945, %dma_wait3A_946] : memref<32x1000000xf32, #tpu.memory_space<hbm>> -> memref<32x128xf32, #tpu.memory_space<hbm>>
        tpu.wait_dma2 semaphore(%dma_wait3A_940 : memref<!tpu.dma_semaphore, #tpu.memory_space<semaphore_mem>>) src(%dma_wait3A_947 : memref<32x128xf32, #tpu.memory_space<hbm>>) dst(%dma_wait3A_944 : memref<32x128xf32, #tpu.memory_space<vmem>>)
        %dma_wait3A_948 = arith.constant 0 : i32
        %dma_wait3A_949 = arith.constant 0 : i32
        %dma_wait3A_950 = tpu.memref_slice %arg12[%rem3A_932, %dma_wait3A_948, %dma_wait3A_949] : memref<11x32x128xf32, #tpu.memory_space<vmem>> -> memref<1x32x128xf32, #tpu.memory_space<vmem>>
        %dma_wait3A_951 = tpu.memref_squeeze %dma_wait3A_950 : memref<1x32x128xf32, #tpu.memory_space<vmem>> -> memref<32x128xf32, #tpu.memory_space<vmem>>
        %dma_wait3A_952 = arith.constant 0 : i32
        %dma_wait3A_953 = arith.constant 0 : i32
        %dma_wait3A_954 = tpu.memref_slice %arg2[%dma_wait3A_952, %dma_wait3A_953] : memref<32x1000000xf32, #tpu.memory_space<hbm>> -> memref<32x128xf32, #tpu.memory_space<hbm>>
        %dma_wait3A_955 = tpu.memref_slice %arg16[%rem3A_932] : memref<11x!tpu.dma_semaphore, #tpu.memory_space<semaphore_mem>> -> memref<1x!tpu.dma_semaphore, #tpu.memory_space<semaphore_mem>>
        %dma_wait3A_956 = tpu.memref_squeeze %dma_wait3A_955 : memref<1x!tpu.dma_semaphore, #tpu.memory_space<semaphore_mem>> -> memref<!tpu.dma_semaphore, #tpu.memory_space<semaphore_mem>>
        %dma_wait3A_957 = arith.constant 0 : i32
        %dma_wait3A_958 = arith.constant 0 : i32
        %dma_wait3A_959 = tpu.memref_slice %arg12[%rem3A_932, %dma_wait3A_957, %dma_wait3A_958] : memref<11x32x128xf32, #tpu.memory_space<vmem>> -> memref<1x32x128xf32, #tpu.memory_space<vmem>>
        %dma_wait3A_960 = tpu.memref_squeeze %dma_wait3A_959 : memref<1x32x128xf32, #tpu.memory_space<vmem>> -> memref<32x128xf32, #tpu.memory_space<vmem>>
        %dma_wait3A_961 = arith.constant 0 : i32
        %dma_wait3A_962 = arith.constant 0 : i32
        %dma_wait3A_963 = tpu.memref_slice %arg2[%dma_wait3A_961, %dma_wait3A_962] : memref<32x1000000xf32, #tpu.memory_space<hbm>> -> memref<32x128xf32, #tpu.memory_space<hbm>>
        tpu.wait_dma2 semaphore(%dma_wait3A_956 : memref<!tpu.dma_semaphore, #tpu.memory_space<semaphore_mem>>) src(%dma_wait3A_963 : memref<32x128xf32, #tpu.memory_space<hbm>>) dst(%dma_wait3A_960 : memref<32x128xf32, #tpu.memory_space<vmem>>)
        %broadcast_in_dim3A_964 = vector.broadcast %sub3A_930 : i32 to vector<16xi32>
        %gather3A = tpu.vector_load_idx %arg9[%broadcast_in_dim3A_964] : memref<512xi32, #tpu.memory_space<vmem>>[vector<16xi32>], vector<16xi32>,
        %gather3A_965 = tpu.vector_load_idx %arg10[%broadcast_in_dim3A_964] : memref<512xi32, #tpu.memory_space<vmem>>[vector<16xi32>], vector<16xi32>,
        %add3A_966 = arith.constant 0 : i32
        %add3A_967 = vector.broadcast %add3A_966 : i32 to vector<16xi32>
        %add3A_968 = arith.addi %iota3A, %add3A_967 : vector<16xi32>
        %gather3A_969 = arith.constant 0 : i32
        %gather3A_970 = arith.constant 0 : i32
        %gather3A_971 = tpu.memref_slice %arg11[%rem3A_932, %gather3A_969, %gather3A_970] : memref<11x32x128xf32, #tpu.memory_space<vmem>> -> memref<1x32x128xf32, #tpu.memory_space<vmem>>
        %gather3A_972 = tpu.memref_squeeze %gather3A_971 : memref<1x32x128xf32, #tpu.memory_space<vmem>> -> memref<32x128xf32, #tpu.memory_space<vmem>>
        %gather3A_973 = tpu.vector_load_idx %gather3A_972[%add3A_968, %gather3A] : memref<32x128xf32, #tpu.memory_space<vmem>>[vector<16xi32>, vector<16xi32>], vector<16xf32>,
        %gather3A_974 = arith.constant 0 : i32
        %gather3A_975 = arith.constant 0 : i32
        %gather3A_976 = tpu.memref_slice %arg12[%rem3A_932, %gather3A_974, %gather3A_975] : memref<11x32x128xf32, #tpu.memory_space<vmem>> -> memref<1x32x128xf32, #tpu.memory_space<vmem>>
        %gather3A_977 = tpu.memref_squeeze %gather3A_976 : memref<1x32x128xf32, #tpu.memory_space<vmem>> -> memref<32x128xf32, #tpu.memory_space<vmem>>
        %gather3A_978 = tpu.vector_load_idx %gather3A_977[%add3A_968, %gather3A_965] : memref<32x128xf32, #tpu.memory_space<vmem>>[vector<16xi32>, vector<16xi32>], vector<16xf32>,
        tpu.vector_store_idx %arg13[%add3A_968, %broadcast_in_dim3A_964], %gather3A_973 : memref<32x512xf32, #tpu.memory_space<vmem>>[vector<16xi32>, vector<16xi32>], vector<16xf32>,
        tpu.vector_store_idx %arg14[%add3A_968, %broadcast_in_dim3A_964], %gather3A_978 : memref<32x512xf32, #tpu.memory_space<vmem>>[vector<16xi32>, vector<16xi32>], vector<16xf32>,
        %add3A_979 = arith.constant 16 : i32
        %add3A_980 = vector.broadcast %add3A_979 : i32 to vector<16xi32>
        %add3A_981 = arith.addi %iota3A, %add3A_980 : vector<16xi32>
        %gather3A_982 = arith.constant 0 : i32
        %gather3A_983 = arith.constant 0 : i32
        %gather3A_984 = tpu.memref_slice %arg11[%rem3A_932, %gather3A_982, %gather3A_983] : memref<11x32x128xf32, #tpu.memory_space<vmem>> -> memref<1x32x128xf32, #tpu.memory_space<vmem>>
        %gather3A_985 = tpu.memref_squeeze %gather3A_984 : memref<1x32x128xf32, #tpu.memory_space<vmem>> -> memref<32x128xf32, #tpu.memory_space<vmem>>
        %gather3A_986 = tpu.vector_load_idx %gather3A_985[%add3A_981, %gather3A] : memref<32x128xf32, #tpu.memory_space<vmem>>[vector<16xi32>, vector<16xi32>], vector<16xf32>,
        %gather3A_987 = arith.constant 0 : i32
        %gather3A_988 = arith.constant 0 : i32
        %gather3A_989 = tpu.memref_slice %arg12[%rem3A_932, %gather3A_987, %gather3A_988] : memref<11x32x128xf32, #tpu.memory_space<vmem>> -> memref<1x32x128xf32, #tpu.memory_space<vmem>>
        %gather3A_990 = tpu.memref_squeeze %gather3A_989 : memref<1x32x128xf32, #tpu.memory_space<vmem>> -> memref<32x128xf32, #tpu.memory_space<vmem>>
        %gather3A_991 = tpu.vector_load_idx %gather3A_990[%add3A_981, %gather3A_965] : memref<32x128xf32, #tpu.memory_space<vmem>>[vector<16xi32>, vector<16xi32>], vector<16xf32>,
        tpu.vector_store_idx %arg13[%add3A_981, %broadcast_in_dim3A_964], %gather3A_986 : memref<32x512xf32, #tpu.memory_space<vmem>>[vector<16xi32>, vector<16xi32>], vector<16xf32>,
        tpu.vector_store_idx %arg14[%add3A_981, %broadcast_in_dim3A_964], %gather3A_991 : memref<32x512xf32, #tpu.memory_space<vmem>>[vector<16xi32>, vector<16xi32>], vector<16xf32>,
      } else {
      }
      %rem3A_321 = arith.constant 11 : i32
      %rem3A_322 = arith.remsi %add3A_315, %rem3A_321 : i32
      %eq3A_323 = arith.constant 5 : i32
      %eq3A_324 = vector.broadcast %eq3A_323 : i32 to vector<16xi32>
      %eq3A_325 = arith.cmpi eq, %iota3A, %eq3A_324 : vector<16xi32>
      %jit3A_326 = arith.constant 0 : i32
      %broadcast_in_dim3A_327 = vector.broadcast %jit3A_326 : i32 to vector<16xi32>
      %select_n3A_328 = arith.select %eq3A_325, %shift_left3A_29, %broadcast_in_dim3A_327 : vector<16xi1>, vector<16xi32>
      %reduce_sum3A_329 = arith.constant true
      %reduce_sum3A_330 = vector.broadcast %reduce_sum3A_329 : i1 to vector<16xi1>
      %reduce_sum3A_331 = tpu.scan <sum>, %select_n3A_328 masked %reduce_sum3A_330 : vector<16xi32>, vector<16xi1> -> vector<16xi32>
      %reduce_sum3A_332 = vector.extract %reduce_sum3A_331[15] : i32 from vector<16xi32>
      %multiple_of3A_333 = tpu.assume_multiple %reduce_sum3A_332, 128 : i32
      %jit3A_334 = arith.constant 0 : i32
      %broadcast_in_dim3A_335 = vector.broadcast %jit3A_334 : i32 to vector<16xi32>
      %select_n3A_336 = arith.select %eq3A_325, %shift_left3A_35, %broadcast_in_dim3A_335 : vector<16xi1>, vector<16xi32>
      %reduce_sum3A_337 = arith.constant true
      %reduce_sum3A_338 = vector.broadcast %reduce_sum3A_337 : i1 to vector<16xi1>
      %reduce_sum3A_339 = tpu.scan <sum>, %select_n3A_336 masked %reduce_sum3A_338 : vector<16xi32>, vector<16xi1> -> vector<16xi32>
      %reduce_sum3A_340 = vector.extract %reduce_sum3A_339[15] : i32 from vector<16xi32>
      %multiple_of3A_341 = tpu.assume_multiple %reduce_sum3A_340, 128 : i32
      %dma_start3A_342 = arith.constant 0 : i32
      %dma_start3A_343 = arith.constant 0 : i32
      %dma_start3A_344 = tpu.memref_slice %arg11[%rem3A_322, %dma_start3A_342, %dma_start3A_343] : memref<11x32x128xf32, #tpu.memory_space<vmem>> -> memref<1x32x128xf32, #tpu.memory_space<vmem>>
      %dma_start3A_345 = tpu.memref_squeeze %dma_start3A_344 : memref<1x32x128xf32, #tpu.memory_space<vmem>> -> memref<32x128xf32, #tpu.memory_space<vmem>>
      %dma_start3A_346 = arith.constant 0 : i32
      %dma_start3A_347 = tpu.memref_slice %arg2[%dma_start3A_346, %multiple_of3A_333] : memref<32x1000000xf32, #tpu.memory_space<hbm>> -> memref<32x128xf32, #tpu.memory_space<hbm>>
      %dma_start3A_348 = tpu.memref_slice %arg16[%rem3A_322] : memref<11x!tpu.dma_semaphore, #tpu.memory_space<semaphore_mem>> -> memref<1x!tpu.dma_semaphore, #tpu.memory_space<semaphore_mem>>
      %dma_start3A_349 = tpu.memref_squeeze %dma_start3A_348 : memref<1x!tpu.dma_semaphore, #tpu.memory_space<semaphore_mem>> -> memref<!tpu.dma_semaphore, #tpu.memory_space<semaphore_mem>>
      %dma_start3A_350 = arith.constant 0 : i32
      %dma_start3A_351 = arith.constant 0 : i32
      %dma_start3A_352 = tpu.memref_slice %arg11[%rem3A_322, %dma_start3A_350, %dma_start3A_351] : memref<11x32x128xf32, #tpu.memory_space<vmem>> -> memref<1x32x128xf32, #tpu.memory_space<vmem>>
      %dma_start3A_353 = tpu.memref_squeeze %dma_start3A_352 : memref<1x32x128xf32, #tpu.memory_space<vmem>> -> memref<32x128xf32, #tpu.memory_space<vmem>>
      %dma_start3A_354 = arith.constant 0 : i32
      %dma_start3A_355 = tpu.memref_slice %arg2[%dma_start3A_354, %multiple_of3A_333] : memref<32x1000000xf32, #tpu.memory_space<hbm>> -> memref<32x128xf32, #tpu.memory_space<hbm>>
      tpu.enqueue_dma source(%dma_start3A_355 : memref<32x128xf32, #tpu.memory_space<hbm>>) target(%dma_start3A_353 : memref<32x128xf32, #tpu.memory_space<vmem>>) target_semaphore(%dma_start3A_349 : memref<!tpu.dma_semaphore, #tpu.memory_space<semaphore_mem>>)
      %dma_start3A_356 = arith.constant 0 : i32
      %dma_start3A_357 = arith.constant 0 : i32
      %dma_start3A_358 = tpu.memref_slice %arg12[%rem3A_322, %dma_start3A_356, %dma_start3A_357] : memref<11x32x128xf32, #tpu.memory_space<vmem>> -> memref<1x32x128xf32, #tpu.memory_space<vmem>>
      %dma_start3A_359 = tpu.memref_squeeze %dma_start3A_358 : memref<1x32x128xf32, #tpu.memory_space<vmem>> -> memref<32x128xf32, #tpu.memory_space<vmem>>
      %dma_start3A_360 = arith.constant 0 : i32
      %dma_start3A_361 = tpu.memref_slice %arg3[%dma_start3A_360, %multiple_of3A_341] : memref<32x1000000xf32, #tpu.memory_space<hbm>> -> memref<32x128xf32, #tpu.memory_space<hbm>>
      %dma_start3A_362 = tpu.memref_slice %arg16[%rem3A_322] : memref<11x!tpu.dma_semaphore, #tpu.memory_space<semaphore_mem>> -> memref<1x!tpu.dma_semaphore, #tpu.memory_space<semaphore_mem>>
      %dma_start3A_363 = tpu.memref_squeeze %dma_start3A_362 : memref<1x!tpu.dma_semaphore, #tpu.memory_space<semaphore_mem>> -> memref<!tpu.dma_semaphore, #tpu.memory_space<semaphore_mem>>
      %dma_start3A_364 = arith.constant 0 : i32
      %dma_start3A_365 = arith.constant 0 : i32
      %dma_start3A_366 = tpu.memref_slice %arg12[%rem3A_322, %dma_start3A_364, %dma_start3A_365] : memref<11x32x128xf32, #tpu.memory_space<vmem>> -> memref<1x32x128xf32, #tpu.memory_space<vmem>>
      %dma_start3A_367 = tpu.memref_squeeze %dma_start3A_366 : memref<1x32x128xf32, #tpu.memory_space<vmem>> -> memref<32x128xf32, #tpu.memory_space<vmem>>
      %dma_start3A_368 = arith.constant 0 : i32
      %dma_start3A_369 = tpu.memref_slice %arg3[%dma_start3A_368, %multiple_of3A_341] : memref<32x1000000xf32, #tpu.memory_space<hbm>> -> memref<32x128xf32, #tpu.memory_space<hbm>>
      tpu.enqueue_dma source(%dma_start3A_369 : memref<32x128xf32, #tpu.memory_space<hbm>>) target(%dma_start3A_367 : memref<32x128xf32, #tpu.memory_space<vmem>>) target_semaphore(%dma_start3A_363 : memref<!tpu.dma_semaphore, #tpu.memory_space<semaphore_mem>>)
      %add3A_370 = arith.constant 6 : i32
      %add3A_371 = arith.addi %multiple_of3A, %add3A_370 : i32
      %ge3A_372 = arith.constant 11 : i32
      %ge3A_373 = arith.cmpi sge, %add3A_371, %ge3A_372 : i32
      %convert_element_type3A_374 = arith.extui %ge3A_373 : i1 to i32
      %cond3A_375 = arith.constant 0 : i32
      %cond3A_376 = arith.cmpi ne, %convert_element_type3A_374, %cond3A_375 : i32
      scf.if %cond3A_376 {
        %sub3A = arith.constant 11 : i32
        %sub3A_930 = arith.subi %add3A_371, %sub3A : i32
        %rem3A_931 = arith.constant 11 : i32
        %rem3A_932 = arith.remsi %sub3A_930, %rem3A_931 : i32
        %dma_wait3A = arith.constant 0 : i32
        %dma_wait3A_933 = arith.constant 0 : i32
        %dma_wait3A_934 = tpu.memref_slice %arg11[%rem3A_932, %dma_wait3A, %dma_wait3A_933] : memref<11x32x128xf32, #tpu.memory_space<vmem>> -> memref<1x32x128xf32, #tpu.memory_space<vmem>>
        %dma_wait3A_935 = tpu.memref_squeeze %dma_wait3A_934 : memref<1x32x128xf32, #tpu.memory_space<vmem>> -> memref<32x128xf32, #tpu.memory_space<vmem>>
        %dma_wait3A_936 = arith.constant 0 : i32
        %dma_wait3A_937 = arith.constant 0 : i32
        %dma_wait3A_938 = tpu.memref_slice %arg2[%dma_wait3A_936, %dma_wait3A_937] : memref<32x1000000xf32, #tpu.memory_space<hbm>> -> memref<32x128xf32, #tpu.memory_space<hbm>>
        %dma_wait3A_939 = tpu.memref_slice %arg16[%rem3A_932] : memref<11x!tpu.dma_semaphore, #tpu.memory_space<semaphore_mem>> -> memref<1x!tpu.dma_semaphore, #tpu.memory_space<semaphore_mem>>
        %dma_wait3A_940 = tpu.memref_squeeze %dma_wait3A_939 : memref<1x!tpu.dma_semaphore, #tpu.memory_space<semaphore_mem>> -> memref<!tpu.dma_semaphore, #tpu.memory_space<semaphore_mem>>
        %dma_wait3A_941 = arith.constant 0 : i32
        %dma_wait3A_942 = arith.constant 0 : i32
        %dma_wait3A_943 = tpu.memref_slice %arg11[%rem3A_932, %dma_wait3A_941, %dma_wait3A_942] : memref<11x32x128xf32, #tpu.memory_space<vmem>> -> memref<1x32x128xf32, #tpu.memory_space<vmem>>
        %dma_wait3A_944 = tpu.memref_squeeze %dma_wait3A_943 : memref<1x32x128xf32, #tpu.memory_space<vmem>> -> memref<32x128xf32, #tpu.memory_space<vmem>>
        %dma_wait3A_945 = arith.constant 0 : i32
        %dma_wait3A_946 = arith.constant 0 : i32
        %dma_wait3A_947 = tpu.memref_slice %arg2[%dma_wait3A_945, %dma_wait3A_946] : memref<32x1000000xf32, #tpu.memory_space<hbm>> -> memref<32x128xf32, #tpu.memory_space<hbm>>
        tpu.wait_dma2 semaphore(%dma_wait3A_940 : memref<!tpu.dma_semaphore, #tpu.memory_space<semaphore_mem>>) src(%dma_wait3A_947 : memref<32x128xf32, #tpu.memory_space<hbm>>) dst(%dma_wait3A_944 : memref<32x128xf32, #tpu.memory_space<vmem>>)
        %dma_wait3A_948 = arith.constant 0 : i32
        %dma_wait3A_949 = arith.constant 0 : i32
        %dma_wait3A_950 = tpu.memref_slice %arg12[%rem3A_932, %dma_wait3A_948, %dma_wait3A_949] : memref<11x32x128xf32, #tpu.memory_space<vmem>> -> memref<1x32x128xf32, #tpu.memory_space<vmem>>
        %dma_wait3A_951 = tpu.memref_squeeze %dma_wait3A_950 : memref<1x32x128xf32, #tpu.memory_space<vmem>> -> memref<32x128xf32, #tpu.memory_space<vmem>>
        %dma_wait3A_952 = arith.constant 0 : i32
        %dma_wait3A_953 = arith.constant 0 : i32
        %dma_wait3A_954 = tpu.memref_slice %arg2[%dma_wait3A_952, %dma_wait3A_953] : memref<32x1000000xf32, #tpu.memory_space<hbm>> -> memref<32x128xf32, #tpu.memory_space<hbm>>
        %dma_wait3A_955 = tpu.memref_slice %arg16[%rem3A_932] : memref<11x!tpu.dma_semaphore, #tpu.memory_space<semaphore_mem>> -> memref<1x!tpu.dma_semaphore, #tpu.memory_space<semaphore_mem>>
        %dma_wait3A_956 = tpu.memref_squeeze %dma_wait3A_955 : memref<1x!tpu.dma_semaphore, #tpu.memory_space<semaphore_mem>> -> memref<!tpu.dma_semaphore, #tpu.memory_space<semaphore_mem>>
        %dma_wait3A_957 = arith.constant 0 : i32
        %dma_wait3A_958 = arith.constant 0 : i32
        %dma_wait3A_959 = tpu.memref_slice %arg12[%rem3A_932, %dma_wait3A_957, %dma_wait3A_958] : memref<11x32x128xf32, #tpu.memory_space<vmem>> -> memref<1x32x128xf32, #tpu.memory_space<vmem>>
        %dma_wait3A_960 = tpu.memref_squeeze %dma_wait3A_959 : memref<1x32x128xf32, #tpu.memory_space<vmem>> -> memref<32x128xf32, #tpu.memory_space<vmem>>
        %dma_wait3A_961 = arith.constant 0 : i32
        %dma_wait3A_962 = arith.constant 0 : i32
        %dma_wait3A_963 = tpu.memref_slice %arg2[%dma_wait3A_961, %dma_wait3A_962] : memref<32x1000000xf32, #tpu.memory_space<hbm>> -> memref<32x128xf32, #tpu.memory_space<hbm>>
        tpu.wait_dma2 semaphore(%dma_wait3A_956 : memref<!tpu.dma_semaphore, #tpu.memory_space<semaphore_mem>>) src(%dma_wait3A_963 : memref<32x128xf32, #tpu.memory_space<hbm>>) dst(%dma_wait3A_960 : memref<32x128xf32, #tpu.memory_space<vmem>>)
        %broadcast_in_dim3A_964 = vector.broadcast %sub3A_930 : i32 to vector<16xi32>
        %gather3A = tpu.vector_load_idx %arg9[%broadcast_in_dim3A_964] : memref<512xi32, #tpu.memory_space<vmem>>[vector<16xi32>], vector<16xi32>,
        %gather3A_965 = tpu.vector_load_idx %arg10[%broadcast_in_dim3A_964] : memref<512xi32, #tpu.memory_space<vmem>>[vector<16xi32>], vector<16xi32>,
        %add3A_966 = arith.constant 0 : i32
        %add3A_967 = vector.broadcast %add3A_966 : i32 to vector<16xi32>
        %add3A_968 = arith.addi %iota3A, %add3A_967 : vector<16xi32>
        %gather3A_969 = arith.constant 0 : i32
        %gather3A_970 = arith.constant 0 : i32
        %gather3A_971 = tpu.memref_slice %arg11[%rem3A_932, %gather3A_969, %gather3A_970] : memref<11x32x128xf32, #tpu.memory_space<vmem>> -> memref<1x32x128xf32, #tpu.memory_space<vmem>>
        %gather3A_972 = tpu.memref_squeeze %gather3A_971 : memref<1x32x128xf32, #tpu.memory_space<vmem>> -> memref<32x128xf32, #tpu.memory_space<vmem>>
        %gather3A_973 = tpu.vector_load_idx %gather3A_972[%add3A_968, %gather3A] : memref<32x128xf32, #tpu.memory_space<vmem>>[vector<16xi32>, vector<16xi32>], vector<16xf32>,
        %gather3A_974 = arith.constant 0 : i32
        %gather3A_975 = arith.constant 0 : i32
        %gather3A_976 = tpu.memref_slice %arg12[%rem3A_932, %gather3A_974, %gather3A_975] : memref<11x32x128xf32, #tpu.memory_space<vmem>> -> memref<1x32x128xf32, #tpu.memory_space<vmem>>
        %gather3A_977 = tpu.memref_squeeze %gather3A_976 : memref<1x32x128xf32, #tpu.memory_space<vmem>> -> memref<32x128xf32, #tpu.memory_space<vmem>>
        %gather3A_978 = tpu.vector_load_idx %gather3A_977[%add3A_968, %gather3A_965] : memref<32x128xf32, #tpu.memory_space<vmem>>[vector<16xi32>, vector<16xi32>], vector<16xf32>,
        tpu.vector_store_idx %arg13[%add3A_968, %broadcast_in_dim3A_964], %gather3A_973 : memref<32x512xf32, #tpu.memory_space<vmem>>[vector<16xi32>, vector<16xi32>], vector<16xf32>,
        tpu.vector_store_idx %arg14[%add3A_968, %broadcast_in_dim3A_964], %gather3A_978 : memref<32x512xf32, #tpu.memory_space<vmem>>[vector<16xi32>, vector<16xi32>], vector<16xf32>,
        %add3A_979 = arith.constant 16 : i32
        %add3A_980 = vector.broadcast %add3A_979 : i32 to vector<16xi32>
        %add3A_981 = arith.addi %iota3A, %add3A_980 : vector<16xi32>
        %gather3A_982 = arith.constant 0 : i32
        %gather3A_983 = arith.constant 0 : i32
        %gather3A_984 = tpu.memref_slice %arg11[%rem3A_932, %gather3A_982, %gather3A_983] : memref<11x32x128xf32, #tpu.memory_space<vmem>> -> memref<1x32x128xf32, #tpu.memory_space<vmem>>
        %gather3A_985 = tpu.memref_squeeze %gather3A_984 : memref<1x32x128xf32, #tpu.memory_space<vmem>> -> memref<32x128xf32, #tpu.memory_space<vmem>>
        %gather3A_986 = tpu.vector_load_idx %gather3A_985[%add3A_981, %gather3A] : memref<32x128xf32, #tpu.memory_space<vmem>>[vector<16xi32>, vector<16xi32>], vector<16xf32>,
        %gather3A_987 = arith.constant 0 : i32
        %gather3A_988 = arith.constant 0 : i32
        %gather3A_989 = tpu.memref_slice %arg12[%rem3A_932, %gather3A_987, %gather3A_988] : memref<11x32x128xf32, #tpu.memory_space<vmem>> -> memref<1x32x128xf32, #tpu.memory_space<vmem>>
        %gather3A_990 = tpu.memref_squeeze %gather3A_989 : memref<1x32x128xf32, #tpu.memory_space<vmem>> -> memref<32x128xf32, #tpu.memory_space<vmem>>
        %gather3A_991 = tpu.vector_load_idx %gather3A_990[%add3A_981, %gather3A_965] : memref<32x128xf32, #tpu.memory_space<vmem>>[vector<16xi32>, vector<16xi32>], vector<16xf32>,
        tpu.vector_store_idx %arg13[%add3A_981, %broadcast_in_dim3A_964], %gather3A_986 : memref<32x512xf32, #tpu.memory_space<vmem>>[vector<16xi32>, vector<16xi32>], vector<16xf32>,
        tpu.vector_store_idx %arg14[%add3A_981, %broadcast_in_dim3A_964], %gather3A_991 : memref<32x512xf32, #tpu.memory_space<vmem>>[vector<16xi32>, vector<16xi32>], vector<16xf32>,
      } else {
      }
      %rem3A_377 = arith.constant 11 : i32
      %rem3A_378 = arith.remsi %add3A_371, %rem3A_377 : i32
      %eq3A_379 = arith.constant 6 : i32
      %eq3A_380 = vector.broadcast %eq3A_379 : i32 to vector<16xi32>
      %eq3A_381 = arith.cmpi eq, %iota3A, %eq3A_380 : vector<16xi32>
      %jit3A_382 = arith.constant 0 : i32
      %broadcast_in_dim3A_383 = vector.broadcast %jit3A_382 : i32 to vector<16xi32>
      %select_n3A_384 = arith.select %eq3A_381, %shift_left3A_29, %broadcast_in_dim3A_383 : vector<16xi1>, vector<16xi32>
      %reduce_sum3A_385 = arith.constant true
      %reduce_sum3A_386 = vector.broadcast %reduce_sum3A_385 : i1 to vector<16xi1>
      %reduce_sum3A_387 = tpu.scan <sum>, %select_n3A_384 masked %reduce_sum3A_386 : vector<16xi32>, vector<16xi1> -> vector<16xi32>
      %reduce_sum3A_388 = vector.extract %reduce_sum3A_387[15] : i32 from vector<16xi32>
      %multiple_of3A_389 = tpu.assume_multiple %reduce_sum3A_388, 128 : i32
      %jit3A_390 = arith.constant 0 : i32
      %broadcast_in_dim3A_391 = vector.broadcast %jit3A_390 : i32 to vector<16xi32>
      %select_n3A_392 = arith.select %eq3A_381, %shift_left3A_35, %broadcast_in_dim3A_391 : vector<16xi1>, vector<16xi32>
      %reduce_sum3A_393 = arith.constant true
      %reduce_sum3A_394 = vector.broadcast %reduce_sum3A_393 : i1 to vector<16xi1>
      %reduce_sum3A_395 = tpu.scan <sum>, %select_n3A_392 masked %reduce_sum3A_394 : vector<16xi32>, vector<16xi1> -> vector<16xi32>
      %reduce_sum3A_396 = vector.extract %reduce_sum3A_395[15] : i32 from vector<16xi32>
      %multiple_of3A_397 = tpu.assume_multiple %reduce_sum3A_396, 128 : i32
      %dma_start3A_398 = arith.constant 0 : i32
      %dma_start3A_399 = arith.constant 0 : i32
      %dma_start3A_400 = tpu.memref_slice %arg11[%rem3A_378, %dma_start3A_398, %dma_start3A_399] : memref<11x32x128xf32, #tpu.memory_space<vmem>> -> memref<1x32x128xf32, #tpu.memory_space<vmem>>
      %dma_start3A_401 = tpu.memref_squeeze %dma_start3A_400 : memref<1x32x128xf32, #tpu.memory_space<vmem>> -> memref<32x128xf32, #tpu.memory_space<vmem>>
      %dma_start3A_402 = arith.constant 0 : i32
      %dma_start3A_403 = tpu.memref_slice %arg2[%dma_start3A_402, %multiple_of3A_389] : memref<32x1000000xf32, #tpu.memory_space<hbm>> -> memref<32x128xf32, #tpu.memory_space<hbm>>
      %dma_start3A_404 = tpu.memref_slice %arg16[%rem3A_378] : memref<11x!tpu.dma_semaphore, #tpu.memory_space<semaphore_mem>> -> memref<1x!tpu.dma_semaphore, #tpu.memory_space<semaphore_mem>>
      %dma_start3A_405 = tpu.memref_squeeze %dma_start3A_404 : memref<1x!tpu.dma_semaphore, #tpu.memory_space<semaphore_mem>> -> memref<!tpu.dma_semaphore, #tpu.memory_space<semaphore_mem>>
      %dma_start3A_406 = arith.constant 0 : i32
      %dma_start3A_407 = arith.constant 0 : i32
      %dma_start3A_408 = tpu.memref_slice %arg11[%rem3A_378, %dma_start3A_406, %dma_start3A_407] : memref<11x32x128xf32, #tpu.memory_space<vmem>> -> memref<1x32x128xf32, #tpu.memory_space<vmem>>
      %dma_start3A_409 = tpu.memref_squeeze %dma_start3A_408 : memref<1x32x128xf32, #tpu.memory_space<vmem>> -> memref<32x128xf32, #tpu.memory_space<vmem>>
      %dma_start3A_410 = arith.constant 0 : i32
      %dma_start3A_411 = tpu.memref_slice %arg2[%dma_start3A_410, %multiple_of3A_389] : memref<32x1000000xf32, #tpu.memory_space<hbm>> -> memref<32x128xf32, #tpu.memory_space<hbm>>
      tpu.enqueue_dma source(%dma_start3A_411 : memref<32x128xf32, #tpu.memory_space<hbm>>) target(%dma_start3A_409 : memref<32x128xf32, #tpu.memory_space<vmem>>) target_semaphore(%dma_start3A_405 : memref<!tpu.dma_semaphore, #tpu.memory_space<semaphore_mem>>)
      %dma_start3A_412 = arith.constant 0 : i32
      %dma_start3A_413 = arith.constant 0 : i32
      %dma_start3A_414 = tpu.memref_slice %arg12[%rem3A_378, %dma_start3A_412, %dma_start3A_413] : memref<11x32x128xf32, #tpu.memory_space<vmem>> -> memref<1x32x128xf32, #tpu.memory_space<vmem>>
      %dma_start3A_415 = tpu.memref_squeeze %dma_start3A_414 : memref<1x32x128xf32, #tpu.memory_space<vmem>> -> memref<32x128xf32, #tpu.memory_space<vmem>>
      %dma_start3A_416 = arith.constant 0 : i32
      %dma_start3A_417 = tpu.memref_slice %arg3[%dma_start3A_416, %multiple_of3A_397] : memref<32x1000000xf32, #tpu.memory_space<hbm>> -> memref<32x128xf32, #tpu.memory_space<hbm>>
      %dma_start3A_418 = tpu.memref_slice %arg16[%rem3A_378] : memref<11x!tpu.dma_semaphore, #tpu.memory_space<semaphore_mem>> -> memref<1x!tpu.dma_semaphore, #tpu.memory_space<semaphore_mem>>
      %dma_start3A_419 = tpu.memref_squeeze %dma_start3A_418 : memref<1x!tpu.dma_semaphore, #tpu.memory_space<semaphore_mem>> -> memref<!tpu.dma_semaphore, #tpu.memory_space<semaphore_mem>>
      %dma_start3A_420 = arith.constant 0 : i32
      %dma_start3A_421 = arith.constant 0 : i32
      %dma_start3A_422 = tpu.memref_slice %arg12[%rem3A_378, %dma_start3A_420, %dma_start3A_421] : memref<11x32x128xf32, #tpu.memory_space<vmem>> -> memref<1x32x128xf32, #tpu.memory_space<vmem>>
      %dma_start3A_423 = tpu.memref_squeeze %dma_start3A_422 : memref<1x32x128xf32, #tpu.memory_space<vmem>> -> memref<32x128xf32, #tpu.memory_space<vmem>>
      %dma_start3A_424 = arith.constant 0 : i32
      %dma_start3A_425 = tpu.memref_slice %arg3[%dma_start3A_424, %multiple_of3A_397] : memref<32x1000000xf32, #tpu.memory_space<hbm>> -> memref<32x128xf32, #tpu.memory_space<hbm>>
      tpu.enqueue_dma source(%dma_start3A_425 : memref<32x128xf32, #tpu.memory_space<hbm>>) target(%dma_start3A_423 : memref<32x128xf32, #tpu.memory_space<vmem>>) target_semaphore(%dma_start3A_419 : memref<!tpu.dma_semaphore, #tpu.memory_space<semaphore_mem>>)
      %add3A_426 = arith.constant 7 : i32
      %add3A_427 = arith.addi %multiple_of3A, %add3A_426 : i32
      %ge3A_428 = arith.constant 11 : i32
      %ge3A_429 = arith.cmpi sge, %add3A_427, %ge3A_428 : i32
      %convert_element_type3A_430 = arith.extui %ge3A_429 : i1 to i32
      %cond3A_431 = arith.constant 0 : i32
      %cond3A_432 = arith.cmpi ne, %convert_element_type3A_430, %cond3A_431 : i32
      scf.if %cond3A_432 {
        %sub3A = arith.constant 11 : i32
        %sub3A_930 = arith.subi %add3A_427, %sub3A : i32
        %rem3A_931 = arith.constant 11 : i32
        %rem3A_932 = arith.remsi %sub3A_930, %rem3A_931 : i32
        %dma_wait3A = arith.constant 0 : i32
        %dma_wait3A_933 = arith.constant 0 : i32
        %dma_wait3A_934 = tpu.memref_slice %arg11[%rem3A_932, %dma_wait3A, %dma_wait3A_933] : memref<11x32x128xf32, #tpu.memory_space<vmem>> -> memref<1x32x128xf32, #tpu.memory_space<vmem>>
        %dma_wait3A_935 = tpu.memref_squeeze %dma_wait3A_934 : memref<1x32x128xf32, #tpu.memory_space<vmem>> -> memref<32x128xf32, #tpu.memory_space<vmem>>
        %dma_wait3A_936 = arith.constant 0 : i32
        %dma_wait3A_937 = arith.constant 0 : i32
        %dma_wait3A_938 = tpu.memref_slice %arg2[%dma_wait3A_936, %dma_wait3A_937] : memref<32x1000000xf32, #tpu.memory_space<hbm>> -> memref<32x128xf32, #tpu.memory_space<hbm>>
        %dma_wait3A_939 = tpu.memref_slice %arg16[%rem3A_932] : memref<11x!tpu.dma_semaphore, #tpu.memory_space<semaphore_mem>> -> memref<1x!tpu.dma_semaphore, #tpu.memory_space<semaphore_mem>>
        %dma_wait3A_940 = tpu.memref_squeeze %dma_wait3A_939 : memref<1x!tpu.dma_semaphore, #tpu.memory_space<semaphore_mem>> -> memref<!tpu.dma_semaphore, #tpu.memory_space<semaphore_mem>>
        %dma_wait3A_941 = arith.constant 0 : i32
        %dma_wait3A_942 = arith.constant 0 : i32
        %dma_wait3A_943 = tpu.memref_slice %arg11[%rem3A_932, %dma_wait3A_941, %dma_wait3A_942] : memref<11x32x128xf32, #tpu.memory_space<vmem>> -> memref<1x32x128xf32, #tpu.memory_space<vmem>>
        %dma_wait3A_944 = tpu.memref_squeeze %dma_wait3A_943 : memref<1x32x128xf32, #tpu.memory_space<vmem>> -> memref<32x128xf32, #tpu.memory_space<vmem>>
        %dma_wait3A_945 = arith.constant 0 : i32
        %dma_wait3A_946 = arith.constant 0 : i32
        %dma_wait3A_947 = tpu.memref_slice %arg2[%dma_wait3A_945, %dma_wait3A_946] : memref<32x1000000xf32, #tpu.memory_space<hbm>> -> memref<32x128xf32, #tpu.memory_space<hbm>>
        tpu.wait_dma2 semaphore(%dma_wait3A_940 : memref<!tpu.dma_semaphore, #tpu.memory_space<semaphore_mem>>) src(%dma_wait3A_947 : memref<32x128xf32, #tpu.memory_space<hbm>>) dst(%dma_wait3A_944 : memref<32x128xf32, #tpu.memory_space<vmem>>)
        %dma_wait3A_948 = arith.constant 0 : i32
        %dma_wait3A_949 = arith.constant 0 : i32
        %dma_wait3A_950 = tpu.memref_slice %arg12[%rem3A_932, %dma_wait3A_948, %dma_wait3A_949] : memref<11x32x128xf32, #tpu.memory_space<vmem>> -> memref<1x32x128xf32, #tpu.memory_space<vmem>>
        %dma_wait3A_951 = tpu.memref_squeeze %dma_wait3A_950 : memref<1x32x128xf32, #tpu.memory_space<vmem>> -> memref<32x128xf32, #tpu.memory_space<vmem>>
        %dma_wait3A_952 = arith.constant 0 : i32
        %dma_wait3A_953 = arith.constant 0 : i32
        %dma_wait3A_954 = tpu.memref_slice %arg2[%dma_wait3A_952, %dma_wait3A_953] : memref<32x1000000xf32, #tpu.memory_space<hbm>> -> memref<32x128xf32, #tpu.memory_space<hbm>>
        %dma_wait3A_955 = tpu.memref_slice %arg16[%rem3A_932] : memref<11x!tpu.dma_semaphore, #tpu.memory_space<semaphore_mem>> -> memref<1x!tpu.dma_semaphore, #tpu.memory_space<semaphore_mem>>
        %dma_wait3A_956 = tpu.memref_squeeze %dma_wait3A_955 : memref<1x!tpu.dma_semaphore, #tpu.memory_space<semaphore_mem>> -> memref<!tpu.dma_semaphore, #tpu.memory_space<semaphore_mem>>
        %dma_wait3A_957 = arith.constant 0 : i32
        %dma_wait3A_958 = arith.constant 0 : i32
        %dma_wait3A_959 = tpu.memref_slice %arg12[%rem3A_932, %dma_wait3A_957, %dma_wait3A_958] : memref<11x32x128xf32, #tpu.memory_space<vmem>> -> memref<1x32x128xf32, #tpu.memory_space<vmem>>
        %dma_wait3A_960 = tpu.memref_squeeze %dma_wait3A_959 : memref<1x32x128xf32, #tpu.memory_space<vmem>> -> memref<32x128xf32, #tpu.memory_space<vmem>>
        %dma_wait3A_961 = arith.constant 0 : i32
        %dma_wait3A_962 = arith.constant 0 : i32
        %dma_wait3A_963 = tpu.memref_slice %arg2[%dma_wait3A_961, %dma_wait3A_962] : memref<32x1000000xf32, #tpu.memory_space<hbm>> -> memref<32x128xf32, #tpu.memory_space<hbm>>
        tpu.wait_dma2 semaphore(%dma_wait3A_956 : memref<!tpu.dma_semaphore, #tpu.memory_space<semaphore_mem>>) src(%dma_wait3A_963 : memref<32x128xf32, #tpu.memory_space<hbm>>) dst(%dma_wait3A_960 : memref<32x128xf32, #tpu.memory_space<vmem>>)
        %broadcast_in_dim3A_964 = vector.broadcast %sub3A_930 : i32 to vector<16xi32>
        %gather3A = tpu.vector_load_idx %arg9[%broadcast_in_dim3A_964] : memref<512xi32, #tpu.memory_space<vmem>>[vector<16xi32>], vector<16xi32>,
        %gather3A_965 = tpu.vector_load_idx %arg10[%broadcast_in_dim3A_964] : memref<512xi32, #tpu.memory_space<vmem>>[vector<16xi32>], vector<16xi32>,
        %add3A_966 = arith.constant 0 : i32
        %add3A_967 = vector.broadcast %add3A_966 : i32 to vector<16xi32>
        %add3A_968 = arith.addi %iota3A, %add3A_967 : vector<16xi32>
        %gather3A_969 = arith.constant 0 : i32
        %gather3A_970 = arith.constant 0 : i32
        %gather3A_971 = tpu.memref_slice %arg11[%rem3A_932, %gather3A_969, %gather3A_970] : memref<11x32x128xf32, #tpu.memory_space<vmem>> -> memref<1x32x128xf32, #tpu.memory_space<vmem>>
        %gather3A_972 = tpu.memref_squeeze %gather3A_971 : memref<1x32x128xf32, #tpu.memory_space<vmem>> -> memref<32x128xf32, #tpu.memory_space<vmem>>
        %gather3A_973 = tpu.vector_load_idx %gather3A_972[%add3A_968, %gather3A] : memref<32x128xf32, #tpu.memory_space<vmem>>[vector<16xi32>, vector<16xi32>], vector<16xf32>,
        %gather3A_974 = arith.constant 0 : i32
        %gather3A_975 = arith.constant 0 : i32
        %gather3A_976 = tpu.memref_slice %arg12[%rem3A_932, %gather3A_974, %gather3A_975] : memref<11x32x128xf32, #tpu.memory_space<vmem>> -> memref<1x32x128xf32, #tpu.memory_space<vmem>>
        %gather3A_977 = tpu.memref_squeeze %gather3A_976 : memref<1x32x128xf32, #tpu.memory_space<vmem>> -> memref<32x128xf32, #tpu.memory_space<vmem>>
        %gather3A_978 = tpu.vector_load_idx %gather3A_977[%add3A_968, %gather3A_965] : memref<32x128xf32, #tpu.memory_space<vmem>>[vector<16xi32>, vector<16xi32>], vector<16xf32>,
        tpu.vector_store_idx %arg13[%add3A_968, %broadcast_in_dim3A_964], %gather3A_973 : memref<32x512xf32, #tpu.memory_space<vmem>>[vector<16xi32>, vector<16xi32>], vector<16xf32>,
        tpu.vector_store_idx %arg14[%add3A_968, %broadcast_in_dim3A_964], %gather3A_978 : memref<32x512xf32, #tpu.memory_space<vmem>>[vector<16xi32>, vector<16xi32>], vector<16xf32>,
        %add3A_979 = arith.constant 16 : i32
        %add3A_980 = vector.broadcast %add3A_979 : i32 to vector<16xi32>
        %add3A_981 = arith.addi %iota3A, %add3A_980 : vector<16xi32>
        %gather3A_982 = arith.constant 0 : i32
        %gather3A_983 = arith.constant 0 : i32
        %gather3A_984 = tpu.memref_slice %arg11[%rem3A_932, %gather3A_982, %gather3A_983] : memref<11x32x128xf32, #tpu.memory_space<vmem>> -> memref<1x32x128xf32, #tpu.memory_space<vmem>>
        %gather3A_985 = tpu.memref_squeeze %gather3A_984 : memref<1x32x128xf32, #tpu.memory_space<vmem>> -> memref<32x128xf32, #tpu.memory_space<vmem>>
        %gather3A_986 = tpu.vector_load_idx %gather3A_985[%add3A_981, %gather3A] : memref<32x128xf32, #tpu.memory_space<vmem>>[vector<16xi32>, vector<16xi32>], vector<16xf32>,
        %gather3A_987 = arith.constant 0 : i32
        %gather3A_988 = arith.constant 0 : i32
        %gather3A_989 = tpu.memref_slice %arg12[%rem3A_932, %gather3A_987, %gather3A_988] : memref<11x32x128xf32, #tpu.memory_space<vmem>> -> memref<1x32x128xf32, #tpu.memory_space<vmem>>
        %gather3A_990 = tpu.memref_squeeze %gather3A_989 : memref<1x32x128xf32, #tpu.memory_space<vmem>> -> memref<32x128xf32, #tpu.memory_space<vmem>>
        %gather3A_991 = tpu.vector_load_idx %gather3A_990[%add3A_981, %gather3A_965] : memref<32x128xf32, #tpu.memory_space<vmem>>[vector<16xi32>, vector<16xi32>], vector<16xf32>,
        tpu.vector_store_idx %arg13[%add3A_981, %broadcast_in_dim3A_964], %gather3A_986 : memref<32x512xf32, #tpu.memory_space<vmem>>[vector<16xi32>, vector<16xi32>], vector<16xf32>,
        tpu.vector_store_idx %arg14[%add3A_981, %broadcast_in_dim3A_964], %gather3A_991 : memref<32x512xf32, #tpu.memory_space<vmem>>[vector<16xi32>, vector<16xi32>], vector<16xf32>,
      } else {
      }
      %rem3A_433 = arith.constant 11 : i32
      %rem3A_434 = arith.remsi %add3A_427, %rem3A_433 : i32
      %eq3A_435 = arith.constant 7 : i32
      %eq3A_436 = vector.broadcast %eq3A_435 : i32 to vector<16xi32>
      %eq3A_437 = arith.cmpi eq, %iota3A, %eq3A_436 : vector<16xi32>
      %jit3A_438 = arith.constant 0 : i32
      %broadcast_in_dim3A_439 = vector.broadcast %jit3A_438 : i32 to vector<16xi32>
      %select_n3A_440 = arith.select %eq3A_437, %shift_left3A_29, %broadcast_in_dim3A_439 : vector<16xi1>, vector<16xi32>
      %reduce_sum3A_441 = arith.constant true
      %reduce_sum3A_442 = vector.broadcast %reduce_sum3A_441 : i1 to vector<16xi1>
      %reduce_sum3A_443 = tpu.scan <sum>, %select_n3A_440 masked %reduce_sum3A_442 : vector<16xi32>, vector<16xi1> -> vector<16xi32>
      %reduce_sum3A_444 = vector.extract %reduce_sum3A_443[15] : i32 from vector<16xi32>
      %multiple_of3A_445 = tpu.assume_multiple %reduce_sum3A_444, 128 : i32
      %jit3A_446 = arith.constant 0 : i32
      %broadcast_in_dim3A_447 = vector.broadcast %jit3A_446 : i32 to vector<16xi32>
      %select_n3A_448 = arith.select %eq3A_437, %shift_left3A_35, %broadcast_in_dim3A_447 : vector<16xi1>, vector<16xi32>
      %reduce_sum3A_449 = arith.constant true
      %reduce_sum3A_450 = vector.broadcast %reduce_sum3A_449 : i1 to vector<16xi1>
      %reduce_sum3A_451 = tpu.scan <sum>, %select_n3A_448 masked %reduce_sum3A_450 : vector<16xi32>, vector<16xi1> -> vector<16xi32>
      %reduce_sum3A_452 = vector.extract %reduce_sum3A_451[15] : i32 from vector<16xi32>
      %multiple_of3A_453 = tpu.assume_multiple %reduce_sum3A_452, 128 : i32
      %dma_start3A_454 = arith.constant 0 : i32
      %dma_start3A_455 = arith.constant 0 : i32
      %dma_start3A_456 = tpu.memref_slice %arg11[%rem3A_434, %dma_start3A_454, %dma_start3A_455] : memref<11x32x128xf32, #tpu.memory_space<vmem>> -> memref<1x32x128xf32, #tpu.memory_space<vmem>>
      %dma_start3A_457 = tpu.memref_squeeze %dma_start3A_456 : memref<1x32x128xf32, #tpu.memory_space<vmem>> -> memref<32x128xf32, #tpu.memory_space<vmem>>
      %dma_start3A_458 = arith.constant 0 : i32
      %dma_start3A_459 = tpu.memref_slice %arg2[%dma_start3A_458, %multiple_of3A_445] : memref<32x1000000xf32, #tpu.memory_space<hbm>> -> memref<32x128xf32, #tpu.memory_space<hbm>>
      %dma_start3A_460 = tpu.memref_slice %arg16[%rem3A_434] : memref<11x!tpu.dma_semaphore, #tpu.memory_space<semaphore_mem>> -> memref<1x!tpu.dma_semaphore, #tpu.memory_space<semaphore_mem>>
      %dma_start3A_461 = tpu.memref_squeeze %dma_start3A_460 : memref<1x!tpu.dma_semaphore, #tpu.memory_space<semaphore_mem>> -> memref<!tpu.dma_semaphore, #tpu.memory_space<semaphore_mem>>
      %dma_start3A_462 = arith.constant 0 : i32
      %dma_start3A_463 = arith.constant 0 : i32
      %dma_start3A_464 = tpu.memref_slice %arg11[%rem3A_434, %dma_start3A_462, %dma_start3A_463] : memref<11x32x128xf32, #tpu.memory_space<vmem>> -> memref<1x32x128xf32, #tpu.memory_space<vmem>>
      %dma_start3A_465 = tpu.memref_squeeze %dma_start3A_464 : memref<1x32x128xf32, #tpu.memory_space<vmem>> -> memref<32x128xf32, #tpu.memory_space<vmem>>
      %dma_start3A_466 = arith.constant 0 : i32
      %dma_start3A_467 = tpu.memref_slice %arg2[%dma_start3A_466, %multiple_of3A_445] : memref<32x1000000xf32, #tpu.memory_space<hbm>> -> memref<32x128xf32, #tpu.memory_space<hbm>>
      tpu.enqueue_dma source(%dma_start3A_467 : memref<32x128xf32, #tpu.memory_space<hbm>>) target(%dma_start3A_465 : memref<32x128xf32, #tpu.memory_space<vmem>>) target_semaphore(%dma_start3A_461 : memref<!tpu.dma_semaphore, #tpu.memory_space<semaphore_mem>>)
      %dma_start3A_468 = arith.constant 0 : i32
      %dma_start3A_469 = arith.constant 0 : i32
      %dma_start3A_470 = tpu.memref_slice %arg12[%rem3A_434, %dma_start3A_468, %dma_start3A_469] : memref<11x32x128xf32, #tpu.memory_space<vmem>> -> memref<1x32x128xf32, #tpu.memory_space<vmem>>
      %dma_start3A_471 = tpu.memref_squeeze %dma_start3A_470 : memref<1x32x128xf32, #tpu.memory_space<vmem>> -> memref<32x128xf32, #tpu.memory_space<vmem>>
      %dma_start3A_472 = arith.constant 0 : i32
      %dma_start3A_473 = tpu.memref_slice %arg3[%dma_start3A_472, %multiple_of3A_453] : memref<32x1000000xf32, #tpu.memory_space<hbm>> -> memref<32x128xf32, #tpu.memory_space<hbm>>
      %dma_start3A_474 = tpu.memref_slice %arg16[%rem3A_434] : memref<11x!tpu.dma_semaphore, #tpu.memory_space<semaphore_mem>> -> memref<1x!tpu.dma_semaphore, #tpu.memory_space<semaphore_mem>>
      %dma_start3A_475 = tpu.memref_squeeze %dma_start3A_474 : memref<1x!tpu.dma_semaphore, #tpu.memory_space<semaphore_mem>> -> memref<!tpu.dma_semaphore, #tpu.memory_space<semaphore_mem>>
      %dma_start3A_476 = arith.constant 0 : i32
      %dma_start3A_477 = arith.constant 0 : i32
      %dma_start3A_478 = tpu.memref_slice %arg12[%rem3A_434, %dma_start3A_476, %dma_start3A_477] : memref<11x32x128xf32, #tpu.memory_space<vmem>> -> memref<1x32x128xf32, #tpu.memory_space<vmem>>
      %dma_start3A_479 = tpu.memref_squeeze %dma_start3A_478 : memref<1x32x128xf32, #tpu.memory_space<vmem>> -> memref<32x128xf32, #tpu.memory_space<vmem>>
      %dma_start3A_480 = arith.constant 0 : i32
      %dma_start3A_481 = tpu.memref_slice %arg3[%dma_start3A_480, %multiple_of3A_453] : memref<32x1000000xf32, #tpu.memory_space<hbm>> -> memref<32x128xf32, #tpu.memory_space<hbm>>
      tpu.enqueue_dma source(%dma_start3A_481 : memref<32x128xf32, #tpu.memory_space<hbm>>) target(%dma_start3A_479 : memref<32x128xf32, #tpu.memory_space<vmem>>) target_semaphore(%dma_start3A_475 : memref<!tpu.dma_semaphore, #tpu.memory_space<semaphore_mem>>)
      %add3A_482 = arith.constant 8 : i32
      %add3A_483 = arith.addi %multiple_of3A, %add3A_482 : i32
      %ge3A_484 = arith.constant 11 : i32
      %ge3A_485 = arith.cmpi sge, %add3A_483, %ge3A_484 : i32
      %convert_element_type3A_486 = arith.extui %ge3A_485 : i1 to i32
      %cond3A_487 = arith.constant 0 : i32
      %cond3A_488 = arith.cmpi ne, %convert_element_type3A_486, %cond3A_487 : i32
      scf.if %cond3A_488 {
        %sub3A = arith.constant 11 : i32
        %sub3A_930 = arith.subi %add3A_483, %sub3A : i32
        %rem3A_931 = arith.constant 11 : i32
        %rem3A_932 = arith.remsi %sub3A_930, %rem3A_931 : i32
        %dma_wait3A = arith.constant 0 : i32
        %dma_wait3A_933 = arith.constant 0 : i32
        %dma_wait3A_934 = tpu.memref_slice %arg11[%rem3A_932, %dma_wait3A, %dma_wait3A_933] : memref<11x32x128xf32, #tpu.memory_space<vmem>> -> memref<1x32x128xf32, #tpu.memory_space<vmem>>
        %dma_wait3A_935 = tpu.memref_squeeze %dma_wait3A_934 : memref<1x32x128xf32, #tpu.memory_space<vmem>> -> memref<32x128xf32, #tpu.memory_space<vmem>>
        %dma_wait3A_936 = arith.constant 0 : i32
        %dma_wait3A_937 = arith.constant 0 : i32
        %dma_wait3A_938 = tpu.memref_slice %arg2[%dma_wait3A_936, %dma_wait3A_937] : memref<32x1000000xf32, #tpu.memory_space<hbm>> -> memref<32x128xf32, #tpu.memory_space<hbm>>
        %dma_wait3A_939 = tpu.memref_slice %arg16[%rem3A_932] : memref<11x!tpu.dma_semaphore, #tpu.memory_space<semaphore_mem>> -> memref<1x!tpu.dma_semaphore, #tpu.memory_space<semaphore_mem>>
        %dma_wait3A_940 = tpu.memref_squeeze %dma_wait3A_939 : memref<1x!tpu.dma_semaphore, #tpu.memory_space<semaphore_mem>> -> memref<!tpu.dma_semaphore, #tpu.memory_space<semaphore_mem>>
        %dma_wait3A_941 = arith.constant 0 : i32
        %dma_wait3A_942 = arith.constant 0 : i32
        %dma_wait3A_943 = tpu.memref_slice %arg11[%rem3A_932, %dma_wait3A_941, %dma_wait3A_942] : memref<11x32x128xf32, #tpu.memory_space<vmem>> -> memref<1x32x128xf32, #tpu.memory_space<vmem>>
        %dma_wait3A_944 = tpu.memref_squeeze %dma_wait3A_943 : memref<1x32x128xf32, #tpu.memory_space<vmem>> -> memref<32x128xf32, #tpu.memory_space<vmem>>
        %dma_wait3A_945 = arith.constant 0 : i32
        %dma_wait3A_946 = arith.constant 0 : i32
        %dma_wait3A_947 = tpu.memref_slice %arg2[%dma_wait3A_945, %dma_wait3A_946] : memref<32x1000000xf32, #tpu.memory_space<hbm>> -> memref<32x128xf32, #tpu.memory_space<hbm>>
        tpu.wait_dma2 semaphore(%dma_wait3A_940 : memref<!tpu.dma_semaphore, #tpu.memory_space<semaphore_mem>>) src(%dma_wait3A_947 : memref<32x128xf32, #tpu.memory_space<hbm>>) dst(%dma_wait3A_944 : memref<32x128xf32, #tpu.memory_space<vmem>>)
        %dma_wait3A_948 = arith.constant 0 : i32
        %dma_wait3A_949 = arith.constant 0 : i32
        %dma_wait3A_950 = tpu.memref_slice %arg12[%rem3A_932, %dma_wait3A_948, %dma_wait3A_949] : memref<11x32x128xf32, #tpu.memory_space<vmem>> -> memref<1x32x128xf32, #tpu.memory_space<vmem>>
        %dma_wait3A_951 = tpu.memref_squeeze %dma_wait3A_950 : memref<1x32x128xf32, #tpu.memory_space<vmem>> -> memref<32x128xf32, #tpu.memory_space<vmem>>
        %dma_wait3A_952 = arith.constant 0 : i32
        %dma_wait3A_953 = arith.constant 0 : i32
        %dma_wait3A_954 = tpu.memref_slice %arg2[%dma_wait3A_952, %dma_wait3A_953] : memref<32x1000000xf32, #tpu.memory_space<hbm>> -> memref<32x128xf32, #tpu.memory_space<hbm>>
        %dma_wait3A_955 = tpu.memref_slice %arg16[%rem3A_932] : memref<11x!tpu.dma_semaphore, #tpu.memory_space<semaphore_mem>> -> memref<1x!tpu.dma_semaphore, #tpu.memory_space<semaphore_mem>>
        %dma_wait3A_956 = tpu.memref_squeeze %dma_wait3A_955 : memref<1x!tpu.dma_semaphore, #tpu.memory_space<semaphore_mem>> -> memref<!tpu.dma_semaphore, #tpu.memory_space<semaphore_mem>>
        %dma_wait3A_957 = arith.constant 0 : i32
        %dma_wait3A_958 = arith.constant 0 : i32
        %dma_wait3A_959 = tpu.memref_slice %arg12[%rem3A_932, %dma_wait3A_957, %dma_wait3A_958] : memref<11x32x128xf32, #tpu.memory_space<vmem>> -> memref<1x32x128xf32, #tpu.memory_space<vmem>>
        %dma_wait3A_960 = tpu.memref_squeeze %dma_wait3A_959 : memref<1x32x128xf32, #tpu.memory_space<vmem>> -> memref<32x128xf32, #tpu.memory_space<vmem>>
        %dma_wait3A_961 = arith.constant 0 : i32
        %dma_wait3A_962 = arith.constant 0 : i32
        %dma_wait3A_963 = tpu.memref_slice %arg2[%dma_wait3A_961, %dma_wait3A_962] : memref<32x1000000xf32, #tpu.memory_space<hbm>> -> memref<32x128xf32, #tpu.memory_space<hbm>>
        tpu.wait_dma2 semaphore(%dma_wait3A_956 : memref<!tpu.dma_semaphore, #tpu.memory_space<semaphore_mem>>) src(%dma_wait3A_963 : memref<32x128xf32, #tpu.memory_space<hbm>>) dst(%dma_wait3A_960 : memref<32x128xf32, #tpu.memory_space<vmem>>)
        %broadcast_in_dim3A_964 = vector.broadcast %sub3A_930 : i32 to vector<16xi32>
        %gather3A = tpu.vector_load_idx %arg9[%broadcast_in_dim3A_964] : memref<512xi32, #tpu.memory_space<vmem>>[vector<16xi32>], vector<16xi32>,
        %gather3A_965 = tpu.vector_load_idx %arg10[%broadcast_in_dim3A_964] : memref<512xi32, #tpu.memory_space<vmem>>[vector<16xi32>], vector<16xi32>,
        %add3A_966 = arith.constant 0 : i32
        %add3A_967 = vector.broadcast %add3A_966 : i32 to vector<16xi32>
        %add3A_968 = arith.addi %iota3A, %add3A_967 : vector<16xi32>
        %gather3A_969 = arith.constant 0 : i32
        %gather3A_970 = arith.constant 0 : i32
        %gather3A_971 = tpu.memref_slice %arg11[%rem3A_932, %gather3A_969, %gather3A_970] : memref<11x32x128xf32, #tpu.memory_space<vmem>> -> memref<1x32x128xf32, #tpu.memory_space<vmem>>
        %gather3A_972 = tpu.memref_squeeze %gather3A_971 : memref<1x32x128xf32, #tpu.memory_space<vmem>> -> memref<32x128xf32, #tpu.memory_space<vmem>>
        %gather3A_973 = tpu.vector_load_idx %gather3A_972[%add3A_968, %gather3A] : memref<32x128xf32, #tpu.memory_space<vmem>>[vector<16xi32>, vector<16xi32>], vector<16xf32>,
        %gather3A_974 = arith.constant 0 : i32
        %gather3A_975 = arith.constant 0 : i32
        %gather3A_976 = tpu.memref_slice %arg12[%rem3A_932, %gather3A_974, %gather3A_975] : memref<11x32x128xf32, #tpu.memory_space<vmem>> -> memref<1x32x128xf32, #tpu.memory_space<vmem>>
        %gather3A_977 = tpu.memref_squeeze %gather3A_976 : memref<1x32x128xf32, #tpu.memory_space<vmem>> -> memref<32x128xf32, #tpu.memory_space<vmem>>
        %gather3A_978 = tpu.vector_load_idx %gather3A_977[%add3A_968, %gather3A_965] : memref<32x128xf32, #tpu.memory_space<vmem>>[vector<16xi32>, vector<16xi32>], vector<16xf32>,
        tpu.vector_store_idx %arg13[%add3A_968, %broadcast_in_dim3A_964], %gather3A_973 : memref<32x512xf32, #tpu.memory_space<vmem>>[vector<16xi32>, vector<16xi32>], vector<16xf32>,
        tpu.vector_store_idx %arg14[%add3A_968, %broadcast_in_dim3A_964], %gather3A_978 : memref<32x512xf32, #tpu.memory_space<vmem>>[vector<16xi32>, vector<16xi32>], vector<16xf32>,
        %add3A_979 = arith.constant 16 : i32
        %add3A_980 = vector.broadcast %add3A_979 : i32 to vector<16xi32>
        %add3A_981 = arith.addi %iota3A, %add3A_980 : vector<16xi32>
        %gather3A_982 = arith.constant 0 : i32
        %gather3A_983 = arith.constant 0 : i32
        %gather3A_984 = tpu.memref_slice %arg11[%rem3A_932, %gather3A_982, %gather3A_983] : memref<11x32x128xf32, #tpu.memory_space<vmem>> -> memref<1x32x128xf32, #tpu.memory_space<vmem>>
        %gather3A_985 = tpu.memref_squeeze %gather3A_984 : memref<1x32x128xf32, #tpu.memory_space<vmem>> -> memref<32x128xf32, #tpu.memory_space<vmem>>
        %gather3A_986 = tpu.vector_load_idx %gather3A_985[%add3A_981, %gather3A] : memref<32x128xf32, #tpu.memory_space<vmem>>[vector<16xi32>, vector<16xi32>], vector<16xf32>,
        %gather3A_987 = arith.constant 0 : i32
        %gather3A_988 = arith.constant 0 : i32
        %gather3A_989 = tpu.memref_slice %arg12[%rem3A_932, %gather3A_987, %gather3A_988] : memref<11x32x128xf32, #tpu.memory_space<vmem>> -> memref<1x32x128xf32, #tpu.memory_space<vmem>>
        %gather3A_990 = tpu.memref_squeeze %gather3A_989 : memref<1x32x128xf32, #tpu.memory_space<vmem>> -> memref<32x128xf32, #tpu.memory_space<vmem>>
        %gather3A_991 = tpu.vector_load_idx %gather3A_990[%add3A_981, %gather3A_965] : memref<32x128xf32, #tpu.memory_space<vmem>>[vector<16xi32>, vector<16xi32>], vector<16xf32>,
        tpu.vector_store_idx %arg13[%add3A_981, %broadcast_in_dim3A_964], %gather3A_986 : memref<32x512xf32, #tpu.memory_space<vmem>>[vector<16xi32>, vector<16xi32>], vector<16xf32>,
        tpu.vector_store_idx %arg14[%add3A_981, %broadcast_in_dim3A_964], %gather3A_991 : memref<32x512xf32, #tpu.memory_space<vmem>>[vector<16xi32>, vector<16xi32>], vector<16xf32>,
      } else {
      }
      %rem3A_489 = arith.constant 11 : i32
      %rem3A_490 = arith.remsi %add3A_483, %rem3A_489 : i32
      %eq3A_491 = arith.constant 8 : i32
      %eq3A_492 = vector.broadcast %eq3A_491 : i32 to vector<16xi32>
      %eq3A_493 = arith.cmpi eq, %iota3A, %eq3A_492 : vector<16xi32>
      %jit3A_494 = arith.constant 0 : i32
      %broadcast_in_dim3A_495 = vector.broadcast %jit3A_494 : i32 to vector<16xi32>
      %select_n3A_496 = arith.select %eq3A_493, %shift_left3A_29, %broadcast_in_dim3A_495 : vector<16xi1>, vector<16xi32>
      %reduce_sum3A_497 = arith.constant true
      %reduce_sum3A_498 = vector.broadcast %reduce_sum3A_497 : i1 to vector<16xi1>
      %reduce_sum3A_499 = tpu.scan <sum>, %select_n3A_496 masked %reduce_sum3A_498 : vector<16xi32>, vector<16xi1> -> vector<16xi32>
      %reduce_sum3A_500 = vector.extract %reduce_sum3A_499[15] : i32 from vector<16xi32>
      %multiple_of3A_501 = tpu.assume_multiple %reduce_sum3A_500, 128 : i32
      %jit3A_502 = arith.constant 0 : i32
      %broadcast_in_dim3A_503 = vector.broadcast %jit3A_502 : i32 to vector<16xi32>
      %select_n3A_504 = arith.select %eq3A_493, %shift_left3A_35, %broadcast_in_dim3A_503 : vector<16xi1>, vector<16xi32>
      %reduce_sum3A_505 = arith.constant true
      %reduce_sum3A_506 = vector.broadcast %reduce_sum3A_505 : i1 to vector<16xi1>
      %reduce_sum3A_507 = tpu.scan <sum>, %select_n3A_504 masked %reduce_sum3A_506 : vector<16xi32>, vector<16xi1> -> vector<16xi32>
      %reduce_sum3A_508 = vector.extract %reduce_sum3A_507[15] : i32 from vector<16xi32>
      %multiple_of3A_509 = tpu.assume_multiple %reduce_sum3A_508, 128 : i32
      %dma_start3A_510 = arith.constant 0 : i32
      %dma_start3A_511 = arith.constant 0 : i32
      %dma_start3A_512 = tpu.memref_slice %arg11[%rem3A_490, %dma_start3A_510, %dma_start3A_511] : memref<11x32x128xf32, #tpu.memory_space<vmem>> -> memref<1x32x128xf32, #tpu.memory_space<vmem>>
      %dma_start3A_513 = tpu.memref_squeeze %dma_start3A_512 : memref<1x32x128xf32, #tpu.memory_space<vmem>> -> memref<32x128xf32, #tpu.memory_space<vmem>>
      %dma_start3A_514 = arith.constant 0 : i32
      %dma_start3A_515 = tpu.memref_slice %arg2[%dma_start3A_514, %multiple_of3A_501] : memref<32x1000000xf32, #tpu.memory_space<hbm>> -> memref<32x128xf32, #tpu.memory_space<hbm>>
      %dma_start3A_516 = tpu.memref_slice %arg16[%rem3A_490] : memref<11x!tpu.dma_semaphore, #tpu.memory_space<semaphore_mem>> -> memref<1x!tpu.dma_semaphore, #tpu.memory_space<semaphore_mem>>
      %dma_start3A_517 = tpu.memref_squeeze %dma_start3A_516 : memref<1x!tpu.dma_semaphore, #tpu.memory_space<semaphore_mem>> -> memref<!tpu.dma_semaphore, #tpu.memory_space<semaphore_mem>>
      %dma_start3A_518 = arith.constant 0 : i32
      %dma_start3A_519 = arith.constant 0 : i32
      %dma_start3A_520 = tpu.memref_slice %arg11[%rem3A_490, %dma_start3A_518, %dma_start3A_519] : memref<11x32x128xf32, #tpu.memory_space<vmem>> -> memref<1x32x128xf32, #tpu.memory_space<vmem>>
      %dma_start3A_521 = tpu.memref_squeeze %dma_start3A_520 : memref<1x32x128xf32, #tpu.memory_space<vmem>> -> memref<32x128xf32, #tpu.memory_space<vmem>>
      %dma_start3A_522 = arith.constant 0 : i32
      %dma_start3A_523 = tpu.memref_slice %arg2[%dma_start3A_522, %multiple_of3A_501] : memref<32x1000000xf32, #tpu.memory_space<hbm>> -> memref<32x128xf32, #tpu.memory_space<hbm>>
      tpu.enqueue_dma source(%dma_start3A_523 : memref<32x128xf32, #tpu.memory_space<hbm>>) target(%dma_start3A_521 : memref<32x128xf32, #tpu.memory_space<vmem>>) target_semaphore(%dma_start3A_517 : memref<!tpu.dma_semaphore, #tpu.memory_space<semaphore_mem>>)
      %dma_start3A_524 = arith.constant 0 : i32
      %dma_start3A_525 = arith.constant 0 : i32
      %dma_start3A_526 = tpu.memref_slice %arg12[%rem3A_490, %dma_start3A_524, %dma_start3A_525] : memref<11x32x128xf32, #tpu.memory_space<vmem>> -> memref<1x32x128xf32, #tpu.memory_space<vmem>>
      %dma_start3A_527 = tpu.memref_squeeze %dma_start3A_526 : memref<1x32x128xf32, #tpu.memory_space<vmem>> -> memref<32x128xf32, #tpu.memory_space<vmem>>
      %dma_start3A_528 = arith.constant 0 : i32
      %dma_start3A_529 = tpu.memref_slice %arg3[%dma_start3A_528, %multiple_of3A_509] : memref<32x1000000xf32, #tpu.memory_space<hbm>> -> memref<32x128xf32, #tpu.memory_space<hbm>>
      %dma_start3A_530 = tpu.memref_slice %arg16[%rem3A_490] : memref<11x!tpu.dma_semaphore, #tpu.memory_space<semaphore_mem>> -> memref<1x!tpu.dma_semaphore, #tpu.memory_space<semaphore_mem>>
      %dma_start3A_531 = tpu.memref_squeeze %dma_start3A_530 : memref<1x!tpu.dma_semaphore, #tpu.memory_space<semaphore_mem>> -> memref<!tpu.dma_semaphore, #tpu.memory_space<semaphore_mem>>
      %dma_start3A_532 = arith.constant 0 : i32
      %dma_start3A_533 = arith.constant 0 : i32
      %dma_start3A_534 = tpu.memref_slice %arg12[%rem3A_490, %dma_start3A_532, %dma_start3A_533] : memref<11x32x128xf32, #tpu.memory_space<vmem>> -> memref<1x32x128xf32, #tpu.memory_space<vmem>>
      %dma_start3A_535 = tpu.memref_squeeze %dma_start3A_534 : memref<1x32x128xf32, #tpu.memory_space<vmem>> -> memref<32x128xf32, #tpu.memory_space<vmem>>
      %dma_start3A_536 = arith.constant 0 : i32
      %dma_start3A_537 = tpu.memref_slice %arg3[%dma_start3A_536, %multiple_of3A_509] : memref<32x1000000xf32, #tpu.memory_space<hbm>> -> memref<32x128xf32, #tpu.memory_space<hbm>>
      tpu.enqueue_dma source(%dma_start3A_537 : memref<32x128xf32, #tpu.memory_space<hbm>>) target(%dma_start3A_535 : memref<32x128xf32, #tpu.memory_space<vmem>>) target_semaphore(%dma_start3A_531 : memref<!tpu.dma_semaphore, #tpu.memory_space<semaphore_mem>>)
      %add3A_538 = arith.constant 9 : i32
      %add3A_539 = arith.addi %multiple_of3A, %add3A_538 : i32
      %ge3A_540 = arith.constant 11 : i32
      %ge3A_541 = arith.cmpi sge, %add3A_539, %ge3A_540 : i32
      %convert_element_type3A_542 = arith.extui %ge3A_541 : i1 to i32
      %cond3A_543 = arith.constant 0 : i32
      %cond3A_544 = arith.cmpi ne, %convert_element_type3A_542, %cond3A_543 : i32
      scf.if %cond3A_544 {
        %sub3A = arith.constant 11 : i32
        %sub3A_930 = arith.subi %add3A_539, %sub3A : i32
        %rem3A_931 = arith.constant 11 : i32
        %rem3A_932 = arith.remsi %sub3A_930, %rem3A_931 : i32
        %dma_wait3A = arith.constant 0 : i32
        %dma_wait3A_933 = arith.constant 0 : i32
        %dma_wait3A_934 = tpu.memref_slice %arg11[%rem3A_932, %dma_wait3A, %dma_wait3A_933] : memref<11x32x128xf32, #tpu.memory_space<vmem>> -> memref<1x32x128xf32, #tpu.memory_space<vmem>>
        %dma_wait3A_935 = tpu.memref_squeeze %dma_wait3A_934 : memref<1x32x128xf32, #tpu.memory_space<vmem>> -> memref<32x128xf32, #tpu.memory_space<vmem>>
        %dma_wait3A_936 = arith.constant 0 : i32
        %dma_wait3A_937 = arith.constant 0 : i32
        %dma_wait3A_938 = tpu.memref_slice %arg2[%dma_wait3A_936, %dma_wait3A_937] : memref<32x1000000xf32, #tpu.memory_space<hbm>> -> memref<32x128xf32, #tpu.memory_space<hbm>>
        %dma_wait3A_939 = tpu.memref_slice %arg16[%rem3A_932] : memref<11x!tpu.dma_semaphore, #tpu.memory_space<semaphore_mem>> -> memref<1x!tpu.dma_semaphore, #tpu.memory_space<semaphore_mem>>
        %dma_wait3A_940 = tpu.memref_squeeze %dma_wait3A_939 : memref<1x!tpu.dma_semaphore, #tpu.memory_space<semaphore_mem>> -> memref<!tpu.dma_semaphore, #tpu.memory_space<semaphore_mem>>
        %dma_wait3A_941 = arith.constant 0 : i32
        %dma_wait3A_942 = arith.constant 0 : i32
        %dma_wait3A_943 = tpu.memref_slice %arg11[%rem3A_932, %dma_wait3A_941, %dma_wait3A_942] : memref<11x32x128xf32, #tpu.memory_space<vmem>> -> memref<1x32x128xf32, #tpu.memory_space<vmem>>
        %dma_wait3A_944 = tpu.memref_squeeze %dma_wait3A_943 : memref<1x32x128xf32, #tpu.memory_space<vmem>> -> memref<32x128xf32, #tpu.memory_space<vmem>>
        %dma_wait3A_945 = arith.constant 0 : i32
        %dma_wait3A_946 = arith.constant 0 : i32
        %dma_wait3A_947 = tpu.memref_slice %arg2[%dma_wait3A_945, %dma_wait3A_946] : memref<32x1000000xf32, #tpu.memory_space<hbm>> -> memref<32x128xf32, #tpu.memory_space<hbm>>
        tpu.wait_dma2 semaphore(%dma_wait3A_940 : memref<!tpu.dma_semaphore, #tpu.memory_space<semaphore_mem>>) src(%dma_wait3A_947 : memref<32x128xf32, #tpu.memory_space<hbm>>) dst(%dma_wait3A_944 : memref<32x128xf32, #tpu.memory_space<vmem>>)
        %dma_wait3A_948 = arith.constant 0 : i32
        %dma_wait3A_949 = arith.constant 0 : i32
        %dma_wait3A_950 = tpu.memref_slice %arg12[%rem3A_932, %dma_wait3A_948, %dma_wait3A_949] : memref<11x32x128xf32, #tpu.memory_space<vmem>> -> memref<1x32x128xf32, #tpu.memory_space<vmem>>
        %dma_wait3A_951 = tpu.memref_squeeze %dma_wait3A_950 : memref<1x32x128xf32, #tpu.memory_space<vmem>> -> memref<32x128xf32, #tpu.memory_space<vmem>>
        %dma_wait3A_952 = arith.constant 0 : i32
        %dma_wait3A_953 = arith.constant 0 : i32
        %dma_wait3A_954 = tpu.memref_slice %arg2[%dma_wait3A_952, %dma_wait3A_953] : memref<32x1000000xf32, #tpu.memory_space<hbm>> -> memref<32x128xf32, #tpu.memory_space<hbm>>
        %dma_wait3A_955 = tpu.memref_slice %arg16[%rem3A_932] : memref<11x!tpu.dma_semaphore, #tpu.memory_space<semaphore_mem>> -> memref<1x!tpu.dma_semaphore, #tpu.memory_space<semaphore_mem>>
        %dma_wait3A_956 = tpu.memref_squeeze %dma_wait3A_955 : memref<1x!tpu.dma_semaphore, #tpu.memory_space<semaphore_mem>> -> memref<!tpu.dma_semaphore, #tpu.memory_space<semaphore_mem>>
        %dma_wait3A_957 = arith.constant 0 : i32
        %dma_wait3A_958 = arith.constant 0 : i32
        %dma_wait3A_959 = tpu.memref_slice %arg12[%rem3A_932, %dma_wait3A_957, %dma_wait3A_958] : memref<11x32x128xf32, #tpu.memory_space<vmem>> -> memref<1x32x128xf32, #tpu.memory_space<vmem>>
        %dma_wait3A_960 = tpu.memref_squeeze %dma_wait3A_959 : memref<1x32x128xf32, #tpu.memory_space<vmem>> -> memref<32x128xf32, #tpu.memory_space<vmem>>
        %dma_wait3A_961 = arith.constant 0 : i32
        %dma_wait3A_962 = arith.constant 0 : i32
        %dma_wait3A_963 = tpu.memref_slice %arg2[%dma_wait3A_961, %dma_wait3A_962] : memref<32x1000000xf32, #tpu.memory_space<hbm>> -> memref<32x128xf32, #tpu.memory_space<hbm>>
        tpu.wait_dma2 semaphore(%dma_wait3A_956 : memref<!tpu.dma_semaphore, #tpu.memory_space<semaphore_mem>>) src(%dma_wait3A_963 : memref<32x128xf32, #tpu.memory_space<hbm>>) dst(%dma_wait3A_960 : memref<32x128xf32, #tpu.memory_space<vmem>>)
        %broadcast_in_dim3A_964 = vector.broadcast %sub3A_930 : i32 to vector<16xi32>
        %gather3A = tpu.vector_load_idx %arg9[%broadcast_in_dim3A_964] : memref<512xi32, #tpu.memory_space<vmem>>[vector<16xi32>], vector<16xi32>,
        %gather3A_965 = tpu.vector_load_idx %arg10[%broadcast_in_dim3A_964] : memref<512xi32, #tpu.memory_space<vmem>>[vector<16xi32>], vector<16xi32>,
        %add3A_966 = arith.constant 0 : i32
        %add3A_967 = vector.broadcast %add3A_966 : i32 to vector<16xi32>
        %add3A_968 = arith.addi %iota3A, %add3A_967 : vector<16xi32>
        %gather3A_969 = arith.constant 0 : i32
        %gather3A_970 = arith.constant 0 : i32
        %gather3A_971 = tpu.memref_slice %arg11[%rem3A_932, %gather3A_969, %gather3A_970] : memref<11x32x128xf32, #tpu.memory_space<vmem>> -> memref<1x32x128xf32, #tpu.memory_space<vmem>>
        %gather3A_972 = tpu.memref_squeeze %gather3A_971 : memref<1x32x128xf32, #tpu.memory_space<vmem>> -> memref<32x128xf32, #tpu.memory_space<vmem>>
        %gather3A_973 = tpu.vector_load_idx %gather3A_972[%add3A_968, %gather3A] : memref<32x128xf32, #tpu.memory_space<vmem>>[vector<16xi32>, vector<16xi32>], vector<16xf32>,
        %gather3A_974 = arith.constant 0 : i32
        %gather3A_975 = arith.constant 0 : i32
        %gather3A_976 = tpu.memref_slice %arg12[%rem3A_932, %gather3A_974, %gather3A_975] : memref<11x32x128xf32, #tpu.memory_space<vmem>> -> memref<1x32x128xf32, #tpu.memory_space<vmem>>
        %gather3A_977 = tpu.memref_squeeze %gather3A_976 : memref<1x32x128xf32, #tpu.memory_space<vmem>> -> memref<32x128xf32, #tpu.memory_space<vmem>>
        %gather3A_978 = tpu.vector_load_idx %gather3A_977[%add3A_968, %gather3A_965] : memref<32x128xf32, #tpu.memory_space<vmem>>[vector<16xi32>, vector<16xi32>], vector<16xf32>,
        tpu.vector_store_idx %arg13[%add3A_968, %broadcast_in_dim3A_964], %gather3A_973 : memref<32x512xf32, #tpu.memory_space<vmem>>[vector<16xi32>, vector<16xi32>], vector<16xf32>,
        tpu.vector_store_idx %arg14[%add3A_968, %broadcast_in_dim3A_964], %gather3A_978 : memref<32x512xf32, #tpu.memory_space<vmem>>[vector<16xi32>, vector<16xi32>], vector<16xf32>,
        %add3A_979 = arith.constant 16 : i32
        %add3A_980 = vector.broadcast %add3A_979 : i32 to vector<16xi32>
        %add3A_981 = arith.addi %iota3A, %add3A_980 : vector<16xi32>
        %gather3A_982 = arith.constant 0 : i32
        %gather3A_983 = arith.constant 0 : i32
        %gather3A_984 = tpu.memref_slice %arg11[%rem3A_932, %gather3A_982, %gather3A_983] : memref<11x32x128xf32, #tpu.memory_space<vmem>> -> memref<1x32x128xf32, #tpu.memory_space<vmem>>
        %gather3A_985 = tpu.memref_squeeze %gather3A_984 : memref<1x32x128xf32, #tpu.memory_space<vmem>> -> memref<32x128xf32, #tpu.memory_space<vmem>>
        %gather3A_986 = tpu.vector_load_idx %gather3A_985[%add3A_981, %gather3A] : memref<32x128xf32, #tpu.memory_space<vmem>>[vector<16xi32>, vector<16xi32>], vector<16xf32>,
        %gather3A_987 = arith.constant 0 : i32
        %gather3A_988 = arith.constant 0 : i32
        %gather3A_989 = tpu.memref_slice %arg12[%rem3A_932, %gather3A_987, %gather3A_988] : memref<11x32x128xf32, #tpu.memory_space<vmem>> -> memref<1x32x128xf32, #tpu.memory_space<vmem>>
        %gather3A_990 = tpu.memref_squeeze %gather3A_989 : memref<1x32x128xf32, #tpu.memory_space<vmem>> -> memref<32x128xf32, #tpu.memory_space<vmem>>
        %gather3A_991 = tpu.vector_load_idx %gather3A_990[%add3A_981, %gather3A_965] : memref<32x128xf32, #tpu.memory_space<vmem>>[vector<16xi32>, vector<16xi32>], vector<16xf32>,
        tpu.vector_store_idx %arg13[%add3A_981, %broadcast_in_dim3A_964], %gather3A_986 : memref<32x512xf32, #tpu.memory_space<vmem>>[vector<16xi32>, vector<16xi32>], vector<16xf32>,
        tpu.vector_store_idx %arg14[%add3A_981, %broadcast_in_dim3A_964], %gather3A_991 : memref<32x512xf32, #tpu.memory_space<vmem>>[vector<16xi32>, vector<16xi32>], vector<16xf32>,
      } else {
      }
      %rem3A_545 = arith.constant 11 : i32
      %rem3A_546 = arith.remsi %add3A_539, %rem3A_545 : i32
      %eq3A_547 = arith.constant 9 : i32
      %eq3A_548 = vector.broadcast %eq3A_547 : i32 to vector<16xi32>
      %eq3A_549 = arith.cmpi eq, %iota3A, %eq3A_548 : vector<16xi32>
      %jit3A_550 = arith.constant 0 : i32
      %broadcast_in_dim3A_551 = vector.broadcast %jit3A_550 : i32 to vector<16xi32>
      %select_n3A_552 = arith.select %eq3A_549, %shift_left3A_29, %broadcast_in_dim3A_551 : vector<16xi1>, vector<16xi32>
      %reduce_sum3A_553 = arith.constant true
      %reduce_sum3A_554 = vector.broadcast %reduce_sum3A_553 : i1 to vector<16xi1>
      %reduce_sum3A_555 = tpu.scan <sum>, %select_n3A_552 masked %reduce_sum3A_554 : vector<16xi32>, vector<16xi1> -> vector<16xi32>
      %reduce_sum3A_556 = vector.extract %reduce_sum3A_555[15] : i32 from vector<16xi32>
      %multiple_of3A_557 = tpu.assume_multiple %reduce_sum3A_556, 128 : i32
      %jit3A_558 = arith.constant 0 : i32
      %broadcast_in_dim3A_559 = vector.broadcast %jit3A_558 : i32 to vector<16xi32>
      %select_n3A_560 = arith.select %eq3A_549, %shift_left3A_35, %broadcast_in_dim3A_559 : vector<16xi1>, vector<16xi32>
      %reduce_sum3A_561 = arith.constant true
      %reduce_sum3A_562 = vector.broadcast %reduce_sum3A_561 : i1 to vector<16xi1>
      %reduce_sum3A_563 = tpu.scan <sum>, %select_n3A_560 masked %reduce_sum3A_562 : vector<16xi32>, vector<16xi1> -> vector<16xi32>
      %reduce_sum3A_564 = vector.extract %reduce_sum3A_563[15] : i32 from vector<16xi32>
      %multiple_of3A_565 = tpu.assume_multiple %reduce_sum3A_564, 128 : i32
      %dma_start3A_566 = arith.constant 0 : i32
      %dma_start3A_567 = arith.constant 0 : i32
      %dma_start3A_568 = tpu.memref_slice %arg11[%rem3A_546, %dma_start3A_566, %dma_start3A_567] : memref<11x32x128xf32, #tpu.memory_space<vmem>> -> memref<1x32x128xf32, #tpu.memory_space<vmem>>
      %dma_start3A_569 = tpu.memref_squeeze %dma_start3A_568 : memref<1x32x128xf32, #tpu.memory_space<vmem>> -> memref<32x128xf32, #tpu.memory_space<vmem>>
      %dma_start3A_570 = arith.constant 0 : i32
      %dma_start3A_571 = tpu.memref_slice %arg2[%dma_start3A_570, %multiple_of3A_557] : memref<32x1000000xf32, #tpu.memory_space<hbm>> -> memref<32x128xf32, #tpu.memory_space<hbm>>
      %dma_start3A_572 = tpu.memref_slice %arg16[%rem3A_546] : memref<11x!tpu.dma_semaphore, #tpu.memory_space<semaphore_mem>> -> memref<1x!tpu.dma_semaphore, #tpu.memory_space<semaphore_mem>>
      %dma_start3A_573 = tpu.memref_squeeze %dma_start3A_572 : memref<1x!tpu.dma_semaphore, #tpu.memory_space<semaphore_mem>> -> memref<!tpu.dma_semaphore, #tpu.memory_space<semaphore_mem>>
      %dma_start3A_574 = arith.constant 0 : i32
      %dma_start3A_575 = arith.constant 0 : i32
      %dma_start3A_576 = tpu.memref_slice %arg11[%rem3A_546, %dma_start3A_574, %dma_start3A_575] : memref<11x32x128xf32, #tpu.memory_space<vmem>> -> memref<1x32x128xf32, #tpu.memory_space<vmem>>
      %dma_start3A_577 = tpu.memref_squeeze %dma_start3A_576 : memref<1x32x128xf32, #tpu.memory_space<vmem>> -> memref<32x128xf32, #tpu.memory_space<vmem>>
      %dma_start3A_578 = arith.constant 0 : i32
      %dma_start3A_579 = tpu.memref_slice %arg2[%dma_start3A_578, %multiple_of3A_557] : memref<32x1000000xf32, #tpu.memory_space<hbm>> -> memref<32x128xf32, #tpu.memory_space<hbm>>
      tpu.enqueue_dma source(%dma_start3A_579 : memref<32x128xf32, #tpu.memory_space<hbm>>) target(%dma_start3A_577 : memref<32x128xf32, #tpu.memory_space<vmem>>) target_semaphore(%dma_start3A_573 : memref<!tpu.dma_semaphore, #tpu.memory_space<semaphore_mem>>)
      %dma_start3A_580 = arith.constant 0 : i32
      %dma_start3A_581 = arith.constant 0 : i32
      %dma_start3A_582 = tpu.memref_slice %arg12[%rem3A_546, %dma_start3A_580, %dma_start3A_581] : memref<11x32x128xf32, #tpu.memory_space<vmem>> -> memref<1x32x128xf32, #tpu.memory_space<vmem>>
      %dma_start3A_583 = tpu.memref_squeeze %dma_start3A_582 : memref<1x32x128xf32, #tpu.memory_space<vmem>> -> memref<32x128xf32, #tpu.memory_space<vmem>>
      %dma_start3A_584 = arith.constant 0 : i32
      %dma_start3A_585 = tpu.memref_slice %arg3[%dma_start3A_584, %multiple_of3A_565] : memref<32x1000000xf32, #tpu.memory_space<hbm>> -> memref<32x128xf32, #tpu.memory_space<hbm>>
      %dma_start3A_586 = tpu.memref_slice %arg16[%rem3A_546] : memref<11x!tpu.dma_semaphore, #tpu.memory_space<semaphore_mem>> -> memref<1x!tpu.dma_semaphore, #tpu.memory_space<semaphore_mem>>
      %dma_start3A_587 = tpu.memref_squeeze %dma_start3A_586 : memref<1x!tpu.dma_semaphore, #tpu.memory_space<semaphore_mem>> -> memref<!tpu.dma_semaphore, #tpu.memory_space<semaphore_mem>>
      %dma_start3A_588 = arith.constant 0 : i32
      %dma_start3A_589 = arith.constant 0 : i32
      %dma_start3A_590 = tpu.memref_slice %arg12[%rem3A_546, %dma_start3A_588, %dma_start3A_589] : memref<11x32x128xf32, #tpu.memory_space<vmem>> -> memref<1x32x128xf32, #tpu.memory_space<vmem>>
      %dma_start3A_591 = tpu.memref_squeeze %dma_start3A_590 : memref<1x32x128xf32, #tpu.memory_space<vmem>> -> memref<32x128xf32, #tpu.memory_space<vmem>>
      %dma_start3A_592 = arith.constant 0 : i32
      %dma_start3A_593 = tpu.memref_slice %arg3[%dma_start3A_592, %multiple_of3A_565] : memref<32x1000000xf32, #tpu.memory_space<hbm>> -> memref<32x128xf32, #tpu.memory_space<hbm>>
      tpu.enqueue_dma source(%dma_start3A_593 : memref<32x128xf32, #tpu.memory_space<hbm>>) target(%dma_start3A_591 : memref<32x128xf32, #tpu.memory_space<vmem>>) target_semaphore(%dma_start3A_587 : memref<!tpu.dma_semaphore, #tpu.memory_space<semaphore_mem>>)
      %add3A_594 = arith.constant 10 : i32
      %add3A_595 = arith.addi %multiple_of3A, %add3A_594 : i32
      %ge3A_596 = arith.constant 11 : i32
      %ge3A_597 = arith.cmpi sge, %add3A_595, %ge3A_596 : i32
      %convert_element_type3A_598 = arith.extui %ge3A_597 : i1 to i32
      %cond3A_599 = arith.constant 0 : i32
      %cond3A_600 = arith.cmpi ne, %convert_element_type3A_598, %cond3A_599 : i32
      scf.if %cond3A_600 {
        %sub3A = arith.constant 11 : i32
        %sub3A_930 = arith.subi %add3A_595, %sub3A : i32
        %rem3A_931 = arith.constant 11 : i32
        %rem3A_932 = arith.remsi %sub3A_930, %rem3A_931 : i32
        %dma_wait3A = arith.constant 0 : i32
        %dma_wait3A_933 = arith.constant 0 : i32
        %dma_wait3A_934 = tpu.memref_slice %arg11[%rem3A_932, %dma_wait3A, %dma_wait3A_933] : memref<11x32x128xf32, #tpu.memory_space<vmem>> -> memref<1x32x128xf32, #tpu.memory_space<vmem>>
        %dma_wait3A_935 = tpu.memref_squeeze %dma_wait3A_934 : memref<1x32x128xf32, #tpu.memory_space<vmem>> -> memref<32x128xf32, #tpu.memory_space<vmem>>
        %dma_wait3A_936 = arith.constant 0 : i32
        %dma_wait3A_937 = arith.constant 0 : i32
        %dma_wait3A_938 = tpu.memref_slice %arg2[%dma_wait3A_936, %dma_wait3A_937] : memref<32x1000000xf32, #tpu.memory_space<hbm>> -> memref<32x128xf32, #tpu.memory_space<hbm>>
        %dma_wait3A_939 = tpu.memref_slice %arg16[%rem3A_932] : memref<11x!tpu.dma_semaphore, #tpu.memory_space<semaphore_mem>> -> memref<1x!tpu.dma_semaphore, #tpu.memory_space<semaphore_mem>>
        %dma_wait3A_940 = tpu.memref_squeeze %dma_wait3A_939 : memref<1x!tpu.dma_semaphore, #tpu.memory_space<semaphore_mem>> -> memref<!tpu.dma_semaphore, #tpu.memory_space<semaphore_mem>>
        %dma_wait3A_941 = arith.constant 0 : i32
        %dma_wait3A_942 = arith.constant 0 : i32
        %dma_wait3A_943 = tpu.memref_slice %arg11[%rem3A_932, %dma_wait3A_941, %dma_wait3A_942] : memref<11x32x128xf32, #tpu.memory_space<vmem>> -> memref<1x32x128xf32, #tpu.memory_space<vmem>>
        %dma_wait3A_944 = tpu.memref_squeeze %dma_wait3A_943 : memref<1x32x128xf32, #tpu.memory_space<vmem>> -> memref<32x128xf32, #tpu.memory_space<vmem>>
        %dma_wait3A_945 = arith.constant 0 : i32
        %dma_wait3A_946 = arith.constant 0 : i32
        %dma_wait3A_947 = tpu.memref_slice %arg2[%dma_wait3A_945, %dma_wait3A_946] : memref<32x1000000xf32, #tpu.memory_space<hbm>> -> memref<32x128xf32, #tpu.memory_space<hbm>>
        tpu.wait_dma2 semaphore(%dma_wait3A_940 : memref<!tpu.dma_semaphore, #tpu.memory_space<semaphore_mem>>) src(%dma_wait3A_947 : memref<32x128xf32, #tpu.memory_space<hbm>>) dst(%dma_wait3A_944 : memref<32x128xf32, #tpu.memory_space<vmem>>)
        %dma_wait3A_948 = arith.constant 0 : i32
        %dma_wait3A_949 = arith.constant 0 : i32
        %dma_wait3A_950 = tpu.memref_slice %arg12[%rem3A_932, %dma_wait3A_948, %dma_wait3A_949] : memref<11x32x128xf32, #tpu.memory_space<vmem>> -> memref<1x32x128xf32, #tpu.memory_space<vmem>>
        %dma_wait3A_951 = tpu.memref_squeeze %dma_wait3A_950 : memref<1x32x128xf32, #tpu.memory_space<vmem>> -> memref<32x128xf32, #tpu.memory_space<vmem>>
        %dma_wait3A_952 = arith.constant 0 : i32
        %dma_wait3A_953 = arith.constant 0 : i32
        %dma_wait3A_954 = tpu.memref_slice %arg2[%dma_wait3A_952, %dma_wait3A_953] : memref<32x1000000xf32, #tpu.memory_space<hbm>> -> memref<32x128xf32, #tpu.memory_space<hbm>>
        %dma_wait3A_955 = tpu.memref_slice %arg16[%rem3A_932] : memref<11x!tpu.dma_semaphore, #tpu.memory_space<semaphore_mem>> -> memref<1x!tpu.dma_semaphore, #tpu.memory_space<semaphore_mem>>
        %dma_wait3A_956 = tpu.memref_squeeze %dma_wait3A_955 : memref<1x!tpu.dma_semaphore, #tpu.memory_space<semaphore_mem>> -> memref<!tpu.dma_semaphore, #tpu.memory_space<semaphore_mem>>
        %dma_wait3A_957 = arith.constant 0 : i32
        %dma_wait3A_958 = arith.constant 0 : i32
        %dma_wait3A_959 = tpu.memref_slice %arg12[%rem3A_932, %dma_wait3A_957, %dma_wait3A_958] : memref<11x32x128xf32, #tpu.memory_space<vmem>> -> memref<1x32x128xf32, #tpu.memory_space<vmem>>
        %dma_wait3A_960 = tpu.memref_squeeze %dma_wait3A_959 : memref<1x32x128xf32, #tpu.memory_space<vmem>> -> memref<32x128xf32, #tpu.memory_space<vmem>>
        %dma_wait3A_961 = arith.constant 0 : i32
        %dma_wait3A_962 = arith.constant 0 : i32
        %dma_wait3A_963 = tpu.memref_slice %arg2[%dma_wait3A_961, %dma_wait3A_962] : memref<32x1000000xf32, #tpu.memory_space<hbm>> -> memref<32x128xf32, #tpu.memory_space<hbm>>
        tpu.wait_dma2 semaphore(%dma_wait3A_956 : memref<!tpu.dma_semaphore, #tpu.memory_space<semaphore_mem>>) src(%dma_wait3A_963 : memref<32x128xf32, #tpu.memory_space<hbm>>) dst(%dma_wait3A_960 : memref<32x128xf32, #tpu.memory_space<vmem>>)
        %broadcast_in_dim3A_964 = vector.broadcast %sub3A_930 : i32 to vector<16xi32>
        %gather3A = tpu.vector_load_idx %arg9[%broadcast_in_dim3A_964] : memref<512xi32, #tpu.memory_space<vmem>>[vector<16xi32>], vector<16xi32>,
        %gather3A_965 = tpu.vector_load_idx %arg10[%broadcast_in_dim3A_964] : memref<512xi32, #tpu.memory_space<vmem>>[vector<16xi32>], vector<16xi32>,
        %add3A_966 = arith.constant 0 : i32
        %add3A_967 = vector.broadcast %add3A_966 : i32 to vector<16xi32>
        %add3A_968 = arith.addi %iota3A, %add3A_967 : vector<16xi32>
        %gather3A_969 = arith.constant 0 : i32
        %gather3A_970 = arith.constant 0 : i32
        %gather3A_971 = tpu.memref_slice %arg11[%rem3A_932, %gather3A_969, %gather3A_970] : memref<11x32x128xf32, #tpu.memory_space<vmem>> -> memref<1x32x128xf32, #tpu.memory_space<vmem>>
        %gather3A_972 = tpu.memref_squeeze %gather3A_971 : memref<1x32x128xf32, #tpu.memory_space<vmem>> -> memref<32x128xf32, #tpu.memory_space<vmem>>
        %gather3A_973 = tpu.vector_load_idx %gather3A_972[%add3A_968, %gather3A] : memref<32x128xf32, #tpu.memory_space<vmem>>[vector<16xi32>, vector<16xi32>], vector<16xf32>,
        %gather3A_974 = arith.constant 0 : i32
        %gather3A_975 = arith.constant 0 : i32
        %gather3A_976 = tpu.memref_slice %arg12[%rem3A_932, %gather3A_974, %gather3A_975] : memref<11x32x128xf32, #tpu.memory_space<vmem>> -> memref<1x32x128xf32, #tpu.memory_space<vmem>>
        %gather3A_977 = tpu.memref_squeeze %gather3A_976 : memref<1x32x128xf32, #tpu.memory_space<vmem>> -> memref<32x128xf32, #tpu.memory_space<vmem>>
        %gather3A_978 = tpu.vector_load_idx %gather3A_977[%add3A_968, %gather3A_965] : memref<32x128xf32, #tpu.memory_space<vmem>>[vector<16xi32>, vector<16xi32>], vector<16xf32>,
        tpu.vector_store_idx %arg13[%add3A_968, %broadcast_in_dim3A_964], %gather3A_973 : memref<32x512xf32, #tpu.memory_space<vmem>>[vector<16xi32>, vector<16xi32>], vector<16xf32>,
        tpu.vector_store_idx %arg14[%add3A_968, %broadcast_in_dim3A_964], %gather3A_978 : memref<32x512xf32, #tpu.memory_space<vmem>>[vector<16xi32>, vector<16xi32>], vector<16xf32>,
        %add3A_979 = arith.constant 16 : i32
        %add3A_980 = vector.broadcast %add3A_979 : i32 to vector<16xi32>
        %add3A_981 = arith.addi %iota3A, %add3A_980 : vector<16xi32>
        %gather3A_982 = arith.constant 0 : i32
        %gather3A_983 = arith.constant 0 : i32
        %gather3A_984 = tpu.memref_slice %arg11[%rem3A_932, %gather3A_982, %gather3A_983] : memref<11x32x128xf32, #tpu.memory_space<vmem>> -> memref<1x32x128xf32, #tpu.memory_space<vmem>>
        %gather3A_985 = tpu.memref_squeeze %gather3A_984 : memref<1x32x128xf32, #tpu.memory_space<vmem>> -> memref<32x128xf32, #tpu.memory_space<vmem>>
        %gather3A_986 = tpu.vector_load_idx %gather3A_985[%add3A_981, %gather3A] : memref<32x128xf32, #tpu.memory_space<vmem>>[vector<16xi32>, vector<16xi32>], vector<16xf32>,
        %gather3A_987 = arith.constant 0 : i32
        %gather3A_988 = arith.constant 0 : i32
        %gather3A_989 = tpu.memref_slice %arg12[%rem3A_932, %gather3A_987, %gather3A_988] : memref<11x32x128xf32, #tpu.memory_space<vmem>> -> memref<1x32x128xf32, #tpu.memory_space<vmem>>
        %gather3A_990 = tpu.memref_squeeze %gather3A_989 : memref<1x32x128xf32, #tpu.memory_space<vmem>> -> memref<32x128xf32, #tpu.memory_space<vmem>>
        %gather3A_991 = tpu.vector_load_idx %gather3A_990[%add3A_981, %gather3A_965] : memref<32x128xf32, #tpu.memory_space<vmem>>[vector<16xi32>, vector<16xi32>], vector<16xf32>,
        tpu.vector_store_idx %arg13[%add3A_981, %broadcast_in_dim3A_964], %gather3A_986 : memref<32x512xf32, #tpu.memory_space<vmem>>[vector<16xi32>, vector<16xi32>], vector<16xf32>,
        tpu.vector_store_idx %arg14[%add3A_981, %broadcast_in_dim3A_964], %gather3A_991 : memref<32x512xf32, #tpu.memory_space<vmem>>[vector<16xi32>, vector<16xi32>], vector<16xf32>,
      } else {
      }
      %rem3A_601 = arith.constant 11 : i32
      %rem3A_602 = arith.remsi %add3A_595, %rem3A_601 : i32
      %eq3A_603 = arith.constant 10 : i32
      %eq3A_604 = vector.broadcast %eq3A_603 : i32 to vector<16xi32>
      %eq3A_605 = arith.cmpi eq, %iota3A, %eq3A_604 : vector<16xi32>
      %jit3A_606 = arith.constant 0 : i32
      %broadcast_in_dim3A_607 = vector.broadcast %jit3A_606 : i32 to vector<16xi32>
      %select_n3A_608 = arith.select %eq3A_605, %shift_left3A_29, %broadcast_in_dim3A_607 : vector<16xi1>, vector<16xi32>
      %reduce_sum3A_609 = arith.constant true
      %reduce_sum3A_610 = vector.broadcast %reduce_sum3A_609 : i1 to vector<16xi1>
      %reduce_sum3A_611 = tpu.scan <sum>, %select_n3A_608 masked %reduce_sum3A_610 : vector<16xi32>, vector<16xi1> -> vector<16xi32>
      %reduce_sum3A_612 = vector.extract %reduce_sum3A_611[15] : i32 from vector<16xi32>
      %multiple_of3A_613 = tpu.assume_multiple %reduce_sum3A_612, 128 : i32
      %jit3A_614 = arith.constant 0 : i32
      %broadcast_in_dim3A_615 = vector.broadcast %jit3A_614 : i32 to vector<16xi32>
      %select_n3A_616 = arith.select %eq3A_605, %shift_left3A_35, %broadcast_in_dim3A_615 : vector<16xi1>, vector<16xi32>
      %reduce_sum3A_617 = arith.constant true
      %reduce_sum3A_618 = vector.broadcast %reduce_sum3A_617 : i1 to vector<16xi1>
      %reduce_sum3A_619 = tpu.scan <sum>, %select_n3A_616 masked %reduce_sum3A_618 : vector<16xi32>, vector<16xi1> -> vector<16xi32>
      %reduce_sum3A_620 = vector.extract %reduce_sum3A_619[15] : i32 from vector<16xi32>
      %multiple_of3A_621 = tpu.assume_multiple %reduce_sum3A_620, 128 : i32
      %dma_start3A_622 = arith.constant 0 : i32
      %dma_start3A_623 = arith.constant 0 : i32
      %dma_start3A_624 = tpu.memref_slice %arg11[%rem3A_602, %dma_start3A_622, %dma_start3A_623] : memref<11x32x128xf32, #tpu.memory_space<vmem>> -> memref<1x32x128xf32, #tpu.memory_space<vmem>>
      %dma_start3A_625 = tpu.memref_squeeze %dma_start3A_624 : memref<1x32x128xf32, #tpu.memory_space<vmem>> -> memref<32x128xf32, #tpu.memory_space<vmem>>
      %dma_start3A_626 = arith.constant 0 : i32
      %dma_start3A_627 = tpu.memref_slice %arg2[%dma_start3A_626, %multiple_of3A_613] : memref<32x1000000xf32, #tpu.memory_space<hbm>> -> memref<32x128xf32, #tpu.memory_space<hbm>>
      %dma_start3A_628 = tpu.memref_slice %arg16[%rem3A_602] : memref<11x!tpu.dma_semaphore, #tpu.memory_space<semaphore_mem>> -> memref<1x!tpu.dma_semaphore, #tpu.memory_space<semaphore_mem>>
      %dma_start3A_629 = tpu.memref_squeeze %dma_start3A_628 : memref<1x!tpu.dma_semaphore, #tpu.memory_space<semaphore_mem>> -> memref<!tpu.dma_semaphore, #tpu.memory_space<semaphore_mem>>
      %dma_start3A_630 = arith.constant 0 : i32
      %dma_start3A_631 = arith.constant 0 : i32
      %dma_start3A_632 = tpu.memref_slice %arg11[%rem3A_602, %dma_start3A_630, %dma_start3A_631] : memref<11x32x128xf32, #tpu.memory_space<vmem>> -> memref<1x32x128xf32, #tpu.memory_space<vmem>>
      %dma_start3A_633 = tpu.memref_squeeze %dma_start3A_632 : memref<1x32x128xf32, #tpu.memory_space<vmem>> -> memref<32x128xf32, #tpu.memory_space<vmem>>
      %dma_start3A_634 = arith.constant 0 : i32
      %dma_start3A_635 = tpu.memref_slice %arg2[%dma_start3A_634, %multiple_of3A_613] : memref<32x1000000xf32, #tpu.memory_space<hbm>> -> memref<32x128xf32, #tpu.memory_space<hbm>>
      tpu.enqueue_dma source(%dma_start3A_635 : memref<32x128xf32, #tpu.memory_space<hbm>>) target(%dma_start3A_633 : memref<32x128xf32, #tpu.memory_space<vmem>>) target_semaphore(%dma_start3A_629 : memref<!tpu.dma_semaphore, #tpu.memory_space<semaphore_mem>>)
      %dma_start3A_636 = arith.constant 0 : i32
      %dma_start3A_637 = arith.constant 0 : i32
      %dma_start3A_638 = tpu.memref_slice %arg12[%rem3A_602, %dma_start3A_636, %dma_start3A_637] : memref<11x32x128xf32, #tpu.memory_space<vmem>> -> memref<1x32x128xf32, #tpu.memory_space<vmem>>
      %dma_start3A_639 = tpu.memref_squeeze %dma_start3A_638 : memref<1x32x128xf32, #tpu.memory_space<vmem>> -> memref<32x128xf32, #tpu.memory_space<vmem>>
      %dma_start3A_640 = arith.constant 0 : i32
      %dma_start3A_641 = tpu.memref_slice %arg3[%dma_start3A_640, %multiple_of3A_621] : memref<32x1000000xf32, #tpu.memory_space<hbm>> -> memref<32x128xf32, #tpu.memory_space<hbm>>
      %dma_start3A_642 = tpu.memref_slice %arg16[%rem3A_602] : memref<11x!tpu.dma_semaphore, #tpu.memory_space<semaphore_mem>> -> memref<1x!tpu.dma_semaphore, #tpu.memory_space<semaphore_mem>>
      %dma_start3A_643 = tpu.memref_squeeze %dma_start3A_642 : memref<1x!tpu.dma_semaphore, #tpu.memory_space<semaphore_mem>> -> memref<!tpu.dma_semaphore, #tpu.memory_space<semaphore_mem>>
      %dma_start3A_644 = arith.constant 0 : i32
      %dma_start3A_645 = arith.constant 0 : i32
      %dma_start3A_646 = tpu.memref_slice %arg12[%rem3A_602, %dma_start3A_644, %dma_start3A_645] : memref<11x32x128xf32, #tpu.memory_space<vmem>> -> memref<1x32x128xf32, #tpu.memory_space<vmem>>
      %dma_start3A_647 = tpu.memref_squeeze %dma_start3A_646 : memref<1x32x128xf32, #tpu.memory_space<vmem>> -> memref<32x128xf32, #tpu.memory_space<vmem>>
      %dma_start3A_648 = arith.constant 0 : i32
      %dma_start3A_649 = tpu.memref_slice %arg3[%dma_start3A_648, %multiple_of3A_621] : memref<32x1000000xf32, #tpu.memory_space<hbm>> -> memref<32x128xf32, #tpu.memory_space<hbm>>
      tpu.enqueue_dma source(%dma_start3A_649 : memref<32x128xf32, #tpu.memory_space<hbm>>) target(%dma_start3A_647 : memref<32x128xf32, #tpu.memory_space<vmem>>) target_semaphore(%dma_start3A_643 : memref<!tpu.dma_semaphore, #tpu.memory_space<semaphore_mem>>)
      %add3A_650 = arith.constant 11 : i32
      %add3A_651 = arith.addi %multiple_of3A, %add3A_650 : i32
      %ge3A_652 = arith.constant 11 : i32
      %ge3A_653 = arith.cmpi sge, %add3A_651, %ge3A_652 : i32
      %convert_element_type3A_654 = arith.extui %ge3A_653 : i1 to i32
      %cond3A_655 = arith.constant 0 : i32
      %cond3A_656 = arith.cmpi ne, %convert_element_type3A_654, %cond3A_655 : i32
      scf.if %cond3A_656 {
        %sub3A = arith.constant 11 : i32
        %sub3A_930 = arith.subi %add3A_651, %sub3A : i32
        %rem3A_931 = arith.constant 11 : i32
        %rem3A_932 = arith.remsi %sub3A_930, %rem3A_931 : i32
        %dma_wait3A = arith.constant 0 : i32
        %dma_wait3A_933 = arith.constant 0 : i32
        %dma_wait3A_934 = tpu.memref_slice %arg11[%rem3A_932, %dma_wait3A, %dma_wait3A_933] : memref<11x32x128xf32, #tpu.memory_space<vmem>> -> memref<1x32x128xf32, #tpu.memory_space<vmem>>
        %dma_wait3A_935 = tpu.memref_squeeze %dma_wait3A_934 : memref<1x32x128xf32, #tpu.memory_space<vmem>> -> memref<32x128xf32, #tpu.memory_space<vmem>>
        %dma_wait3A_936 = arith.constant 0 : i32
        %dma_wait3A_937 = arith.constant 0 : i32
        %dma_wait3A_938 = tpu.memref_slice %arg2[%dma_wait3A_936, %dma_wait3A_937] : memref<32x1000000xf32, #tpu.memory_space<hbm>> -> memref<32x128xf32, #tpu.memory_space<hbm>>
        %dma_wait3A_939 = tpu.memref_slice %arg16[%rem3A_932] : memref<11x!tpu.dma_semaphore, #tpu.memory_space<semaphore_mem>> -> memref<1x!tpu.dma_semaphore, #tpu.memory_space<semaphore_mem>>
        %dma_wait3A_940 = tpu.memref_squeeze %dma_wait3A_939 : memref<1x!tpu.dma_semaphore, #tpu.memory_space<semaphore_mem>> -> memref<!tpu.dma_semaphore, #tpu.memory_space<semaphore_mem>>
        %dma_wait3A_941 = arith.constant 0 : i32
        %dma_wait3A_942 = arith.constant 0 : i32
        %dma_wait3A_943 = tpu.memref_slice %arg11[%rem3A_932, %dma_wait3A_941, %dma_wait3A_942] : memref<11x32x128xf32, #tpu.memory_space<vmem>> -> memref<1x32x128xf32, #tpu.memory_space<vmem>>
        %dma_wait3A_944 = tpu.memref_squeeze %dma_wait3A_943 : memref<1x32x128xf32, #tpu.memory_space<vmem>> -> memref<32x128xf32, #tpu.memory_space<vmem>>
        %dma_wait3A_945 = arith.constant 0 : i32
        %dma_wait3A_946 = arith.constant 0 : i32
        %dma_wait3A_947 = tpu.memref_slice %arg2[%dma_wait3A_945, %dma_wait3A_946] : memref<32x1000000xf32, #tpu.memory_space<hbm>> -> memref<32x128xf32, #tpu.memory_space<hbm>>
        tpu.wait_dma2 semaphore(%dma_wait3A_940 : memref<!tpu.dma_semaphore, #tpu.memory_space<semaphore_mem>>) src(%dma_wait3A_947 : memref<32x128xf32, #tpu.memory_space<hbm>>) dst(%dma_wait3A_944 : memref<32x128xf32, #tpu.memory_space<vmem>>)
        %dma_wait3A_948 = arith.constant 0 : i32
        %dma_wait3A_949 = arith.constant 0 : i32
        %dma_wait3A_950 = tpu.memref_slice %arg12[%rem3A_932, %dma_wait3A_948, %dma_wait3A_949] : memref<11x32x128xf32, #tpu.memory_space<vmem>> -> memref<1x32x128xf32, #tpu.memory_space<vmem>>
        %dma_wait3A_951 = tpu.memref_squeeze %dma_wait3A_950 : memref<1x32x128xf32, #tpu.memory_space<vmem>> -> memref<32x128xf32, #tpu.memory_space<vmem>>
        %dma_wait3A_952 = arith.constant 0 : i32
        %dma_wait3A_953 = arith.constant 0 : i32
        %dma_wait3A_954 = tpu.memref_slice %arg2[%dma_wait3A_952, %dma_wait3A_953] : memref<32x1000000xf32, #tpu.memory_space<hbm>> -> memref<32x128xf32, #tpu.memory_space<hbm>>
        %dma_wait3A_955 = tpu.memref_slice %arg16[%rem3A_932] : memref<11x!tpu.dma_semaphore, #tpu.memory_space<semaphore_mem>> -> memref<1x!tpu.dma_semaphore, #tpu.memory_space<semaphore_mem>>
        %dma_wait3A_956 = tpu.memref_squeeze %dma_wait3A_955 : memref<1x!tpu.dma_semaphore, #tpu.memory_space<semaphore_mem>> -> memref<!tpu.dma_semaphore, #tpu.memory_space<semaphore_mem>>
        %dma_wait3A_957 = arith.constant 0 : i32
        %dma_wait3A_958 = arith.constant 0 : i32
        %dma_wait3A_959 = tpu.memref_slice %arg12[%rem3A_932, %dma_wait3A_957, %dma_wait3A_958] : memref<11x32x128xf32, #tpu.memory_space<vmem>> -> memref<1x32x128xf32, #tpu.memory_space<vmem>>
        %dma_wait3A_960 = tpu.memref_squeeze %dma_wait3A_959 : memref<1x32x128xf32, #tpu.memory_space<vmem>> -> memref<32x128xf32, #tpu.memory_space<vmem>>
        %dma_wait3A_961 = arith.constant 0 : i32
        %dma_wait3A_962 = arith.constant 0 : i32
        %dma_wait3A_963 = tpu.memref_slice %arg2[%dma_wait3A_961, %dma_wait3A_962] : memref<32x1000000xf32, #tpu.memory_space<hbm>> -> memref<32x128xf32, #tpu.memory_space<hbm>>
        tpu.wait_dma2 semaphore(%dma_wait3A_956 : memref<!tpu.dma_semaphore, #tpu.memory_space<semaphore_mem>>) src(%dma_wait3A_963 : memref<32x128xf32, #tpu.memory_space<hbm>>) dst(%dma_wait3A_960 : memref<32x128xf32, #tpu.memory_space<vmem>>)
        %broadcast_in_dim3A_964 = vector.broadcast %sub3A_930 : i32 to vector<16xi32>
        %gather3A = tpu.vector_load_idx %arg9[%broadcast_in_dim3A_964] : memref<512xi32, #tpu.memory_space<vmem>>[vector<16xi32>], vector<16xi32>,
        %gather3A_965 = tpu.vector_load_idx %arg10[%broadcast_in_dim3A_964] : memref<512xi32, #tpu.memory_space<vmem>>[vector<16xi32>], vector<16xi32>,
        %add3A_966 = arith.constant 0 : i32
        %add3A_967 = vector.broadcast %add3A_966 : i32 to vector<16xi32>
        %add3A_968 = arith.addi %iota3A, %add3A_967 : vector<16xi32>
        %gather3A_969 = arith.constant 0 : i32
        %gather3A_970 = arith.constant 0 : i32
        %gather3A_971 = tpu.memref_slice %arg11[%rem3A_932, %gather3A_969, %gather3A_970] : memref<11x32x128xf32, #tpu.memory_space<vmem>> -> memref<1x32x128xf32, #tpu.memory_space<vmem>>
        %gather3A_972 = tpu.memref_squeeze %gather3A_971 : memref<1x32x128xf32, #tpu.memory_space<vmem>> -> memref<32x128xf32, #tpu.memory_space<vmem>>
        %gather3A_973 = tpu.vector_load_idx %gather3A_972[%add3A_968, %gather3A] : memref<32x128xf32, #tpu.memory_space<vmem>>[vector<16xi32>, vector<16xi32>], vector<16xf32>,
        %gather3A_974 = arith.constant 0 : i32
        %gather3A_975 = arith.constant 0 : i32
        %gather3A_976 = tpu.memref_slice %arg12[%rem3A_932, %gather3A_974, %gather3A_975] : memref<11x32x128xf32, #tpu.memory_space<vmem>> -> memref<1x32x128xf32, #tpu.memory_space<vmem>>
        %gather3A_977 = tpu.memref_squeeze %gather3A_976 : memref<1x32x128xf32, #tpu.memory_space<vmem>> -> memref<32x128xf32, #tpu.memory_space<vmem>>
        %gather3A_978 = tpu.vector_load_idx %gather3A_977[%add3A_968, %gather3A_965] : memref<32x128xf32, #tpu.memory_space<vmem>>[vector<16xi32>, vector<16xi32>], vector<16xf32>,
        tpu.vector_store_idx %arg13[%add3A_968, %broadcast_in_dim3A_964], %gather3A_973 : memref<32x512xf32, #tpu.memory_space<vmem>>[vector<16xi32>, vector<16xi32>], vector<16xf32>,
        tpu.vector_store_idx %arg14[%add3A_968, %broadcast_in_dim3A_964], %gather3A_978 : memref<32x512xf32, #tpu.memory_space<vmem>>[vector<16xi32>, vector<16xi32>], vector<16xf32>,
        %add3A_979 = arith.constant 16 : i32
        %add3A_980 = vector.broadcast %add3A_979 : i32 to vector<16xi32>
        %add3A_981 = arith.addi %iota3A, %add3A_980 : vector<16xi32>
        %gather3A_982 = arith.constant 0 : i32
        %gather3A_983 = arith.constant 0 : i32
        %gather3A_984 = tpu.memref_slice %arg11[%rem3A_932, %gather3A_982, %gather3A_983] : memref<11x32x128xf32, #tpu.memory_space<vmem>> -> memref<1x32x128xf32, #tpu.memory_space<vmem>>
        %gather3A_985 = tpu.memref_squeeze %gather3A_984 : memref<1x32x128xf32, #tpu.memory_space<vmem>> -> memref<32x128xf32, #tpu.memory_space<vmem>>
        %gather3A_986 = tpu.vector_load_idx %gather3A_985[%add3A_981, %gather3A] : memref<32x128xf32, #tpu.memory_space<vmem>>[vector<16xi32>, vector<16xi32>], vector<16xf32>,
        %gather3A_987 = arith.constant 0 : i32
        %gather3A_988 = arith.constant 0 : i32
        %gather3A_989 = tpu.memref_slice %arg12[%rem3A_932, %gather3A_987, %gather3A_988] : memref<11x32x128xf32, #tpu.memory_space<vmem>> -> memref<1x32x128xf32, #tpu.memory_space<vmem>>
        %gather3A_990 = tpu.memref_squeeze %gather3A_989 : memref<1x32x128xf32, #tpu.memory_space<vmem>> -> memref<32x128xf32, #tpu.memory_space<vmem>>
        %gather3A_991 = tpu.vector_load_idx %gather3A_990[%add3A_981, %gather3A_965] : memref<32x128xf32, #tpu.memory_space<vmem>>[vector<16xi32>, vector<16xi32>], vector<16xf32>,
        tpu.vector_store_idx %arg13[%add3A_981, %broadcast_in_dim3A_964], %gather3A_986 : memref<32x512xf32, #tpu.memory_space<vmem>>[vector<16xi32>, vector<16xi32>], vector<16xf32>,
        tpu.vector_store_idx %arg14[%add3A_981, %broadcast_in_dim3A_964], %gather3A_991 : memref<32x512xf32, #tpu.memory_space<vmem>>[vector<16xi32>, vector<16xi32>], vector<16xf32>,
      } else {
      }
      %rem3A_657 = arith.constant 11 : i32
      %rem3A_658 = arith.remsi %add3A_651, %rem3A_657 : i32
      %eq3A_659 = arith.constant 11 : i32
      %eq3A_660 = vector.broadcast %eq3A_659 : i32 to vector<16xi32>
      %eq3A_661 = arith.cmpi eq, %iota3A, %eq3A_660 : vector<16xi32>
      %jit3A_662 = arith.constant 0 : i32
      %broadcast_in_dim3A_663 = vector.broadcast %jit3A_662 : i32 to vector<16xi32>
      %select_n3A_664 = arith.select %eq3A_661, %shift_left3A_29, %broadcast_in_dim3A_663 : vector<16xi1>, vector<16xi32>
      %reduce_sum3A_665 = arith.constant true
      %reduce_sum3A_666 = vector.broadcast %reduce_sum3A_665 : i1 to vector<16xi1>
      %reduce_sum3A_667 = tpu.scan <sum>, %select_n3A_664 masked %reduce_sum3A_666 : vector<16xi32>, vector<16xi1> -> vector<16xi32>
      %reduce_sum3A_668 = vector.extract %reduce_sum3A_667[15] : i32 from vector<16xi32>
      %multiple_of3A_669 = tpu.assume_multiple %reduce_sum3A_668, 128 : i32
      %jit3A_670 = arith.constant 0 : i32
      %broadcast_in_dim3A_671 = vector.broadcast %jit3A_670 : i32 to vector<16xi32>
      %select_n3A_672 = arith.select %eq3A_661, %shift_left3A_35, %broadcast_in_dim3A_671 : vector<16xi1>, vector<16xi32>
      %reduce_sum3A_673 = arith.constant true
      %reduce_sum3A_674 = vector.broadcast %reduce_sum3A_673 : i1 to vector<16xi1>
      %reduce_sum3A_675 = tpu.scan <sum>, %select_n3A_672 masked %reduce_sum3A_674 : vector<16xi32>, vector<16xi1> -> vector<16xi32>
      %reduce_sum3A_676 = vector.extract %reduce_sum3A_675[15] : i32 from vector<16xi32>
      %multiple_of3A_677 = tpu.assume_multiple %reduce_sum3A_676, 128 : i32
      %dma_start3A_678 = arith.constant 0 : i32
      %dma_start3A_679 = arith.constant 0 : i32
      %dma_start3A_680 = tpu.memref_slice %arg11[%rem3A_658, %dma_start3A_678, %dma_start3A_679] : memref<11x32x128xf32, #tpu.memory_space<vmem>> -> memref<1x32x128xf32, #tpu.memory_space<vmem>>
      %dma_start3A_681 = tpu.memref_squeeze %dma_start3A_680 : memref<1x32x128xf32, #tpu.memory_space<vmem>> -> memref<32x128xf32, #tpu.memory_space<vmem>>
      %dma_start3A_682 = arith.constant 0 : i32
      %dma_start3A_683 = tpu.memref_slice %arg2[%dma_start3A_682, %multiple_of3A_669] : memref<32x1000000xf32, #tpu.memory_space<hbm>> -> memref<32x128xf32, #tpu.memory_space<hbm>>
      %dma_start3A_684 = tpu.memref_slice %arg16[%rem3A_658] : memref<11x!tpu.dma_semaphore, #tpu.memory_space<semaphore_mem>> -> memref<1x!tpu.dma_semaphore, #tpu.memory_space<semaphore_mem>>
      %dma_start3A_685 = tpu.memref_squeeze %dma_start3A_684 : memref<1x!tpu.dma_semaphore, #tpu.memory_space<semaphore_mem>> -> memref<!tpu.dma_semaphore, #tpu.memory_space<semaphore_mem>>
      %dma_start3A_686 = arith.constant 0 : i32
      %dma_start3A_687 = arith.constant 0 : i32
      %dma_start3A_688 = tpu.memref_slice %arg11[%rem3A_658, %dma_start3A_686, %dma_start3A_687] : memref<11x32x128xf32, #tpu.memory_space<vmem>> -> memref<1x32x128xf32, #tpu.memory_space<vmem>>
      %dma_start3A_689 = tpu.memref_squeeze %dma_start3A_688 : memref<1x32x128xf32, #tpu.memory_space<vmem>> -> memref<32x128xf32, #tpu.memory_space<vmem>>
      %dma_start3A_690 = arith.constant 0 : i32
      %dma_start3A_691 = tpu.memref_slice %arg2[%dma_start3A_690, %multiple_of3A_669] : memref<32x1000000xf32, #tpu.memory_space<hbm>> -> memref<32x128xf32, #tpu.memory_space<hbm>>
      tpu.enqueue_dma source(%dma_start3A_691 : memref<32x128xf32, #tpu.memory_space<hbm>>) target(%dma_start3A_689 : memref<32x128xf32, #tpu.memory_space<vmem>>) target_semaphore(%dma_start3A_685 : memref<!tpu.dma_semaphore, #tpu.memory_space<semaphore_mem>>)
      %dma_start3A_692 = arith.constant 0 : i32
      %dma_start3A_693 = arith.constant 0 : i32
      %dma_start3A_694 = tpu.memref_slice %arg12[%rem3A_658, %dma_start3A_692, %dma_start3A_693] : memref<11x32x128xf32, #tpu.memory_space<vmem>> -> memref<1x32x128xf32, #tpu.memory_space<vmem>>
      %dma_start3A_695 = tpu.memref_squeeze %dma_start3A_694 : memref<1x32x128xf32, #tpu.memory_space<vmem>> -> memref<32x128xf32, #tpu.memory_space<vmem>>
      %dma_start3A_696 = arith.constant 0 : i32
      %dma_start3A_697 = tpu.memref_slice %arg3[%dma_start3A_696, %multiple_of3A_677] : memref<32x1000000xf32, #tpu.memory_space<hbm>> -> memref<32x128xf32, #tpu.memory_space<hbm>>
      %dma_start3A_698 = tpu.memref_slice %arg16[%rem3A_658] : memref<11x!tpu.dma_semaphore, #tpu.memory_space<semaphore_mem>> -> memref<1x!tpu.dma_semaphore, #tpu.memory_space<semaphore_mem>>
      %dma_start3A_699 = tpu.memref_squeeze %dma_start3A_698 : memref<1x!tpu.dma_semaphore, #tpu.memory_space<semaphore_mem>> -> memref<!tpu.dma_semaphore, #tpu.memory_space<semaphore_mem>>
      %dma_start3A_700 = arith.constant 0 : i32
      %dma_start3A_701 = arith.constant 0 : i32
      %dma_start3A_702 = tpu.memref_slice %arg12[%rem3A_658, %dma_start3A_700, %dma_start3A_701] : memref<11x32x128xf32, #tpu.memory_space<vmem>> -> memref<1x32x128xf32, #tpu.memory_space<vmem>>
      %dma_start3A_703 = tpu.memref_squeeze %dma_start3A_702 : memref<1x32x128xf32, #tpu.memory_space<vmem>> -> memref<32x128xf32, #tpu.memory_space<vmem>>
      %dma_start3A_704 = arith.constant 0 : i32
      %dma_start3A_705 = tpu.memref_slice %arg3[%dma_start3A_704, %multiple_of3A_677] : memref<32x1000000xf32, #tpu.memory_space<hbm>> -> memref<32x128xf32, #tpu.memory_space<hbm>>
      tpu.enqueue_dma source(%dma_start3A_705 : memref<32x128xf32, #tpu.memory_space<hbm>>) target(%dma_start3A_703 : memref<32x128xf32, #tpu.memory_space<vmem>>) target_semaphore(%dma_start3A_699 : memref<!tpu.dma_semaphore, #tpu.memory_space<semaphore_mem>>)
      %add3A_706 = arith.constant 12 : i32
      %add3A_707 = arith.addi %multiple_of3A, %add3A_706 : i32
      %ge3A_708 = arith.constant 11 : i32
      %ge3A_709 = arith.cmpi sge, %add3A_707, %ge3A_708 : i32
      %convert_element_type3A_710 = arith.extui %ge3A_709 : i1 to i32
      %cond3A_711 = arith.constant 0 : i32
      %cond3A_712 = arith.cmpi ne, %convert_element_type3A_710, %cond3A_711 : i32
      scf.if %cond3A_712 {
        %sub3A = arith.constant 11 : i32
        %sub3A_930 = arith.subi %add3A_707, %sub3A : i32
        %rem3A_931 = arith.constant 11 : i32
        %rem3A_932 = arith.remsi %sub3A_930, %rem3A_931 : i32
        %dma_wait3A = arith.constant 0 : i32
        %dma_wait3A_933 = arith.constant 0 : i32
        %dma_wait3A_934 = tpu.memref_slice %arg11[%rem3A_932, %dma_wait3A, %dma_wait3A_933] : memref<11x32x128xf32, #tpu.memory_space<vmem>> -> memref<1x32x128xf32, #tpu.memory_space<vmem>>
        %dma_wait3A_935 = tpu.memref_squeeze %dma_wait3A_934 : memref<1x32x128xf32, #tpu.memory_space<vmem>> -> memref<32x128xf32, #tpu.memory_space<vmem>>
        %dma_wait3A_936 = arith.constant 0 : i32
        %dma_wait3A_937 = arith.constant 0 : i32
        %dma_wait3A_938 = tpu.memref_slice %arg2[%dma_wait3A_936, %dma_wait3A_937] : memref<32x1000000xf32, #tpu.memory_space<hbm>> -> memref<32x128xf32, #tpu.memory_space<hbm>>
        %dma_wait3A_939 = tpu.memref_slice %arg16[%rem3A_932] : memref<11x!tpu.dma_semaphore, #tpu.memory_space<semaphore_mem>> -> memref<1x!tpu.dma_semaphore, #tpu.memory_space<semaphore_mem>>
        %dma_wait3A_940 = tpu.memref_squeeze %dma_wait3A_939 : memref<1x!tpu.dma_semaphore, #tpu.memory_space<semaphore_mem>> -> memref<!tpu.dma_semaphore, #tpu.memory_space<semaphore_mem>>
        %dma_wait3A_941 = arith.constant 0 : i32
        %dma_wait3A_942 = arith.constant 0 : i32
        %dma_wait3A_943 = tpu.memref_slice %arg11[%rem3A_932, %dma_wait3A_941, %dma_wait3A_942] : memref<11x32x128xf32, #tpu.memory_space<vmem>> -> memref<1x32x128xf32, #tpu.memory_space<vmem>>
        %dma_wait3A_944 = tpu.memref_squeeze %dma_wait3A_943 : memref<1x32x128xf32, #tpu.memory_space<vmem>> -> memref<32x128xf32, #tpu.memory_space<vmem>>
        %dma_wait3A_945 = arith.constant 0 : i32
        %dma_wait3A_946 = arith.constant 0 : i32
        %dma_wait3A_947 = tpu.memref_slice %arg2[%dma_wait3A_945, %dma_wait3A_946] : memref<32x1000000xf32, #tpu.memory_space<hbm>> -> memref<32x128xf32, #tpu.memory_space<hbm>>
        tpu.wait_dma2 semaphore(%dma_wait3A_940 : memref<!tpu.dma_semaphore, #tpu.memory_space<semaphore_mem>>) src(%dma_wait3A_947 : memref<32x128xf32, #tpu.memory_space<hbm>>) dst(%dma_wait3A_944 : memref<32x128xf32, #tpu.memory_space<vmem>>)
        %dma_wait3A_948 = arith.constant 0 : i32
        %dma_wait3A_949 = arith.constant 0 : i32
        %dma_wait3A_950 = tpu.memref_slice %arg12[%rem3A_932, %dma_wait3A_948, %dma_wait3A_949] : memref<11x32x128xf32, #tpu.memory_space<vmem>> -> memref<1x32x128xf32, #tpu.memory_space<vmem>>
        %dma_wait3A_951 = tpu.memref_squeeze %dma_wait3A_950 : memref<1x32x128xf32, #tpu.memory_space<vmem>> -> memref<32x128xf32, #tpu.memory_space<vmem>>
        %dma_wait3A_952 = arith.constant 0 : i32
        %dma_wait3A_953 = arith.constant 0 : i32
        %dma_wait3A_954 = tpu.memref_slice %arg2[%dma_wait3A_952, %dma_wait3A_953] : memref<32x1000000xf32, #tpu.memory_space<hbm>> -> memref<32x128xf32, #tpu.memory_space<hbm>>
        %dma_wait3A_955 = tpu.memref_slice %arg16[%rem3A_932] : memref<11x!tpu.dma_semaphore, #tpu.memory_space<semaphore_mem>> -> memref<1x!tpu.dma_semaphore, #tpu.memory_space<semaphore_mem>>
        %dma_wait3A_956 = tpu.memref_squeeze %dma_wait3A_955 : memref<1x!tpu.dma_semaphore, #tpu.memory_space<semaphore_mem>> -> memref<!tpu.dma_semaphore, #tpu.memory_space<semaphore_mem>>
        %dma_wait3A_957 = arith.constant 0 : i32
        %dma_wait3A_958 = arith.constant 0 : i32
        %dma_wait3A_959 = tpu.memref_slice %arg12[%rem3A_932, %dma_wait3A_957, %dma_wait3A_958] : memref<11x32x128xf32, #tpu.memory_space<vmem>> -> memref<1x32x128xf32, #tpu.memory_space<vmem>>
        %dma_wait3A_960 = tpu.memref_squeeze %dma_wait3A_959 : memref<1x32x128xf32, #tpu.memory_space<vmem>> -> memref<32x128xf32, #tpu.memory_space<vmem>>
        %dma_wait3A_961 = arith.constant 0 : i32
        %dma_wait3A_962 = arith.constant 0 : i32
        %dma_wait3A_963 = tpu.memref_slice %arg2[%dma_wait3A_961, %dma_wait3A_962] : memref<32x1000000xf32, #tpu.memory_space<hbm>> -> memref<32x128xf32, #tpu.memory_space<hbm>>
        tpu.wait_dma2 semaphore(%dma_wait3A_956 : memref<!tpu.dma_semaphore, #tpu.memory_space<semaphore_mem>>) src(%dma_wait3A_963 : memref<32x128xf32, #tpu.memory_space<hbm>>) dst(%dma_wait3A_960 : memref<32x128xf32, #tpu.memory_space<vmem>>)
        %broadcast_in_dim3A_964 = vector.broadcast %sub3A_930 : i32 to vector<16xi32>
        %gather3A = tpu.vector_load_idx %arg9[%broadcast_in_dim3A_964] : memref<512xi32, #tpu.memory_space<vmem>>[vector<16xi32>], vector<16xi32>,
        %gather3A_965 = tpu.vector_load_idx %arg10[%broadcast_in_dim3A_964] : memref<512xi32, #tpu.memory_space<vmem>>[vector<16xi32>], vector<16xi32>,
        %add3A_966 = arith.constant 0 : i32
        %add3A_967 = vector.broadcast %add3A_966 : i32 to vector<16xi32>
        %add3A_968 = arith.addi %iota3A, %add3A_967 : vector<16xi32>
        %gather3A_969 = arith.constant 0 : i32
        %gather3A_970 = arith.constant 0 : i32
        %gather3A_971 = tpu.memref_slice %arg11[%rem3A_932, %gather3A_969, %gather3A_970] : memref<11x32x128xf32, #tpu.memory_space<vmem>> -> memref<1x32x128xf32, #tpu.memory_space<vmem>>
        %gather3A_972 = tpu.memref_squeeze %gather3A_971 : memref<1x32x128xf32, #tpu.memory_space<vmem>> -> memref<32x128xf32, #tpu.memory_space<vmem>>
        %gather3A_973 = tpu.vector_load_idx %gather3A_972[%add3A_968, %gather3A] : memref<32x128xf32, #tpu.memory_space<vmem>>[vector<16xi32>, vector<16xi32>], vector<16xf32>,
        %gather3A_974 = arith.constant 0 : i32
        %gather3A_975 = arith.constant 0 : i32
        %gather3A_976 = tpu.memref_slice %arg12[%rem3A_932, %gather3A_974, %gather3A_975] : memref<11x32x128xf32, #tpu.memory_space<vmem>> -> memref<1x32x128xf32, #tpu.memory_space<vmem>>
        %gather3A_977 = tpu.memref_squeeze %gather3A_976 : memref<1x32x128xf32, #tpu.memory_space<vmem>> -> memref<32x128xf32, #tpu.memory_space<vmem>>
        %gather3A_978 = tpu.vector_load_idx %gather3A_977[%add3A_968, %gather3A_965] : memref<32x128xf32, #tpu.memory_space<vmem>>[vector<16xi32>, vector<16xi32>], vector<16xf32>,
        tpu.vector_store_idx %arg13[%add3A_968, %broadcast_in_dim3A_964], %gather3A_973 : memref<32x512xf32, #tpu.memory_space<vmem>>[vector<16xi32>, vector<16xi32>], vector<16xf32>,
        tpu.vector_store_idx %arg14[%add3A_968, %broadcast_in_dim3A_964], %gather3A_978 : memref<32x512xf32, #tpu.memory_space<vmem>>[vector<16xi32>, vector<16xi32>], vector<16xf32>,
        %add3A_979 = arith.constant 16 : i32
        %add3A_980 = vector.broadcast %add3A_979 : i32 to vector<16xi32>
        %add3A_981 = arith.addi %iota3A, %add3A_980 : vector<16xi32>
        %gather3A_982 = arith.constant 0 : i32
        %gather3A_983 = arith.constant 0 : i32
        %gather3A_984 = tpu.memref_slice %arg11[%rem3A_932, %gather3A_982, %gather3A_983] : memref<11x32x128xf32, #tpu.memory_space<vmem>> -> memref<1x32x128xf32, #tpu.memory_space<vmem>>
        %gather3A_985 = tpu.memref_squeeze %gather3A_984 : memref<1x32x128xf32, #tpu.memory_space<vmem>> -> memref<32x128xf32, #tpu.memory_space<vmem>>
        %gather3A_986 = tpu.vector_load_idx %gather3A_985[%add3A_981, %gather3A] : memref<32x128xf32, #tpu.memory_space<vmem>>[vector<16xi32>, vector<16xi32>], vector<16xf32>,
        %gather3A_987 = arith.constant 0 : i32
        %gather3A_988 = arith.constant 0 : i32
        %gather3A_989 = tpu.memref_slice %arg12[%rem3A_932, %gather3A_987, %gather3A_988] : memref<11x32x128xf32, #tpu.memory_space<vmem>> -> memref<1x32x128xf32, #tpu.memory_space<vmem>>
        %gather3A_990 = tpu.memref_squeeze %gather3A_989 : memref<1x32x128xf32, #tpu.memory_space<vmem>> -> memref<32x128xf32, #tpu.memory_space<vmem>>
        %gather3A_991 = tpu.vector_load_idx %gather3A_990[%add3A_981, %gather3A_965] : memref<32x128xf32, #tpu.memory_space<vmem>>[vector<16xi32>, vector<16xi32>], vector<16xf32>,
        tpu.vector_store_idx %arg13[%add3A_981, %broadcast_in_dim3A_964], %gather3A_986 : memref<32x512xf32, #tpu.memory_space<vmem>>[vector<16xi32>, vector<16xi32>], vector<16xf32>,
        tpu.vector_store_idx %arg14[%add3A_981, %broadcast_in_dim3A_964], %gather3A_991 : memref<32x512xf32, #tpu.memory_space<vmem>>[vector<16xi32>, vector<16xi32>], vector<16xf32>,
      } else {
      }
      %rem3A_713 = arith.constant 11 : i32
      %rem3A_714 = arith.remsi %add3A_707, %rem3A_713 : i32
      %eq3A_715 = arith.constant 12 : i32
      %eq3A_716 = vector.broadcast %eq3A_715 : i32 to vector<16xi32>
      %eq3A_717 = arith.cmpi eq, %iota3A, %eq3A_716 : vector<16xi32>
      %jit3A_718 = arith.constant 0 : i32
      %broadcast_in_dim3A_719 = vector.broadcast %jit3A_718 : i32 to vector<16xi32>
      %select_n3A_720 = arith.select %eq3A_717, %shift_left3A_29, %broadcast_in_dim3A_719 : vector<16xi1>, vector<16xi32>
      %reduce_sum3A_721 = arith.constant true
      %reduce_sum3A_722 = vector.broadcast %reduce_sum3A_721 : i1 to vector<16xi1>
      %reduce_sum3A_723 = tpu.scan <sum>, %select_n3A_720 masked %reduce_sum3A_722 : vector<16xi32>, vector<16xi1> -> vector<16xi32>
      %reduce_sum3A_724 = vector.extract %reduce_sum3A_723[15] : i32 from vector<16xi32>
      %multiple_of3A_725 = tpu.assume_multiple %reduce_sum3A_724, 128 : i32
      %jit3A_726 = arith.constant 0 : i32
      %broadcast_in_dim3A_727 = vector.broadcast %jit3A_726 : i32 to vector<16xi32>
      %select_n3A_728 = arith.select %eq3A_717, %shift_left3A_35, %broadcast_in_dim3A_727 : vector<16xi1>, vector<16xi32>
      %reduce_sum3A_729 = arith.constant true
      %reduce_sum3A_730 = vector.broadcast %reduce_sum3A_729 : i1 to vector<16xi1>
      %reduce_sum3A_731 = tpu.scan <sum>, %select_n3A_728 masked %reduce_sum3A_730 : vector<16xi32>, vector<16xi1> -> vector<16xi32>
      %reduce_sum3A_732 = vector.extract %reduce_sum3A_731[15] : i32 from vector<16xi32>
      %multiple_of3A_733 = tpu.assume_multiple %reduce_sum3A_732, 128 : i32
      %dma_start3A_734 = arith.constant 0 : i32
      %dma_start3A_735 = arith.constant 0 : i32
      %dma_start3A_736 = tpu.memref_slice %arg11[%rem3A_714, %dma_start3A_734, %dma_start3A_735] : memref<11x32x128xf32, #tpu.memory_space<vmem>> -> memref<1x32x128xf32, #tpu.memory_space<vmem>>
      %dma_start3A_737 = tpu.memref_squeeze %dma_start3A_736 : memref<1x32x128xf32, #tpu.memory_space<vmem>> -> memref<32x128xf32, #tpu.memory_space<vmem>>
      %dma_start3A_738 = arith.constant 0 : i32
      %dma_start3A_739 = tpu.memref_slice %arg2[%dma_start3A_738, %multiple_of3A_725] : memref<32x1000000xf32, #tpu.memory_space<hbm>> -> memref<32x128xf32, #tpu.memory_space<hbm>>
      %dma_start3A_740 = tpu.memref_slice %arg16[%rem3A_714] : memref<11x!tpu.dma_semaphore, #tpu.memory_space<semaphore_mem>> -> memref<1x!tpu.dma_semaphore, #tpu.memory_space<semaphore_mem>>
      %dma_start3A_741 = tpu.memref_squeeze %dma_start3A_740 : memref<1x!tpu.dma_semaphore, #tpu.memory_space<semaphore_mem>> -> memref<!tpu.dma_semaphore, #tpu.memory_space<semaphore_mem>>
      %dma_start3A_742 = arith.constant 0 : i32
      %dma_start3A_743 = arith.constant 0 : i32
      %dma_start3A_744 = tpu.memref_slice %arg11[%rem3A_714, %dma_start3A_742, %dma_start3A_743] : memref<11x32x128xf32, #tpu.memory_space<vmem>> -> memref<1x32x128xf32, #tpu.memory_space<vmem>>
      %dma_start3A_745 = tpu.memref_squeeze %dma_start3A_744 : memref<1x32x128xf32, #tpu.memory_space<vmem>> -> memref<32x128xf32, #tpu.memory_space<vmem>>
      %dma_start3A_746 = arith.constant 0 : i32
      %dma_start3A_747 = tpu.memref_slice %arg2[%dma_start3A_746, %multiple_of3A_725] : memref<32x1000000xf32, #tpu.memory_space<hbm>> -> memref<32x128xf32, #tpu.memory_space<hbm>>
      tpu.enqueue_dma source(%dma_start3A_747 : memref<32x128xf32, #tpu.memory_space<hbm>>) target(%dma_start3A_745 : memref<32x128xf32, #tpu.memory_space<vmem>>) target_semaphore(%dma_start3A_741 : memref<!tpu.dma_semaphore, #tpu.memory_space<semaphore_mem>>)
      %dma_start3A_748 = arith.constant 0 : i32
      %dma_start3A_749 = arith.constant 0 : i32
      %dma_start3A_750 = tpu.memref_slice %arg12[%rem3A_714, %dma_start3A_748, %dma_start3A_749] : memref<11x32x128xf32, #tpu.memory_space<vmem>> -> memref<1x32x128xf32, #tpu.memory_space<vmem>>
      %dma_start3A_751 = tpu.memref_squeeze %dma_start3A_750 : memref<1x32x128xf32, #tpu.memory_space<vmem>> -> memref<32x128xf32, #tpu.memory_space<vmem>>
      %dma_start3A_752 = arith.constant 0 : i32
      %dma_start3A_753 = tpu.memref_slice %arg3[%dma_start3A_752, %multiple_of3A_733] : memref<32x1000000xf32, #tpu.memory_space<hbm>> -> memref<32x128xf32, #tpu.memory_space<hbm>>
      %dma_start3A_754 = tpu.memref_slice %arg16[%rem3A_714] : memref<11x!tpu.dma_semaphore, #tpu.memory_space<semaphore_mem>> -> memref<1x!tpu.dma_semaphore, #tpu.memory_space<semaphore_mem>>
      %dma_start3A_755 = tpu.memref_squeeze %dma_start3A_754 : memref<1x!tpu.dma_semaphore, #tpu.memory_space<semaphore_mem>> -> memref<!tpu.dma_semaphore, #tpu.memory_space<semaphore_mem>>
      %dma_start3A_756 = arith.constant 0 : i32
      %dma_start3A_757 = arith.constant 0 : i32
      %dma_start3A_758 = tpu.memref_slice %arg12[%rem3A_714, %dma_start3A_756, %dma_start3A_757] : memref<11x32x128xf32, #tpu.memory_space<vmem>> -> memref<1x32x128xf32, #tpu.memory_space<vmem>>
      %dma_start3A_759 = tpu.memref_squeeze %dma_start3A_758 : memref<1x32x128xf32, #tpu.memory_space<vmem>> -> memref<32x128xf32, #tpu.memory_space<vmem>>
      %dma_start3A_760 = arith.constant 0 : i32
      %dma_start3A_761 = tpu.memref_slice %arg3[%dma_start3A_760, %multiple_of3A_733] : memref<32x1000000xf32, #tpu.memory_space<hbm>> -> memref<32x128xf32, #tpu.memory_space<hbm>>
      tpu.enqueue_dma source(%dma_start3A_761 : memref<32x128xf32, #tpu.memory_space<hbm>>) target(%dma_start3A_759 : memref<32x128xf32, #tpu.memory_space<vmem>>) target_semaphore(%dma_start3A_755 : memref<!tpu.dma_semaphore, #tpu.memory_space<semaphore_mem>>)
      %add3A_762 = arith.constant 13 : i32
      %add3A_763 = arith.addi %multiple_of3A, %add3A_762 : i32
      %ge3A_764 = arith.constant 11 : i32
      %ge3A_765 = arith.cmpi sge, %add3A_763, %ge3A_764 : i32
      %convert_element_type3A_766 = arith.extui %ge3A_765 : i1 to i32
      %cond3A_767 = arith.constant 0 : i32
      %cond3A_768 = arith.cmpi ne, %convert_element_type3A_766, %cond3A_767 : i32
      scf.if %cond3A_768 {
        %sub3A = arith.constant 11 : i32
        %sub3A_930 = arith.subi %add3A_763, %sub3A : i32
        %rem3A_931 = arith.constant 11 : i32
        %rem3A_932 = arith.remsi %sub3A_930, %rem3A_931 : i32
        %dma_wait3A = arith.constant 0 : i32
        %dma_wait3A_933 = arith.constant 0 : i32
        %dma_wait3A_934 = tpu.memref_slice %arg11[%rem3A_932, %dma_wait3A, %dma_wait3A_933] : memref<11x32x128xf32, #tpu.memory_space<vmem>> -> memref<1x32x128xf32, #tpu.memory_space<vmem>>
        %dma_wait3A_935 = tpu.memref_squeeze %dma_wait3A_934 : memref<1x32x128xf32, #tpu.memory_space<vmem>> -> memref<32x128xf32, #tpu.memory_space<vmem>>
        %dma_wait3A_936 = arith.constant 0 : i32
        %dma_wait3A_937 = arith.constant 0 : i32
        %dma_wait3A_938 = tpu.memref_slice %arg2[%dma_wait3A_936, %dma_wait3A_937] : memref<32x1000000xf32, #tpu.memory_space<hbm>> -> memref<32x128xf32, #tpu.memory_space<hbm>>
        %dma_wait3A_939 = tpu.memref_slice %arg16[%rem3A_932] : memref<11x!tpu.dma_semaphore, #tpu.memory_space<semaphore_mem>> -> memref<1x!tpu.dma_semaphore, #tpu.memory_space<semaphore_mem>>
        %dma_wait3A_940 = tpu.memref_squeeze %dma_wait3A_939 : memref<1x!tpu.dma_semaphore, #tpu.memory_space<semaphore_mem>> -> memref<!tpu.dma_semaphore, #tpu.memory_space<semaphore_mem>>
        %dma_wait3A_941 = arith.constant 0 : i32
        %dma_wait3A_942 = arith.constant 0 : i32
        %dma_wait3A_943 = tpu.memref_slice %arg11[%rem3A_932, %dma_wait3A_941, %dma_wait3A_942] : memref<11x32x128xf32, #tpu.memory_space<vmem>> -> memref<1x32x128xf32, #tpu.memory_space<vmem>>
        %dma_wait3A_944 = tpu.memref_squeeze %dma_wait3A_943 : memref<1x32x128xf32, #tpu.memory_space<vmem>> -> memref<32x128xf32, #tpu.memory_space<vmem>>
        %dma_wait3A_945 = arith.constant 0 : i32
        %dma_wait3A_946 = arith.constant 0 : i32
        %dma_wait3A_947 = tpu.memref_slice %arg2[%dma_wait3A_945, %dma_wait3A_946] : memref<32x1000000xf32, #tpu.memory_space<hbm>> -> memref<32x128xf32, #tpu.memory_space<hbm>>
        tpu.wait_dma2 semaphore(%dma_wait3A_940 : memref<!tpu.dma_semaphore, #tpu.memory_space<semaphore_mem>>) src(%dma_wait3A_947 : memref<32x128xf32, #tpu.memory_space<hbm>>) dst(%dma_wait3A_944 : memref<32x128xf32, #tpu.memory_space<vmem>>)
        %dma_wait3A_948 = arith.constant 0 : i32
        %dma_wait3A_949 = arith.constant 0 : i32
        %dma_wait3A_950 = tpu.memref_slice %arg12[%rem3A_932, %dma_wait3A_948, %dma_wait3A_949] : memref<11x32x128xf32, #tpu.memory_space<vmem>> -> memref<1x32x128xf32, #tpu.memory_space<vmem>>
        %dma_wait3A_951 = tpu.memref_squeeze %dma_wait3A_950 : memref<1x32x128xf32, #tpu.memory_space<vmem>> -> memref<32x128xf32, #tpu.memory_space<vmem>>
        %dma_wait3A_952 = arith.constant 0 : i32
        %dma_wait3A_953 = arith.constant 0 : i32
        %dma_wait3A_954 = tpu.memref_slice %arg2[%dma_wait3A_952, %dma_wait3A_953] : memref<32x1000000xf32, #tpu.memory_space<hbm>> -> memref<32x128xf32, #tpu.memory_space<hbm>>
        %dma_wait3A_955 = tpu.memref_slice %arg16[%rem3A_932] : memref<11x!tpu.dma_semaphore, #tpu.memory_space<semaphore_mem>> -> memref<1x!tpu.dma_semaphore, #tpu.memory_space<semaphore_mem>>
        %dma_wait3A_956 = tpu.memref_squeeze %dma_wait3A_955 : memref<1x!tpu.dma_semaphore, #tpu.memory_space<semaphore_mem>> -> memref<!tpu.dma_semaphore, #tpu.memory_space<semaphore_mem>>
        %dma_wait3A_957 = arith.constant 0 : i32
        %dma_wait3A_958 = arith.constant 0 : i32
        %dma_wait3A_959 = tpu.memref_slice %arg12[%rem3A_932, %dma_wait3A_957, %dma_wait3A_958] : memref<11x32x128xf32, #tpu.memory_space<vmem>> -> memref<1x32x128xf32, #tpu.memory_space<vmem>>
        %dma_wait3A_960 = tpu.memref_squeeze %dma_wait3A_959 : memref<1x32x128xf32, #tpu.memory_space<vmem>> -> memref<32x128xf32, #tpu.memory_space<vmem>>
        %dma_wait3A_961 = arith.constant 0 : i32
        %dma_wait3A_962 = arith.constant 0 : i32
        %dma_wait3A_963 = tpu.memref_slice %arg2[%dma_wait3A_961, %dma_wait3A_962] : memref<32x1000000xf32, #tpu.memory_space<hbm>> -> memref<32x128xf32, #tpu.memory_space<hbm>>
        tpu.wait_dma2 semaphore(%dma_wait3A_956 : memref<!tpu.dma_semaphore, #tpu.memory_space<semaphore_mem>>) src(%dma_wait3A_963 : memref<32x128xf32, #tpu.memory_space<hbm>>) dst(%dma_wait3A_960 : memref<32x128xf32, #tpu.memory_space<vmem>>)
        %broadcast_in_dim3A_964 = vector.broadcast %sub3A_930 : i32 to vector<16xi32>
        %gather3A = tpu.vector_load_idx %arg9[%broadcast_in_dim3A_964] : memref<512xi32, #tpu.memory_space<vmem>>[vector<16xi32>], vector<16xi32>,
        %gather3A_965 = tpu.vector_load_idx %arg10[%broadcast_in_dim3A_964] : memref<512xi32, #tpu.memory_space<vmem>>[vector<16xi32>], vector<16xi32>,
        %add3A_966 = arith.constant 0 : i32
        %add3A_967 = vector.broadcast %add3A_966 : i32 to vector<16xi32>
        %add3A_968 = arith.addi %iota3A, %add3A_967 : vector<16xi32>
        %gather3A_969 = arith.constant 0 : i32
        %gather3A_970 = arith.constant 0 : i32
        %gather3A_971 = tpu.memref_slice %arg11[%rem3A_932, %gather3A_969, %gather3A_970] : memref<11x32x128xf32, #tpu.memory_space<vmem>> -> memref<1x32x128xf32, #tpu.memory_space<vmem>>
        %gather3A_972 = tpu.memref_squeeze %gather3A_971 : memref<1x32x128xf32, #tpu.memory_space<vmem>> -> memref<32x128xf32, #tpu.memory_space<vmem>>
        %gather3A_973 = tpu.vector_load_idx %gather3A_972[%add3A_968, %gather3A] : memref<32x128xf32, #tpu.memory_space<vmem>>[vector<16xi32>, vector<16xi32>], vector<16xf32>,
        %gather3A_974 = arith.constant 0 : i32
        %gather3A_975 = arith.constant 0 : i32
        %gather3A_976 = tpu.memref_slice %arg12[%rem3A_932, %gather3A_974, %gather3A_975] : memref<11x32x128xf32, #tpu.memory_space<vmem>> -> memref<1x32x128xf32, #tpu.memory_space<vmem>>
        %gather3A_977 = tpu.memref_squeeze %gather3A_976 : memref<1x32x128xf32, #tpu.memory_space<vmem>> -> memref<32x128xf32, #tpu.memory_space<vmem>>
        %gather3A_978 = tpu.vector_load_idx %gather3A_977[%add3A_968, %gather3A_965] : memref<32x128xf32, #tpu.memory_space<vmem>>[vector<16xi32>, vector<16xi32>], vector<16xf32>,
        tpu.vector_store_idx %arg13[%add3A_968, %broadcast_in_dim3A_964], %gather3A_973 : memref<32x512xf32, #tpu.memory_space<vmem>>[vector<16xi32>, vector<16xi32>], vector<16xf32>,
        tpu.vector_store_idx %arg14[%add3A_968, %broadcast_in_dim3A_964], %gather3A_978 : memref<32x512xf32, #tpu.memory_space<vmem>>[vector<16xi32>, vector<16xi32>], vector<16xf32>,
        %add3A_979 = arith.constant 16 : i32
        %add3A_980 = vector.broadcast %add3A_979 : i32 to vector<16xi32>
        %add3A_981 = arith.addi %iota3A, %add3A_980 : vector<16xi32>
        %gather3A_982 = arith.constant 0 : i32
        %gather3A_983 = arith.constant 0 : i32
        %gather3A_984 = tpu.memref_slice %arg11[%rem3A_932, %gather3A_982, %gather3A_983] : memref<11x32x128xf32, #tpu.memory_space<vmem>> -> memref<1x32x128xf32, #tpu.memory_space<vmem>>
        %gather3A_985 = tpu.memref_squeeze %gather3A_984 : memref<1x32x128xf32, #tpu.memory_space<vmem>> -> memref<32x128xf32, #tpu.memory_space<vmem>>
        %gather3A_986 = tpu.vector_load_idx %gather3A_985[%add3A_981, %gather3A] : memref<32x128xf32, #tpu.memory_space<vmem>>[vector<16xi32>, vector<16xi32>], vector<16xf32>,
        %gather3A_987 = arith.constant 0 : i32
        %gather3A_988 = arith.constant 0 : i32
        %gather3A_989 = tpu.memref_slice %arg12[%rem3A_932, %gather3A_987, %gather3A_988] : memref<11x32x128xf32, #tpu.memory_space<vmem>> -> memref<1x32x128xf32, #tpu.memory_space<vmem>>
        %gather3A_990 = tpu.memref_squeeze %gather3A_989 : memref<1x32x128xf32, #tpu.memory_space<vmem>> -> memref<32x128xf32, #tpu.memory_space<vmem>>
        %gather3A_991 = tpu.vector_load_idx %gather3A_990[%add3A_981, %gather3A_965] : memref<32x128xf32, #tpu.memory_space<vmem>>[vector<16xi32>, vector<16xi32>], vector<16xf32>,
        tpu.vector_store_idx %arg13[%add3A_981, %broadcast_in_dim3A_964], %gather3A_986 : memref<32x512xf32, #tpu.memory_space<vmem>>[vector<16xi32>, vector<16xi32>], vector<16xf32>,
        tpu.vector_store_idx %arg14[%add3A_981, %broadcast_in_dim3A_964], %gather3A_991 : memref<32x512xf32, #tpu.memory_space<vmem>>[vector<16xi32>, vector<16xi32>], vector<16xf32>,
      } else {
      }
      %rem3A_769 = arith.constant 11 : i32
      %rem3A_770 = arith.remsi %add3A_763, %rem3A_769 : i32
      %eq3A_771 = arith.constant 13 : i32
      %eq3A_772 = vector.broadcast %eq3A_771 : i32 to vector<16xi32>
      %eq3A_773 = arith.cmpi eq, %iota3A, %eq3A_772 : vector<16xi32>
      %jit3A_774 = arith.constant 0 : i32
      %broadcast_in_dim3A_775 = vector.broadcast %jit3A_774 : i32 to vector<16xi32>
      %select_n3A_776 = arith.select %eq3A_773, %shift_left3A_29, %broadcast_in_dim3A_775 : vector<16xi1>, vector<16xi32>
      %reduce_sum3A_777 = arith.constant true
      %reduce_sum3A_778 = vector.broadcast %reduce_sum3A_777 : i1 to vector<16xi1>
      %reduce_sum3A_779 = tpu.scan <sum>, %select_n3A_776 masked %reduce_sum3A_778 : vector<16xi32>, vector<16xi1> -> vector<16xi32>
      %reduce_sum3A_780 = vector.extract %reduce_sum3A_779[15] : i32 from vector<16xi32>
      %multiple_of3A_781 = tpu.assume_multiple %reduce_sum3A_780, 128 : i32
      %jit3A_782 = arith.constant 0 : i32
      %broadcast_in_dim3A_783 = vector.broadcast %jit3A_782 : i32 to vector<16xi32>
      %select_n3A_784 = arith.select %eq3A_773, %shift_left3A_35, %broadcast_in_dim3A_783 : vector<16xi1>, vector<16xi32>
      %reduce_sum3A_785 = arith.constant true
      %reduce_sum3A_786 = vector.broadcast %reduce_sum3A_785 : i1 to vector<16xi1>
      %reduce_sum3A_787 = tpu.scan <sum>, %select_n3A_784 masked %reduce_sum3A_786 : vector<16xi32>, vector<16xi1> -> vector<16xi32>
      %reduce_sum3A_788 = vector.extract %reduce_sum3A_787[15] : i32 from vector<16xi32>
      %multiple_of3A_789 = tpu.assume_multiple %reduce_sum3A_788, 128 : i32
      %dma_start3A_790 = arith.constant 0 : i32
      %dma_start3A_791 = arith.constant 0 : i32
      %dma_start3A_792 = tpu.memref_slice %arg11[%rem3A_770, %dma_start3A_790, %dma_start3A_791] : memref<11x32x128xf32, #tpu.memory_space<vmem>> -> memref<1x32x128xf32, #tpu.memory_space<vmem>>
      %dma_start3A_793 = tpu.memref_squeeze %dma_start3A_792 : memref<1x32x128xf32, #tpu.memory_space<vmem>> -> memref<32x128xf32, #tpu.memory_space<vmem>>
      %dma_start3A_794 = arith.constant 0 : i32
      %dma_start3A_795 = tpu.memref_slice %arg2[%dma_start3A_794, %multiple_of3A_781] : memref<32x1000000xf32, #tpu.memory_space<hbm>> -> memref<32x128xf32, #tpu.memory_space<hbm>>
      %dma_start3A_796 = tpu.memref_slice %arg16[%rem3A_770] : memref<11x!tpu.dma_semaphore, #tpu.memory_space<semaphore_mem>> -> memref<1x!tpu.dma_semaphore, #tpu.memory_space<semaphore_mem>>
      %dma_start3A_797 = tpu.memref_squeeze %dma_start3A_796 : memref<1x!tpu.dma_semaphore, #tpu.memory_space<semaphore_mem>> -> memref<!tpu.dma_semaphore, #tpu.memory_space<semaphore_mem>>
      %dma_start3A_798 = arith.constant 0 : i32
      %dma_start3A_799 = arith.constant 0 : i32
      %dma_start3A_800 = tpu.memref_slice %arg11[%rem3A_770, %dma_start3A_798, %dma_start3A_799] : memref<11x32x128xf32, #tpu.memory_space<vmem>> -> memref<1x32x128xf32, #tpu.memory_space<vmem>>
      %dma_start3A_801 = tpu.memref_squeeze %dma_start3A_800 : memref<1x32x128xf32, #tpu.memory_space<vmem>> -> memref<32x128xf32, #tpu.memory_space<vmem>>
      %dma_start3A_802 = arith.constant 0 : i32
      %dma_start3A_803 = tpu.memref_slice %arg2[%dma_start3A_802, %multiple_of3A_781] : memref<32x1000000xf32, #tpu.memory_space<hbm>> -> memref<32x128xf32, #tpu.memory_space<hbm>>
      tpu.enqueue_dma source(%dma_start3A_803 : memref<32x128xf32, #tpu.memory_space<hbm>>) target(%dma_start3A_801 : memref<32x128xf32, #tpu.memory_space<vmem>>) target_semaphore(%dma_start3A_797 : memref<!tpu.dma_semaphore, #tpu.memory_space<semaphore_mem>>)
      %dma_start3A_804 = arith.constant 0 : i32
      %dma_start3A_805 = arith.constant 0 : i32
      %dma_start3A_806 = tpu.memref_slice %arg12[%rem3A_770, %dma_start3A_804, %dma_start3A_805] : memref<11x32x128xf32, #tpu.memory_space<vmem>> -> memref<1x32x128xf32, #tpu.memory_space<vmem>>
      %dma_start3A_807 = tpu.memref_squeeze %dma_start3A_806 : memref<1x32x128xf32, #tpu.memory_space<vmem>> -> memref<32x128xf32, #tpu.memory_space<vmem>>
      %dma_start3A_808 = arith.constant 0 : i32
      %dma_start3A_809 = tpu.memref_slice %arg3[%dma_start3A_808, %multiple_of3A_789] : memref<32x1000000xf32, #tpu.memory_space<hbm>> -> memref<32x128xf32, #tpu.memory_space<hbm>>
      %dma_start3A_810 = tpu.memref_slice %arg16[%rem3A_770] : memref<11x!tpu.dma_semaphore, #tpu.memory_space<semaphore_mem>> -> memref<1x!tpu.dma_semaphore, #tpu.memory_space<semaphore_mem>>
      %dma_start3A_811 = tpu.memref_squeeze %dma_start3A_810 : memref<1x!tpu.dma_semaphore, #tpu.memory_space<semaphore_mem>> -> memref<!tpu.dma_semaphore, #tpu.memory_space<semaphore_mem>>
      %dma_start3A_812 = arith.constant 0 : i32
      %dma_start3A_813 = arith.constant 0 : i32
      %dma_start3A_814 = tpu.memref_slice %arg12[%rem3A_770, %dma_start3A_812, %dma_start3A_813] : memref<11x32x128xf32, #tpu.memory_space<vmem>> -> memref<1x32x128xf32, #tpu.memory_space<vmem>>
      %dma_start3A_815 = tpu.memref_squeeze %dma_start3A_814 : memref<1x32x128xf32, #tpu.memory_space<vmem>> -> memref<32x128xf32, #tpu.memory_space<vmem>>
      %dma_start3A_816 = arith.constant 0 : i32
      %dma_start3A_817 = tpu.memref_slice %arg3[%dma_start3A_816, %multiple_of3A_789] : memref<32x1000000xf32, #tpu.memory_space<hbm>> -> memref<32x128xf32, #tpu.memory_space<hbm>>
      tpu.enqueue_dma source(%dma_start3A_817 : memref<32x128xf32, #tpu.memory_space<hbm>>) target(%dma_start3A_815 : memref<32x128xf32, #tpu.memory_space<vmem>>) target_semaphore(%dma_start3A_811 : memref<!tpu.dma_semaphore, #tpu.memory_space<semaphore_mem>>)
      %add3A_818 = arith.constant 14 : i32
      %add3A_819 = arith.addi %multiple_of3A, %add3A_818 : i32
      %ge3A_820 = arith.constant 11 : i32
      %ge3A_821 = arith.cmpi sge, %add3A_819, %ge3A_820 : i32
      %convert_element_type3A_822 = arith.extui %ge3A_821 : i1 to i32
      %cond3A_823 = arith.constant 0 : i32
      %cond3A_824 = arith.cmpi ne, %convert_element_type3A_822, %cond3A_823 : i32
      scf.if %cond3A_824 {
        %sub3A = arith.constant 11 : i32
        %sub3A_930 = arith.subi %add3A_819, %sub3A : i32
        %rem3A_931 = arith.constant 11 : i32
        %rem3A_932 = arith.remsi %sub3A_930, %rem3A_931 : i32
        %dma_wait3A = arith.constant 0 : i32
        %dma_wait3A_933 = arith.constant 0 : i32
        %dma_wait3A_934 = tpu.memref_slice %arg11[%rem3A_932, %dma_wait3A, %dma_wait3A_933] : memref<11x32x128xf32, #tpu.memory_space<vmem>> -> memref<1x32x128xf32, #tpu.memory_space<vmem>>
        %dma_wait3A_935 = tpu.memref_squeeze %dma_wait3A_934 : memref<1x32x128xf32, #tpu.memory_space<vmem>> -> memref<32x128xf32, #tpu.memory_space<vmem>>
        %dma_wait3A_936 = arith.constant 0 : i32
        %dma_wait3A_937 = arith.constant 0 : i32
        %dma_wait3A_938 = tpu.memref_slice %arg2[%dma_wait3A_936, %dma_wait3A_937] : memref<32x1000000xf32, #tpu.memory_space<hbm>> -> memref<32x128xf32, #tpu.memory_space<hbm>>
        %dma_wait3A_939 = tpu.memref_slice %arg16[%rem3A_932] : memref<11x!tpu.dma_semaphore, #tpu.memory_space<semaphore_mem>> -> memref<1x!tpu.dma_semaphore, #tpu.memory_space<semaphore_mem>>
        %dma_wait3A_940 = tpu.memref_squeeze %dma_wait3A_939 : memref<1x!tpu.dma_semaphore, #tpu.memory_space<semaphore_mem>> -> memref<!tpu.dma_semaphore, #tpu.memory_space<semaphore_mem>>
        %dma_wait3A_941 = arith.constant 0 : i32
        %dma_wait3A_942 = arith.constant 0 : i32
        %dma_wait3A_943 = tpu.memref_slice %arg11[%rem3A_932, %dma_wait3A_941, %dma_wait3A_942] : memref<11x32x128xf32, #tpu.memory_space<vmem>> -> memref<1x32x128xf32, #tpu.memory_space<vmem>>
        %dma_wait3A_944 = tpu.memref_squeeze %dma_wait3A_943 : memref<1x32x128xf32, #tpu.memory_space<vmem>> -> memref<32x128xf32, #tpu.memory_space<vmem>>
        %dma_wait3A_945 = arith.constant 0 : i32
        %dma_wait3A_946 = arith.constant 0 : i32
        %dma_wait3A_947 = tpu.memref_slice %arg2[%dma_wait3A_945, %dma_wait3A_946] : memref<32x1000000xf32, #tpu.memory_space<hbm>> -> memref<32x128xf32, #tpu.memory_space<hbm>>
        tpu.wait_dma2 semaphore(%dma_wait3A_940 : memref<!tpu.dma_semaphore, #tpu.memory_space<semaphore_mem>>) src(%dma_wait3A_947 : memref<32x128xf32, #tpu.memory_space<hbm>>) dst(%dma_wait3A_944 : memref<32x128xf32, #tpu.memory_space<vmem>>)
        %dma_wait3A_948 = arith.constant 0 : i32
        %dma_wait3A_949 = arith.constant 0 : i32
        %dma_wait3A_950 = tpu.memref_slice %arg12[%rem3A_932, %dma_wait3A_948, %dma_wait3A_949] : memref<11x32x128xf32, #tpu.memory_space<vmem>> -> memref<1x32x128xf32, #tpu.memory_space<vmem>>
        %dma_wait3A_951 = tpu.memref_squeeze %dma_wait3A_950 : memref<1x32x128xf32, #tpu.memory_space<vmem>> -> memref<32x128xf32, #tpu.memory_space<vmem>>
        %dma_wait3A_952 = arith.constant 0 : i32
        %dma_wait3A_953 = arith.constant 0 : i32
        %dma_wait3A_954 = tpu.memref_slice %arg2[%dma_wait3A_952, %dma_wait3A_953] : memref<32x1000000xf32, #tpu.memory_space<hbm>> -> memref<32x128xf32, #tpu.memory_space<hbm>>
        %dma_wait3A_955 = tpu.memref_slice %arg16[%rem3A_932] : memref<11x!tpu.dma_semaphore, #tpu.memory_space<semaphore_mem>> -> memref<1x!tpu.dma_semaphore, #tpu.memory_space<semaphore_mem>>
        %dma_wait3A_956 = tpu.memref_squeeze %dma_wait3A_955 : memref<1x!tpu.dma_semaphore, #tpu.memory_space<semaphore_mem>> -> memref<!tpu.dma_semaphore, #tpu.memory_space<semaphore_mem>>
        %dma_wait3A_957 = arith.constant 0 : i32
        %dma_wait3A_958 = arith.constant 0 : i32
        %dma_wait3A_959 = tpu.memref_slice %arg12[%rem3A_932, %dma_wait3A_957, %dma_wait3A_958] : memref<11x32x128xf32, #tpu.memory_space<vmem>> -> memref<1x32x128xf32, #tpu.memory_space<vmem>>
        %dma_wait3A_960 = tpu.memref_squeeze %dma_wait3A_959 : memref<1x32x128xf32, #tpu.memory_space<vmem>> -> memref<32x128xf32, #tpu.memory_space<vmem>>
        %dma_wait3A_961 = arith.constant 0 : i32
        %dma_wait3A_962 = arith.constant 0 : i32
        %dma_wait3A_963 = tpu.memref_slice %arg2[%dma_wait3A_961, %dma_wait3A_962] : memref<32x1000000xf32, #tpu.memory_space<hbm>> -> memref<32x128xf32, #tpu.memory_space<hbm>>
        tpu.wait_dma2 semaphore(%dma_wait3A_956 : memref<!tpu.dma_semaphore, #tpu.memory_space<semaphore_mem>>) src(%dma_wait3A_963 : memref<32x128xf32, #tpu.memory_space<hbm>>) dst(%dma_wait3A_960 : memref<32x128xf32, #tpu.memory_space<vmem>>)
        %broadcast_in_dim3A_964 = vector.broadcast %sub3A_930 : i32 to vector<16xi32>
        %gather3A = tpu.vector_load_idx %arg9[%broadcast_in_dim3A_964] : memref<512xi32, #tpu.memory_space<vmem>>[vector<16xi32>], vector<16xi32>,
        %gather3A_965 = tpu.vector_load_idx %arg10[%broadcast_in_dim3A_964] : memref<512xi32, #tpu.memory_space<vmem>>[vector<16xi32>], vector<16xi32>,
        %add3A_966 = arith.constant 0 : i32
        %add3A_967 = vector.broadcast %add3A_966 : i32 to vector<16xi32>
        %add3A_968 = arith.addi %iota3A, %add3A_967 : vector<16xi32>
        %gather3A_969 = arith.constant 0 : i32
        %gather3A_970 = arith.constant 0 : i32
        %gather3A_971 = tpu.memref_slice %arg11[%rem3A_932, %gather3A_969, %gather3A_970] : memref<11x32x128xf32, #tpu.memory_space<vmem>> -> memref<1x32x128xf32, #tpu.memory_space<vmem>>
        %gather3A_972 = tpu.memref_squeeze %gather3A_971 : memref<1x32x128xf32, #tpu.memory_space<vmem>> -> memref<32x128xf32, #tpu.memory_space<vmem>>
        %gather3A_973 = tpu.vector_load_idx %gather3A_972[%add3A_968, %gather3A] : memref<32x128xf32, #tpu.memory_space<vmem>>[vector<16xi32>, vector<16xi32>], vector<16xf32>,
        %gather3A_974 = arith.constant 0 : i32
        %gather3A_975 = arith.constant 0 : i32
        %gather3A_976 = tpu.memref_slice %arg12[%rem3A_932, %gather3A_974, %gather3A_975] : memref<11x32x128xf32, #tpu.memory_space<vmem>> -> memref<1x32x128xf32, #tpu.memory_space<vmem>>
        %gather3A_977 = tpu.memref_squeeze %gather3A_976 : memref<1x32x128xf32, #tpu.memory_space<vmem>> -> memref<32x128xf32, #tpu.memory_space<vmem>>
        %gather3A_978 = tpu.vector_load_idx %gather3A_977[%add3A_968, %gather3A_965] : memref<32x128xf32, #tpu.memory_space<vmem>>[vector<16xi32>, vector<16xi32>], vector<16xf32>,
        tpu.vector_store_idx %arg13[%add3A_968, %broadcast_in_dim3A_964], %gather3A_973 : memref<32x512xf32, #tpu.memory_space<vmem>>[vector<16xi32>, vector<16xi32>], vector<16xf32>,
        tpu.vector_store_idx %arg14[%add3A_968, %broadcast_in_dim3A_964], %gather3A_978 : memref<32x512xf32, #tpu.memory_space<vmem>>[vector<16xi32>, vector<16xi32>], vector<16xf32>,
        %add3A_979 = arith.constant 16 : i32
        %add3A_980 = vector.broadcast %add3A_979 : i32 to vector<16xi32>
        %add3A_981 = arith.addi %iota3A, %add3A_980 : vector<16xi32>
        %gather3A_982 = arith.constant 0 : i32
        %gather3A_983 = arith.constant 0 : i32
        %gather3A_984 = tpu.memref_slice %arg11[%rem3A_932, %gather3A_982, %gather3A_983] : memref<11x32x128xf32, #tpu.memory_space<vmem>> -> memref<1x32x128xf32, #tpu.memory_space<vmem>>
        %gather3A_985 = tpu.memref_squeeze %gather3A_984 : memref<1x32x128xf32, #tpu.memory_space<vmem>> -> memref<32x128xf32, #tpu.memory_space<vmem>>
        %gather3A_986 = tpu.vector_load_idx %gather3A_985[%add3A_981, %gather3A] : memref<32x128xf32, #tpu.memory_space<vmem>>[vector<16xi32>, vector<16xi32>], vector<16xf32>,
        %gather3A_987 = arith.constant 0 : i32
        %gather3A_988 = arith.constant 0 : i32
        %gather3A_989 = tpu.memref_slice %arg12[%rem3A_932, %gather3A_987, %gather3A_988] : memref<11x32x128xf32, #tpu.memory_space<vmem>> -> memref<1x32x128xf32, #tpu.memory_space<vmem>>
        %gather3A_990 = tpu.memref_squeeze %gather3A_989 : memref<1x32x128xf32, #tpu.memory_space<vmem>> -> memref<32x128xf32, #tpu.memory_space<vmem>>
        %gather3A_991 = tpu.vector_load_idx %gather3A_990[%add3A_981, %gather3A_965] : memref<32x128xf32, #tpu.memory_space<vmem>>[vector<16xi32>, vector<16xi32>], vector<16xf32>,
        tpu.vector_store_idx %arg13[%add3A_981, %broadcast_in_dim3A_964], %gather3A_986 : memref<32x512xf32, #tpu.memory_space<vmem>>[vector<16xi32>, vector<16xi32>], vector<16xf32>,
        tpu.vector_store_idx %arg14[%add3A_981, %broadcast_in_dim3A_964], %gather3A_991 : memref<32x512xf32, #tpu.memory_space<vmem>>[vector<16xi32>, vector<16xi32>], vector<16xf32>,
      } else {
      }
      %rem3A_825 = arith.constant 11 : i32
      %rem3A_826 = arith.remsi %add3A_819, %rem3A_825 : i32
      %eq3A_827 = arith.constant 14 : i32
      %eq3A_828 = vector.broadcast %eq3A_827 : i32 to vector<16xi32>
      %eq3A_829 = arith.cmpi eq, %iota3A, %eq3A_828 : vector<16xi32>
      %jit3A_830 = arith.constant 0 : i32
      %broadcast_in_dim3A_831 = vector.broadcast %jit3A_830 : i32 to vector<16xi32>
      %select_n3A_832 = arith.select %eq3A_829, %shift_left3A_29, %broadcast_in_dim3A_831 : vector<16xi1>, vector<16xi32>
      %reduce_sum3A_833 = arith.constant true
      %reduce_sum3A_834 = vector.broadcast %reduce_sum3A_833 : i1 to vector<16xi1>
      %reduce_sum3A_835 = tpu.scan <sum>, %select_n3A_832 masked %reduce_sum3A_834 : vector<16xi32>, vector<16xi1> -> vector<16xi32>
      %reduce_sum3A_836 = vector.extract %reduce_sum3A_835[15] : i32 from vector<16xi32>
      %multiple_of3A_837 = tpu.assume_multiple %reduce_sum3A_836, 128 : i32
      %jit3A_838 = arith.constant 0 : i32
      %broadcast_in_dim3A_839 = vector.broadcast %jit3A_838 : i32 to vector<16xi32>
      %select_n3A_840 = arith.select %eq3A_829, %shift_left3A_35, %broadcast_in_dim3A_839 : vector<16xi1>, vector<16xi32>
      %reduce_sum3A_841 = arith.constant true
      %reduce_sum3A_842 = vector.broadcast %reduce_sum3A_841 : i1 to vector<16xi1>
      %reduce_sum3A_843 = tpu.scan <sum>, %select_n3A_840 masked %reduce_sum3A_842 : vector<16xi32>, vector<16xi1> -> vector<16xi32>
      %reduce_sum3A_844 = vector.extract %reduce_sum3A_843[15] : i32 from vector<16xi32>
      %multiple_of3A_845 = tpu.assume_multiple %reduce_sum3A_844, 128 : i32
      %dma_start3A_846 = arith.constant 0 : i32
      %dma_start3A_847 = arith.constant 0 : i32
      %dma_start3A_848 = tpu.memref_slice %arg11[%rem3A_826, %dma_start3A_846, %dma_start3A_847] : memref<11x32x128xf32, #tpu.memory_space<vmem>> -> memref<1x32x128xf32, #tpu.memory_space<vmem>>
      %dma_start3A_849 = tpu.memref_squeeze %dma_start3A_848 : memref<1x32x128xf32, #tpu.memory_space<vmem>> -> memref<32x128xf32, #tpu.memory_space<vmem>>
      %dma_start3A_850 = arith.constant 0 : i32
      %dma_start3A_851 = tpu.memref_slice %arg2[%dma_start3A_850, %multiple_of3A_837] : memref<32x1000000xf32, #tpu.memory_space<hbm>> -> memref<32x128xf32, #tpu.memory_space<hbm>>
      %dma_start3A_852 = tpu.memref_slice %arg16[%rem3A_826] : memref<11x!tpu.dma_semaphore, #tpu.memory_space<semaphore_mem>> -> memref<1x!tpu.dma_semaphore, #tpu.memory_space<semaphore_mem>>
      %dma_start3A_853 = tpu.memref_squeeze %dma_start3A_852 : memref<1x!tpu.dma_semaphore, #tpu.memory_space<semaphore_mem>> -> memref<!tpu.dma_semaphore, #tpu.memory_space<semaphore_mem>>
      %dma_start3A_854 = arith.constant 0 : i32
      %dma_start3A_855 = arith.constant 0 : i32
      %dma_start3A_856 = tpu.memref_slice %arg11[%rem3A_826, %dma_start3A_854, %dma_start3A_855] : memref<11x32x128xf32, #tpu.memory_space<vmem>> -> memref<1x32x128xf32, #tpu.memory_space<vmem>>
      %dma_start3A_857 = tpu.memref_squeeze %dma_start3A_856 : memref<1x32x128xf32, #tpu.memory_space<vmem>> -> memref<32x128xf32, #tpu.memory_space<vmem>>
      %dma_start3A_858 = arith.constant 0 : i32
      %dma_start3A_859 = tpu.memref_slice %arg2[%dma_start3A_858, %multiple_of3A_837] : memref<32x1000000xf32, #tpu.memory_space<hbm>> -> memref<32x128xf32, #tpu.memory_space<hbm>>
      tpu.enqueue_dma source(%dma_start3A_859 : memref<32x128xf32, #tpu.memory_space<hbm>>) target(%dma_start3A_857 : memref<32x128xf32, #tpu.memory_space<vmem>>) target_semaphore(%dma_start3A_853 : memref<!tpu.dma_semaphore, #tpu.memory_space<semaphore_mem>>)
      %dma_start3A_860 = arith.constant 0 : i32
      %dma_start3A_861 = arith.constant 0 : i32
      %dma_start3A_862 = tpu.memref_slice %arg12[%rem3A_826, %dma_start3A_860, %dma_start3A_861] : memref<11x32x128xf32, #tpu.memory_space<vmem>> -> memref<1x32x128xf32, #tpu.memory_space<vmem>>
      %dma_start3A_863 = tpu.memref_squeeze %dma_start3A_862 : memref<1x32x128xf32, #tpu.memory_space<vmem>> -> memref<32x128xf32, #tpu.memory_space<vmem>>
      %dma_start3A_864 = arith.constant 0 : i32
      %dma_start3A_865 = tpu.memref_slice %arg3[%dma_start3A_864, %multiple_of3A_845] : memref<32x1000000xf32, #tpu.memory_space<hbm>> -> memref<32x128xf32, #tpu.memory_space<hbm>>
      %dma_start3A_866 = tpu.memref_slice %arg16[%rem3A_826] : memref<11x!tpu.dma_semaphore, #tpu.memory_space<semaphore_mem>> -> memref<1x!tpu.dma_semaphore, #tpu.memory_space<semaphore_mem>>
      %dma_start3A_867 = tpu.memref_squeeze %dma_start3A_866 : memref<1x!tpu.dma_semaphore, #tpu.memory_space<semaphore_mem>> -> memref<!tpu.dma_semaphore, #tpu.memory_space<semaphore_mem>>
      %dma_start3A_868 = arith.constant 0 : i32
      %dma_start3A_869 = arith.constant 0 : i32
      %dma_start3A_870 = tpu.memref_slice %arg12[%rem3A_826, %dma_start3A_868, %dma_start3A_869] : memref<11x32x128xf32, #tpu.memory_space<vmem>> -> memref<1x32x128xf32, #tpu.memory_space<vmem>>
      %dma_start3A_871 = tpu.memref_squeeze %dma_start3A_870 : memref<1x32x128xf32, #tpu.memory_space<vmem>> -> memref<32x128xf32, #tpu.memory_space<vmem>>
      %dma_start3A_872 = arith.constant 0 : i32
      %dma_start3A_873 = tpu.memref_slice %arg3[%dma_start3A_872, %multiple_of3A_845] : memref<32x1000000xf32, #tpu.memory_space<hbm>> -> memref<32x128xf32, #tpu.memory_space<hbm>>
      tpu.enqueue_dma source(%dma_start3A_873 : memref<32x128xf32, #tpu.memory_space<hbm>>) target(%dma_start3A_871 : memref<32x128xf32, #tpu.memory_space<vmem>>) target_semaphore(%dma_start3A_867 : memref<!tpu.dma_semaphore, #tpu.memory_space<semaphore_mem>>)
      %add3A_874 = arith.constant 15 : i32
      %add3A_875 = arith.addi %multiple_of3A, %add3A_874 : i32
      %ge3A_876 = arith.constant 11 : i32
      %ge3A_877 = arith.cmpi sge, %add3A_875, %ge3A_876 : i32
      %convert_element_type3A_878 = arith.extui %ge3A_877 : i1 to i32
      %cond3A_879 = arith.constant 0 : i32
      %cond3A_880 = arith.cmpi ne, %convert_element_type3A_878, %cond3A_879 : i32
      scf.if %cond3A_880 {
        %sub3A = arith.constant 11 : i32
        %sub3A_930 = arith.subi %add3A_875, %sub3A : i32
        %rem3A_931 = arith.constant 11 : i32
        %rem3A_932 = arith.remsi %sub3A_930, %rem3A_931 : i32
        %dma_wait3A = arith.constant 0 : i32
        %dma_wait3A_933 = arith.constant 0 : i32
        %dma_wait3A_934 = tpu.memref_slice %arg11[%rem3A_932, %dma_wait3A, %dma_wait3A_933] : memref<11x32x128xf32, #tpu.memory_space<vmem>> -> memref<1x32x128xf32, #tpu.memory_space<vmem>>
        %dma_wait3A_935 = tpu.memref_squeeze %dma_wait3A_934 : memref<1x32x128xf32, #tpu.memory_space<vmem>> -> memref<32x128xf32, #tpu.memory_space<vmem>>
        %dma_wait3A_936 = arith.constant 0 : i32
        %dma_wait3A_937 = arith.constant 0 : i32
        %dma_wait3A_938 = tpu.memref_slice %arg2[%dma_wait3A_936, %dma_wait3A_937] : memref<32x1000000xf32, #tpu.memory_space<hbm>> -> memref<32x128xf32, #tpu.memory_space<hbm>>
        %dma_wait3A_939 = tpu.memref_slice %arg16[%rem3A_932] : memref<11x!tpu.dma_semaphore, #tpu.memory_space<semaphore_mem>> -> memref<1x!tpu.dma_semaphore, #tpu.memory_space<semaphore_mem>>
        %dma_wait3A_940 = tpu.memref_squeeze %dma_wait3A_939 : memref<1x!tpu.dma_semaphore, #tpu.memory_space<semaphore_mem>> -> memref<!tpu.dma_semaphore, #tpu.memory_space<semaphore_mem>>
        %dma_wait3A_941 = arith.constant 0 : i32
        %dma_wait3A_942 = arith.constant 0 : i32
        %dma_wait3A_943 = tpu.memref_slice %arg11[%rem3A_932, %dma_wait3A_941, %dma_wait3A_942] : memref<11x32x128xf32, #tpu.memory_space<vmem>> -> memref<1x32x128xf32, #tpu.memory_space<vmem>>
        %dma_wait3A_944 = tpu.memref_squeeze %dma_wait3A_943 : memref<1x32x128xf32, #tpu.memory_space<vmem>> -> memref<32x128xf32, #tpu.memory_space<vmem>>
        %dma_wait3A_945 = arith.constant 0 : i32
        %dma_wait3A_946 = arith.constant 0 : i32
        %dma_wait3A_947 = tpu.memref_slice %arg2[%dma_wait3A_945, %dma_wait3A_946] : memref<32x1000000xf32, #tpu.memory_space<hbm>> -> memref<32x128xf32, #tpu.memory_space<hbm>>
        tpu.wait_dma2 semaphore(%dma_wait3A_940 : memref<!tpu.dma_semaphore, #tpu.memory_space<semaphore_mem>>) src(%dma_wait3A_947 : memref<32x128xf32, #tpu.memory_space<hbm>>) dst(%dma_wait3A_944 : memref<32x128xf32, #tpu.memory_space<vmem>>)
        %dma_wait3A_948 = arith.constant 0 : i32
        %dma_wait3A_949 = arith.constant 0 : i32
        %dma_wait3A_950 = tpu.memref_slice %arg12[%rem3A_932, %dma_wait3A_948, %dma_wait3A_949] : memref<11x32x128xf32, #tpu.memory_space<vmem>> -> memref<1x32x128xf32, #tpu.memory_space<vmem>>
        %dma_wait3A_951 = tpu.memref_squeeze %dma_wait3A_950 : memref<1x32x128xf32, #tpu.memory_space<vmem>> -> memref<32x128xf32, #tpu.memory_space<vmem>>
        %dma_wait3A_952 = arith.constant 0 : i32
        %dma_wait3A_953 = arith.constant 0 : i32
        %dma_wait3A_954 = tpu.memref_slice %arg2[%dma_wait3A_952, %dma_wait3A_953] : memref<32x1000000xf32, #tpu.memory_space<hbm>> -> memref<32x128xf32, #tpu.memory_space<hbm>>
        %dma_wait3A_955 = tpu.memref_slice %arg16[%rem3A_932] : memref<11x!tpu.dma_semaphore, #tpu.memory_space<semaphore_mem>> -> memref<1x!tpu.dma_semaphore, #tpu.memory_space<semaphore_mem>>
        %dma_wait3A_956 = tpu.memref_squeeze %dma_wait3A_955 : memref<1x!tpu.dma_semaphore, #tpu.memory_space<semaphore_mem>> -> memref<!tpu.dma_semaphore, #tpu.memory_space<semaphore_mem>>
        %dma_wait3A_957 = arith.constant 0 : i32
        %dma_wait3A_958 = arith.constant 0 : i32
        %dma_wait3A_959 = tpu.memref_slice %arg12[%rem3A_932, %dma_wait3A_957, %dma_wait3A_958] : memref<11x32x128xf32, #tpu.memory_space<vmem>> -> memref<1x32x128xf32, #tpu.memory_space<vmem>>
        %dma_wait3A_960 = tpu.memref_squeeze %dma_wait3A_959 : memref<1x32x128xf32, #tpu.memory_space<vmem>> -> memref<32x128xf32, #tpu.memory_space<vmem>>
        %dma_wait3A_961 = arith.constant 0 : i32
        %dma_wait3A_962 = arith.constant 0 : i32
        %dma_wait3A_963 = tpu.memref_slice %arg2[%dma_wait3A_961, %dma_wait3A_962] : memref<32x1000000xf32, #tpu.memory_space<hbm>> -> memref<32x128xf32, #tpu.memory_space<hbm>>
        tpu.wait_dma2 semaphore(%dma_wait3A_956 : memref<!tpu.dma_semaphore, #tpu.memory_space<semaphore_mem>>) src(%dma_wait3A_963 : memref<32x128xf32, #tpu.memory_space<hbm>>) dst(%dma_wait3A_960 : memref<32x128xf32, #tpu.memory_space<vmem>>)
        %broadcast_in_dim3A_964 = vector.broadcast %sub3A_930 : i32 to vector<16xi32>
        %gather3A = tpu.vector_load_idx %arg9[%broadcast_in_dim3A_964] : memref<512xi32, #tpu.memory_space<vmem>>[vector<16xi32>], vector<16xi32>,
        %gather3A_965 = tpu.vector_load_idx %arg10[%broadcast_in_dim3A_964] : memref<512xi32, #tpu.memory_space<vmem>>[vector<16xi32>], vector<16xi32>,
        %add3A_966 = arith.constant 0 : i32
        %add3A_967 = vector.broadcast %add3A_966 : i32 to vector<16xi32>
        %add3A_968 = arith.addi %iota3A, %add3A_967 : vector<16xi32>
        %gather3A_969 = arith.constant 0 : i32
        %gather3A_970 = arith.constant 0 : i32
        %gather3A_971 = tpu.memref_slice %arg11[%rem3A_932, %gather3A_969, %gather3A_970] : memref<11x32x128xf32, #tpu.memory_space<vmem>> -> memref<1x32x128xf32, #tpu.memory_space<vmem>>
        %gather3A_972 = tpu.memref_squeeze %gather3A_971 : memref<1x32x128xf32, #tpu.memory_space<vmem>> -> memref<32x128xf32, #tpu.memory_space<vmem>>
        %gather3A_973 = tpu.vector_load_idx %gather3A_972[%add3A_968, %gather3A] : memref<32x128xf32, #tpu.memory_space<vmem>>[vector<16xi32>, vector<16xi32>], vector<16xf32>,
        %gather3A_974 = arith.constant 0 : i32
        %gather3A_975 = arith.constant 0 : i32
        %gather3A_976 = tpu.memref_slice %arg12[%rem3A_932, %gather3A_974, %gather3A_975] : memref<11x32x128xf32, #tpu.memory_space<vmem>> -> memref<1x32x128xf32, #tpu.memory_space<vmem>>
        %gather3A_977 = tpu.memref_squeeze %gather3A_976 : memref<1x32x128xf32, #tpu.memory_space<vmem>> -> memref<32x128xf32, #tpu.memory_space<vmem>>
        %gather3A_978 = tpu.vector_load_idx %gather3A_977[%add3A_968, %gather3A_965] : memref<32x128xf32, #tpu.memory_space<vmem>>[vector<16xi32>, vector<16xi32>], vector<16xf32>,
        tpu.vector_store_idx %arg13[%add3A_968, %broadcast_in_dim3A_964], %gather3A_973 : memref<32x512xf32, #tpu.memory_space<vmem>>[vector<16xi32>, vector<16xi32>], vector<16xf32>,
        tpu.vector_store_idx %arg14[%add3A_968, %broadcast_in_dim3A_964], %gather3A_978 : memref<32x512xf32, #tpu.memory_space<vmem>>[vector<16xi32>, vector<16xi32>], vector<16xf32>,
        %add3A_979 = arith.constant 16 : i32
        %add3A_980 = vector.broadcast %add3A_979 : i32 to vector<16xi32>
        %add3A_981 = arith.addi %iota3A, %add3A_980 : vector<16xi32>
        %gather3A_982 = arith.constant 0 : i32
        %gather3A_983 = arith.constant 0 : i32
        %gather3A_984 = tpu.memref_slice %arg11[%rem3A_932, %gather3A_982, %gather3A_983] : memref<11x32x128xf32, #tpu.memory_space<vmem>> -> memref<1x32x128xf32, #tpu.memory_space<vmem>>
        %gather3A_985 = tpu.memref_squeeze %gather3A_984 : memref<1x32x128xf32, #tpu.memory_space<vmem>> -> memref<32x128xf32, #tpu.memory_space<vmem>>
        %gather3A_986 = tpu.vector_load_idx %gather3A_985[%add3A_981, %gather3A] : memref<32x128xf32, #tpu.memory_space<vmem>>[vector<16xi32>, vector<16xi32>], vector<16xf32>,
        %gather3A_987 = arith.constant 0 : i32
        %gather3A_988 = arith.constant 0 : i32
        %gather3A_989 = tpu.memref_slice %arg12[%rem3A_932, %gather3A_987, %gather3A_988] : memref<11x32x128xf32, #tpu.memory_space<vmem>> -> memref<1x32x128xf32, #tpu.memory_space<vmem>>
        %gather3A_990 = tpu.memref_squeeze %gather3A_989 : memref<1x32x128xf32, #tpu.memory_space<vmem>> -> memref<32x128xf32, #tpu.memory_space<vmem>>
        %gather3A_991 = tpu.vector_load_idx %gather3A_990[%add3A_981, %gather3A_965] : memref<32x128xf32, #tpu.memory_space<vmem>>[vector<16xi32>, vector<16xi32>], vector<16xf32>,
        tpu.vector_store_idx %arg13[%add3A_981, %broadcast_in_dim3A_964], %gather3A_986 : memref<32x512xf32, #tpu.memory_space<vmem>>[vector<16xi32>, vector<16xi32>], vector<16xf32>,
        tpu.vector_store_idx %arg14[%add3A_981, %broadcast_in_dim3A_964], %gather3A_991 : memref<32x512xf32, #tpu.memory_space<vmem>>[vector<16xi32>, vector<16xi32>], vector<16xf32>,
      } else {
      }
      %rem3A_881 = arith.constant 11 : i32
      %rem3A_882 = arith.remsi %add3A_875, %rem3A_881 : i32
      %eq3A_883 = arith.constant 15 : i32
      %eq3A_884 = vector.broadcast %eq3A_883 : i32 to vector<16xi32>
      %eq3A_885 = arith.cmpi eq, %iota3A, %eq3A_884 : vector<16xi32>
      %jit3A_886 = arith.constant 0 : i32
      %broadcast_in_dim3A_887 = vector.broadcast %jit3A_886 : i32 to vector<16xi32>
      %select_n3A_888 = arith.select %eq3A_885, %shift_left3A_29, %broadcast_in_dim3A_887 : vector<16xi1>, vector<16xi32>
      %reduce_sum3A_889 = arith.constant true
      %reduce_sum3A_890 = vector.broadcast %reduce_sum3A_889 : i1 to vector<16xi1>
      %reduce_sum3A_891 = tpu.scan <sum>, %select_n3A_888 masked %reduce_sum3A_890 : vector<16xi32>, vector<16xi1> -> vector<16xi32>
      %reduce_sum3A_892 = vector.extract %reduce_sum3A_891[15] : i32 from vector<16xi32>
      %multiple_of3A_893 = tpu.assume_multiple %reduce_sum3A_892, 128 : i32
      %jit3A_894 = arith.constant 0 : i32
      %broadcast_in_dim3A_895 = vector.broadcast %jit3A_894 : i32 to vector<16xi32>
      %select_n3A_896 = arith.select %eq3A_885, %shift_left3A_35, %broadcast_in_dim3A_895 : vector<16xi1>, vector<16xi32>
      %reduce_sum3A_897 = arith.constant true
      %reduce_sum3A_898 = vector.broadcast %reduce_sum3A_897 : i1 to vector<16xi1>
      %reduce_sum3A_899 = tpu.scan <sum>, %select_n3A_896 masked %reduce_sum3A_898 : vector<16xi32>, vector<16xi1> -> vector<16xi32>
      %reduce_sum3A_900 = vector.extract %reduce_sum3A_899[15] : i32 from vector<16xi32>
      %multiple_of3A_901 = tpu.assume_multiple %reduce_sum3A_900, 128 : i32
      %dma_start3A_902 = arith.constant 0 : i32
      %dma_start3A_903 = arith.constant 0 : i32
      %dma_start3A_904 = tpu.memref_slice %arg11[%rem3A_882, %dma_start3A_902, %dma_start3A_903] : memref<11x32x128xf32, #tpu.memory_space<vmem>> -> memref<1x32x128xf32, #tpu.memory_space<vmem>>
      %dma_start3A_905 = tpu.memref_squeeze %dma_start3A_904 : memref<1x32x128xf32, #tpu.memory_space<vmem>> -> memref<32x128xf32, #tpu.memory_space<vmem>>
      %dma_start3A_906 = arith.constant 0 : i32
      %dma_start3A_907 = tpu.memref_slice %arg2[%dma_start3A_906, %multiple_of3A_893] : memref<32x1000000xf32, #tpu.memory_space<hbm>> -> memref<32x128xf32, #tpu.memory_space<hbm>>
      %dma_start3A_908 = tpu.memref_slice %arg16[%rem3A_882] : memref<11x!tpu.dma_semaphore, #tpu.memory_space<semaphore_mem>> -> memref<1x!tpu.dma_semaphore, #tpu.memory_space<semaphore_mem>>
      %dma_start3A_909 = tpu.memref_squeeze %dma_start3A_908 : memref<1x!tpu.dma_semaphore, #tpu.memory_space<semaphore_mem>> -> memref<!tpu.dma_semaphore, #tpu.memory_space<semaphore_mem>>
      %dma_start3A_910 = arith.constant 0 : i32
      %dma_start3A_911 = arith.constant 0 : i32
      %dma_start3A_912 = tpu.memref_slice %arg11[%rem3A_882, %dma_start3A_910, %dma_start3A_911] : memref<11x32x128xf32, #tpu.memory_space<vmem>> -> memref<1x32x128xf32, #tpu.memory_space<vmem>>
      %dma_start3A_913 = tpu.memref_squeeze %dma_start3A_912 : memref<1x32x128xf32, #tpu.memory_space<vmem>> -> memref<32x128xf32, #tpu.memory_space<vmem>>
      %dma_start3A_914 = arith.constant 0 : i32
      %dma_start3A_915 = tpu.memref_slice %arg2[%dma_start3A_914, %multiple_of3A_893] : memref<32x1000000xf32, #tpu.memory_space<hbm>> -> memref<32x128xf32, #tpu.memory_space<hbm>>
      tpu.enqueue_dma source(%dma_start3A_915 : memref<32x128xf32, #tpu.memory_space<hbm>>) target(%dma_start3A_913 : memref<32x128xf32, #tpu.memory_space<vmem>>) target_semaphore(%dma_start3A_909 : memref<!tpu.dma_semaphore, #tpu.memory_space<semaphore_mem>>)
      %dma_start3A_916 = arith.constant 0 : i32
      %dma_start3A_917 = arith.constant 0 : i32
      %dma_start3A_918 = tpu.memref_slice %arg12[%rem3A_882, %dma_start3A_916, %dma_start3A_917] : memref<11x32x128xf32, #tpu.memory_space<vmem>> -> memref<1x32x128xf32, #tpu.memory_space<vmem>>
      %dma_start3A_919 = tpu.memref_squeeze %dma_start3A_918 : memref<1x32x128xf32, #tpu.memory_space<vmem>> -> memref<32x128xf32, #tpu.memory_space<vmem>>
      %dma_start3A_920 = arith.constant 0 : i32
      %dma_start3A_921 = tpu.memref_slice %arg3[%dma_start3A_920, %multiple_of3A_901] : memref<32x1000000xf32, #tpu.memory_space<hbm>> -> memref<32x128xf32, #tpu.memory_space<hbm>>
      %dma_start3A_922 = tpu.memref_slice %arg16[%rem3A_882] : memref<11x!tpu.dma_semaphore, #tpu.memory_space<semaphore_mem>> -> memref<1x!tpu.dma_semaphore, #tpu.memory_space<semaphore_mem>>
      %dma_start3A_923 = tpu.memref_squeeze %dma_start3A_922 : memref<1x!tpu.dma_semaphore, #tpu.memory_space<semaphore_mem>> -> memref<!tpu.dma_semaphore, #tpu.memory_space<semaphore_mem>>
      %dma_start3A_924 = arith.constant 0 : i32
      %dma_start3A_925 = arith.constant 0 : i32
      %dma_start3A_926 = tpu.memref_slice %arg12[%rem3A_882, %dma_start3A_924, %dma_start3A_925] : memref<11x32x128xf32, #tpu.memory_space<vmem>> -> memref<1x32x128xf32, #tpu.memory_space<vmem>>
      %dma_start3A_927 = tpu.memref_squeeze %dma_start3A_926 : memref<1x32x128xf32, #tpu.memory_space<vmem>> -> memref<32x128xf32, #tpu.memory_space<vmem>>
      %dma_start3A_928 = arith.constant 0 : i32
      %dma_start3A_929 = tpu.memref_slice %arg3[%dma_start3A_928, %multiple_of3A_901] : memref<32x1000000xf32, #tpu.memory_space<hbm>> -> memref<32x128xf32, #tpu.memory_space<hbm>>
      tpu.enqueue_dma source(%dma_start3A_929 : memref<32x128xf32, #tpu.memory_space<hbm>>) target(%dma_start3A_927 : memref<32x128xf32, #tpu.memory_space<vmem>>) target_semaphore(%dma_start3A_923 : memref<!tpu.dma_semaphore, #tpu.memory_space<semaphore_mem>>)
    }
    %scan3A_5 = arith.constant 32 : i32
    %scan3A_6 = arith.constant 0 : i32
    %scan3A_7 = arith.constant 501 : i32
    %scan3A_8 = arith.constant 11 : i32
    %scan3A_9 = arith.addi %scan3A_7, %scan3A_8 : i32
    %scan3A_10 = arith.constant 1 : i32
    scf.for %scan3A_20 = %scan3A_7 to %scan3A_9 step %scan3A_10  : i32 {
      %rem3A = arith.constant 11 : i32
      %rem3A_21 = arith.remsi %scan3A_20, %rem3A : i32
      %dma_wait3A = arith.constant 0 : i32
      %dma_wait3A_22 = arith.constant 0 : i32
      %dma_wait3A_23 = tpu.memref_slice %arg11[%rem3A_21, %dma_wait3A, %dma_wait3A_22] : memref<11x32x128xf32, #tpu.memory_space<vmem>> -> memref<1x32x128xf32, #tpu.memory_space<vmem>>
      %dma_wait3A_24 = tpu.memref_squeeze %dma_wait3A_23 : memref<1x32x128xf32, #tpu.memory_space<vmem>> -> memref<32x128xf32, #tpu.memory_space<vmem>>
      %dma_wait3A_25 = arith.constant 0 : i32
      %dma_wait3A_26 = arith.constant 0 : i32
      %dma_wait3A_27 = tpu.memref_slice %arg2[%dma_wait3A_25, %dma_wait3A_26] : memref<32x1000000xf32, #tpu.memory_space<hbm>> -> memref<32x128xf32, #tpu.memory_space<hbm>>
      %dma_wait3A_28 = tpu.memref_slice %arg16[%rem3A_21] : memref<11x!tpu.dma_semaphore, #tpu.memory_space<semaphore_mem>> -> memref<1x!tpu.dma_semaphore, #tpu.memory_space<semaphore_mem>>
      %dma_wait3A_29 = tpu.memref_squeeze %dma_wait3A_28 : memref<1x!tpu.dma_semaphore, #tpu.memory_space<semaphore_mem>> -> memref<!tpu.dma_semaphore, #tpu.memory_space<semaphore_mem>>
      %dma_wait3A_30 = arith.constant 0 : i32
      %dma_wait3A_31 = arith.constant 0 : i32
      %dma_wait3A_32 = tpu.memref_slice %arg11[%rem3A_21, %dma_wait3A_30, %dma_wait3A_31] : memref<11x32x128xf32, #tpu.memory_space<vmem>> -> memref<1x32x128xf32, #tpu.memory_space<vmem>>
      %dma_wait3A_33 = tpu.memref_squeeze %dma_wait3A_32 : memref<1x32x128xf32, #tpu.memory_space<vmem>> -> memref<32x128xf32, #tpu.memory_space<vmem>>
      %dma_wait3A_34 = arith.constant 0 : i32
      %dma_wait3A_35 = arith.constant 0 : i32
      %dma_wait3A_36 = tpu.memref_slice %arg2[%dma_wait3A_34, %dma_wait3A_35] : memref<32x1000000xf32, #tpu.memory_space<hbm>> -> memref<32x128xf32, #tpu.memory_space<hbm>>
      tpu.wait_dma2 semaphore(%dma_wait3A_29 : memref<!tpu.dma_semaphore, #tpu.memory_space<semaphore_mem>>) src(%dma_wait3A_36 : memref<32x128xf32, #tpu.memory_space<hbm>>) dst(%dma_wait3A_33 : memref<32x128xf32, #tpu.memory_space<vmem>>)
      %dma_wait3A_37 = arith.constant 0 : i32
      %dma_wait3A_38 = arith.constant 0 : i32
      %dma_wait3A_39 = tpu.memref_slice %arg12[%rem3A_21, %dma_wait3A_37, %dma_wait3A_38] : memref<11x32x128xf32, #tpu.memory_space<vmem>> -> memref<1x32x128xf32, #tpu.memory_space<vmem>>
      %dma_wait3A_40 = tpu.memref_squeeze %dma_wait3A_39 : memref<1x32x128xf32, #tpu.memory_space<vmem>> -> memref<32x128xf32, #tpu.memory_space<vmem>>
      %dma_wait3A_41 = arith.constant 0 : i32
      %dma_wait3A_42 = arith.constant 0 : i32
      %dma_wait3A_43 = tpu.memref_slice %arg2[%dma_wait3A_41, %dma_wait3A_42] : memref<32x1000000xf32, #tpu.memory_space<hbm>> -> memref<32x128xf32, #tpu.memory_space<hbm>>
      %dma_wait3A_44 = tpu.memref_slice %arg16[%rem3A_21] : memref<11x!tpu.dma_semaphore, #tpu.memory_space<semaphore_mem>> -> memref<1x!tpu.dma_semaphore, #tpu.memory_space<semaphore_mem>>
      %dma_wait3A_45 = tpu.memref_squeeze %dma_wait3A_44 : memref<1x!tpu.dma_semaphore, #tpu.memory_space<semaphore_mem>> -> memref<!tpu.dma_semaphore, #tpu.memory_space<semaphore_mem>>
      %dma_wait3A_46 = arith.constant 0 : i32
      %dma_wait3A_47 = arith.constant 0 : i32
      %dma_wait3A_48 = tpu.memref_slice %arg12[%rem3A_21, %dma_wait3A_46, %dma_wait3A_47] : memref<11x32x128xf32, #tpu.memory_space<vmem>> -> memref<1x32x128xf32, #tpu.memory_space<vmem>>
      %dma_wait3A_49 = tpu.memref_squeeze %dma_wait3A_48 : memref<1x32x128xf32, #tpu.memory_space<vmem>> -> memref<32x128xf32, #tpu.memory_space<vmem>>
      %dma_wait3A_50 = arith.constant 0 : i32
      %dma_wait3A_51 = arith.constant 0 : i32
      %dma_wait3A_52 = tpu.memref_slice %arg2[%dma_wait3A_50, %dma_wait3A_51] : memref<32x1000000xf32, #tpu.memory_space<hbm>> -> memref<32x128xf32, #tpu.memory_space<hbm>>
      tpu.wait_dma2 semaphore(%dma_wait3A_45 : memref<!tpu.dma_semaphore, #tpu.memory_space<semaphore_mem>>) src(%dma_wait3A_52 : memref<32x128xf32, #tpu.memory_space<hbm>>) dst(%dma_wait3A_49 : memref<32x128xf32, #tpu.memory_space<vmem>>)
      %broadcast_in_dim3A = vector.broadcast %scan3A_20 : i32 to vector<16xi32>
      %gather3A = tpu.vector_load_idx %arg9[%broadcast_in_dim3A] : memref<512xi32, #tpu.memory_space<vmem>>[vector<16xi32>], vector<16xi32>,
      %gather3A_53 = tpu.vector_load_idx %arg10[%broadcast_in_dim3A] : memref<512xi32, #tpu.memory_space<vmem>>[vector<16xi32>], vector<16xi32>,
      %add3A_54 = arith.constant 0 : i32
      %add3A_55 = vector.broadcast %add3A_54 : i32 to vector<16xi32>
      %add3A_56 = arith.addi %iota3A, %add3A_55 : vector<16xi32>
      %gather3A_57 = arith.constant 0 : i32
      %gather3A_58 = arith.constant 0 : i32
      %gather3A_59 = tpu.memref_slice %arg11[%rem3A_21, %gather3A_57, %gather3A_58] : memref<11x32x128xf32, #tpu.memory_space<vmem>> -> memref<1x32x128xf32, #tpu.memory_space<vmem>>
      %gather3A_60 = tpu.memref_squeeze %gather3A_59 : memref<1x32x128xf32, #tpu.memory_space<vmem>> -> memref<32x128xf32, #tpu.memory_space<vmem>>
      %gather3A_61 = tpu.vector_load_idx %gather3A_60[%add3A_56, %gather3A] : memref<32x128xf32, #tpu.memory_space<vmem>>[vector<16xi32>, vector<16xi32>], vector<16xf32>,
      %gather3A_62 = arith.constant 0 : i32
      %gather3A_63 = arith.constant 0 : i32
      %gather3A_64 = tpu.memref_slice %arg12[%rem3A_21, %gather3A_62, %gather3A_63] : memref<11x32x128xf32, #tpu.memory_space<vmem>> -> memref<1x32x128xf32, #tpu.memory_space<vmem>>
      %gather3A_65 = tpu.memref_squeeze %gather3A_64 : memref<1x32x128xf32, #tpu.memory_space<vmem>> -> memref<32x128xf32, #tpu.memory_space<vmem>>
      %gather3A_66 = tpu.vector_load_idx %gather3A_65[%add3A_56, %gather3A_53] : memref<32x128xf32, #tpu.memory_space<vmem>>[vector<16xi32>, vector<16xi32>], vector<16xf32>,
      tpu.vector_store_idx %arg13[%add3A_56, %broadcast_in_dim3A], %gather3A_61 : memref<32x512xf32, #tpu.memory_space<vmem>>[vector<16xi32>, vector<16xi32>], vector<16xf32>,
      tpu.vector_store_idx %arg14[%add3A_56, %broadcast_in_dim3A], %gather3A_66 : memref<32x512xf32, #tpu.memory_space<vmem>>[vector<16xi32>, vector<16xi32>], vector<16xf32>,
      %add3A_67 = arith.constant 16 : i32
      %add3A_68 = vector.broadcast %add3A_67 : i32 to vector<16xi32>
      %add3A_69 = arith.addi %iota3A, %add3A_68 : vector<16xi32>
      %gather3A_70 = arith.constant 0 : i32
      %gather3A_71 = arith.constant 0 : i32
      %gather3A_72 = tpu.memref_slice %arg11[%rem3A_21, %gather3A_70, %gather3A_71] : memref<11x32x128xf32, #tpu.memory_space<vmem>> -> memref<1x32x128xf32, #tpu.memory_space<vmem>>
      %gather3A_73 = tpu.memref_squeeze %gather3A_72 : memref<1x32x128xf32, #tpu.memory_space<vmem>> -> memref<32x128xf32, #tpu.memory_space<vmem>>
      %gather3A_74 = tpu.vector_load_idx %gather3A_73[%add3A_69, %gather3A] : memref<32x128xf32, #tpu.memory_space<vmem>>[vector<16xi32>, vector<16xi32>], vector<16xf32>,
      %gather3A_75 = arith.constant 0 : i32
      %gather3A_76 = arith.constant 0 : i32
      %gather3A_77 = tpu.memref_slice %arg12[%rem3A_21, %gather3A_75, %gather3A_76] : memref<11x32x128xf32, #tpu.memory_space<vmem>> -> memref<1x32x128xf32, #tpu.memory_space<vmem>>
      %gather3A_78 = tpu.memref_squeeze %gather3A_77 : memref<1x32x128xf32, #tpu.memory_space<vmem>> -> memref<32x128xf32, #tpu.memory_space<vmem>>
      %gather3A_79 = tpu.vector_load_idx %gather3A_78[%add3A_69, %gather3A_53] : memref<32x128xf32, #tpu.memory_space<vmem>>[vector<16xi32>, vector<16xi32>], vector<16xf32>,
      tpu.vector_store_idx %arg13[%add3A_69, %broadcast_in_dim3A], %gather3A_74 : memref<32x512xf32, #tpu.memory_space<vmem>>[vector<16xi32>, vector<16xi32>], vector<16xf32>,
      tpu.vector_store_idx %arg14[%add3A_69, %broadcast_in_dim3A], %gather3A_79 : memref<32x512xf32, #tpu.memory_space<vmem>>[vector<16xi32>, vector<16xi32>], vector<16xf32>,
    }
    %scan3A_11 = arith.constant 11 : i32
    %scan3A_12 = arith.constant 0 : i32
    %scan3A_13 = arith.constant 0 : i32
    %scan3A_14 = arith.constant 32 : i32
    %scan3A_15 = arith.addi %scan3A_13, %scan3A_14 : i32
    %scan3A_16 = arith.constant 1 : i32
    scf.for %scan3A_20 = %scan3A_13 to %scan3A_15 step %scan3A_16  : i32 {
      %mul3A_21 = arith.constant 16 : i32
      %mul3A_22 = arith.muli %scan3A_20, %mul3A_21 : i32
      %broadcast_in_dim3A = arith.constant 0.000000e+00 : f32
      %broadcast_in_dim3A_23 = vector.broadcast %broadcast_in_dim3A : f32 to vector<16xf32>
      %get3A = arith.constant 0 : i32
      %get3A_24 = arith.index_cast %get3A : i32 to index
      %get3A_25 = arith.index_cast %mul3A_22 : i32 to index
      %get3A_26 = tpu.vector_load %arg13[%get3A_24, %get3A_25] {strides = array<i32>} : memref<32x512xf32, #tpu.memory_space<vmem>>, vector<16xf32>,
      %get3A_27 = arith.constant 0 : i32
      %get3A_28 = arith.index_cast %get3A_27 : i32 to index
      %get3A_29 = arith.index_cast %mul3A_22 : i32 to index
      %get3A_30 = tpu.vector_load %arg14[%get3A_28, %get3A_29] {strides = array<i32>} : memref<32x512xf32, #tpu.memory_space<vmem>>, vector<16xf32>,
      %mul3A_31 = arith.mulf %get3A_26, %get3A_30 : vector<16xf32>
      %add3A_32 = arith.addf %broadcast_in_dim3A_23, %mul3A_31 : vector<16xf32>
      %get3A_33 = arith.constant 1 : i32
      %get3A_34 = arith.index_cast %get3A_33 : i32 to index
      %get3A_35 = arith.index_cast %mul3A_22 : i32 to index
      %get3A_36 = tpu.vector_load %arg13[%get3A_34, %get3A_35] {strides = array<i32>} : memref<32x512xf32, #tpu.memory_space<vmem>>, vector<16xf32>,
      %get3A_37 = arith.constant 1 : i32
      %get3A_38 = arith.index_cast %get3A_37 : i32 to index
      %get3A_39 = arith.index_cast %mul3A_22 : i32 to index
      %get3A_40 = tpu.vector_load %arg14[%get3A_38, %get3A_39] {strides = array<i32>} : memref<32x512xf32, #tpu.memory_space<vmem>>, vector<16xf32>,
      %mul3A_41 = arith.mulf %get3A_36, %get3A_40 : vector<16xf32>
      %add3A_42 = arith.addf %add3A_32, %mul3A_41 : vector<16xf32>
      %get3A_43 = arith.constant 2 : i32
      %get3A_44 = arith.index_cast %get3A_43 : i32 to index
      %get3A_45 = arith.index_cast %mul3A_22 : i32 to index
      %get3A_46 = tpu.vector_load %arg13[%get3A_44, %get3A_45] {strides = array<i32>} : memref<32x512xf32, #tpu.memory_space<vmem>>, vector<16xf32>,
      %get3A_47 = arith.constant 2 : i32
      %get3A_48 = arith.index_cast %get3A_47 : i32 to index
      %get3A_49 = arith.index_cast %mul3A_22 : i32 to index
      %get3A_50 = tpu.vector_load %arg14[%get3A_48, %get3A_49] {strides = array<i32>} : memref<32x512xf32, #tpu.memory_space<vmem>>, vector<16xf32>,
      %mul3A_51 = arith.mulf %get3A_46, %get3A_50 : vector<16xf32>
      %add3A_52 = arith.addf %add3A_42, %mul3A_51 : vector<16xf32>
      %get3A_53 = arith.constant 3 : i32
      %get3A_54 = arith.index_cast %get3A_53 : i32 to index
      %get3A_55 = arith.index_cast %mul3A_22 : i32 to index
      %get3A_56 = tpu.vector_load %arg13[%get3A_54, %get3A_55] {strides = array<i32>} : memref<32x512xf32, #tpu.memory_space<vmem>>, vector<16xf32>,
      %get3A_57 = arith.constant 3 : i32
      %get3A_58 = arith.index_cast %get3A_57 : i32 to index
      %get3A_59 = arith.index_cast %mul3A_22 : i32 to index
      %get3A_60 = tpu.vector_load %arg14[%get3A_58, %get3A_59] {strides = array<i32>} : memref<32x512xf32, #tpu.memory_space<vmem>>, vector<16xf32>,
      %mul3A_61 = arith.mulf %get3A_56, %get3A_60 : vector<16xf32>
      %add3A_62 = arith.addf %add3A_52, %mul3A_61 : vector<16xf32>
      %get3A_63 = arith.constant 4 : i32
      %get3A_64 = arith.index_cast %get3A_63 : i32 to index
      %get3A_65 = arith.index_cast %mul3A_22 : i32 to index
      %get3A_66 = tpu.vector_load %arg13[%get3A_64, %get3A_65] {strides = array<i32>} : memref<32x512xf32, #tpu.memory_space<vmem>>, vector<16xf32>,
      %get3A_67 = arith.constant 4 : i32
      %get3A_68 = arith.index_cast %get3A_67 : i32 to index
      %get3A_69 = arith.index_cast %mul3A_22 : i32 to index
      %get3A_70 = tpu.vector_load %arg14[%get3A_68, %get3A_69] {strides = array<i32>} : memref<32x512xf32, #tpu.memory_space<vmem>>, vector<16xf32>,
      %mul3A_71 = arith.mulf %get3A_66, %get3A_70 : vector<16xf32>
      %add3A_72 = arith.addf %add3A_62, %mul3A_71 : vector<16xf32>
      %get3A_73 = arith.constant 5 : i32
      %get3A_74 = arith.index_cast %get3A_73 : i32 to index
      %get3A_75 = arith.index_cast %mul3A_22 : i32 to index
      %get3A_76 = tpu.vector_load %arg13[%get3A_74, %get3A_75] {strides = array<i32>} : memref<32x512xf32, #tpu.memory_space<vmem>>, vector<16xf32>,
      %get3A_77 = arith.constant 5 : i32
      %get3A_78 = arith.index_cast %get3A_77 : i32 to index
      %get3A_79 = arith.index_cast %mul3A_22 : i32 to index
      %get3A_80 = tpu.vector_load %arg14[%get3A_78, %get3A_79] {strides = array<i32>} : memref<32x512xf32, #tpu.memory_space<vmem>>, vector<16xf32>,
      %mul3A_81 = arith.mulf %get3A_76, %get3A_80 : vector<16xf32>
      %add3A_82 = arith.addf %add3A_72, %mul3A_81 : vector<16xf32>
      %get3A_83 = arith.constant 6 : i32
      %get3A_84 = arith.index_cast %get3A_83 : i32 to index
      %get3A_85 = arith.index_cast %mul3A_22 : i32 to index
      %get3A_86 = tpu.vector_load %arg13[%get3A_84, %get3A_85] {strides = array<i32>} : memref<32x512xf32, #tpu.memory_space<vmem>>, vector<16xf32>,
      %get3A_87 = arith.constant 6 : i32
      %get3A_88 = arith.index_cast %get3A_87 : i32 to index
      %get3A_89 = arith.index_cast %mul3A_22 : i32 to index
      %get3A_90 = tpu.vector_load %arg14[%get3A_88, %get3A_89] {strides = array<i32>} : memref<32x512xf32, #tpu.memory_space<vmem>>, vector<16xf32>,
      %mul3A_91 = arith.mulf %get3A_86, %get3A_90 : vector<16xf32>
      %add3A_92 = arith.addf %add3A_82, %mul3A_91 : vector<16xf32>
      %get3A_93 = arith.constant 7 : i32
      %get3A_94 = arith.index_cast %get3A_93 : i32 to index
      %get3A_95 = arith.index_cast %mul3A_22 : i32 to index
      %get3A_96 = tpu.vector_load %arg13[%get3A_94, %get3A_95] {strides = array<i32>} : memref<32x512xf32, #tpu.memory_space<vmem>>, vector<16xf32>,
      %get3A_97 = arith.constant 7 : i32
      %get3A_98 = arith.index_cast %get3A_97 : i32 to index
      %get3A_99 = arith.index_cast %mul3A_22 : i32 to index
      %get3A_100 = tpu.vector_load %arg14[%get3A_98, %get3A_99] {strides = array<i32>} : memref<32x512xf32, #tpu.memory_space<vmem>>, vector<16xf32>,
      %mul3A_101 = arith.mulf %get3A_96, %get3A_100 : vector<16xf32>
      %add3A_102 = arith.addf %add3A_92, %mul3A_101 : vector<16xf32>
      %get3A_103 = arith.constant 8 : i32
      %get3A_104 = arith.index_cast %get3A_103 : i32 to index
      %get3A_105 = arith.index_cast %mul3A_22 : i32 to index
      %get3A_106 = tpu.vector_load %arg13[%get3A_104, %get3A_105] {strides = array<i32>} : memref<32x512xf32, #tpu.memory_space<vmem>>, vector<16xf32>,
      %get3A_107 = arith.constant 8 : i32
      %get3A_108 = arith.index_cast %get3A_107 : i32 to index
      %get3A_109 = arith.index_cast %mul3A_22 : i32 to index
      %get3A_110 = tpu.vector_load %arg14[%get3A_108, %get3A_109] {strides = array<i32>} : memref<32x512xf32, #tpu.memory_space<vmem>>, vector<16xf32>,
      %mul3A_111 = arith.mulf %get3A_106, %get3A_110 : vector<16xf32>
      %add3A_112 = arith.addf %add3A_102, %mul3A_111 : vector<16xf32>
      %get3A_113 = arith.constant 9 : i32
      %get3A_114 = arith.index_cast %get3A_113 : i32 to index
      %get3A_115 = arith.index_cast %mul3A_22 : i32 to index
      %get3A_116 = tpu.vector_load %arg13[%get3A_114, %get3A_115] {strides = array<i32>} : memref<32x512xf32, #tpu.memory_space<vmem>>, vector<16xf32>,
      %get3A_117 = arith.constant 9 : i32
      %get3A_118 = arith.index_cast %get3A_117 : i32 to index
      %get3A_119 = arith.index_cast %mul3A_22 : i32 to index
      %get3A_120 = tpu.vector_load %arg14[%get3A_118, %get3A_119] {strides = array<i32>} : memref<32x512xf32, #tpu.memory_space<vmem>>, vector<16xf32>,
      %mul3A_121 = arith.mulf %get3A_116, %get3A_120 : vector<16xf32>
      %add3A_122 = arith.addf %add3A_112, %mul3A_121 : vector<16xf32>
      %get3A_123 = arith.constant 10 : i32
      %get3A_124 = arith.index_cast %get3A_123 : i32 to index
      %get3A_125 = arith.index_cast %mul3A_22 : i32 to index
      %get3A_126 = tpu.vector_load %arg13[%get3A_124, %get3A_125] {strides = array<i32>} : memref<32x512xf32, #tpu.memory_space<vmem>>, vector<16xf32>,
      %get3A_127 = arith.constant 10 : i32
      %get3A_128 = arith.index_cast %get3A_127 : i32 to index
      %get3A_129 = arith.index_cast %mul3A_22 : i32 to index
      %get3A_130 = tpu.vector_load %arg14[%get3A_128, %get3A_129] {strides = array<i32>} : memref<32x512xf32, #tpu.memory_space<vmem>>, vector<16xf32>,
      %mul3A_131 = arith.mulf %get3A_126, %get3A_130 : vector<16xf32>
      %add3A_132 = arith.addf %add3A_122, %mul3A_131 : vector<16xf32>
      %get3A_133 = arith.constant 11 : i32
      %get3A_134 = arith.index_cast %get3A_133 : i32 to index
      %get3A_135 = arith.index_cast %mul3A_22 : i32 to index
      %get3A_136 = tpu.vector_load %arg13[%get3A_134, %get3A_135] {strides = array<i32>} : memref<32x512xf32, #tpu.memory_space<vmem>>, vector<16xf32>,
      %get3A_137 = arith.constant 11 : i32
      %get3A_138 = arith.index_cast %get3A_137 : i32 to index
      %get3A_139 = arith.index_cast %mul3A_22 : i32 to index
      %get3A_140 = tpu.vector_load %arg14[%get3A_138, %get3A_139] {strides = array<i32>} : memref<32x512xf32, #tpu.memory_space<vmem>>, vector<16xf32>,
      %mul3A_141 = arith.mulf %get3A_136, %get3A_140 : vector<16xf32>
      %add3A_142 = arith.addf %add3A_132, %mul3A_141 : vector<16xf32>
      %get3A_143 = arith.constant 12 : i32
      %get3A_144 = arith.index_cast %get3A_143 : i32 to index
      %get3A_145 = arith.index_cast %mul3A_22 : i32 to index
      %get3A_146 = tpu.vector_load %arg13[%get3A_144, %get3A_145] {strides = array<i32>} : memref<32x512xf32, #tpu.memory_space<vmem>>, vector<16xf32>,
      %get3A_147 = arith.constant 12 : i32
      %get3A_148 = arith.index_cast %get3A_147 : i32 to index
      %get3A_149 = arith.index_cast %mul3A_22 : i32 to index
      %get3A_150 = tpu.vector_load %arg14[%get3A_148, %get3A_149] {strides = array<i32>} : memref<32x512xf32, #tpu.memory_space<vmem>>, vector<16xf32>,
      %mul3A_151 = arith.mulf %get3A_146, %get3A_150 : vector<16xf32>
      %add3A_152 = arith.addf %add3A_142, %mul3A_151 : vector<16xf32>
      %get3A_153 = arith.constant 13 : i32
      %get3A_154 = arith.index_cast %get3A_153 : i32 to index
      %get3A_155 = arith.index_cast %mul3A_22 : i32 to index
      %get3A_156 = tpu.vector_load %arg13[%get3A_154, %get3A_155] {strides = array<i32>} : memref<32x512xf32, #tpu.memory_space<vmem>>, vector<16xf32>,
      %get3A_157 = arith.constant 13 : i32
      %get3A_158 = arith.index_cast %get3A_157 : i32 to index
      %get3A_159 = arith.index_cast %mul3A_22 : i32 to index
      %get3A_160 = tpu.vector_load %arg14[%get3A_158, %get3A_159] {strides = array<i32>} : memref<32x512xf32, #tpu.memory_space<vmem>>, vector<16xf32>,
      %mul3A_161 = arith.mulf %get3A_156, %get3A_160 : vector<16xf32>
      %add3A_162 = arith.addf %add3A_152, %mul3A_161 : vector<16xf32>
      %get3A_163 = arith.constant 14 : i32
      %get3A_164 = arith.index_cast %get3A_163 : i32 to index
      %get3A_165 = arith.index_cast %mul3A_22 : i32 to index
      %get3A_166 = tpu.vector_load %arg13[%get3A_164, %get3A_165] {strides = array<i32>} : memref<32x512xf32, #tpu.memory_space<vmem>>, vector<16xf32>,
      %get3A_167 = arith.constant 14 : i32
      %get3A_168 = arith.index_cast %get3A_167 : i32 to index
      %get3A_169 = arith.index_cast %mul3A_22 : i32 to index
      %get3A_170 = tpu.vector_load %arg14[%get3A_168, %get3A_169] {strides = array<i32>} : memref<32x512xf32, #tpu.memory_space<vmem>>, vector<16xf32>,
      %mul3A_171 = arith.mulf %get3A_166, %get3A_170 : vector<16xf32>
      %add3A_172 = arith.addf %add3A_162, %mul3A_171 : vector<16xf32>
      %get3A_173 = arith.constant 15 : i32
      %get3A_174 = arith.index_cast %get3A_173 : i32 to index
      %get3A_175 = arith.index_cast %mul3A_22 : i32 to index
      %get3A_176 = tpu.vector_load %arg13[%get3A_174, %get3A_175] {strides = array<i32>} : memref<32x512xf32, #tpu.memory_space<vmem>>, vector<16xf32>,
      %get3A_177 = arith.constant 15 : i32
      %get3A_178 = arith.index_cast %get3A_177 : i32 to index
      %get3A_179 = arith.index_cast %mul3A_22 : i32 to index
      %get3A_180 = tpu.vector_load %arg14[%get3A_178, %get3A_179] {strides = array<i32>} : memref<32x512xf32, #tpu.memory_space<vmem>>, vector<16xf32>,
      %mul3A_181 = arith.mulf %get3A_176, %get3A_180 : vector<16xf32>
      %add3A_182 = arith.addf %add3A_172, %mul3A_181 : vector<16xf32>
      %get3A_183 = arith.constant 16 : i32
      %get3A_184 = arith.index_cast %get3A_183 : i32 to index
      %get3A_185 = arith.index_cast %mul3A_22 : i32 to index
      %get3A_186 = tpu.vector_load %arg13[%get3A_184, %get3A_185] {strides = array<i32>} : memref<32x512xf32, #tpu.memory_space<vmem>>, vector<16xf32>,
      %get3A_187 = arith.constant 16 : i32
      %get3A_188 = arith.index_cast %get3A_187 : i32 to index
      %get3A_189 = arith.index_cast %mul3A_22 : i32 to index
      %get3A_190 = tpu.vector_load %arg14[%get3A_188, %get3A_189] {strides = array<i32>} : memref<32x512xf32, #tpu.memory_space<vmem>>, vector<16xf32>,
      %mul3A_191 = arith.mulf %get3A_186, %get3A_190 : vector<16xf32>
      %add3A_192 = arith.addf %add3A_182, %mul3A_191 : vector<16xf32>
      %get3A_193 = arith.constant 17 : i32
      %get3A_194 = arith.index_cast %get3A_193 : i32 to index
      %get3A_195 = arith.index_cast %mul3A_22 : i32 to index
      %get3A_196 = tpu.vector_load %arg13[%get3A_194, %get3A_195] {strides = array<i32>} : memref<32x512xf32, #tpu.memory_space<vmem>>, vector<16xf32>,
      %get3A_197 = arith.constant 17 : i32
      %get3A_198 = arith.index_cast %get3A_197 : i32 to index
      %get3A_199 = arith.index_cast %mul3A_22 : i32 to index
      %get3A_200 = tpu.vector_load %arg14[%get3A_198, %get3A_199] {strides = array<i32>} : memref<32x512xf32, #tpu.memory_space<vmem>>, vector<16xf32>,
      %mul3A_201 = arith.mulf %get3A_196, %get3A_200 : vector<16xf32>
      %add3A_202 = arith.addf %add3A_192, %mul3A_201 : vector<16xf32>
      %get3A_203 = arith.constant 18 : i32
      %get3A_204 = arith.index_cast %get3A_203 : i32 to index
      %get3A_205 = arith.index_cast %mul3A_22 : i32 to index
      %get3A_206 = tpu.vector_load %arg13[%get3A_204, %get3A_205] {strides = array<i32>} : memref<32x512xf32, #tpu.memory_space<vmem>>, vector<16xf32>,
      %get3A_207 = arith.constant 18 : i32
      %get3A_208 = arith.index_cast %get3A_207 : i32 to index
      %get3A_209 = arith.index_cast %mul3A_22 : i32 to index
      %get3A_210 = tpu.vector_load %arg14[%get3A_208, %get3A_209] {strides = array<i32>} : memref<32x512xf32, #tpu.memory_space<vmem>>, vector<16xf32>,
      %mul3A_211 = arith.mulf %get3A_206, %get3A_210 : vector<16xf32>
      %add3A_212 = arith.addf %add3A_202, %mul3A_211 : vector<16xf32>
      %get3A_213 = arith.constant 19 : i32
      %get3A_214 = arith.index_cast %get3A_213 : i32 to index
      %get3A_215 = arith.index_cast %mul3A_22 : i32 to index
      %get3A_216 = tpu.vector_load %arg13[%get3A_214, %get3A_215] {strides = array<i32>} : memref<32x512xf32, #tpu.memory_space<vmem>>, vector<16xf32>,
      %get3A_217 = arith.constant 19 : i32
      %get3A_218 = arith.index_cast %get3A_217 : i32 to index
      %get3A_219 = arith.index_cast %mul3A_22 : i32 to index
      %get3A_220 = tpu.vector_load %arg14[%get3A_218, %get3A_219] {strides = array<i32>} : memref<32x512xf32, #tpu.memory_space<vmem>>, vector<16xf32>,
      %mul3A_221 = arith.mulf %get3A_216, %get3A_220 : vector<16xf32>
      %add3A_222 = arith.addf %add3A_212, %mul3A_221 : vector<16xf32>
      %get3A_223 = arith.constant 20 : i32
      %get3A_224 = arith.index_cast %get3A_223 : i32 to index
      %get3A_225 = arith.index_cast %mul3A_22 : i32 to index
      %get3A_226 = tpu.vector_load %arg13[%get3A_224, %get3A_225] {strides = array<i32>} : memref<32x512xf32, #tpu.memory_space<vmem>>, vector<16xf32>,
      %get3A_227 = arith.constant 20 : i32
      %get3A_228 = arith.index_cast %get3A_227 : i32 to index
      %get3A_229 = arith.index_cast %mul3A_22 : i32 to index
      %get3A_230 = tpu.vector_load %arg14[%get3A_228, %get3A_229] {strides = array<i32>} : memref<32x512xf32, #tpu.memory_space<vmem>>, vector<16xf32>,
      %mul3A_231 = arith.mulf %get3A_226, %get3A_230 : vector<16xf32>
      %add3A_232 = arith.addf %add3A_222, %mul3A_231 : vector<16xf32>
      %get3A_233 = arith.constant 21 : i32
      %get3A_234 = arith.index_cast %get3A_233 : i32 to index
      %get3A_235 = arith.index_cast %mul3A_22 : i32 to index
      %get3A_236 = tpu.vector_load %arg13[%get3A_234, %get3A_235] {strides = array<i32>} : memref<32x512xf32, #tpu.memory_space<vmem>>, vector<16xf32>,
      %get3A_237 = arith.constant 21 : i32
      %get3A_238 = arith.index_cast %get3A_237 : i32 to index
      %get3A_239 = arith.index_cast %mul3A_22 : i32 to index
      %get3A_240 = tpu.vector_load %arg14[%get3A_238, %get3A_239] {strides = array<i32>} : memref<32x512xf32, #tpu.memory_space<vmem>>, vector<16xf32>,
      %mul3A_241 = arith.mulf %get3A_236, %get3A_240 : vector<16xf32>
      %add3A_242 = arith.addf %add3A_232, %mul3A_241 : vector<16xf32>
      %get3A_243 = arith.constant 22 : i32
      %get3A_244 = arith.index_cast %get3A_243 : i32 to index
      %get3A_245 = arith.index_cast %mul3A_22 : i32 to index
      %get3A_246 = tpu.vector_load %arg13[%get3A_244, %get3A_245] {strides = array<i32>} : memref<32x512xf32, #tpu.memory_space<vmem>>, vector<16xf32>,
      %get3A_247 = arith.constant 22 : i32
      %get3A_248 = arith.index_cast %get3A_247 : i32 to index
      %get3A_249 = arith.index_cast %mul3A_22 : i32 to index
      %get3A_250 = tpu.vector_load %arg14[%get3A_248, %get3A_249] {strides = array<i32>} : memref<32x512xf32, #tpu.memory_space<vmem>>, vector<16xf32>,
      %mul3A_251 = arith.mulf %get3A_246, %get3A_250 : vector<16xf32>
      %add3A_252 = arith.addf %add3A_242, %mul3A_251 : vector<16xf32>
      %get3A_253 = arith.constant 23 : i32
      %get3A_254 = arith.index_cast %get3A_253 : i32 to index
      %get3A_255 = arith.index_cast %mul3A_22 : i32 to index
      %get3A_256 = tpu.vector_load %arg13[%get3A_254, %get3A_255] {strides = array<i32>} : memref<32x512xf32, #tpu.memory_space<vmem>>, vector<16xf32>,
      %get3A_257 = arith.constant 23 : i32
      %get3A_258 = arith.index_cast %get3A_257 : i32 to index
      %get3A_259 = arith.index_cast %mul3A_22 : i32 to index
      %get3A_260 = tpu.vector_load %arg14[%get3A_258, %get3A_259] {strides = array<i32>} : memref<32x512xf32, #tpu.memory_space<vmem>>, vector<16xf32>,
      %mul3A_261 = arith.mulf %get3A_256, %get3A_260 : vector<16xf32>
      %add3A_262 = arith.addf %add3A_252, %mul3A_261 : vector<16xf32>
      %get3A_263 = arith.constant 24 : i32
      %get3A_264 = arith.index_cast %get3A_263 : i32 to index
      %get3A_265 = arith.index_cast %mul3A_22 : i32 to index
      %get3A_266 = tpu.vector_load %arg13[%get3A_264, %get3A_265] {strides = array<i32>} : memref<32x512xf32, #tpu.memory_space<vmem>>, vector<16xf32>,
      %get3A_267 = arith.constant 24 : i32
      %get3A_268 = arith.index_cast %get3A_267 : i32 to index
      %get3A_269 = arith.index_cast %mul3A_22 : i32 to index
      %get3A_270 = tpu.vector_load %arg14[%get3A_268, %get3A_269] {strides = array<i32>} : memref<32x512xf32, #tpu.memory_space<vmem>>, vector<16xf32>,
      %mul3A_271 = arith.mulf %get3A_266, %get3A_270 : vector<16xf32>
      %add3A_272 = arith.addf %add3A_262, %mul3A_271 : vector<16xf32>
      %get3A_273 = arith.constant 25 : i32
      %get3A_274 = arith.index_cast %get3A_273 : i32 to index
      %get3A_275 = arith.index_cast %mul3A_22 : i32 to index
      %get3A_276 = tpu.vector_load %arg13[%get3A_274, %get3A_275] {strides = array<i32>} : memref<32x512xf32, #tpu.memory_space<vmem>>, vector<16xf32>,
      %get3A_277 = arith.constant 25 : i32
      %get3A_278 = arith.index_cast %get3A_277 : i32 to index
      %get3A_279 = arith.index_cast %mul3A_22 : i32 to index
      %get3A_280 = tpu.vector_load %arg14[%get3A_278, %get3A_279] {strides = array<i32>} : memref<32x512xf32, #tpu.memory_space<vmem>>, vector<16xf32>,
      %mul3A_281 = arith.mulf %get3A_276, %get3A_280 : vector<16xf32>
      %add3A_282 = arith.addf %add3A_272, %mul3A_281 : vector<16xf32>
      %get3A_283 = arith.constant 26 : i32
      %get3A_284 = arith.index_cast %get3A_283 : i32 to index
      %get3A_285 = arith.index_cast %mul3A_22 : i32 to index
      %get3A_286 = tpu.vector_load %arg13[%get3A_284, %get3A_285] {strides = array<i32>} : memref<32x512xf32, #tpu.memory_space<vmem>>, vector<16xf32>,
      %get3A_287 = arith.constant 26 : i32
      %get3A_288 = arith.index_cast %get3A_287 : i32 to index
      %get3A_289 = arith.index_cast %mul3A_22 : i32 to index
      %get3A_290 = tpu.vector_load %arg14[%get3A_288, %get3A_289] {strides = array<i32>} : memref<32x512xf32, #tpu.memory_space<vmem>>, vector<16xf32>,
      %mul3A_291 = arith.mulf %get3A_286, %get3A_290 : vector<16xf32>
      %add3A_292 = arith.addf %add3A_282, %mul3A_291 : vector<16xf32>
      %get3A_293 = arith.constant 27 : i32
      %get3A_294 = arith.index_cast %get3A_293 : i32 to index
      %get3A_295 = arith.index_cast %mul3A_22 : i32 to index
      %get3A_296 = tpu.vector_load %arg13[%get3A_294, %get3A_295] {strides = array<i32>} : memref<32x512xf32, #tpu.memory_space<vmem>>, vector<16xf32>,
      %get3A_297 = arith.constant 27 : i32
      %get3A_298 = arith.index_cast %get3A_297 : i32 to index
      %get3A_299 = arith.index_cast %mul3A_22 : i32 to index
      %get3A_300 = tpu.vector_load %arg14[%get3A_298, %get3A_299] {strides = array<i32>} : memref<32x512xf32, #tpu.memory_space<vmem>>, vector<16xf32>,
      %mul3A_301 = arith.mulf %get3A_296, %get3A_300 : vector<16xf32>
      %add3A_302 = arith.addf %add3A_292, %mul3A_301 : vector<16xf32>
      %get3A_303 = arith.constant 28 : i32
      %get3A_304 = arith.index_cast %get3A_303 : i32 to index
      %get3A_305 = arith.index_cast %mul3A_22 : i32 to index
      %get3A_306 = tpu.vector_load %arg13[%get3A_304, %get3A_305] {strides = array<i32>} : memref<32x512xf32, #tpu.memory_space<vmem>>, vector<16xf32>,
      %get3A_307 = arith.constant 28 : i32
      %get3A_308 = arith.index_cast %get3A_307 : i32 to index
      %get3A_309 = arith.index_cast %mul3A_22 : i32 to index
      %get3A_310 = tpu.vector_load %arg14[%get3A_308, %get3A_309] {strides = array<i32>} : memref<32x512xf32, #tpu.memory_space<vmem>>, vector<16xf32>,
      %mul3A_311 = arith.mulf %get3A_306, %get3A_310 : vector<16xf32>
      %add3A_312 = arith.addf %add3A_302, %mul3A_311 : vector<16xf32>
      %get3A_313 = arith.constant 29 : i32
      %get3A_314 = arith.index_cast %get3A_313 : i32 to index
      %get3A_315 = arith.index_cast %mul3A_22 : i32 to index
      %get3A_316 = tpu.vector_load %arg13[%get3A_314, %get3A_315] {strides = array<i32>} : memref<32x512xf32, #tpu.memory_space<vmem>>, vector<16xf32>,
      %get3A_317 = arith.constant 29 : i32
      %get3A_318 = arith.index_cast %get3A_317 : i32 to index
      %get3A_319 = arith.index_cast %mul3A_22 : i32 to index
      %get3A_320 = tpu.vector_load %arg14[%get3A_318, %get3A_319] {strides = array<i32>} : memref<32x512xf32, #tpu.memory_space<vmem>>, vector<16xf32>,
      %mul3A_321 = arith.mulf %get3A_316, %get3A_320 : vector<16xf32>
      %add3A_322 = arith.addf %add3A_312, %mul3A_321 : vector<16xf32>
      %get3A_323 = arith.constant 30 : i32
      %get3A_324 = arith.index_cast %get3A_323 : i32 to index
      %get3A_325 = arith.index_cast %mul3A_22 : i32 to index
      %get3A_326 = tpu.vector_load %arg13[%get3A_324, %get3A_325] {strides = array<i32>} : memref<32x512xf32, #tpu.memory_space<vmem>>, vector<16xf32>,
      %get3A_327 = arith.constant 30 : i32
      %get3A_328 = arith.index_cast %get3A_327 : i32 to index
      %get3A_329 = arith.index_cast %mul3A_22 : i32 to index
      %get3A_330 = tpu.vector_load %arg14[%get3A_328, %get3A_329] {strides = array<i32>} : memref<32x512xf32, #tpu.memory_space<vmem>>, vector<16xf32>,
      %mul3A_331 = arith.mulf %get3A_326, %get3A_330 : vector<16xf32>
      %add3A_332 = arith.addf %add3A_322, %mul3A_331 : vector<16xf32>
      %get3A_333 = arith.constant 31 : i32
      %get3A_334 = arith.index_cast %get3A_333 : i32 to index
      %get3A_335 = arith.index_cast %mul3A_22 : i32 to index
      %get3A_336 = tpu.vector_load %arg13[%get3A_334, %get3A_335] {strides = array<i32>} : memref<32x512xf32, #tpu.memory_space<vmem>>, vector<16xf32>,
      %get3A_337 = arith.constant 31 : i32
      %get3A_338 = arith.index_cast %get3A_337 : i32 to index
      %get3A_339 = arith.index_cast %mul3A_22 : i32 to index
      %get3A_340 = tpu.vector_load %arg14[%get3A_338, %get3A_339] {strides = array<i32>} : memref<32x512xf32, #tpu.memory_space<vmem>>, vector<16xf32>,
      %mul3A_341 = arith.mulf %get3A_336, %get3A_340 : vector<16xf32>
      %add3A_342 = arith.addf %add3A_332, %mul3A_341 : vector<16xf32>
      %neg3A = arith.constant 0.000000e+00 : f32
      %neg3A_343 = vector.broadcast %neg3A : f32 to vector<16xf32>
      %neg3A_344 = arith.subf %neg3A_343, %add3A_342 : vector<16xf32>
      %exp3A = math.exp %neg3A_344 : vector<16xf32>
      %add3A_345 = arith.constant 1.000000e+00 : f32
      %add3A_346 = vector.broadcast %add3A_345 : f32 to vector<16xf32>
      %add3A_347 = arith.addf %add3A_346, %exp3A : vector<16xf32>
      %div3A = arith.constant 1.000000e+00 : f32
      %div3A_348 = vector.broadcast %div3A : f32 to vector<16xf32>
      %div3A_349 = arith.divf %div3A_348, %add3A_347 : vector<16xf32>
      %swap3A = arith.index_cast %mul3A_22 : i32 to index
      %swap3A_350 = tpu.vector_load %arg15[%swap3A] {strides = array<i32>} : memref<512xf32, #tpu.memory_space<vmem>>, vector<16xf32>,
      tpu.vector_store %arg15[%swap3A], %div3A_349 {strides = array<i32>} : memref<512xf32, #tpu.memory_space<vmem>>, vector<16xf32>,
    }
    %scan3A_17 = arith.constant 32 : i32
    %mul3A_18 = arith.constant 512 : i32
    %mul3A_19 = arith.muli %add3A, %mul3A_18 : i32
    "tpu.region"() ({
      %run_scoped3A = tpu.sem_alloc : memref<!tpu.dma_semaphore, #tpu.memory_space<semaphore_mem>>
      %dma_start3A = tpu.memref_slice %arg6[%mul3A_19] : memref<16384xf32, #tpu.memory_space<hbm>> -> memref<512xf32, #tpu.memory_space<hbm>>
      %dma_start3A_20 = tpu.memref_slice %arg6[%mul3A_19] : memref<16384xf32, #tpu.memory_space<hbm>> -> memref<512xf32, #tpu.memory_space<hbm>>
      tpu.enqueue_dma source(%arg15 : memref<512xf32, #tpu.memory_space<vmem>>) target(%dma_start3A_20 : memref<512xf32, #tpu.memory_space<hbm>>) target_semaphore(%run_scoped3A : memref<!tpu.dma_semaphore, #tpu.memory_space<semaphore_mem>>)
      %dma_wait3A = tpu.memref_slice %arg6[%mul3A_19] : memref<16384xf32, #tpu.memory_space<hbm>> -> memref<512xf32, #tpu.memory_space<hbm>>
      %dma_wait3A_21 = tpu.memref_slice %arg6[%mul3A_19] : memref<16384xf32, #tpu.memory_space<hbm>> -> memref<512xf32, #tpu.memory_space<hbm>>
      tpu.wait_dma2 semaphore(%run_scoped3A : memref<!tpu.dma_semaphore, #tpu.memory_space<semaphore_mem>>) src(%arg15 : memref<512xf32, #tpu.memory_space<vmem>>) dst(%dma_wait3A_21 : memref<512xf32, #tpu.memory_space<hbm>>)
      tpu.yield
    }) : () -> ()
    return
  }
}

</mosaic_0001>

<sc_bundles>
// kernel: kernel.3.cloned.1.call-start
scs
__scs_entry_jumppad:
0x0: {  	(pc) =	sbr.rel $0x88, $3  }
0x1: {  	(tag) =	ssettag $0x0;
	lr =	simm.s32 $0x1  }
0x2: {  	[smem:$0x3F9D] =	sst lr;
	_ =	strace $0xD0000000  }
0x3: {  	_ = 	snop  }
0x4: {  	_ = 	snop  }
0x5: {  	_ = 	snop  }
0x6: {  	_ = 	snop  }
0x7: {  	_ = 	snop  }
__scs_overlays_trampoline_lowered:
0x8: {  	[smem:$0x3FAC] =	sst s0  }
0x9: {  	[smem:$0x3FAD] =	sst s1  }
0xa: {  	[smem:$0x3FAE] =	sst s2  }
0xb: {  	[smem:$0x3FAF] =	sst s3  }
0xc: {  	[smem:$0x3FB0] =	sst s4  }
0xd: {  	[smem:$0x3FB1] =	sst s5  }
0xe: {  	[smem:$0x3FB2] =	sst s6  }
0xf: {  	[smem:$0x3FB3] =	sst s7  }
0x10: {  	[smem:$0x3FB4] =	sst s8  }
0x11: {  	[smem:$0x3FB5] =	sst s9;
	s0 =	simm.s32 @!p0 $0x0  }
0x12: {  	s1 =	sld [smem:$0x3F9B];
	s0 =	simm.s32 @p0 $0x1  }
0x13: {  	[smem:$0x3FB6] =	sst s0;
	s0 =	simm.s32 @!p1 $0x0  }
0x14: {  	s2 =	sld [smem:$0x3F9A];
	s0 =	simm.s32 @p1 $0x1  }
0x15: {  	[smem:$0x3FB7] =	sst s0;
	s0 =	simm.s32 @!p2 $0x0  }
0x16: {  	s3 =	sld [smem:$0x3FDB];
	s0 =	simm.s32 @p2 $0x1  }
0x17: {  	s4 =	simm.s32 $0x1BF5;
	[smem:$0x3FB9] =	sst s0  }
0x18: {  	s0 =	sld [smem:$0x3F9C];
	_ =	swait.ge [sflag:s4], $0x0  }
0x19: {  	s7 =	sld [smem:$0x3F9D]  }
0x1a: {  	s8 =	sadd.s32 $0xFFFFE003, lr  }
0x1b: {  	s9 =	sadd.s32 $0xFFFFFEF7, lr;
	s5 =	simm.s32 $0xFFFFFFFF;
	p2 =	slt.u32 s8, $0xFFFFF086  }
0x1c: {  	p1 =	slt.u32 s9, $0xF7A;
	s5 =	simm.s32 @!p2 $0x0  }
0x1d: {  	s5 =	simm.s32 @p1 $0x1;
	p0 =	seq.s32 s7, s2  }
0x1e: {  	s7 =	smul.u32 @!p0 $0xF7A, s2;
	p2 =	seq.s32 @!p0 s5, $0x0  }
0x1f: {  	s9 =	smul.u32 $0xF7A, s1;
	s8 =	simm.s32 @!p0 $0x1BF5;
	p2 =	por !p2, p0  }
0x20: {  	[sflag:s8] =	ssyncset.s32 @!p0 $0xFFFFF086;
	s6 =	sadd.s32 @!p0 s3, s7;
	s7 =	simm.s32 @!p0 $0x108  }
0x21: {  	s3 =	sadd.s32 s3, s9;
	s6 =	sadd.s32 @!p0 $0x88, s6;
	s7 =	simm.s32 @p2 $0x1082  }
0x22: {  	[simem:s7], [sflag:s8] =	dma.local @!p0 [hbm:s6], $0xF7A  }
0x23: {  	s9 =	sor.u32 $0xD0000000, s2;
	s6 =	simm.s32 $0x108;
	_ =	swait.ge @!p0 [sflag:s8], $0x0  }
0x24: {  	s3 =	sadd.s32 $0x88, s3;
	s6 =	simm.s32 @!p1 $0x1082;
	[sflag:s4] =	ssyncset.s32 $0xFFFFF086  }
0x25: {  	[simem:s6], [sflag:s4] =	dma.local [hbm:s3], $0xF7A  }
0x26: {  	[smem:$0x3F9D] =	sst s1;
	(tag) =	ssettag s2;
	_ =	strace s9  }
0x27: {  	s1 =	sld [smem:$0x3FAD]  }
0x28: {  	s2 =	sld [smem:$0x3FAE]  }
0x29: {  	s4 =	sld [smem:$0x3FB0]  }
0x2a: {  	p0 =	seq.s32 s5, $0x0;
	s5 =	sld [smem:$0x3FB1]  }
0x2b: {  	s6 =	sld [smem:$0x3FB2]  }
0x2c: {  	s7 =	sld [smem:$0x3FB3]  }
0x2d: {  	s3 =	simm.s32 $0x108;
	s8 =	sld [smem:$0x3FB4]  }
0x2e: {  	s3 =	simm.s32 @!p0 $0x1082;
	s9 =	sld [smem:$0x3FB5]  }
0x2f: {  	lr =	sadd.s32 s0, s3;
	s0 =	sld [smem:$0x3FAC]  }
0x30: {  	s3 =	sld [smem:$0x3FAF]  }
0x31: {  	[smem:$0x3FB8] =	sst s10  }
0x32: {  	s10 =	sld [smem:$0x3FB6];
	_ =	sdelay $0x3  }
0x33: {  	p0 =	seq.s32 s10, $0x1;
	s10 =	sld [smem:$0x3FB8];
	_ =	sdelay $0x3  }
0x34: {  	[smem:$0x3FB8] =	sst s10  }
0x35: {  	s10 =	sld [smem:$0x3FB7];
	_ =	sdelay $0x3  }
0x36: {  	p1 =	seq.s32 s10, $0x1;
	s10 =	sld [smem:$0x3FB8];
	_ =	sdelay $0x3  }
0x37: {  	[smem:$0x3FB8] =	sst s10  }
0x38: {  	s10 =	sld [smem:$0x3FB9]  }
0x39: {  	_ = 	snop;
	(pc) =	sbr.ind lr, $3  }
0x3a: {  	_ = 	snop  }
0x3b: {  	_ = 	snop  }
0x3c: {  	p2 =	seq.s32 s10, $0x1;
	s10 =	sld [smem:$0x3FB8]  }
0x3d: {  	_ =	shalt  }
0x3e: {  	_ =	shalt  }
0x3f: {  	_ =	shalt  }
0x40: {  	_ =	shalt  }
0x41: {  	_ =	shalt  }
0x42: {  	_ =	shalt  }
0x43: {  	_ =	shalt  }
0x44: {  	_ =	shalt  }
0x45: {  	_ =	shalt  }
0x46: {  	_ =	shalt  }
0x47: {  	_ =	shalt  }
0x48: {  	_ =	shalt  }
0x49: {  	_ =	shalt  }
0x4a: {  	_ =	shalt  }
0x4b: {  	_ =	shalt  }
0x4c: {  	_ =	shalt  }
0x4d: {  	_ =	shalt  }
0x4e: {  	_ =	shalt  }
0x4f: {  	_ =	shalt  }
0x50: {  	_ =	shalt  }
0x51: {  	_ =	shalt  }
0x52: {  	_ =	shalt  }
0x53: {  	_ =	shalt  }
0x54: {  	_ =	shalt  }
0x55: {  	_ =	shalt  }
0x56: {  	_ =	shalt  }
0x57: {  	_ =	shalt  }
0x58: {  	_ =	shalt  }
0x59: {  	_ =	shalt  }
0x5a: {  	_ =	shalt  }
0x5b: {  	_ =	shalt  }
0x5c: {  	_ =	shalt  }
0x5d: {  	_ =	shalt  }
0x5e: {  	_ =	shalt  }
0x5f: {  	_ =	shalt  }
0x60: {  	_ =	shalt  }
0x61: {  	_ =	shalt  }
0x62: {  	_ =	shalt  }
0x63: {  	_ =	shalt  }
0x64: {  	_ =	shalt  }
0x65: {  	_ =	shalt  }
0x66: {  	_ =	shalt  }
0x67: {  	_ =	shalt  }
0x68: {  	_ =	shalt  }
0x69: {  	_ =	shalt  }
0x6a: {  	_ =	shalt  }
0x6b: {  	_ =	shalt  }
0x6c: {  	_ =	shalt  }
0x6d: {  	_ =	shalt  }
0x6e: {  	_ =	shalt  }
0x6f: {  	_ =	shalt  }
0x70: {  	_ =	shalt  }
0x71: {  	_ =	shalt  }
0x72: {  	_ =	shalt  }
0x73: {  	_ =	shalt  }
0x74: {  	_ =	shalt  }
0x75: {  	_ =	shalt  }
0x76: {  	_ =	shalt  }
0x77: {  	_ =	shalt  }
0x78: {  	_ =	shalt  }
0x79: {  	_ =	shalt  }
0x7a: {  	_ =	shalt  }
0x7b: {  	_ =	shalt  }
0x7c: {  	_ =	shalt  }
0x7d: {  	_ =	shalt  }
0x7e: {  	_ =	shalt  }
0x7f: {  	_ =	shalt  }
0x80: {  	_ =	shalt  }
0x81: {  	_ =	shalt  }
0x82: {  	_ =	shalt  }
0x83: {  	_ =	shalt  }
0x84: {  	_ =	shalt  }
0x85: {  	_ =	shalt  }
0x86: {  	_ =	shalt  }
0x87: {  	_ =	shalt  }
.Lfunc_end0:
.L_simem_size_0:
called_computation_lowered:
.L_overlay_start_0:
0x88: {  	s2 =	sld [smem:$0x3FD9]  }
0x89: {  	s3 =	sld [smem:$0x3FFE];
	_ =	sdelay $0x1  }
0x8a: {  	s1 =	srdreg.scid  }
0x8b: {  	s0 =	sand.u32 $0x1, s1  }
0x8c: {  	s17 =	sshll.u32 s0, $0xA;
	s2 =	sadd.s32 s3, s2  }
0x8d: {  	s2 =	sadd.s32 s2, s17  }
0x8e: {  	[smem:$0x3FC4] =	sst s2  }
0x8f: {  	_ = 	snop  }
0x90: {  	s2 =	sld [smem:$0x3FC7]  }
0x91: {  	s18 =	sld [smem:$0x3FC6]  }
0x92: {  	s4 =	sld [smem:$0x3FD0];
	(tm) =	ssettm $0x1  }
0x93: {  	s5 =	sld [smem:$0x3FFB];
	_ =	sdelay $0x3  }
0x94: {  	_ =	strace s5  }
0x95: {  	s5 =	sld [smem:$0x3FFC];
	_ =	sdelay $0x3  }
0x96: {  	_ =	strace s5  }
0x97: {  	s5 =	sld [smem:$0x3FFD];
	_ =	sdelay $0x3  }
0x98: {  	_ =	strace s5  }
0x99: {  	_ =	strace $0x8FFFFFFF  }
0x9a: {  	s19 =	sld [smem:$0x3FDB];
	_ =	sdelay $0x1  }
0x9b: {  	s6 =	simm.s32 $_scs_section_size  }
0x9c: {  	s7 =	simm.s32 $_size__tile_overlayer_lowered;
	s8 =	simm.s32 $_tile_overlayer_lowered  }
0x9d: {  	s22 =	simm.s32 $0x1BFF;
	s21 =	sshll.u32 s8, $0x1;
	s5 =	sadd.s32 s6, s19  }
0x9e: {  	s9 =	simm.s32 $0x0;
	s20 =	sshll.u32 s7, $0x1;
	s7 =	sadd.s32 s21, s5  }
0x9f: {  	[timem:s9], [sflag:s22] =	dma.local [hbm:s7], s20  }
0xa0: {  	_ =	swait.ge [sflag:s22], s20  }
0xa1: {  	s6 =	ssub.s32 $0x0, s20;
	[sflag:s22] =	ssyncset.done $0x0  }
0xa2: {  	[sflag:s22] =	ssyncadd.s32 s6;
	_ =	sdelay $0x1  }
0xa3: {  	s23 =	simm.s32 $0x1B8B  }
0xa4: {  	_ =	swait.ge [sflag:s23], $0x1  }
0xa5: {  	[sflag:s23] =	ssyncset.done $0x0  }
0xa6: {  	s25 =	simm.s32 $0x1B8E;
	s24 =	sld [smem:$0x3FFE];
	[sflag:s23] =	ssyncadd.s32 $0xFFFFFFFF  }
0xa7: {  	s26 =	simm.s32 $execute0_lowered;
	[smem:$0x3FD2] =	sst s25  }
0xa8: {  	s7 =	sshll.u32 s26, $0x1;
	_ =	strace $0x80000046;
	[dreg:$0x1] =	wrdreg $0xFFFFFFFF  }
0xa9: {  	s28 =	simm.s32 $_size_execute0_lowered;
	s5 =	sadd.s32 s5, s7;
	[dreg:$0x0] =	wrdreg $0x0  }
0xaa: {  	s7 =	sshll.u32 s28, $0x1;
	[dreg:$0x2] =	wrdreg s5  }
0xab: {  	[dreg:$0x3] =	wrdreg s7  }
0xac: {  	[dreg:$0x4] =	wrdreg $0xC0  }
0xad: {  	_ =	task [dreg:s9], $0x5FFFF  }
0xae: {  	[dreg:$0x1] =	wrdreg $0xFFFFFFFF  }
0xaf: {  	[dreg:$0x0] =	wrdreg $0x60  }
0xb0: {  	[dreg:$0x2] =	wrdreg s2  }
0xb1: {  	[dreg:$0x3] =	wrdreg s18  }
0xb2: {  	[dreg:$0x4] =	wrdreg s24  }
0xb3: {  	[dreg:$0x5] =	wrdreg s4  }
0xb4: {  	[dreg:$0x6] =	wrdreg $0x9  }
0xb5: {  	_ =	task.clear_ibuf [dreg:s9], $0x7FFFF;
	_ =	strace $0x90000046  }
0xb6: {  	s29 =	simm.s32 $0x9;
	_ =	strace $0x80000048  }
0xb7: {  	_ =	swait.ge [sflag:s29], $0x1  }
0xb8: {  	[sflag:s29] =	ssyncadd.s32 $0xFFFFFFFF  }
0xb9: {  	_ =	strace $0x90000048  }
0xba: {  	_ =	sfence  }
0xbb: {  	s30 =	sld [smem:$0x0];
	_ =	sdelay $0x2  }
0xbc: {  	s31 =	sshll.u32 s1, $0xD;
	s1 =	sshrl.u32 s1, $0x2  }
0xbd: {  	s3 =	sand.u32 $0x4000, s31;
	s1 =	sadd.s32 s1, s30  }
0xbe: {  	s0 =	sor.u32 s3, s0;
	s1 =	sshll.u32 s1, $0x11  }
0xbf: {  	s0 =	sor.u32 s1, s0  }
0xc0: {  	s0 =	sadd.s32 $0x8F2B, s0  }
0xc1: {  	[sflag:s0] =	ssyncadd.remote.s32 $0x1  }
0xc2: {  	_ =	sfence.sel $0xFFFF  }
0xc3: {  	[dreg:$0x0] =	wrdreg $0xFFFFFFFF;
	(pc) =	sbr.abs _section_cstart, $3  }
0xc4: {  	[dreg:$0x1] =	wrdreg $0xFFFFFFFF  }
0xc5: {  	_ =	task.clear_ibuf [dreg:s9], $0x2FFFF;
	_ =	strace $0x9FFFFFFF  }
0xc6: {  	(tm) =	ssettm $0x7FFFFFFF  }
0xc7: {  	_ =	shalt  }
tec
execute0_lowered:
.L_overlay_start_1:
0x0: {  	(tag) =	ssettag $0x1  }
0x1: {  	vm0 =	vmmov $0x1;
	v0 =	vlaneseq.u32;
	vm1 =	vcmask $0x308  }
0x2: {  	vm2 =	vcmask $0x70C;
	v1 =	vimm.s32 $0x1380;
	vm3 =	vcmask $0x300  }
0x3: {  	v2 =	vimm.s32 $0x3380;
	vm4 =	vcmask $0x704;
	vm5 =	vcmask $0x1318  }
0x4: {  	vm6 =	vcmask $0x171C;
	vm7 =	vcmask $0x1B20;
	vm8 =	vcmask $0x1F24  }
0x5: {  	vm9 =	vcmask $0x2328;
	vm10 =	vcmask $0x272C;
	vm11 =	vcmask $0x2B30  }
0x6: {  	vm12 =	vcmask $0x2F34;
	vm13 =	vcmask $0x3338;
	vm14 =	vcmask $0x373C  }
0x7: {  	vm15 =	vmmov $0x7fff;
	v0 =	vmul.u32 $0x80, v0;
	v1 =	vsel vm3, $0x0, v1  }
0x8: {  	v2 =	vsel vm3, $0x2000, v2;
	vm3 =	vcmask $0xB08;
	v1 =	vsel vm4, $0x80, v1  }
0x9: {  	v2 =	vsel vm4, $0x2080, v2;
	vm4 =	vcmask $0xF0C;
	v1 =	vsel vm3, $0x100, v1  }
0xa: {  	v2 =	vsel vm3, $0x2100, v2;
	vm3 =	vcmask $0x1310;
	v1 =	vsel vm4, $0x180, v1  }
0xb: {  	s0 =	srdreg.scid;
	s1 =	rddreg [dreg:$0x2];
	v2 =	vsel vm4, $0x2180, v2;
	vm4 =	vcmask $0x1714;
	v1 =	vsel vm3, $0x200, v1  }
0xc: {  	s4 =	stileid.u32;
	s3 =	rddreg [dreg:$0x3];
	v2 =	vsel vm3, $0x2200, v2;
	vm3 =	vcmask $0x1B18;
	v1 =	vsel vm4, $0x280, v1  }
0xd: {  	s8 =	simm.s32 $0x0;
	s0 =	sand.u32 $0x1, s0;
	s2 =	sshll.u32 s4, $0x1;
	v2 =	vsel vm4, $0x2280, v2;
	vm4 =	vcmask $0x1F1C;
	v1 =	vsel vm3, $0x300, v1  }
0xe: {  	s9 =	simm.s32 $0x400;
	s12 =	simm.s32 $0x7A1400;
	s2 =	sor.u32 s0, s2;
	v2 =	vsel vm3, $0x2300, v2;
	vm3 =	vcmask $0x2320;
	v1 =	vsel vm4, $0x380, v1  }
0xf: {  	s4 =	sshll.u32 s4, $0x7;
	s0 =	ssub.s32 $0x2, s0;
	s5 =	sshll.u32 s2, $0x4;
	v2 =	vsel vm4, $0x2380, v2;
	vm4 =	vcmask $0x2724;
	v1 =	vsel vm3, $0x1000, v1  }
0x10: {  	s14 =	simm.s32 $0x600;
	s30 =	sshrl.u32 s0, $0x1;
	s4 =	sor.u32 s4, s5;
	v2 =	vsel vm3, $0x3000, v2;
	vm3 =	vcmask $0x2B28;
	v1 =	vsel vm4, $0x1080, v1  }
0x11: {  	s15 =	simm.s32 $0x16800;
	s0 =	ssub.s32 s0, s30;
	s4 =	sand.u32 $0x670, s4;
	v2 =	vsel vm4, $0x3080, v2;
	vm4 =	vcmask $0x2F2C;
	v1 =	vsel vm3, $0x1100, v1  }
0x12: {  	[smem:$0x7FF] =	sst s8;
	s0 =	smax.u32 s0, $0x1;
	s1 =	sadd.s32 s4, s1;
	v2 =	vsel vm3, $0x3100, v2;
	vm3 =	vcmask $0x3330;
	v1 =	vsel vm4, $0x1180, v1  }
0x13: {  	_ =	strace $0x80000047;
	[dreg:$0x8] =	wrdreg s0;
	s4 =	sadd.s32 $0x400, s1;
	v2 =	vsel vm4, $0x3180, v2;
	vm4 =	vcmask $0x3734;
	v1 =	vsel vm3, $0x1200, v1  }
0x14: {  	s31 =	sshll.u32 s2, $0x6;
	s1 =	sadd.s32 $0xC00, s1;
	[dreg:$0x5] =	wrdreg s4;
	v2 =	vsel vm3, $0x3200, v2;
	vm3 =	vcmask $0x3B38;
	v1 =	vsel vm4, $0x1280, v1  }
0x15: {  	s16 =	simm.s32 $0x1A800;
	[dreg:$0x6] =	wrdreg s1;
	s1 =	sadd.s32 s3, s31;
	v3 =	vsel vm4, $0x3280, v2;
	v2 =	vor.u32 $0x800, v0;
	vm4 =	vcmask $0xF14  }
0x16: {  	s2 =	simm.s32 $0xC;
	[dreg:$0x7] =	wrdreg s1;
	s1 =	simm.s32 $0x0;
	v1 =	vsel vm3, $0x1300, v1;
	v3 =	vsel vm3, $0x3300, v3;
	vm3 =	vcmask $0xB10  }
.LBB2_1:
0x17: {  	[dreg:$0x9] =	wrdreg s1  }
0x18: {  	s0 =	rddreg [dreg:$0x5];
	s30 =	simm.s32 $0x80  }
0x19: {  	[tilespmem:s8], [sflag:$0xC] =	stream.strided.gather [hbm4b:s0+s30], $0x200, s9, s30, $0x38;
	[tilespmem:$0x1EA00] =	vst v63  }
0x1a: {  	_ =	swait.ge [sflag:s2], $0x200  }
0x1b: {  	s3 =	simm.s32 $0x200;
	[sflag:s2] =	ssyncset.done $0x0  }
0x1c: {  	s19 =	simm.s32 $0xFFFFFFFF;
	s31 =	rddreg [dreg:$0x6];
	[sflag:s2] =	ssyncadd.s32 $0xFFFFFE00  }
0x1d: {  	[tilespmem:s3], [sflag:$0xC] =	stream.strided.gather [hbm4b:s31+s30], $0x200, s9, s30, $0x38;
	[tilespmem:$0x1EA00] =	vst v63  }
0x1e: {  	s20 =	simm.s32 $0xFFFFFFF7;
	s21 =	simm.s32 $0xFFFFFFF6;
	_ =	swait.ge [sflag:s2], $0x200  }
0x1f: {  	s22 =	simm.s32 $0xFFFFFFF5;
	s23 =	simm.s32 $0x0;
	[sflag:s2] =	ssyncset.done $0x0  }
0x20: {  	s24 =	simm.s32 $0x0;
	s25 =	simm.s32 $0x0;
	[sflag:s2] =	ssyncadd.s32 $0xFFFFFE00  }
.LBB2_2:
0x21: {  	s2 =	sshra.s32 s24, $0x2;
	p0 =	seq.s32 s25, $0x0  }
0x22: {  	v5 =	vld [tilespmem:s2+$0x0];
	s0 =	smulhi.u32 @!p0 $0xBA2E8BA3, s22  }
0x23: {  	v4 =	vld [tilespmem:s2+$0x200]  }
0x24: {  	s0 =	sshrl.u32 @!p0 s0, $0x3  }
0x25: {  	s1 =	smul.u32 @!p0 $0xFFFFFFD4, s0;
	_ =	sdelay $0x1  }
0x26: {  	v6 =	vand.u32 $0x7F, v5;
	s1 =	sshra.s32 @!p0 s1, $0x2  }
0x27: {  	v23 =	vand.u32 $0x7F, v4;
	[tilespmem:s2+$0x400] =	vst v6;
	s1 =	sadd.s32 @!p0 $0xFFFFFFF6, s1  }
0x28: {  	[tilespmem:s2+$0x600] =	vst v23;
	s1 =	sadd.s32 @!p0 s2, s1  }
0x29: {  	s3 =	sadd.s32 @!p0 $0xFFFFFFF5, s25;
	_ =	swait.ge @!p0 [sflag:s1], $0x1000  }
0x2a: {  	v6 =	vmov @!p0 s3;
	[sflag:s1] =	ssyncset.done @!p0 $0x0  }
0x2b: {  	[sflag:s1] =	ssyncadd.s32 @!p0 $0xFFFFF000  }
0x2c: {  	_ =	swait.ge @!p0 [sflag:s1], $0x1000  }
0x2d: {  	v5 =	vand.u32 $0xFFFFFF80, v5;
	[sflag:s1] =	ssyncset.done @!p0 $0x0  }
0x2e: {  	v24 =	vnsel vm0, $0x0, v5;
	[sflag:s1] =	ssyncadd.s32 @!p0 $0xFFFFF000  }
0x2f: {  	(xrf0) =	vadd.scan.msk.s32 $0xffff, v24;
	v7 =	vld.idx.msk @!p0 [tilespmem:v6+s9+$0x0], $0xffff  }
0x30: {  	v8 =	vld.idx.msk @!p0 [tilespmem:v6+s14+$0x0], $0xffff  }
0x31: {  	v4 =	vand.u32 $0xFFFFFF80, v4  }
0x32: {  	v25 =	vnsel vm0, $0x0, v4  }
0x33: {  	(xrf0) =	vadd.scan.msk.s32 $0xffff, v25  }
0x34: {  	s0 =	smul.u32 @!p0 $0xFFFD4000, s0;
	v9 =	vadd.s32 @!p0 v0, v7  }
0x35: {  	v26, _, _ =	vpop (xrf0);
	v10 =	vadd.s32 @!p0 v0, v8  }
0x36: {  	s0 =	sshra.s32 @!p0 s0, $0x2;
	v11 =	vshll.u32 @!p0 v6, $0x3;
	(v2sf) =	vpush v26, $0xF  }
0x37: {  	s3 =	sshra.s32 @!p0 s23, $0x2;
	v11 =	vand.u32 @!p0 $0xFFFFFC00, v11;
	s1 =	sadd.s32 @!p0 $0xFFFF5800, s0;
	v6 =	vand.u32 @!p0 $0x75, v6  }
0x38: {  	s0 =	sor.u32 @!p0 $0x800, s0;
	s1 =	sadd.s32 @!p0 s3, s1;
	v6 =	vor.u32 @!p0 v6, v11  }
0x39: {  	s0 =	sadd.s32 @!p0 s3, s0;
	v11 =	vadd.s32 @!p0 v1, v6;
	v27, _, _ =	vpop (xrf0);
	v9 =	vld.idx.msk @!p0 [tilespmem:v9+s1+$0x0], $0xffff  }
0x3a: {  	(v2sf) =	vpush v27, $0xF;
	v10 =	vld.idx.msk @!p0 [tilespmem:v10+s0+$0x0], $0xffff  }
0x3b: {  	v7 =	vadd.s32 @!p0 v2, v7  }
0x3c: {  	v8 =	vadd.s32 @!p0 v2, v8;
	_ =	sdelay $0x1  }
0x3d: {  	[tilespmem:v11+s15+$0x0] =	vst.idx.msk @!p0 $0xffff, v9  }
0x3e: {  	s29 =	smul.u32 $0xBA2F, s25;
	[tilespmem:v11+s16+$0x0] =	vst.idx.msk @!p0 $0xffff, v10  }
0x3f: {  	v7 =	vld.idx.msk @!p0 [tilespmem:v7+s1+$0x0], $0xffff  }
0x40: {  	v6 =	vadd.s32 @!p0 v3, v6;
	v8 =	vld.idx.msk @!p0 [tilespmem:v8+s0+$0x0], $0xffff;
	s0 =	sshrl.u32 s29, $0x13  }
0x41: {  	s0 =	smul.u32 $0xB, s0;
	_ =	sdelay $0x1  }
0x42: {  	s0 =	ssub.s32 s25, s0  }
0x43: {  	s30 =	spop (v2sf);
	s0 =	sand.u32 $0xFFFF, s0  }
0x44: {  	s31 =	rddreg [dreg:$0x0];
	s1 =	sand.u32 $0xFFFFF80, s30;
	[tilespmem:v6+s15+$0x0] =	vst.idx.msk @!p0 $0xffff, v7;
	s4 =	sshll.u32 s0, $0xC  }
0x45: {  	s3 =	sadd.s32 $0x1, s0;
	s0 =	sadd.s32 s31, s1;
	[tilespmem:v6+s16+$0x0] =	vst.idx.msk @!p0 $0xffff, v8;
	s5 =	sor.u32 $0x800, s4  }
0x46: {  	[tilespmem:s5], [sflag:s3] =	stream.strided.gather [hbm4b:s0+s9], $0x1000, s12, s9, $0x38;
	[tilespmem:$0x1EA00] =	vst v63  }
0x47: {  	[dreg:$0xa] =	wrdreg s5;
	s5 =	spop (v2sf)  }
0x48: {  	s6 =	rddreg [dreg:$0x1];
	s0 =	sand.u32 $0xFFFFF80, s5  }
0x49: {  	s4 =	sadd.s32 $0xB800, s4;
	s0 =	sadd.s32 s6, s0  }
0x4a: {  	[tilespmem:s4], [sflag:s3] =	stream.strided.gather [hbm4b:s0+s9], $0x1000, s12, s9, $0x38;
	[tilespmem:$0x1EA00] =	vst v63  }
0x4b: {  	s0 =	smulhi.u32 @!p0 $0xBA2E8BA3, s21;
	_ =	sdelay $0x1  }
0x4c: {  	s0 =	sshrl.u32 @!p0 s0, $0x3  }
0x4d: {  	s1 =	smul.u32 @!p0 $0xFFFFFFD4, s0;
	_ =	sdelay $0x1  }
0x4e: {  	s1 =	sshra.s32 @!p0 s1, $0x2  }
0x4f: {  	s1 =	sadd.s32 @!p0 $0xFFFFFFF7, s1  }
0x50: {  	[dreg:$0xb] =	wrdreg s4;
	s1 =	sadd.s32 @!p0 s2, s1  }
0x51: {  	s4 =	sadd.s32 @!p0 $0xFFFFFFF6, s25;
	_ =	swait.ge @!p0 [sflag:s1], $0x1000  }
0x52: {  	v6 =	vmov @!p0 s4;
	[sflag:s1] =	ssyncset.done @!p0 $0x0  }
0x53: {  	[sflag:s1] =	ssyncadd.s32 @!p0 $0xFFFFF000  }
0x54: {  	_ =	swait.ge @!p0 [sflag:s1], $0x1000  }
0x55: {  	[sflag:s1] =	ssyncset.done @!p0 $0x0  }
0x56: {  	v28 =	vsel vm1, $0x0, v5;
	[sflag:s1] =	ssyncadd.s32 @!p0 $0xFFFFF000  }
0x57: {  	v29 =	vsel vm1, $0x0, v4;
	(xrf0) =	vadd.scan.msk.s32 $0xffff, v28;
	v7 =	vld.idx.msk @!p0 [tilespmem:v6+s9+$0x0], $0xffff  }
0x58: {  	(xrf0) =	vadd.scan.msk.s32 $0xffff, v29;
	v8 =	vld.idx.msk @!p0 [tilespmem:v6+s14+$0x0], $0xffff;
	_ =	sdelay $0x3  }
0x59: {  	s0 =	smul.u32 @!p0 $0xFFFD4000, s0;
	v9 =	vadd.s32 @!p0 v0, v7  }
0x5a: {  	v30, _, _ =	vpop (xrf0);
	v10 =	vadd.s32 @!p0 v0, v8  }
0x5b: {  	v11 =	vshll.u32 @!p0 v6, $0x3;
	s0 =	sshra.s32 @!p0 s0, $0x2;
	(v2sf) =	vpush v30, $0xF;
	v31, _, _ =	vpop (xrf0)  }
0x5c: {  	s4 =	sshra.s32 @!p0 s23, $0x2;
	v11 =	vand.u32 @!p0 $0xFFFFFC00, v11;
	s1 =	sadd.s32 @!p0 $0xFFFF6800, s0;
	v6 =	vand.u32 @!p0 $0x76, v6;
	(v2sf) =	vpush v31, $0xF  }
0x5d: {  	s0 =	sadd.s32 @!p0 $0x1800, s0;
	s1 =	sadd.s32 @!p0 s4, s1;
	v6 =	vor.u32 @!p0 v6, v11  }
0x5e: {  	s0 =	sadd.s32 @!p0 s4, s0;
	v11 =	vadd.s32 @!p0 v1, v6;
	v9 =	vld.idx.msk @!p0 [tilespmem:v9+s1+$0x0], $0xffff  }
0x5f: {  	v10 =	vld.idx.msk @!p0 [tilespmem:v10+s0+$0x0], $0xffff  }
0x60: {  	v7 =	vadd.s32 @!p0 v2, v7  }
0x61: {  	v8 =	vadd.s32 @!p0 v2, v8;
	_ =	sdelay $0x1  }
0x62: {  	s10 =	sadd.s32 $0x1, s25;
	[tilespmem:v11+s15+$0x0] =	vst.idx.msk @!p0 $0xffff, v9  }
0x63: {  	s7 =	smul.u32 $0xBA2F, s10;
	[tilespmem:v11+s16+$0x0] =	vst.idx.msk @!p0 $0xffff, v10  }
0x64: {  	v7 =	vld.idx.msk @!p0 [tilespmem:v7+s1+$0x0], $0xffff  }
0x65: {  	v6 =	vadd.s32 @!p0 v3, v6;
	v8 =	vld.idx.msk @!p0 [tilespmem:v8+s0+$0x0], $0xffff;
	s0 =	sshrl.u32 s7, $0x13  }
0x66: {  	s0 =	smul.u32 $0xB, s0;
	_ =	sdelay $0x1  }
0x67: {  	s0 =	ssub.s32 s10, s0  }
0x68: {  	s13 =	rddreg [dreg:$0x0];
	s8 =	spop (v2sf);
	s0 =	sand.u32 $0xFFFF, s0  }
0x69: {  	s1 =	sand.u32 $0xFFFFF80, s8;
	s17 =	spop (v2sf);
	[tilespmem:v6+s15+$0x0] =	vst.idx.msk @!p0 $0xffff, v7;
	s11 =	sshll.u32 s0, $0xC  }
0x6a: {  	s5 =	sadd.s32 $0x1, s0;
	s0 =	sadd.s32 s13, s1;
	[tilespmem:v6+s16+$0x0] =	vst.idx.msk @!p0 $0xffff, v8;
	s6 =	sor.u32 $0x800, s11  }
0x6b: {  	[tilespmem:s6], [sflag:s5] =	stream.strided.gather [hbm4b:s0+s9], $0x1000, s12, s9, $0x38;
	[tilespmem:$0x1EA00] =	vst v63  }
0x6c: {  	s18 =	rddreg [dreg:$0x1];
	s0 =	sand.u32 $0xFFFFF80, s17  }
0x6d: {  	s4 =	sadd.s32 $0xB800, s11;
	s0 =	sadd.s32 s18, s0  }
0x6e: {  	[tilespmem:s4], [sflag:s5] =	stream.strided.gather [hbm4b:s0+s9], $0x1000, s12, s9, $0x38;
	[tilespmem:$0x1EA00] =	vst v63  }
0x6f: {  	s0 =	smulhi.u32 @!p0 $0xBA2E8BA3, s20;
	_ =	sdelay $0x1  }
0x70: {  	s0 =	sshrl.u32 @!p0 s0, $0x3  }
0x71: {  	s1 =	smul.u32 @!p0 $0xFFFFFFD4, s0;
	_ =	sdelay $0x1  }
0x72: {  	s1 =	sshra.s32 @!p0 s1, $0x2  }
0x73: {  	[dreg:$0xc] =	wrdreg s6;
	s1 =	sadd.s32 @!p0 $0xFFFFFFF8, s1  }
0x74: {  	[dreg:$0xd] =	wrdreg s4;
	s1 =	sadd.s32 @!p0 s2, s1  }
0x75: {  	s4 =	sadd.s32 @!p0 $0xFFFFFFF7, s25;
	_ =	swait.ge @!p0 [sflag:s1], $0x1000  }
0x76: {  	v6 =	vmov @!p0 s4;
	[sflag:s1] =	ssyncset.done @!p0 $0x0  }
0x77: {  	[sflag:s1] =	ssyncadd.s32 @!p0 $0xFFFFF000  }
0x78: {  	_ =	swait.ge @!p0 [sflag:s1], $0x1000  }
0x79: {  	[sflag:s1] =	ssyncset.done @!p0 $0x0  }
0x7a: {  	v32 =	vsel vm2, $0x0, v5;
	[sflag:s1] =	ssyncadd.s32 @!p0 $0xFFFFF000  }
0x7b: {  	(xrf0) =	vadd.scan.msk.s32 $0xffff, v32;
	v7 =	vld.idx.msk @!p0 [tilespmem:v6+s9+$0x0], $0xffff  }
0x7c: {  	v33 =	vsel vm2, $0x0, v4;
	v8 =	vld.idx.msk @!p0 [tilespmem:v6+s14+$0x0], $0xffff  }
0x7d: {  	(xrf0) =	vadd.scan.msk.s32 $0xffff, v33;
	_ =	sdelay $0x2  }
0x7e: {  	s0 =	smul.u32 @!p0 $0xFFFD4000, s0;
	v9 =	vadd.s32 @!p0 v0, v7  }
0x7f: {  	v34, _, _ =	vpop (xrf0);
	v10 =	vadd.s32 @!p0 v0, v8  }
0x80: {  	v11 =	vshll.u32 @!p0 v6, $0x3;
	s0 =	sshra.s32 @!p0 s0, $0x2;
	(v2sf) =	vpush v34, $0xF  }
0x81: {  	s4 =	sshra.s32 @!p0 s23, $0x2;
	v11 =	vand.u32 @!p0 $0xFFFFFC00, v11;
	s1 =	sadd.s32 @!p0 $0xFFFF7800, s0;
	v6 =	vand.u32 @!p0 $0x77, v6;
	v35, _, _ =	vpop (xrf0)  }
0x82: {  	s0 =	sadd.s32 @!p0 $0x2800, s0;
	s1 =	sadd.s32 @!p0 s4, s1;
	v6 =	vor.u32 @!p0 v6, v11;
	(v2sf) =	vpush v35, $0xF  }
0x83: {  	s0 =	sadd.s32 @!p0 s4, s0;
	v11 =	vadd.s32 @!p0 v1, v6;
	v9 =	vld.idx.msk @!p0 [tilespmem:v9+s1+$0x0], $0xffff  }
0x84: {  	v10 =	vld.idx.msk @!p0 [tilespmem:v10+s0+$0x0], $0xffff  }
0x85: {  	v7 =	vadd.s32 @!p0 v2, v7  }
0x86: {  	v8 =	vadd.s32 @!p0 v2, v8;
	_ =	sdelay $0x1  }
0x87: {  	s8 =	sadd.s32 $0x2, s25;
	[tilespmem:v11+s15+$0x0] =	vst.idx.msk @!p0 $0xffff, v9  }
0x88: {  	s26 =	smul.u32 $0xBA2F, s8;
	[tilespmem:v11+s16+$0x0] =	vst.idx.msk @!p0 $0xffff, v10  }
0x89: {  	v7 =	vld.idx.msk @!p0 [tilespmem:v7+s1+$0x0], $0xffff  }
0x8a: {  	v6 =	vadd.s32 @!p0 v3, v6;
	v8 =	vld.idx.msk @!p0 [tilespmem:v8+s0+$0x0], $0xffff;
	s0 =	sshrl.u32 s26, $0x13  }
0x8b: {  	s0 =	smul.u32 $0xB, s0;
	_ =	sdelay $0x1  }
0x8c: {  	s0 =	ssub.s32 s8, s0  }
0x8d: {  	s31 =	rddreg [dreg:$0x0];
	s28 =	spop (v2sf);
	s0 =	sand.u32 $0xFFFF, s0  }
0x8e: {  	s1 =	sand.u32 $0xFFFFF80, s28;
	[tilespmem:v6+s15+$0x0] =	vst.idx.msk @!p0 $0xffff, v7;
	s29 =	sshll.u32 s0, $0xC;
	s11 =	sadd.s32 $0x1, s0  }
0x8f: {  	s0 =	sadd.s32 s31, s1;
	s1 =	spop (v2sf);
	[tilespmem:v6+s16+$0x0] =	vst.idx.msk @!p0 $0xffff, v8;
	s30 =	sor.u32 $0x800, s29  }
0x90: {  	[tilespmem:s30], [sflag:s11] =	stream.strided.gather [hbm4b:s0+s9], $0x1000, s12, s9, $0x38;
	[tilespmem:$0x1EA00] =	vst v63  }
0x91: {  	s6 =	rddreg [dreg:$0x1];
	s31 =	sadd.s32 $0x3, s25;
	s0 =	sand.u32 $0xFFFFF80, s1  }
0x92: {  	s4 =	sadd.s32 $0xB800, s29;
	p1 =	slt.u32 s31, $0xB;
	s0 =	sadd.s32 s6, s0  }
0x93: {  	[tilespmem:s4], [sflag:s11] =	stream.strided.gather [hbm4b:s0+s9], $0x1000, s12, s9, $0x38;
	[tilespmem:$0x1EA00] =	vst v63  }
0x94: {  	s0 =	sadd.s32 @!p1 $0xFFFFFFF8, s25  }
0x95: {  	s1 =	sand.u32 @!p1 $0xFFFF, s0  }
0x96: {  	s1 =	smul.u32 @!p1 $0xBA2F, s1;
	_ =	sdelay $0x1  }
0x97: {  	s1 =	sshrl.u32 @!p1 s1, $0x13  }
0x98: {  	s1 =	smul.u32 @!p1 $0xB, s1;
	_ =	sdelay $0x1  }
0x99: {  	s1 =	ssub.s32 @!p1 s0, s1  }
0x9a: {  	[dreg:$0xe] =	wrdreg s30;
	s1 =	sand.u32 @!p1 $0xFFFF, s1  }
0x9b: {  	[dreg:$0xf] =	wrdreg s4;
	s6 =	sadd.s32 @!p1 $0x1, s1  }
0x9c: {  	_ =	swait.ge @!p1 [sflag:s6], $0x1000  }
0x9d: {  	v6 =	vmov @!p1 s0;
	[sflag:s6] =	ssyncset.done @!p1 $0x0  }
0x9e: {  	[sflag:s6] =	ssyncadd.s32 @!p1 $0xFFFFF000  }
0x9f: {  	_ =	swait.ge @!p1 [sflag:s6], $0x1000  }
0xa0: {  	[sflag:s6] =	ssyncset.done @!p1 $0x0  }
0xa1: {  	v36 =	vsel vm3, $0x0, v5;
	[sflag:s6] =	ssyncadd.s32 @!p1 $0xFFFFF000  }
0xa2: {  	v37 =	vsel vm3, $0x0, v4;
	(xrf0) =	vadd.scan.msk.s32 $0xffff, v36;
	v7 =	vld.idx.msk @!p1 [tilespmem:v6+s9+$0x0], $0xffff  }
0xa3: {  	(xrf0) =	vadd.scan.msk.s32 $0xffff, v37;
	v8 =	vld.idx.msk @!p1 [tilespmem:v6+s14+$0x0], $0xffff;
	_ =	sdelay $0x3  }
0xa4: {  	v9 =	vadd.s32 @!p1 v0, v7  }
0xa5: {  	v38, _, _ =	vpop (xrf0);
	v10 =	vadd.s32 @!p1 v0, v8  }
0xa6: {  	v11 =	vshll.u32 @!p1 v6, $0x3;
	(v2sf) =	vpush v38, $0xF;
	v39, _, _ =	vpop (xrf0)  }
0xa7: {  	v11 =	vand.u32 @!p1 $0xFFFFFC00, v11;
	s0 =	sshll.u32 @!p1 s1, $0xC;
	v6 =	vand.u32 @!p1 $0x78, v6;
	(v2sf) =	vpush v39, $0xF  }
0xa8: {  	s1 =	sor.u32 @!p1 $0x800, s0;
	v6 =	vor.u32 @!p1 v6, v11  }
0xa9: {  	v11 =	vadd.s32 @!p1 v1, v6;
	v9 =	vld.idx.msk @!p1 [tilespmem:v9+s1+$0x0], $0xffff  }
0xaa: {  	v10 =	vld.idx.msk @!p1 [tilespmem:v10+s0+$0xB800], $0xffff  }
0xab: {  	v7 =	vadd.s32 @!p1 v2, v7  }
0xac: {  	v8 =	vadd.s32 @!p1 v2, v8;
	_ =	sdelay $0x1  }
0xad: {  	[tilespmem:v11+s15+$0x0] =	vst.idx.msk @!p1 $0xffff, v9  }
0xae: {  	s7 =	smul.u32 $0xBA2F, s31;
	[tilespmem:v11+s16+$0x0] =	vst.idx.msk @!p1 $0xffff, v10  }
0xaf: {  	v7 =	vld.idx.msk @!p1 [tilespmem:v7+s1+$0x0], $0xffff  }
0xb0: {  	v6 =	vadd.s32 @!p1 v3, v6;
	v8 =	vld.idx.msk @!p1 [tilespmem:v8+s0+$0xB800], $0xffff;
	s0 =	sshrl.u32 s7, $0x13  }
0xb1: {  	s0 =	smul.u32 $0xB, s0;
	_ =	sdelay $0x1  }
0xb2: {  	s0 =	ssub.s32 s31, s0  }
0xb3: {  	s17 =	rddreg [dreg:$0x0];
	s13 =	spop (v2sf);
	s0 =	sand.u32 $0xFFFF, s0  }
0xb4: {  	s13 =	sand.u32 $0xFFFFF80, s13;
	s18 =	spop (v2sf);
	[tilespmem:v6+s15+$0x0] =	vst.idx.msk @!p1 $0xffff, v7;
	s7 =	sshll.u32 s0, $0xC  }
0xb5: {  	s1 =	sadd.s32 $0x1, s0;
	s0 =	sadd.s32 s17, s13;
	[tilespmem:v6+s16+$0x0] =	vst.idx.msk @!p1 $0xffff, v8;
	s6 =	sor.u32 $0x800, s7  }
0xb6: {  	[tilespmem:s6], [sflag:s1] =	stream.strided.gather [hbm4b:s0+s9], $0x1000, s12, s9, $0x38;
	[tilespmem:$0x1EA00] =	vst v63  }
0xb7: {  	s26 =	rddreg [dreg:$0x1];
	s13 =	sadd.s32 $0x4, s25;
	s0 =	sand.u32 $0xFFFFF80, s18  }
0xb8: {  	s7 =	sadd.s32 $0xB800, s7;
	p1 =	slt.u32 s13, $0xB;
	s0 =	sadd.s32 s26, s0  }
0xb9: {  	[tilespmem:s7], [sflag:s1] =	stream.strided.gather [hbm4b:s0+s9], $0x1000, s12, s9, $0x38;
	[tilespmem:$0x1EA00] =	vst v63  }
0xba: {  	s0 =	sadd.s32 @!p1 $0xFFFFFFF9, s25  }
0xbb: {  	s18 =	sand.u32 @!p1 $0xFFFF, s0  }
0xbc: {  	s18 =	smul.u32 @!p1 $0xBA2F, s18;
	_ =	sdelay $0x1  }
0xbd: {  	s18 =	sshrl.u32 @!p1 s18, $0x13  }
0xbe: {  	s18 =	smul.u32 @!p1 $0xB, s18;
	_ =	sdelay $0x1  }
0xbf: {  	s18 =	ssub.s32 @!p1 s0, s18  }
0xc0: {  	s18 =	sand.u32 @!p1 $0xFFFF, s18  }
0xc1: {  	s26 =	sadd.s32 @!p1 $0x1, s18  }
0xc2: {  	_ =	swait.ge @!p1 [sflag:s26], $0x1000  }
0xc3: {  	v6 =	vmov @!p1 s0;
	[sflag:s26] =	ssyncset.done @!p1 $0x0  }
0xc4: {  	[sflag:s26] =	ssyncadd.s32 @!p1 $0xFFFFF000  }
0xc5: {  	_ =	swait.ge @!p1 [sflag:s26], $0x1000  }
0xc6: {  	v40 =	vsel vm4, $0x0, v5;
	[sflag:s26] =	ssyncset.done @!p1 $0x0  }
0xc7: {  	v41 =	vsel vm4, $0x0, v4;
	(xrf0) =	vadd.scan.msk.s32 $0xffff, v40;
	[sflag:s26] =	ssyncadd.s32 @!p1 $0xFFFFF000  }
0xc8: {  	(xrf0) =	vadd.scan.msk.s32 $0xffff, v41;
	v7 =	vld.idx.msk @!p1 [tilespmem:v6+s9+$0x0], $0xffff  }
0xc9: {  	v8 =	vld.idx.msk @!p1 [tilespmem:v6+s14+$0x0], $0xffff;
	_ =	sdelay $0x3  }
0xca: {  	v42, _, _ =	vpop (xrf0);
	v9 =	vadd.s32 @!p1 v0, v7  }
0xcb: {  	v10 =	vadd.s32 @!p1 v0, v8;
	(v2sf) =	vpush v42, $0xF;
	v43, _, _ =	vpop (xrf0)  }
0xcc: {  	v11 =	vshll.u32 @!p1 v6, $0x3;
	(v2sf) =	vpush v43, $0xF  }
0xcd: {  	v11 =	vand.u32 @!p1 $0xFFFFFC00, v11;
	s0 =	sshll.u32 @!p1 s18, $0xC;
	v6 =	vand.u32 @!p1 $0x79, v6  }
0xce: {  	s18 =	sor.u32 @!p1 $0x800, s0;
	v6 =	vor.u32 @!p1 v6, v11  }
0xcf: {  	v11 =	vadd.s32 @!p1 v1, v6;
	v9 =	vld.idx.msk @!p1 [tilespmem:v9+s18+$0x0], $0xffff  }
0xd0: {  	v10 =	vld.idx.msk @!p1 [tilespmem:v10+s0+$0xB800], $0xffff  }
0xd1: {  	v7 =	vadd.s32 @!p1 v2, v7  }
0xd2: {  	v8 =	vadd.s32 @!p1 v2, v8;
	_ =	sdelay $0x1  }
0xd3: {  	[tilespmem:v11+s15+$0x0] =	vst.idx.msk @!p1 $0xffff, v9  }
0xd4: {  	s28 =	smul.u32 $0xBA2F, s13;
	[tilespmem:v11+s16+$0x0] =	vst.idx.msk @!p1 $0xffff, v10  }
0xd5: {  	v7 =	vld.idx.msk @!p1 [tilespmem:v7+s18+$0x0], $0xffff  }
0xd6: {  	v6 =	vadd.s32 @!p1 v3, v6;
	v8 =	vld.idx.msk @!p1 [tilespmem:v8+s0+$0xB800], $0xffff;
	s0 =	sshrl.u32 s28, $0x13  }
0xd7: {  	s0 =	smul.u32 $0xB, s0;
	_ =	sdelay $0x1  }
0xd8: {  	s30 =	rddreg [dreg:$0x0];
	s0 =	ssub.s32 s13, s0;
	s29 =	spop (v2sf)  }
0xd9: {  	s0 =	sand.u32 $0xFFFF, s0;
	s29 =	sand.u32 $0xFFFFF80, s29;
	s4 =	spop (v2sf)  }
0xda: {  	[tilespmem:v6+s15+$0x0] =	vst.idx.msk @!p1 $0xffff, v7;
	s28 =	sshll.u32 s0, $0xC;
	s26 =	sadd.s32 $0x1, s0;
	s0 =	sadd.s32 s30, s29  }
0xdb: {  	s17 =	sand.u32 $0xFFFFF80, s4;
	s4 =	sadd.s32 $0x5, s25;
	[tilespmem:v6+s16+$0x0] =	vst.idx.msk @!p1 $0xffff, v8;
	s18 =	sor.u32 $0x800, s28  }
0xdc: {  	[tilespmem:s18], [sflag:s26] =	stream.strided.gather [hbm4b:s0+s9], $0x1000, s12, s9, $0x38;
	[tilespmem:$0x1EA00] =	vst v63  }
0xdd: {  	p1 =	slt.u32 s4, $0xB;
	s0 =	sadd.s32 $0xB800, s28;
	s28 =	rddreg [dreg:$0x1]  }
0xde: {  	s29 =	sadd.s32 @!p1 $0xFFFFFFFA, s25;
	s30 =	sadd.s32 s28, s17  }
0xdf: {  	[tilespmem:s0], [sflag:s26] =	stream.strided.gather [hbm4b:s30+s9], $0x1000, s12, s9, $0x38;
	[tilespmem:$0x1EA00] =	vst v63  }
0xe0: {  	s30 =	sand.u32 @!p1 $0xFFFF, s29  }
0xe1: {  	s30 =	smul.u32 @!p1 $0xBA2F, s30;
	_ =	sdelay $0x1  }
0xe2: {  	s30 =	sshrl.u32 @!p1 s30, $0x13  }
0xe3: {  	s30 =	smul.u32 @!p1 $0xB, s30;
	_ =	sdelay $0x1  }
0xe4: {  	s30 =	ssub.s32 @!p1 s29, s30  }
0xe5: {  	s30 =	sand.u32 @!p1 $0xFFFF, s30  }
0xe6: {  	s17 =	sadd.s32 @!p1 $0x1, s30  }
0xe7: {  	_ =	swait.ge @!p1 [sflag:s17], $0x1000  }
0xe8: {  	v6 =	vmov @!p1 s29;
	[sflag:s17] =	ssyncset.done @!p1 $0x0  }
0xe9: {  	[sflag:s17] =	ssyncadd.s32 @!p1 $0xFFFFF000  }
0xea: {  	_ =	swait.ge @!p1 [sflag:s17], $0x1000  }
0xeb: {  	[sflag:s17] =	ssyncset.done @!p1 $0x0  }
0xec: {  	v44 =	vsel vm5, $0x0, v5;
	[sflag:s17] =	ssyncadd.s32 @!p1 $0xFFFFF000  }
0xed: {  	(xrf0) =	vadd.scan.msk.s32 $0xffff, v44;
	v7 =	vld.idx.msk @!p1 [tilespmem:v6+s9+$0x0], $0xffff  }
0xee: {  	v8 =	vld.idx.msk @!p1 [tilespmem:v6+s14+$0x0], $0xffff  }
0xef: {  	v45 =	vsel vm5, $0x0, v4  }
0xf0: {  	(xrf0) =	vadd.scan.msk.s32 $0xffff, v45;
	_ =	sdelay $0x1  }
0xf1: {  	v9 =	vadd.s32 @!p1 v0, v7  }
0xf2: {  	v46, _, _ =	vpop (xrf0);
	v10 =	vadd.s32 @!p1 v0, v8  }
0xf3: {  	v11 =	vshll.u32 @!p1 v6, $0x3;
	(v2sf) =	vpush v46, $0xF  }
0xf4: {  	v11 =	vand.u32 @!p1 $0xFFFFFC00, v11;
	s17 =	sshll.u32 @!p1 s30, $0xC;
	v6 =	vand.u32 @!p1 $0x7A, v6  }
0xf5: {  	s29 =	sor.u32 @!p1 $0x800, s17;
	v6 =	vor.u32 @!p1 v6, v11;
	v47, _, _ =	vpop (xrf0)  }
0xf6: {  	v11 =	vadd.s32 @!p1 v1, v6;
	(v2sf) =	vpush v47, $0xF;
	v9 =	vld.idx.msk @!p1 [tilespmem:v9+s29+$0x0], $0xffff  }
0xf7: {  	v10 =	vld.idx.msk @!p1 [tilespmem:v10+s17+$0xB800], $0xffff  }
0xf8: {  	v7 =	vadd.s32 @!p1 v2, v7;
	_ =	sdelay $0x1  }
0xf9: {  	v8 =	vadd.s32 @!p1 v2, v8  }
0xfa: {  	[tilespmem:v11+s15+$0x0] =	vst.idx.msk @!p1 $0xffff, v9  }
0xfb: {  	[tilespmem:v11+s16+$0x0] =	vst.idx.msk @!p1 $0xffff, v10  }
0xfc: {  	v7 =	vld.idx.msk @!p1 [tilespmem:v7+s29+$0x0], $0xffff;
	s29 =	smul.u32 $0xBA2F, s4;
	_ =	sdelay $0x1  }
0xfd: {  	v6 =	vadd.s32 @!p1 v3, v6;
	v8 =	vld.idx.msk @!p1 [tilespmem:v8+s17+$0xB800], $0xffff;
	s17 =	sshrl.u32 s29, $0x13  }
0xfe: {  	s17 =	smul.u32 $0xB, s17;
	_ =	sdelay $0x1  }
0xff: {  	s30 =	spop (v2sf);
	s17 =	ssub.s32 s4, s17  }
0x100: {  	s28 =	sand.u32 $0xFFFFF80, s30;
	s4 =	rddreg [dreg:$0x0];
	s17 =	sand.u32 $0xFFFF, s17  }
0x101: {  	[tilespmem:v6+s15+$0x0] =	vst.idx.msk @!p1 $0xffff, v7;
	s28 =	sadd.s32 s4, s28;
	s29 =	sshll.u32 s17, $0xC  }
0x102: {  	[tilespmem:v6+s16+$0x0] =	vst.idx.msk @!p1 $0xffff, v8;
	s4 =	spop (v2sf);
	s17 =	sadd.s32 $0x1, s17;
	s30 =	sor.u32 $0x800, s29  }
0x103: {  	[tilespmem:s30], [sflag:s17] =	stream.strided.gather [hbm4b:s28+s9], $0x1000, s12, s9, $0x38;
	[tilespmem:$0x1EA00] =	vst v63  }
0x104: {  	s28 =	sand.u32 $0xFFFFF80, s4;
	s30 =	rddreg [dreg:$0x1];
	s4 =	sadd.s32 $0x6, s25  }
0x105: {  	s29 =	sadd.s32 $0xB800, s29;
	s28 =	sadd.s32 s30, s28;
	p1 =	slt.u32 s4, $0xB  }
0x106: {  	[tilespmem:s29], [sflag:s17] =	stream.strided.gather [hbm4b:s28+s9], $0x1000, s12, s9, $0x38;
	[tilespmem:$0x1EA00] =	vst v63  }
0x107: {  	s17 =	sadd.s32 @!p1 $0xFFFFFFFB, s25  }
0x108: {  	s29 =	sand.u32 @!p1 $0xFFFF, s17  }
0x109: {  	s29 =	smul.u32 @!p1 $0xBA2F, s29;
	_ =	sdelay $0x1  }
0x10a: {  	s29 =	sshrl.u32 @!p1 s29, $0x13  }
0x10b: {  	s29 =	smul.u32 @!p1 $0xB, s29;
	_ =	sdelay $0x1  }
0x10c: {  	s29 =	ssub.s32 @!p1 s17, s29  }
0x10d: {  	s29 =	sand.u32 @!p1 $0xFFFF, s29  }
0x10e: {  	s30 =	sadd.s32 @!p1 $0x1, s29  }
0x10f: {  	_ =	swait.ge @!p1 [sflag:s30], $0x1000  }
0x110: {  	v6 =	vmov @!p1 s17;
	[sflag:s30] =	ssyncset.done @!p1 $0x0  }
0x111: {  	[sflag:s30] =	ssyncadd.s32 @!p1 $0xFFFFF000  }
0x112: {  	_ =	swait.ge @!p1 [sflag:s30], $0x1000  }
0x113: {  	[sflag:s30] =	ssyncset.done @!p1 $0x0  }
0x114: {  	v48 =	vsel vm6, $0x0, v5;
	[sflag:s30] =	ssyncadd.s32 @!p1 $0xFFFFF000  }
0x115: {  	(xrf0) =	vadd.scan.msk.s32 $0xffff, v48;
	v7 =	vld.idx.msk @!p1 [tilespmem:v6+s9+$0x0], $0xffff  }
0x116: {  	v8 =	vld.idx.msk @!p1 [tilespmem:v6+s14+$0x0], $0xffff  }
0x117: {  	v49 =	vsel vm6, $0x0, v4  }
0x118: {  	(xrf0) =	vadd.scan.msk.s32 $0xffff, v49;
	_ =	sdelay $0x1  }
0x119: {  	v9 =	vadd.s32 @!p1 v0, v7  }
0x11a: {  	v50, _, _ =	vpop (xrf0);
	v10 =	vadd.s32 @!p1 v0, v8  }
0x11b: {  	v11 =	vshll.u32 @!p1 v6, $0x3;
	(v2sf) =	vpush v50, $0xF  }
0x11c: {  	v11 =	vand.u32 @!p1 $0xFFFFFC00, v11;
	s17 =	sshll.u32 @!p1 s29, $0xC;
	v6 =	vand.u32 @!p1 $0x7B, v6  }
0x11d: {  	s29 =	sor.u32 @!p1 $0x800, s17;
	v6 =	vor.u32 @!p1 v6, v11;
	v51, _, _ =	vpop (xrf0)  }
0x11e: {  	v11 =	vadd.s32 @!p1 v1, v6;
	(v2sf) =	vpush v51, $0xF;
	v9 =	vld.idx.msk @!p1 [tilespmem:v9+s29+$0x0], $0xffff  }
0x11f: {  	v10 =	vld.idx.msk @!p1 [tilespmem:v10+s17+$0xB800], $0xffff  }
0x120: {  	v7 =	vadd.s32 @!p1 v2, v7;
	_ =	sdelay $0x1  }
0x121: {  	v8 =	vadd.s32 @!p1 v2, v8  }
0x122: {  	[tilespmem:v11+s15+$0x0] =	vst.idx.msk @!p1 $0xffff, v9  }
0x123: {  	[tilespmem:v11+s16+$0x0] =	vst.idx.msk @!p1 $0xffff, v10  }
0x124: {  	v7 =	vld.idx.msk @!p1 [tilespmem:v7+s29+$0x0], $0xffff;
	s29 =	smul.u32 $0xBA2F, s4;
	_ =	sdelay $0x1  }
0x125: {  	v6 =	vadd.s32 @!p1 v3, v6;
	v8 =	vld.idx.msk @!p1 [tilespmem:v8+s17+$0xB800], $0xffff;
	s17 =	sshrl.u32 s29, $0x13  }
0x126: {  	s17 =	smul.u32 $0xB, s17;
	_ =	sdelay $0x1  }
0x127: {  	s30 =	spop (v2sf);
	s17 =	ssub.s32 s4, s17  }
0x128: {  	s28 =	sand.u32 $0xFFFFF80, s30;
	s4 =	rddreg [dreg:$0x0];
	s17 =	sand.u32 $0xFFFF, s17  }
0x129: {  	[tilespmem:v6+s15+$0x0] =	vst.idx.msk @!p1 $0xffff, v7;
	s28 =	sadd.s32 s4, s28;
	s29 =	sshll.u32 s17, $0xC  }
0x12a: {  	[tilespmem:v6+s16+$0x0] =	vst.idx.msk @!p1 $0xffff, v8;
	s4 =	spop (v2sf);
	s17 =	sadd.s32 $0x1, s17;
	s30 =	sor.u32 $0x800, s29  }
0x12b: {  	[tilespmem:s30], [sflag:s17] =	stream.strided.gather [hbm4b:s28+s9], $0x1000, s12, s9, $0x38;
	[tilespmem:$0x1EA00] =	vst v63  }
0x12c: {  	s28 =	sand.u32 $0xFFFFF80, s4;
	s30 =	rddreg [dreg:$0x1];
	s4 =	sadd.s32 $0x7, s25  }
0x12d: {  	s29 =	sadd.s32 $0xB800, s29;
	s28 =	sadd.s32 s30, s28;
	p1 =	slt.u32 s4, $0xB  }
0x12e: {  	[tilespmem:s29], [sflag:s17] =	stream.strided.gather [hbm4b:s28+s9], $0x1000, s12, s9, $0x38;
	[tilespmem:$0x1EA00] =	vst v63  }
0x12f: {  	s17 =	sadd.s32 @!p1 $0xFFFFFFFC, s25  }
0x130: {  	s29 =	sand.u32 @!p1 $0xFFFF, s17  }
0x131: {  	s29 =	smul.u32 @!p1 $0xBA2F, s29;
	_ =	sdelay $0x1  }
0x132: {  	s29 =	sshrl.u32 @!p1 s29, $0x13  }
0x133: {  	s29 =	smul.u32 @!p1 $0xB, s29;
	_ =	sdelay $0x1  }
0x134: {  	s29 =	ssub.s32 @!p1 s17, s29  }
0x135: {  	s29 =	sand.u32 @!p1 $0xFFFF, s29  }
0x136: {  	s30 =	sadd.s32 @!p1 $0x1, s29  }
0x137: {  	_ =	swait.ge @!p1 [sflag:s30], $0x1000  }
0x138: {  	v6 =	vmov @!p1 s17;
	[sflag:s30] =	ssyncset.done @!p1 $0x0  }
0x139: {  	[sflag:s30] =	ssyncadd.s32 @!p1 $0xFFFFF000  }
0x13a: {  	_ =	swait.ge @!p1 [sflag:s30], $0x1000  }
0x13b: {  	[sflag:s30] =	ssyncset.done @!p1 $0x0  }
0x13c: {  	v52 =	vsel vm7, $0x0, v5;
	[sflag:s30] =	ssyncadd.s32 @!p1 $0xFFFFF000  }
0x13d: {  	(xrf0) =	vadd.scan.msk.s32 $0xffff, v52;
	v7 =	vld.idx.msk @!p1 [tilespmem:v6+s9+$0x0], $0xffff  }
0x13e: {  	v8 =	vld.idx.msk @!p1 [tilespmem:v6+s14+$0x0], $0xffff  }
0x13f: {  	v53 =	vsel vm7, $0x0, v4  }
0x140: {  	(xrf0) =	vadd.scan.msk.s32 $0xffff, v53;
	_ =	sdelay $0x1  }
0x141: {  	v9 =	vadd.s32 @!p1 v0, v7  }
0x142: {  	v54, _, _ =	vpop (xrf0);
	v10 =	vadd.s32 @!p1 v0, v8  }
0x143: {  	v11 =	vshll.u32 @!p1 v6, $0x3;
	(v2sf) =	vpush v54, $0xF  }
0x144: {  	v11 =	vand.u32 @!p1 $0xFFFFFC00, v11;
	s17 =	sshll.u32 @!p1 s29, $0xC;
	v6 =	vand.u32 @!p1 $0x7C, v6  }
0x145: {  	s29 =	sor.u32 @!p1 $0x800, s17;
	v6 =	vor.u32 @!p1 v6, v11;
	v55, _, _ =	vpop (xrf0)  }
0x146: {  	v11 =	vadd.s32 @!p1 v1, v6;
	(v2sf) =	vpush v55, $0xF;
	v9 =	vld.idx.msk @!p1 [tilespmem:v9+s29+$0x0], $0xffff  }
0x147: {  	v10 =	vld.idx.msk @!p1 [tilespmem:v10+s17+$0xB800], $0xffff  }
0x148: {  	v7 =	vadd.s32 @!p1 v2, v7;
	_ =	sdelay $0x1  }
0x149: {  	v8 =	vadd.s32 @!p1 v2, v8  }
0x14a: {  	[tilespmem:v11+s15+$0x0] =	vst.idx.msk @!p1 $0xffff, v9  }
0x14b: {  	[tilespmem:v11+s16+$0x0] =	vst.idx.msk @!p1 $0xffff, v10  }
0x14c: {  	v7 =	vld.idx.msk @!p1 [tilespmem:v7+s29+$0x0], $0xffff;
	s29 =	smul.u32 $0xBA2F, s4;
	_ =	sdelay $0x1  }
0x14d: {  	v6 =	vadd.s32 @!p1 v3, v6;
	v8 =	vld.idx.msk @!p1 [tilespmem:v8+s17+$0xB800], $0xffff;
	s17 =	sshrl.u32 s29, $0x13  }
0x14e: {  	s17 =	smul.u32 $0xB, s17;
	_ =	sdelay $0x1  }
0x14f: {  	s30 =	spop (v2sf);
	s17 =	ssub.s32 s4, s17  }
0x150: {  	s28 =	sand.u32 $0xFFFFF80, s30;
	s4 =	rddreg [dreg:$0x0];
	s17 =	sand.u32 $0xFFFF, s17  }
0x151: {  	[tilespmem:v6+s15+$0x0] =	vst.idx.msk @!p1 $0xffff, v7;
	s28 =	sadd.s32 s4, s28;
	s29 =	sshll.u32 s17, $0xC  }
0x152: {  	[tilespmem:v6+s16+$0x0] =	vst.idx.msk @!p1 $0xffff, v8;
	s4 =	spop (v2sf);
	s17 =	sadd.s32 $0x1, s17;
	s30 =	sor.u32 $0x800, s29  }
0x153: {  	[tilespmem:s30], [sflag:s17] =	stream.strided.gather [hbm4b:s28+s9], $0x1000, s12, s9, $0x38;
	[tilespmem:$0x1EA00] =	vst v63  }
0x154: {  	s28 =	sand.u32 $0xFFFFF80, s4;
	s30 =	rddreg [dreg:$0x1];
	s4 =	sadd.s32 $0x8, s25  }
0x155: {  	s29 =	sadd.s32 $0xB800, s29;
	s28 =	sadd.s32 s30, s28;
	p1 =	slt.u32 s4, $0xB  }
0x156: {  	[tilespmem:s29], [sflag:s17] =	stream.strided.gather [hbm4b:s28+s9], $0x1000, s12, s9, $0x38;
	[tilespmem:$0x1EA00] =	vst v63  }
0x157: {  	s17 =	sadd.s32 @!p1 $0xFFFFFFFD, s25  }
0x158: {  	s29 =	sand.u32 @!p1 $0xFFFF, s17  }
0x159: {  	s29 =	smul.u32 @!p1 $0xBA2F, s29;
	_ =	sdelay $0x1  }
0x15a: {  	s29 =	sshrl.u32 @!p1 s29, $0x13  }
0x15b: {  	s29 =	smul.u32 @!p1 $0xB, s29;
	_ =	sdelay $0x1  }
0x15c: {  	s29 =	ssub.s32 @!p1 s17, s29  }
0x15d: {  	s29 =	sand.u32 @!p1 $0xFFFF, s29  }
0x15e: {  	s30 =	sadd.s32 @!p1 $0x1, s29  }
0x15f: {  	_ =	swait.ge @!p1 [sflag:s30], $0x1000  }
0x160: {  	v6 =	vmov @!p1 s17;
	[sflag:s30] =	ssyncset.done @!p1 $0x0  }
0x161: {  	[sflag:s30] =	ssyncadd.s32 @!p1 $0xFFFFF000  }
0x162: {  	_ =	swait.ge @!p1 [sflag:s30], $0x1000  }
0x163: {  	[sflag:s30] =	ssyncset.done @!p1 $0x0  }
0x164: {  	v56 =	vsel vm8, $0x0, v5;
	[sflag:s30] =	ssyncadd.s32 @!p1 $0xFFFFF000  }
0x165: {  	(xrf0) =	vadd.scan.msk.s32 $0xffff, v56;
	v7 =	vld.idx.msk @!p1 [tilespmem:v6+s9+$0x0], $0xffff  }
0x166: {  	v8 =	vld.idx.msk @!p1 [tilespmem:v6+s14+$0x0], $0xffff  }
0x167: {  	v57 =	vsel vm8, $0x0, v4  }
0x168: {  	(xrf0) =	vadd.scan.msk.s32 $0xffff, v57;
	_ =	sdelay $0x1  }
0x169: {  	v9 =	vadd.s32 @!p1 v0, v7  }
0x16a: {  	v58, _, _ =	vpop (xrf0);
	v10 =	vadd.s32 @!p1 v0, v8  }
0x16b: {  	v11 =	vshll.u32 @!p1 v6, $0x3;
	(v2sf) =	vpush v58, $0xF  }
0x16c: {  	v11 =	vand.u32 @!p1 $0xFFFFFC00, v11;
	s17 =	sshll.u32 @!p1 s29, $0xC;
	v6 =	vand.u32 @!p1 $0x7D, v6  }
0x16d: {  	s29 =	sor.u32 @!p1 $0x800, s17;
	v6 =	vor.u32 @!p1 v6, v11;
	v59, _, _ =	vpop (xrf0)  }
0x16e: {  	v11 =	vadd.s32 @!p1 v1, v6;
	(v2sf) =	vpush v59, $0xF;
	v9 =	vld.idx.msk @!p1 [tilespmem:v9+s29+$0x0], $0xffff  }
0x16f: {  	v10 =	vld.idx.msk @!p1 [tilespmem:v10+s17+$0xB800], $0xffff  }
0x170: {  	v7 =	vadd.s32 @!p1 v2, v7;
	_ =	sdelay $0x1  }
0x171: {  	v8 =	vadd.s32 @!p1 v2, v8  }
0x172: {  	[tilespmem:v11+s15+$0x0] =	vst.idx.msk @!p1 $0xffff, v9  }
0x173: {  	[tilespmem:v11+s16+$0x0] =	vst.idx.msk @!p1 $0xffff, v10  }
0x174: {  	v7 =	vld.idx.msk @!p1 [tilespmem:v7+s29+$0x0], $0xffff;
	s29 =	smul.u32 $0xBA2F, s4;
	_ =	sdelay $0x1  }
0x175: {  	v6 =	vadd.s32 @!p1 v3, v6;
	v8 =	vld.idx.msk @!p1 [tilespmem:v8+s17+$0xB800], $0xffff;
	s17 =	sshrl.u32 s29, $0x13  }
0x176: {  	s17 =	smul.u32 $0xB, s17;
	_ =	sdelay $0x1  }
0x177: {  	s30 =	spop (v2sf);
	s17 =	ssub.s32 s4, s17  }
0x178: {  	s28 =	sand.u32 $0xFFFFF80, s30;
	s4 =	rddreg [dreg:$0x0];
	s17 =	sand.u32 $0xFFFF, s17  }
0x179: {  	[tilespmem:v6+s15+$0x0] =	vst.idx.msk @!p1 $0xffff, v7;
	s28 =	sadd.s32 s4, s28;
	s29 =	sshll.u32 s17, $0xC  }
0x17a: {  	[tilespmem:v6+s16+$0x0] =	vst.idx.msk @!p1 $0xffff, v8;
	s4 =	spop (v2sf);
	s17 =	sadd.s32 $0x1, s17;
	s30 =	sor.u32 $0x800, s29  }
0x17b: {  	[tilespmem:s30], [sflag:s17] =	stream.strided.gather [hbm4b:s28+s9], $0x1000, s12, s9, $0x38;
	[tilespmem:$0x1EA00] =	vst v63  }
0x17c: {  	s28 =	sand.u32 $0xFFFFF80, s4;
	s30 =	rddreg [dreg:$0x1];
	s4 =	sadd.s32 $0x9, s25  }
0x17d: {  	s29 =	sadd.s32 $0xB800, s29;
	s28 =	sadd.s32 s30, s28;
	p1 =	slt.u32 s4, $0xB  }
0x17e: {  	[tilespmem:s29], [sflag:s17] =	stream.strided.gather [hbm4b:s28+s9], $0x1000, s12, s9, $0x38;
	[tilespmem:$0x1EA00] =	vst v63  }
0x17f: {  	s17 =	sadd.s32 @!p1 $0xFFFFFFFE, s25  }
0x180: {  	s29 =	sand.u32 @!p1 $0xFFFF, s17  }
0x181: {  	s29 =	smul.u32 @!p1 $0xBA2F, s29;
	_ =	sdelay $0x1  }
0x182: {  	s29 =	sshrl.u32 @!p1 s29, $0x13  }
0x183: {  	s29 =	smul.u32 @!p1 $0xB, s29;
	_ =	sdelay $0x1  }
0x184: {  	s29 =	ssub.s32 @!p1 s17, s29  }
0x185: {  	s29 =	sand.u32 @!p1 $0xFFFF, s29  }
0x186: {  	s30 =	sadd.s32 @!p1 $0x1, s29  }
0x187: {  	_ =	swait.ge @!p1 [sflag:s30], $0x1000  }
0x188: {  	v6 =	vmov @!p1 s17;
	[sflag:s30] =	ssyncset.done @!p1 $0x0  }
0x189: {  	[sflag:s30] =	ssyncadd.s32 @!p1 $0xFFFFF000  }
0x18a: {  	_ =	swait.ge @!p1 [sflag:s30], $0x1000  }
0x18b: {  	[sflag:s30] =	ssyncset.done @!p1 $0x0  }
0x18c: {  	v60 =	vsel vm9, $0x0, v5;
	[sflag:s30] =	ssyncadd.s32 @!p1 $0xFFFFF000  }
0x18d: {  	(xrf0) =	vadd.scan.msk.s32 $0xffff, v60;
	v7 =	vld.idx.msk @!p1 [tilespmem:v6+s9+$0x0], $0xffff  }
0x18e: {  	v8 =	vld.idx.msk @!p1 [tilespmem:v6+s14+$0x0], $0xffff  }
0x18f: {  	v61 =	vsel vm9, $0x0, v4  }
0x190: {  	(xrf0) =	vadd.scan.msk.s32 $0xffff, v61;
	_ =	sdelay $0x1  }
0x191: {  	v9 =	vadd.s32 @!p1 v0, v7  }
0x192: {  	v62, _, _ =	vpop (xrf0);
	v10 =	vadd.s32 @!p1 v0, v8  }
0x193: {  	v11 =	vshll.u32 @!p1 v6, $0x3;
	(v2sf) =	vpush v62, $0xF  }
0x194: {  	v11 =	vand.u32 @!p1 $0xFFFFFC00, v11;
	s17 =	sshll.u32 @!p1 s29, $0xC;
	v6 =	vand.u32 @!p1 $0x7E, v6  }
0x195: {  	s29 =	sor.u32 @!p1 $0x800, s17;
	v6 =	vor.u32 @!p1 v6, v11;
	v63, _, _ =	vpop (xrf0)  }
0x196: {  	v11 =	vadd.s32 @!p1 v1, v6;
	(v2sf) =	vpush v63, $0xF;
	v9 =	vld.idx.msk @!p1 [tilespmem:v9+s29+$0x0], $0xffff  }
0x197: {  	v10 =	vld.idx.msk @!p1 [tilespmem:v10+s17+$0xB800], $0xffff  }
0x198: {  	v7 =	vadd.s32 @!p1 v2, v7;
	_ =	sdelay $0x1  }
0x199: {  	v8 =	vadd.s32 @!p1 v2, v8  }
0x19a: {  	[tilespmem:v11+s15+$0x0] =	vst.idx.msk @!p1 $0xffff, v9  }
0x19b: {  	[tilespmem:v11+s16+$0x0] =	vst.idx.msk @!p1 $0xffff, v10  }
0x19c: {  	v7 =	vld.idx.msk @!p1 [tilespmem:v7+s29+$0x0], $0xffff;
	s29 =	smul.u32 $0xBA2F, s4;
	_ =	sdelay $0x1  }
0x19d: {  	v6 =	vadd.s32 @!p1 v3, v6;
	v8 =	vld.idx.msk @!p1 [tilespmem:v8+s17+$0xB800], $0xffff;
	s17 =	sshrl.u32 s29, $0x13  }
0x19e: {  	s17 =	smul.u32 $0xB, s17;
	_ =	sdelay $0x1  }
0x19f: {  	s30 =	spop (v2sf);
	s17 =	ssub.s32 s4, s17  }
0x1a0: {  	s28 =	sand.u32 $0xFFFFF80, s30;
	s4 =	rddreg [dreg:$0x0];
	s17 =	sand.u32 $0xFFFF, s17  }
0x1a1: {  	[tilespmem:v6+s15+$0x0] =	vst.idx.msk @!p1 $0xffff, v7;
	s28 =	sadd.s32 s4, s28;
	s29 =	sshll.u32 s17, $0xC  }
0x1a2: {  	[tilespmem:v6+s16+$0x0] =	vst.idx.msk @!p1 $0xffff, v8;
	s4 =	spop (v2sf);
	s17 =	sadd.s32 $0x1, s17;
	s30 =	sor.u32 $0x800, s29  }
0x1a3: {  	[tilespmem:s30], [sflag:s17] =	stream.strided.gather [hbm4b:s28+s9], $0x1000, s12, s9, $0x38;
	[tilespmem:$0x1EA00] =	vst v63  }
0x1a4: {  	s28 =	sand.u32 $0xFFFFF80, s4;
	s30 =	rddreg [dreg:$0x1]  }
0x1a5: {  	s29 =	sadd.s32 $0xB800, s29;
	s28 =	sadd.s32 s30, s28  }
0x1a6: {  	[tilespmem:s29], [sflag:s17] =	stream.strided.gather [hbm4b:s28+s9], $0x1000, s12, s9, $0x38;
	[tilespmem:$0x1EA00] =	vst v63  }
0x1a7: {  	s17 =	smulhi.u32 @!p0 $0xBA2E8BA3, s19;
	_ =	sdelay $0x1  }
0x1a8: {  	s17 =	sshrl.u32 @!p0 s17, $0x3  }
0x1a9: {  	s28 =	smul.u32 @!p0 $0xFFFFFFD4, s17;
	_ =	sdelay $0x1  }
0x1aa: {  	s28 =	sshra.s32 @!p0 s28, $0x2  }
0x1ab: {  	s2 =	sadd.s32 @!p0 s2, s28  }
0x1ac: {  	s28 =	sadd.s32 @!p0 $0xFFFFFFFF, s25;
	_ =	swait.ge @!p0 [sflag:s2], $0x1000  }
0x1ad: {  	v6 =	vmov @!p0 s28;
	[sflag:s2] =	ssyncset.done @!p0 $0x0  }
0x1ae: {  	[sflag:s2] =	ssyncadd.s32 @!p0 $0xFFFFF000  }
0x1af: {  	_ =	swait.ge @!p0 [sflag:s2], $0x1000  }
0x1b0: {  	[sflag:s2] =	ssyncset.done @!p0 $0x0  }
0x1b1: {  	[sflag:s2] =	ssyncadd.s32 @!p0 $0xFFFFF000  }
0x1b2: {  	v7 =	vld.idx.msk @!p0 [tilespmem:v6+s9+$0x0], $0xffff;
	_ =	sdelay $0x3  }
0x1b3: {  	v8 =	vld.idx.msk @!p0 [tilespmem:v6+s14+$0x0], $0xffff  }
0x1b4: {  	s2 =	smul.u32 @!p0 $0xFFFD4000, s17;
	v9 =	vadd.s32 @!p0 v0, v7;
	_ =	sdelay $0x1  }
0x1b5: {  	v11 =	vshll.u32 @!p0 v6, $0x3;
	s2 =	sshra.s32 @!p0 s2, $0x2  }
0x1b6: {  	s28 =	sshra.s32 @!p0 s23, $0x2;
	v11 =	vand.u32 @!p0 $0xFFFFFC00, v11;
	v6 =	vand.u32 @!p0 $0x7F, v6;
	s17 =	sadd.s32 @!p0 $0xFFFFF800, s2  }
0x1b7: {  	v6 =	vor.u32 @!p0 v6, v11;
	s17 =	sadd.s32 @!p0 s28, s17;
	v10 =	vadd.s32 @!p0 v0, v8  }
0x1b8: {  	v11 =	vadd.s32 @!p0 v1, v6;
	v9 =	vld.idx.msk @!p0 [tilespmem:v9+s17+$0x0], $0xffff;
	_ =	sdelay $0x1  }
0x1b9: {  	s2 =	sadd.s32 @!p0 $0xA800, s2  }
0x1ba: {  	s2 =	sadd.s32 @!p0 s28, s2  }
0x1bb: {  	v10 =	vld.idx.msk @!p0 [tilespmem:v10+s2+$0x0], $0xffff  }
0x1bc: {  	[tilespmem:v11+s15+$0x0] =	vst.idx.msk @!p0 $0xffff, v9;
	v9 =	vsel vm10, $0x0, v5  }
0x1bd: {  	(xrf0) =	vadd.scan.msk.s32 $0xffff, v9;
	_ =	sdelay $0x2  }
0x1be: {  	[tilespmem:v11+s16+$0x0] =	vst.idx.msk @!p0 $0xffff, v10;
	v10 =	vsel vm10, $0x0, v4  }
0x1bf: {  	(xrf0) =	vadd.scan.msk.s32 $0xffff, v10;
	_ =	sdelay $0x1  }
0x1c0: {  	v11, _, _ =	vpop (xrf0)  }
0x1c1: {  	(v2sf) =	vpush v11, $0xF;
	_ =	sdelay $0x2  }
0x1c2: {  	v12, _, _ =	vpop (xrf0)  }
0x1c3: {  	v7 =	vadd.s32 @!p0 v2, v7;
	(v2sf) =	vpush v12, $0xF;
	_ =	sdelay $0x2  }
0x1c4: {  	s28 =	sor.u32 $0xA, s25;
	v8 =	vadd.s32 @!p0 v2, v8  }
0x1c5: {  	s29 =	sand.u32 $0xFFFF, s28  }
0x1c6: {  	v7 =	vld.idx.msk @!p0 [tilespmem:v7+s17+$0x0], $0xffff;
	s17 =	smul.u32 $0xBA2F, s29;
	_ =	sdelay $0x1  }
0x1c7: {  	v6 =	vadd.s32 @!p0 v3, v6;
	s17 =	sshrl.u32 s17, $0x13  }
0x1c8: {  	v8 =	vld.idx.msk @!p0 [tilespmem:v8+s2+$0x0], $0xffff;
	s17 =	smul.u32 $0xB, s17;
	_ =	sdelay $0x1  }
0x1c9: {  	s2 =	ssub.s32 s28, s17  }
0x1ca: {  	s2 =	sand.u32 $0xFFFF, s2;
	s30 =	spop (v2sf)  }
0x1cb: {  	[tilespmem:v6+s15+$0x0] =	vst.idx.msk @!p0 $0xffff, v7;
	s28 =	sshll.u32 s2, $0xC;
	s17 =	sand.u32 $0xFFFFF80, s30;
	s30 =	rddreg [dreg:$0x0]  }
0x1cc: {  	[tilespmem:v6+s16+$0x0] =	vst.idx.msk @!p0 $0xffff, v8;
	s2 =	sadd.s32 $0x1, s2;
	s4 =	sor.u32 $0x800, s28;
	s17 =	sadd.s32 s30, s17  }
0x1cd: {  	[tilespmem:s4], [sflag:s2] =	stream.strided.gather [hbm4b:s17+s9], $0x1000, s12, s9, $0x38;
	[tilespmem:$0x1EA00] =	vst v63  }
0x1ce: {  	s4 =	spop (v2sf)  }
0x1cf: {  	s29 =	rddreg [dreg:$0x1];
	s17 =	sand.u32 $0xFFFFF80, s4  }
0x1d0: {  	s28 =	sadd.s32 $0xB800, s28;
	s17 =	sadd.s32 s29, s17  }
0x1d1: {  	[tilespmem:s28], [sflag:s2] =	stream.strided.gather [hbm4b:s17+s9], $0x1000, s12, s9, $0x38;
	[tilespmem:$0x1EA00] =	vst v63  }
0x1d2: {  	_ =	swait.ge [sflag:s3], $0x1000  }
0x1d3: {  	v13 =	vmov s25;
	[sflag:s3] =	ssyncset.done $0x0  }
0x1d4: {  	[sflag:s3] =	ssyncadd.s32 $0xFFFFF000  }
0x1d5: {  	_ =	swait.ge [sflag:s3], $0x1000  }
0x1d6: {  	v14 =	vsel vm11, $0x0, v5;
	[sflag:s3] =	ssyncset.done $0x0  }
0x1d7: {  	(xrf0) =	vadd.scan.msk.s32 $0xffff, v14;
	[sflag:s3] =	ssyncadd.s32 $0xFFFFF000  }
0x1d8: {  	v15 =	vld.idx.msk [tilespmem:v13+s9+$0x0], $0xffff  }
0x1d9: {  	v16 =	vld.idx.msk [tilespmem:v13+s14+$0x0], $0xffff  }
0x1da: {  	v17 =	vsel vm11, $0x0, v4  }
0x1db: {  	(xrf0) =	vadd.scan.msk.s32 $0xffff, v17;
	_ =	sdelay $0x1  }
0x1dc: {  	v19, _, _ =	vpop (xrf0);
	v18 =	vadd.s32 v0, v15  }
0x1dd: {  	v20 =	vadd.s32 v0, v16;
	(v2sf) =	vpush v19, $0xF  }
0x1de: {  	v21 =	vshll.u32 v13, $0x3  }
0x1df: {  	v10 =	vand.u32 $0xC00, v21;
	v6 =	vand.u32 $0x70, v13  }
0x1e0: {  	v6 =	vor.u32 v6, v10;
	s4 =	rddreg [dreg:$0xa];
	v22, _, _ =	vpop (xrf0)  }
0x1e1: {  	v23 =	vor.u32 v1, v6;
	s17 =	rddreg [dreg:$0xb];
	(v2sf) =	vpush v22, $0xF;
	v9 =	vld.idx.msk [tilespmem:v18+s4+$0x0], $0xffff  }
0x1e2: {  	v11 =	vld.idx.msk [tilespmem:v20+s17+$0x0], $0xffff  }
0x1e3: {  	v7 =	vadd.s32 v2, v15  }
0x1e4: {  	s2 =	sor.u32 $0xB, s25;
	v8 =	vadd.s32 v2, v16  }
0x1e5: {  	s28 =	sand.u32 $0xFFFF, s2  }
0x1e6: {  	s3 =	smul.u32 $0xBA2F, s28;
	[tilespmem:v23+s15+$0x0] =	vst.idx.msk $0xffff, v9  }
0x1e7: {  	[tilespmem:v23+s16+$0x0] =	vst.idx.msk $0xffff, v11  }
0x1e8: {  	v6 =	vor.u32 v3, v6;
	s3 =	sshrl.u32 s3, $0x13;
	v7 =	vld.idx.msk [tilespmem:v7+s4+$0x0], $0xffff  }
0x1e9: {  	s3 =	smul.u32 $0xB, s3;
	v8 =	vld.idx.msk [tilespmem:v8+s17+$0x0], $0xffff;
	_ =	sdelay $0x1  }
0x1ea: {  	s2 =	ssub.s32 s2, s3  }
0x1eb: {  	s2 =	sand.u32 $0xFFFF, s2;
	s28 =	spop (v2sf)  }
0x1ec: {  	s17 =	sshll.u32 s2, $0xC;
	s3 =	sand.u32 $0xFFFFF80, s28;
	[tilespmem:v6+s15+$0x0] =	vst.idx.msk $0xffff, v7  }
0x1ed: {  	s2 =	sadd.s32 $0x1, s2;
	s4 =	sor.u32 $0x800, s17;
	s3 =	sadd.s32 s30, s3;
	[tilespmem:v6+s16+$0x0] =	vst.idx.msk $0xffff, v8  }
0x1ee: {  	[tilespmem:s4], [sflag:s2] =	stream.strided.gather [hbm4b:s3+s9], $0x1000, s12, s9, $0x38;
	[tilespmem:$0x1EA00] =	vst v63  }
0x1ef: {  	s4 =	spop (v2sf)  }
0x1f0: {  	s3 =	sand.u32 $0xFFFFF80, s4  }
0x1f1: {  	s17 =	sadd.s32 $0xB800, s17;
	s3 =	sadd.s32 s29, s3  }
0x1f2: {  	[tilespmem:s17], [sflag:s2] =	stream.strided.gather [hbm4b:s3+s9], $0x1000, s12, s9, $0x38;
	[tilespmem:$0x1EA00] =	vst v63  }
0x1f3: {  	_ =	swait.ge [sflag:s5], $0x1000  }
0x1f4: {  	v24 =	vmov s10;
	[sflag:s5] =	ssyncset.done $0x0  }
0x1f5: {  	[sflag:s5] =	ssyncadd.s32 $0xFFFFF000  }
0x1f6: {  	_ =	swait.ge [sflag:s5], $0x1000  }
0x1f7: {  	v25 =	vsel vm12, $0x0, v5;
	[sflag:s5] =	ssyncset.done $0x0  }
0x1f8: {  	(xrf0) =	vadd.scan.msk.s32 $0xffff, v25;
	[sflag:s5] =	ssyncadd.s32 $0xFFFFF000  }
0x1f9: {  	v28 =	vsel vm12, $0x0, v4;
	v26 =	vld.idx.msk [tilespmem:v24+s9+$0x0], $0xffff  }
0x1fa: {  	(xrf0) =	vadd.scan.msk.s32 $0xffff, v28;
	v27 =	vld.idx.msk [tilespmem:v24+s14+$0x0], $0xffff;
	_ =	sdelay $0x3  }
0x1fb: {  	v30, _, _ =	vpop (xrf0);
	v29 =	vadd.s32 v0, v26  }
0x1fc: {  	v31 =	vadd.s32 v0, v27;
	(v2sf) =	vpush v30, $0xF  }
0x1fd: {  	v32 =	vshll.u32 v24, $0x3;
	v33, _, _ =	vpop (xrf0)  }
0x1fe: {  	v10 =	vand.u32 $0xC00, v32;
	v6 =	vand.u32 $0x71, v24;
	(v2sf) =	vpush v33, $0xF  }
0x1ff: {  	v6 =	vor.u32 v6, v10;
	s5 =	rddreg [dreg:$0xc]  }
0x200: {  	v34 =	vor.u32 v1, v6;
	s17 =	rddreg [dreg:$0xd];
	v9 =	vld.idx.msk [tilespmem:v29+s5+$0x0], $0xffff  }
0x201: {  	v11 =	vld.idx.msk [tilespmem:v31+s17+$0x0], $0xffff  }
0x202: {  	v7 =	vadd.s32 v2, v26  }
0x203: {  	s28 =	sor.u32 $0xC, s25;
	v8 =	vadd.s32 v2, v27  }
0x204: {  	s10 =	sand.u32 $0xFFFF, s28  }
0x205: {  	s3 =	smul.u32 $0xBA2F, s10;
	[tilespmem:v34+s15+$0x0] =	vst.idx.msk $0xffff, v9  }
0x206: {  	[tilespmem:v34+s16+$0x0] =	vst.idx.msk $0xffff, v11  }
0x207: {  	v6 =	vor.u32 v3, v6;
	s3 =	sshrl.u32 s3, $0x13;
	v7 =	vld.idx.msk [tilespmem:v7+s5+$0x0], $0xffff  }
0x208: {  	s3 =	smul.u32 $0xB, s3;
	v8 =	vld.idx.msk [tilespmem:v8+s17+$0x0], $0xffff;
	_ =	sdelay $0x1  }
0x209: {  	s2 =	ssub.s32 s28, s3  }
0x20a: {  	s2 =	sand.u32 $0xFFFF, s2;
	s17 =	spop (v2sf)  }
0x20b: {  	s28 =	sshll.u32 s2, $0xC;
	s2 =	sadd.s32 $0x1, s2;
	s3 =	sand.u32 $0xFFFFF80, s17;
	[tilespmem:v6+s15+$0x0] =	vst.idx.msk $0xffff, v7  }
0x20c: {  	s4 =	sor.u32 $0x800, s28;
	s10 =	spop (v2sf);
	s3 =	sadd.s32 s30, s3;
	[tilespmem:v6+s16+$0x0] =	vst.idx.msk $0xffff, v8  }
0x20d: {  	[tilespmem:s4], [sflag:s2] =	stream.strided.gather [hbm4b:s3+s9], $0x1000, s12, s9, $0x38;
	[tilespmem:$0x1EA00] =	vst v63  }
0x20e: {  	s3 =	sand.u32 $0xFFFFF80, s10  }
0x20f: {  	s5 =	sadd.s32 $0xB800, s28;
	s3 =	sadd.s32 s29, s3  }
0x210: {  	[tilespmem:s5], [sflag:s2] =	stream.strided.gather [hbm4b:s3+s9], $0x1000, s12, s9, $0x38;
	[tilespmem:$0x1EA00] =	vst v63  }
0x211: {  	_ =	swait.ge [sflag:s11], $0x1000  }
0x212: {  	v35 =	vmov s8;
	[sflag:s11] =	ssyncset.done $0x0  }
0x213: {  	[sflag:s11] =	ssyncadd.s32 $0xFFFFF000  }
0x214: {  	_ =	swait.ge [sflag:s11], $0x1000  }
0x215: {  	v36 =	vsel vm13, $0x0, v5;
	[sflag:s11] =	ssyncset.done $0x0  }
0x216: {  	(xrf0) =	vadd.scan.msk.s32 $0xffff, v36;
	[sflag:s11] =	ssyncadd.s32 $0xFFFFF000  }
0x217: {  	v39 =	vsel vm13, $0x0, v4;
	v37 =	vld.idx.msk [tilespmem:v35+s9+$0x0], $0xffff  }
0x218: {  	(xrf0) =	vadd.scan.msk.s32 $0xffff, v39;
	v38 =	vld.idx.msk [tilespmem:v35+s14+$0x0], $0xffff;
	_ =	sdelay $0x3  }
0x219: {  	v41, _, _ =	vpop (xrf0);
	v40 =	vadd.s32 v0, v37  }
0x21a: {  	v42 =	vadd.s32 v0, v38;
	(v2sf) =	vpush v41, $0xF  }
0x21b: {  	v43 =	vshll.u32 v35, $0x3;
	v44, _, _ =	vpop (xrf0)  }
0x21c: {  	v10 =	vand.u32 $0xC00, v43;
	v6 =	vand.u32 $0x72, v35;
	(v2sf) =	vpush v44, $0xF  }
0x21d: {  	v6 =	vor.u32 v6, v10;
	s11 =	rddreg [dreg:$0xe]  }
0x21e: {  	v45 =	vor.u32 v1, v6;
	s17 =	rddreg [dreg:$0xf];
	v9 =	vld.idx.msk [tilespmem:v40+s11+$0x0], $0xffff  }
0x21f: {  	v11 =	vld.idx.msk [tilespmem:v42+s17+$0x0], $0xffff  }
0x220: {  	v7 =	vadd.s32 v2, v37  }
0x221: {  	s28 =	sor.u32 $0xD, s25;
	v8 =	vadd.s32 v2, v38  }
0x222: {  	s8 =	sand.u32 $0xFFFF, s28  }
0x223: {  	s3 =	smul.u32 $0xBA2F, s8;
	[tilespmem:v45+s15+$0x0] =	vst.idx.msk $0xffff, v9  }
0x224: {  	[tilespmem:v45+s16+$0x0] =	vst.idx.msk $0xffff, v11  }
0x225: {  	v6 =	vor.u32 v3, v6;
	s3 =	sshrl.u32 s3, $0x13;
	v7 =	vld.idx.msk [tilespmem:v7+s11+$0x0], $0xffff  }
0x226: {  	s3 =	smul.u32 $0xB, s3;
	v8 =	vld.idx.msk [tilespmem:v8+s17+$0x0], $0xffff;
	_ =	sdelay $0x1  }
0x227: {  	s2 =	ssub.s32 s28, s3  }
0x228: {  	s2 =	sand.u32 $0xFFFF, s2;
	s10 =	spop (v2sf)  }
0x229: {  	s11 =	sshll.u32 s2, $0xC;
	s2 =	sadd.s32 $0x1, s2;
	s3 =	sand.u32 $0xFFFFF80, s10;
	[tilespmem:v6+s15+$0x0] =	vst.idx.msk $0xffff, v7  }
0x22a: {  	s17 =	sor.u32 $0x800, s11;
	s28 =	spop (v2sf);
	s3 =	sadd.s32 s30, s3;
	[tilespmem:v6+s16+$0x0] =	vst.idx.msk $0xffff, v8  }
0x22b: {  	[tilespmem:s17], [sflag:s2] =	stream.strided.gather [hbm4b:s3+s9], $0x1000, s12, s9, $0x38;
	[tilespmem:$0x1EA00] =	vst v63  }
0x22c: {  	s3 =	sand.u32 $0xFFFFF80, s28  }
0x22d: {  	s4 =	sadd.s32 $0xB800, s11;
	s3 =	sadd.s32 s29, s3  }
0x22e: {  	[tilespmem:s4], [sflag:s2] =	stream.strided.gather [hbm4b:s3+s9], $0x1000, s12, s9, $0x38;
	[tilespmem:$0x1EA00] =	vst v63  }
0x22f: {  	_ =	swait.ge [sflag:s1], $0x1000  }
0x230: {  	v46 =	vmov s31;
	[sflag:s1] =	ssyncset.done $0x0  }
0x231: {  	[sflag:s1] =	ssyncadd.s32 $0xFFFFF000  }
0x232: {  	_ =	swait.ge [sflag:s1], $0x1000  }
0x233: {  	v47 =	vsel vm14, $0x0, v5;
	[sflag:s1] =	ssyncset.done $0x0  }
0x234: {  	(xrf0) =	vadd.scan.msk.s32 $0xffff, v47;
	[sflag:s1] =	ssyncadd.s32 $0xFFFFF000  }
0x235: {  	v50 =	vsel vm14, $0x0, v4;
	v48 =	vld.idx.msk [tilespmem:v46+s9+$0x0], $0xffff  }
0x236: {  	(xrf0) =	vadd.scan.msk.s32 $0xffff, v50;
	v49 =	vld.idx.msk [tilespmem:v46+s14+$0x0], $0xffff;
	_ =	sdelay $0x3  }
0x237: {  	v52, _, _ =	vpop (xrf0);
	v51 =	vadd.s32 v0, v48  }
0x238: {  	v53 =	vadd.s32 v0, v49;
	(v2sf) =	vpush v52, $0xF  }
0x239: {  	v54 =	vshll.u32 v46, $0x3;
	v55, _, _ =	vpop (xrf0)  }
0x23a: {  	v10 =	vand.u32 $0xC00, v54;
	v6 =	vand.u32 $0x73, v46;
	(v2sf) =	vpush v55, $0xF  }
0x23b: {  	v6 =	vor.u32 v6, v10  }
0x23c: {  	v56 =	vor.u32 v1, v6;
	v9 =	vld.idx.msk [tilespmem:v51+s6+$0x0], $0xffff  }
0x23d: {  	v11 =	vld.idx.msk [tilespmem:v53+s7+$0x0], $0xffff  }
0x23e: {  	v7 =	vadd.s32 v2, v48  }
0x23f: {  	s4 =	sor.u32 $0xE, s25;
	v8 =	vadd.s32 v2, v49  }
0x240: {  	s5 =	sand.u32 $0xFFFF, s4  }
0x241: {  	s2 =	smul.u32 $0xBA2F, s5;
	[tilespmem:v56+s15+$0x0] =	vst.idx.msk $0xffff, v9  }
0x242: {  	[tilespmem:v56+s16+$0x0] =	vst.idx.msk $0xffff, v11  }
0x243: {  	v6 =	vor.u32 v3, v6;
	s2 =	sshrl.u32 s2, $0x13;
	v7 =	vld.idx.msk [tilespmem:v7+s6+$0x0], $0xffff  }
0x244: {  	s2 =	smul.u32 $0xB, s2;
	v8 =	vld.idx.msk [tilespmem:v8+s7+$0x0], $0xffff;
	_ =	sdelay $0x1  }
0x245: {  	s1 =	ssub.s32 s4, s2  }
0x246: {  	s1 =	sand.u32 $0xFFFF, s1;
	s6 =	spop (v2sf)  }
0x247: {  	s7 =	sshll.u32 s1, $0xC;
	s1 =	sadd.s32 $0x1, s1;
	s2 =	sand.u32 $0xFFFFF80, s6;
	[tilespmem:v6+s15+$0x0] =	vst.idx.msk $0xffff, v7  }
0x248: {  	s8 =	sor.u32 $0x800, s7;
	s10 =	spop (v2sf);
	s2 =	sadd.s32 s30, s2;
	[tilespmem:v6+s16+$0x0] =	vst.idx.msk $0xffff, v8  }
0x249: {  	[tilespmem:s8], [sflag:s1] =	stream.strided.gather [hbm4b:s2+s9], $0x1000, s12, s9, $0x38;
	[tilespmem:$0x1EA00] =	vst v63  }
0x24a: {  	s2 =	sand.u32 $0xFFFFF80, s10  }
0x24b: {  	s3 =	sadd.s32 $0xB800, s7;
	s2 =	sadd.s32 s29, s2  }
0x24c: {  	[tilespmem:s3], [sflag:s1] =	stream.strided.gather [hbm4b:s2+s9], $0x1000, s12, s9, $0x38;
	[tilespmem:$0x1EA00] =	vst v63  }
0x24d: {  	_ =	swait.ge [sflag:s26], $0x1000  }
0x24e: {  	v57 =	vmov s13;
	[sflag:s26] =	ssyncset.done $0x0  }
0x24f: {  	[sflag:s26] =	ssyncadd.s32 $0xFFFFF000  }
0x250: {  	_ =	swait.ge [sflag:s26], $0x1000  }
0x251: {  	v5 =	vsel vm15, $0x0, v5;
	[sflag:s26] =	ssyncset.done $0x0  }
0x252: {  	(xrf0) =	vadd.scan.msk.s32 $0xffff, v5;
	[sflag:s26] =	ssyncadd.s32 $0xFFFFF000  }
0x253: {  	v4 =	vsel vm15, $0x0, v4;
	v5 =	vld.idx.msk [tilespmem:v57+s9+$0x0], $0xffff  }
0x254: {  	(xrf0) =	vadd.scan.msk.s32 $0xffff, v4;
	v58 =	vld.idx.msk [tilespmem:v57+s14+$0x0], $0xffff;
	_ =	sdelay $0x3  }
0x255: {  	v4, _, _ =	vpop (xrf0);
	v59 =	vadd.s32 v0, v5  }
0x256: {  	v60 =	vadd.s32 v0, v58;
	(v2sf) =	vpush v4, $0xF  }
0x257: {  	v4 =	vshll.u32 v57, $0x3;
	v61, _, _ =	vpop (xrf0)  }
0x258: {  	v6 =	vand.u32 $0x74, v57;
	v4 =	vand.u32 $0xC00, v4;
	(v2sf) =	vpush v61, $0xF  }
0x259: {  	v4 =	vor.u32 v6, v4  }
0x25a: {  	v62 =	vor.u32 v1, v4;
	v8 =	vld.idx.msk [tilespmem:v59+s18+$0x0], $0xffff  }
0x25b: {  	v63 =	vld.idx.msk [tilespmem:v60+s0+$0x0], $0xffff  }
0x25c: {  	s11 =	sor.u32 $0xF, s25;
	v5 =	vadd.s32 v2, v5  }
0x25d: {  	s13 =	sand.u32 $0xFFFF, s11;
	v7 =	vadd.s32 v2, v58  }
0x25e: {  	s2 =	smul.u32 $0xBA2F, s13  }
0x25f: {  	[tilespmem:v62+s15+$0x0] =	vst.idx.msk $0xffff, v8  }
0x260: {  	s2 =	sshrl.u32 s2, $0x13;
	[tilespmem:v62+s16+$0x0] =	vst.idx.msk $0xffff, v63  }
0x261: {  	s17 =	smul.u32 $0xB, s2;
	v4 =	vor.u32 v3, v4;
	v5 =	vld.idx.msk [tilespmem:v5+s18+$0x0], $0xffff  }
0x262: {  	v6 =	vld.idx.msk [tilespmem:v7+s0+$0x0], $0xffff  }
0x263: {  	s24 =	sadd.s32 $0x40, s24;
	s22 =	sadd.s32 $0x10, s22;
	s0 =	ssub.s32 s11, s17  }
0x264: {  	s21 =	sadd.s32 $0x10, s21;
	s25 =	sadd.s32 $0x10, s25;
	s0 =	sand.u32 $0xFFFF, s0  }
0x265: {  	p0 =	sne.s32 s25, $0x200;
	s26 =	sshll.u32 s0, $0xC;
	s18 =	spop (v2sf)  }
0x266: {  	s0 =	sadd.s32 $0x1, s0;
	s28 =	sor.u32 $0x800, s26;
	s1 =	sand.u32 $0xFFFFF80, s18;
	[tilespmem:v4+s15+$0x0] =	vst.idx.msk $0xffff, v5  }
.Ltmp0:
0x267: {  	s31 =	spop (v2sf);
	s1 =	sadd.s32 s30, s1;
	[tilespmem:v4+s16+$0x0] =	vst.idx.msk $0xffff, v6;
	(pc) =	sbr.rel @p0 .LBB2_2-.Ltmp0, $4  }
0x268: {  	[tilespmem:s28], [sflag:s0] =	stream.strided.gather [hbm4b:s1+s9], $0x1000, s12, s9, $0x38;
	[tilespmem:$0x1EA00] =	vst v63  }
0x269: {  	s20 =	sadd.s32 $0x10, s20;
	s19 =	sadd.s32 $0x10, s19;
	s1 =	sand.u32 $0xFFFFF80, s31  }
0x26a: {  	s23 =	sadd.s32 $0x40000, s23;
	s2 =	sadd.s32 $0xB800, s26;
	s1 =	sadd.s32 s29, s1  }
0x26b: {  	[tilespmem:s2], [sflag:s0] =	stream.strided.gather [hbm4b:s1+s9], $0x1000, s12, s9, $0x38;
	[tilespmem:$0x1EA00] =	vst v63  }
0x26c: {  	s0 =	simm.s32 $0x1F5  }
0x26d: {  	s1 =	smul.u32 $0xBA2F, s0;
	_ =	sdelay $0x1  }
0x26e: {  	s1 =	sshrl.u32 s1, $0x13  }
0x26f: {  	s1 =	smul.u32 $0xB, s1;
	_ =	sdelay $0x1  }
0x270: {  	s1 =	ssub.s32 $0x1F5, s1  }
0x271: {  	s1 =	sand.u32 $0xFFFF, s1  }
0x272: {  	s2 =	sadd.s32 $0x1, s1  }
0x273: {  	_ =	swait.ge [sflag:s2], $0x1000  }
0x274: {  	v4 =	vmov s0;
	[sflag:s2] =	ssyncset.done $0x0  }
0x275: {  	[sflag:s2] =	ssyncadd.s32 $0xFFFFF000  }
0x276: {  	_ =	swait.ge [sflag:s2], $0x1000  }
0x277: {  	[sflag:s2] =	ssyncset.done $0x0  }
0x278: {  	[sflag:s2] =	ssyncadd.s32 $0xFFFFF000  }
0x279: {  	v5 =	vld.idx.msk [tilespmem:v4+s9+$0x0], $0xffff  }
0x27a: {  	v6 =	vld.idx.msk [tilespmem:v4+s14+$0x0], $0xffff;
	_ =	sdelay $0x3  }
0x27b: {  	v7 =	vadd.s32 v0, v5  }
0x27c: {  	v8 =	vadd.s32 v0, v6  }
0x27d: {  	v9 =	vshll.u32 v4, $0x3  }
0x27e: {  	v9 =	vand.u32 $0xC00, v9;
	s1 =	sshll.u32 s1, $0xC;
	v4 =	vand.u32 $0x7F, v4  }
0x27f: {  	s30 =	sor.u32 $0x800, s1;
	v4 =	vor.u32 v4, v9  }
0x280: {  	v9 =	vor.u32 v1, v4;
	v7 =	vld.idx.msk [tilespmem:v7+s30+$0x0], $0xffff  }
0x281: {  	v8 =	vld.idx.msk [tilespmem:v8+s1+$0xB800], $0xffff  }
0x282: {  	v5 =	vadd.s32 v2, v5;
	_ =	sdelay $0x1  }
0x283: {  	v6 =	vadd.s32 v2, v6  }
0x284: {  	s0 =	simm.s32 $0x1F6;
	[tilespmem:v9+s15+$0x0] =	vst.idx.msk $0xffff, v7  }
0x285: {  	s3 =	smul.u32 $0xBA2F, s0;
	[tilespmem:v9+s16+$0x0] =	vst.idx.msk $0xffff, v8  }
0x286: {  	v4 =	vor.u32 v3, v4;
	v7 =	vld.idx.msk [tilespmem:v5+s30+$0x0], $0xffff  }
0x287: {  	s31 =	sshrl.u32 s3, $0x13  }
0x288: {  	s2 =	smul.u32 $0xB, s31;
	v5 =	vld.idx.msk [tilespmem:v6+s1+$0xB800], $0xffff;
	_ =	sdelay $0x1  }
0x289: {  	s2 =	ssub.s32 $0x1F6, s2  }
0x28a: {  	s2 =	sand.u32 $0xFFFF, s2;
	s1 =	simm.s32 $0x1F7;
	[tilespmem:v4+s15+$0x0] =	vst.idx.msk $0xffff, v7  }
.LBB2_4:
0x28b: {  	p0 =	sne.s32 s1, $0x1FF  }
0x28c: {  	s3 =	sadd.s32 $0x1, s2;
	[tilespmem:v4+s16+$0x0] =	vst.idx.msk $0xffff, v5;
	s4 =	smov.u32 s1;
	s1 =	sadd.s32 $0x1, s1  }
0x28d: {  	_ =	swait.ge [sflag:s3], $0x1000  }
0x28e: {  	v4 =	vmov s0;
	s0 =	smov.u32 s4;
	[sflag:s3] =	ssyncset.done $0x0  }
0x28f: {  	v5 =	vshll.u32 v4, $0x3;
	[sflag:s3] =	ssyncadd.s32 $0xFFFFF000  }
0x290: {  	v6 =	vand.u32 $0x7F, v4;
	v5 =	vand.u32 $0xC00, v5;
	_ =	swait.ge [sflag:s3], $0x1000  }
0x291: {  	v6 =	vor.u32 v6, v5;
	[sflag:s3] =	ssyncset.done $0x0  }
0x292: {  	[sflag:s3] =	ssyncadd.s32 $0xFFFFF000  }
0x293: {  	v5 =	vld.idx.msk [tilespmem:v4+s9+$0x0], $0xffff  }
0x294: {  	v4 =	vld.idx.msk [tilespmem:v4+s14+$0x0], $0xffff;
	_ =	sdelay $0x4  }
0x295: {  	v7 =	vadd.s32 v0, v5  }
0x296: {  	v8 =	vadd.s32 v0, v4;
	_ =	sdelay $0x1  }
0x297: {  	s2 =	sshll.u32 s2, $0xC  }
0x298: {  	s3 =	sor.u32 $0x800, s2  }
0x299: {  	v7 =	vld.idx.msk [tilespmem:v7+s3+$0x0], $0xffff  }
0x29a: {  	v9 =	vor.u32 v1, v6;
	v8 =	vld.idx.msk [tilespmem:v8+s2+$0xB800], $0xffff;
	_ =	sdelay $0x1  }
0x29b: {  	v5 =	vadd.s32 v2, v5  }
0x29c: {  	v4 =	vadd.s32 v2, v4;
	_ =	sdelay $0x1  }
0x29d: {  	[tilespmem:v9+s15+$0x0] =	vst.idx.msk $0xffff, v7  }
0x29e: {  	[tilespmem:v9+s16+$0x0] =	vst.idx.msk $0xffff, v8  }
0x29f: {  	s4 =	smul.u32 $0xBA2F, s0;
	v7 =	vld.idx.msk [tilespmem:v5+s3+$0x0], $0xffff  }
0x2a0: {  	v5 =	vld.idx.msk [tilespmem:v4+s2+$0xB800], $0xffff;
	v4 =	vor.u32 v3, v6  }
.Ltmp1:
0x2a1: {  	s2 =	sshrl.u32 s4, $0x13;
	(pc) =	sbr.rel @p0 .LBB2_4-.Ltmp1, $3  }
0x2a2: {  	s2 =	smul.u32 $0xB, s2;
	_ =	sdelay $0x1  }
0x2a3: {  	s2 =	ssub.s32 s0, s2  }
0x2a4: {  	s2 =	sand.u32 $0xFFFF, s2;
	[tilespmem:v4+s15+$0x0] =	vst.idx.msk $0xffff, v7  }
0x2a5: {  	_ =	sdelay $0x3  }
0x2a6: {  	s1 =	sadd.s32 $0x1, s2;
	[tilespmem:v4+s16+$0x0] =	vst.idx.msk $0xffff, v5  }
0x2a7: {  	_ =	swait.ge [sflag:s1], $0x1000  }
0x2a8: {  	v4 =	vmov s0;
	[sflag:s1] =	ssyncset.done $0x0  }
0x2a9: {  	[sflag:s1] =	ssyncadd.s32 $0xFFFFF000  }
0x2aa: {  	_ =	swait.ge [sflag:s1], $0x1000  }
0x2ab: {  	[sflag:s1] =	ssyncset.done $0x0  }
0x2ac: {  	[sflag:s1] =	ssyncadd.s32 $0xFFFFF000  }
0x2ad: {  	v5 =	vld.idx.msk [tilespmem:v4+s9+$0x0], $0xffff  }
0x2ae: {  	v6 =	vld.idx.msk [tilespmem:v4+s14+$0x0], $0xffff;
	_ =	sdelay $0x3  }
0x2af: {  	v7 =	vadd.s32 v0, v5  }
0x2b0: {  	v8 =	vadd.s32 v0, v6  }
0x2b1: {  	v9 =	vshll.u32 v4, $0x3  }
0x2b2: {  	s18 =	sshll.u32 s2, $0xC;
	v9 =	vand.u32 $0xC00, v9;
	v4 =	vand.u32 $0x7F, v4  }
0x2b3: {  	s19 =	sor.u32 $0x800, s18;
	v4 =	vor.u32 v4, v9  }
0x2b4: {  	v9 =	vor.u32 v1, v4;
	v7 =	vld.idx.msk [tilespmem:v7+s19+$0x0], $0xffff  }
0x2b5: {  	v8 =	vld.idx.msk [tilespmem:v8+s18+$0xB800], $0xffff  }
0x2b6: {  	v5 =	vadd.s32 v2, v5  }
0x2b7: {  	v6 =	vadd.s32 v2, v6;
	_ =	sdelay $0x1  }
0x2b8: {  	[tilespmem:v9+s15+$0x0] =	vst.idx.msk $0xffff, v7  }
0x2b9: {  	[tilespmem:v9+s16+$0x0] =	vst.idx.msk $0xffff, v8  }
0x2ba: {  	v4 =	vor.u32 v3, v4;
	v5 =	vld.idx.msk [tilespmem:v5+s19+$0x0], $0xffff  }
0x2bb: {  	v6 =	vld.idx.msk [tilespmem:v6+s18+$0xB800], $0xffff;
	_ =	sdelay $0x2  }
0x2bc: {  	s20 =	simm.s32 $0x0  }
0x2bd: {  	s21 =	sand.u32 $0x70, s20;
	s22 =	sand.u32 $0xC00, s20;
	[tilespmem:v4+s15+$0x0] =	vst.idx.msk $0xffff, v5  }
0x2be: {  	s0 =	sor.u32 s21, s22;
	[tilespmem:v4+s16+$0x0] =	vst.idx.msk $0xffff, v6  }
0x2bf: {  	v4 =	vld [tilespmem:s0+$0x1A800]  }
0x2c0: {  	v5 =	vld [tilespmem:s0+$0x16800]  }
0x2c1: {  	v6 =	vld [tilespmem:s0+$0x16880]  }
0x2c2: {  	s23 =	sand.u32 $0xFFFFFC00, s20;
	v7 =	vld [tilespmem:s0+$0x1A880]  }
0x2c3: {  	s1 =	sadd.s32 $0x0, s23;
	v8 =	vld [tilespmem:s0+$0x16900]  }
0x2c4: {  	s3 =	sor.u32 $0x180, s1;
	v9 =	vld [tilespmem:s0+$0x1A900]  }
0x2c5: {  	v10 =	vld [tilespmem:s3+$0x1A800];
	v4 =	vmul.f32 v4, v5  }
0x2c6: {  	v5 =	vld [tilespmem:s3+$0x16800]  }
0x2c7: {  	v60 =	vld [tilespmem:s0+$0x16A00];
	v6 =	vmul.f32 v7, v6;
	v4 =	vadd.f32 $0.0e+00, v4  }
0x2c8: {  	v11 =	vld [tilespmem:s0+$0x1AA00]  }
0x2c9: {  	v62 =	vld [tilespmem:s0+$0x16A80];
	v61 =	vmul.f32 v9, v8;
	v4 =	vadd.f32 v6, v4  }
0x2ca: {  	v63 =	vld [tilespmem:s0+$0x1AA80]  }
0x2cb: {  	s2 =	sor.u32 s20, s20;
	v12 =	vld [tilespmem:s0+$0x16B00];
	v5 =	vmul.f32 v10, v5;
	v4 =	vadd.f32 v61, v4  }
0x2cc: {  	s24 =	sor.u32 $0x380, s2;
	v13 =	vld [tilespmem:s0+$0x1AB00]  }
0x2cd: {  	v14 =	vld [tilespmem:s24+$0x16800];
	v4 =	vadd.f32 v5, v4;
	v5 =	vmul.f32 v11, v60  }
0x2ce: {  	v15 =	vld [tilespmem:s24+$0x1A800]  }
0x2cf: {  	v16 =	vld [tilespmem:s0+$0x17800];
	v4 =	vadd.f32 v5, v4;
	v5 =	vmul.f32 v63, v62  }
0x2d0: {  	v17 =	vld [tilespmem:s0+$0x1B800]  }
0x2d1: {  	v18 =	vld [tilespmem:s0+$0x17880];
	v4 =	vadd.f32 v5, v4;
	v5 =	vmul.f32 v13, v12  }
0x2d2: {  	v19 =	vld [tilespmem:s0+$0x1B880]  }
0x2d3: {  	v20 =	vld [tilespmem:s0+$0x17900];
	v4 =	vadd.f32 v5, v4;
	v5 =	vmul.f32 v15, v14  }
0x2d4: {  	s25 =	sor.u32 $0x1180, s1;
	v21 =	vld [tilespmem:s0+$0x1B900]  }
0x2d5: {  	v22 =	vld [tilespmem:s25+$0x16800];
	v4 =	vadd.f32 v5, v4;
	v5 =	vmul.f32 v17, v16  }
0x2d6: {  	v23 =	vld [tilespmem:s25+$0x1A800]  }
0x2d7: {  	v24 =	vld [tilespmem:s0+$0x17A00];
	v4 =	vadd.f32 v5, v4;
	v5 =	vmul.f32 v19, v18  }
0x2d8: {  	v25 =	vld [tilespmem:s0+$0x1BA00]  }
0x2d9: {  	v26 =	vld [tilespmem:s0+$0x17A80];
	v4 =	vadd.f32 v5, v4;
	v5 =	vmul.f32 v21, v20  }
0x2da: {  	v27 =	vld [tilespmem:s0+$0x1BA80]  }
0x2db: {  	v28 =	vld [tilespmem:s0+$0x17B00];
	v4 =	vadd.f32 v5, v4;
	v5 =	vmul.f32 v23, v22  }
0x2dc: {  	s26 =	sor.u32 $0x1380, s2;
	v29 =	vld [tilespmem:s0+$0x1BB00]  }
0x2dd: {  	v30 =	vld [tilespmem:s26+$0x16800];
	v4 =	vadd.f32 v5, v4;
	v5 =	vmul.f32 v25, v24  }
0x2de: {  	v31 =	vld [tilespmem:s26+$0x1A800]  }
0x2df: {  	v32 =	vld [tilespmem:s0+$0x18800];
	v4 =	vadd.f32 v5, v4;
	v5 =	vmul.f32 v27, v26  }
0x2e0: {  	v33 =	vld [tilespmem:s0+$0x1C800]  }
0x2e1: {  	v34 =	vld [tilespmem:s0+$0x18880];
	v4 =	vadd.f32 v5, v4;
	v5 =	vmul.f32 v29, v28  }
0x2e2: {  	v35 =	vld [tilespmem:s0+$0x1C880]  }
0x2e3: {  	v36 =	vld [tilespmem:s0+$0x18900];
	v4 =	vadd.f32 v5, v4;
	v5 =	vmul.f32 v31, v30  }
0x2e4: {  	s28 =	sor.u32 $0x2180, s1;
	v37 =	vld [tilespmem:s0+$0x1C900]  }
0x2e5: {  	v38 =	vld [tilespmem:s28+$0x16800];
	v4 =	vadd.f32 v5, v4;
	v5 =	vmul.f32 v33, v32  }
0x2e6: {  	v39 =	vld [tilespmem:s28+$0x1A800]  }
0x2e7: {  	v40 =	vld [tilespmem:s0+$0x18A00];
	v4 =	vadd.f32 v5, v4;
	v5 =	vmul.f32 v35, v34  }
0x2e8: {  	v41 =	vld [tilespmem:s0+$0x1CA00]  }
0x2e9: {  	v42 =	vld [tilespmem:s0+$0x18A80];
	v4 =	vadd.f32 v5, v4;
	v5 =	vmul.f32 v37, v36  }
0x2ea: {  	v43 =	vld [tilespmem:s0+$0x1CA80]  }
0x2eb: {  	v44 =	vld [tilespmem:s0+$0x18B00];
	v4 =	vadd.f32 v5, v4;
	v5 =	vmul.f32 v39, v38  }
0x2ec: {  	s29 =	sor.u32 $0x2380, s2;
	v45 =	vld [tilespmem:s0+$0x1CB00]  }
0x2ed: {  	v46 =	vld [tilespmem:s29+$0x16800];
	v4 =	vadd.f32 v5, v4;
	v5 =	vmul.f32 v41, v40  }
0x2ee: {  	v47 =	vld [tilespmem:s29+$0x1A800]  }
0x2ef: {  	v48 =	vld [tilespmem:s0+$0x19800];
	v4 =	vadd.f32 v5, v4;
	v5 =	vmul.f32 v43, v42  }
0x2f0: {  	v49 =	vld [tilespmem:s0+$0x1D800]  }
0x2f1: {  	v50 =	vld [tilespmem:s0+$0x19880];
	v4 =	vadd.f32 v5, v4;
	v5 =	vmul.f32 v45, v44  }
0x2f2: {  	v51 =	vld [tilespmem:s0+$0x1D880]  }
0x2f3: {  	v52 =	vld [tilespmem:s0+$0x19900];
	v4 =	vadd.f32 v5, v4;
	v5 =	vmul.f32 v47, v46  }
0x2f4: {  	s1 =	sor.u32 $0x3180, s1;
	v53 =	vld [tilespmem:s0+$0x1D900]  }
0x2f5: {  	v54 =	vld [tilespmem:s1+$0x16800];
	v4 =	vadd.f32 v5, v4;
	v5 =	vmul.f32 v49, v48  }
0x2f6: {  	v55 =	vld [tilespmem:s1+$0x1A800]  }
0x2f7: {  	v56 =	vld [tilespmem:s0+$0x19A00];
	v4 =	vadd.f32 v5, v4;
	v5 =	vmul.f32 v51, v50  }
0x2f8: {  	v57 =	vld [tilespmem:s0+$0x1DA00]  }
0x2f9: {  	v58 =	vld [tilespmem:s0+$0x19A80];
	v4 =	vadd.f32 v5, v4;
	v5 =	vmul.f32 v53, v52  }
0x2fa: {  	v59 =	vld [tilespmem:s0+$0x1DA80]  }
0x2fb: {  	v61 =	vld [tilespmem:s0+$0x1DB00];
	v4 =	vadd.f32 v5, v4;
	v5 =	vmul.f32 v55, v54  }
0x2fc: {  	s30 =	sor.u32 $0x3380, s2;
	v60 =	vld [tilespmem:s0+$0x19B00]  }
0x2fd: {  	v62 =	vld [tilespmem:s30+$0x16800];
	v4 =	vadd.f32 v5, v4;
	v5 =	vmul.f32 v57, v56  }
0x2fe: {  	v63 =	vld [tilespmem:s30+$0x1A800]  }
0x2ff: {  	v4 =	vadd.f32 v5, v4;
	v5 =	vmul.f32 v59, v58;
	_ =	sdelay $0x1  }
0x300: {  	v4 =	vadd.f32 v5, v4;
	v5 =	vmul.f32 v61, v60;
	_ =	sdelay $0x1  }
0x301: {  	v4 =	vadd.f32 v5, v4;
	v5 =	vmul.f32 v63, v62;
	_ =	sdelay $0x1  }
0x302: {  	v4 =	vadd.f32 v5, v4;
	_ =	sdelay $0x1  }
0x303: {  	v4 =	vsub.f32 $0.0e+00, v4;
	_ =	sdelay $0x1  }
0x304: {  	v4 =	vmul.f32 $1.442695020e+00, v4;
	_ =	sdelay $0x1  }
0x305: {  	(erf) = vpow2.f32 v4;
	_ =	sdelay $0x8  }
0x306: {  	v4 =	vpop (erf)  }
0x307: {  	v4 =	vadd.f32 $1.000000000e+00, v4;
	_ =	sdelay $0x1  }
0x308: {  	(erf) = vrcp.f32 v4;
	_ =	sdelay $0x7  }
0x309: {  	s2 =	simm.s32 $0x10;
	s3 =	simm.s32 $0x80  }
0x30a: {  	s31 =	sand.u32 $0x70, s2;
	s4 =	sand.u32 $0xC00, s3;
	s0 =	simm.s32 $0x1E800;
	v4 =	vpop (erf)  }
0x30b: {  	s8 =	simm.s32 $0x0;
	s1 =	sor.u32 s31, s4;
	s4 =	simm.s32 $0x20;
	[tilespmem:s0+$0x0] =	vst v4  }
.LBB2_6:
0x30c: {  	p0 =	sne.s32 s4, $0x1F0;
	v4 =	vld [tilespmem:s1+$0x1A800]  }
0x30d: {  	v5 =	vld [tilespmem:s1+$0x16800]  }
0x30e: {  	v6 =	vld [tilespmem:s1+$0x16880]  }
0x30f: {  	s5 =	sand.u32 $0xFFFFFC00, s3;
	v7 =	vld [tilespmem:s1+$0x1A880]  }
0x310: {  	s5 =	sadd.s32 s5, s2;
	v8 =	vld [tilespmem:s1+$0x16900]  }
0x311: {  	s6 =	sor.u32 $0x180, s5;
	v9 =	vld [tilespmem:s1+$0x1A900]  }
0x312: {  	v4 =	vmul.f32 v4, v5;
	v5 =	vld [tilespmem:s6+$0x16800]  }
0x313: {  	v10 =	vld [tilespmem:s6+$0x1A800]  }
0x314: {  	v4 =	vadd.f32 $0.0e+00, v4;
	v6 =	vmul.f32 v7, v6;
	v7 =	vld [tilespmem:s1+$0x16A00]  }
0x315: {  	v11 =	vld [tilespmem:s1+$0x1AA00]  }
0x316: {  	v4 =	vadd.f32 v6, v4;
	v6 =	vmul.f32 v9, v8;
	v8 =	vld [tilespmem:s1+$0x16A80]  }
0x317: {  	v9 =	vld [tilespmem:s1+$0x1AA80]  }
0x318: {  	s6 =	sor.u32 s2, s3;
	s2 =	smov.u32 s4;
	v4 =	vadd.f32 v6, v4;
	v5 =	vmul.f32 v10, v5;
	v6 =	vld [tilespmem:s1+$0x16B00]  }
0x319: {  	s7 =	sor.u32 $0x380, s6;
	v10 =	vld [tilespmem:s1+$0x1AB00]  }
0x31a: {  	v4 =	vadd.f32 v5, v4;
	v5 =	vmul.f32 v11, v7;
	v7 =	vld [tilespmem:s7+$0x16800]  }
0x31b: {  	v11 =	vld [tilespmem:s7+$0x1A800]  }
0x31c: {  	v4 =	vadd.f32 v5, v4;
	v5 =	vmul.f32 v9, v8;
	v8 =	vld [tilespmem:s1+$0x17800]  }
0x31d: {  	v9 =	vld [tilespmem:s1+$0x1B800]  }
0x31e: {  	v4 =	vadd.f32 v5, v4;
	v5 =	vmul.f32 v10, v6;
	v6 =	vld [tilespmem:s1+$0x17880]  }
0x31f: {  	v10 =	vld [tilespmem:s1+$0x1B880]  }
0x320: {  	v4 =	vadd.f32 v5, v4;
	v5 =	vmul.f32 v11, v7;
	v7 =	vld [tilespmem:s1+$0x17900]  }
0x321: {  	s7 =	sor.u32 $0x1180, s5;
	v11 =	vld [tilespmem:s1+$0x1B900]  }
0x322: {  	v4 =	vadd.f32 v5, v4;
	v5 =	vmul.f32 v9, v8;
	v8 =	vld [tilespmem:s7+$0x16800]  }
0x323: {  	v9 =	vld [tilespmem:s7+$0x1A800]  }
0x324: {  	v4 =	vadd.f32 v5, v4;
	v5 =	vmul.f32 v10, v6;
	v6 =	vld [tilespmem:s1+$0x17A00]  }
0x325: {  	v10 =	vld [tilespmem:s1+$0x1BA00]  }
0x326: {  	v4 =	vadd.f32 v5, v4;
	v5 =	vmul.f32 v11, v7;
	v7 =	vld [tilespmem:s1+$0x17A80]  }
0x327: {  	v11 =	vld [tilespmem:s1+$0x1BA80]  }
0x328: {  	v4 =	vadd.f32 v5, v4;
	v5 =	vmul.f32 v9, v8;
	v8 =	vld [tilespmem:s1+$0x17B00]  }
0x329: {  	s7 =	sor.u32 $0x1380, s6;
	v9 =	vld [tilespmem:s1+$0x1BB00]  }
0x32a: {  	v4 =	vadd.f32 v5, v4;
	v5 =	vmul.f32 v10, v6;
	v6 =	vld [tilespmem:s7+$0x16800]  }
0x32b: {  	v10 =	vld [tilespmem:s7+$0x1A800]  }
0x32c: {  	v4 =	vadd.f32 v5, v4;
	v5 =	vmul.f32 v11, v7;
	v7 =	vld [tilespmem:s1+$0x18800]  }
0x32d: {  	v11 =	vld [tilespmem:s1+$0x1C800]  }
0x32e: {  	v4 =	vadd.f32 v5, v4;
	v5 =	vmul.f32 v9, v8;
	v8 =	vld [tilespmem:s1+$0x18880]  }
0x32f: {  	v9 =	vld [tilespmem:s1+$0x1C880]  }
0x330: {  	v4 =	vadd.f32 v5, v4;
	v5 =	vmul.f32 v10, v6;
	v6 =	vld [tilespmem:s1+$0x18900]  }
0x331: {  	s7 =	sor.u32 $0x2180, s5;
	v10 =	vld [tilespmem:s1+$0x1C900]  }
0x332: {  	v4 =	vadd.f32 v5, v4;
	v5 =	vmul.f32 v11, v7;
	v7 =	vld [tilespmem:s7+$0x16800]  }
0x333: {  	v11 =	vld [tilespmem:s7+$0x1A800]  }
0x334: {  	v4 =	vadd.f32 v5, v4;
	v5 =	vmul.f32 v9, v8;
	v8 =	vld [tilespmem:s1+$0x18A00]  }
0x335: {  	v9 =	vld [tilespmem:s1+$0x1CA00]  }
0x336: {  	v4 =	vadd.f32 v5, v4;
	v5 =	vmul.f32 v10, v6;
	v6 =	vld [tilespmem:s1+$0x18A80]  }
0x337: {  	v10 =	vld [tilespmem:s1+$0x1CA80]  }
0x338: {  	v4 =	vadd.f32 v5, v4;
	v5 =	vmul.f32 v11, v7;
	v7 =	vld [tilespmem:s1+$0x18B00]  }
0x339: {  	s7 =	sor.u32 $0x2380, s6;
	v11 =	vld [tilespmem:s1+$0x1CB00]  }
0x33a: {  	v4 =	vadd.f32 v5, v4;
	v5 =	vmul.f32 v9, v8;
	v8 =	vld [tilespmem:s7+$0x16800]  }
0x33b: {  	v9 =	vld [tilespmem:s7+$0x1A800]  }
0x33c: {  	v4 =	vadd.f32 v5, v4;
	v5 =	vmul.f32 v10, v6;
	v6 =	vld [tilespmem:s1+$0x19800]  }
0x33d: {  	v10 =	vld [tilespmem:s1+$0x1D800]  }
0x33e: {  	v4 =	vadd.f32 v5, v4;
	v5 =	vmul.f32 v11, v7;
	v7 =	vld [tilespmem:s1+$0x19880]  }
0x33f: {  	v11 =	vld [tilespmem:s1+$0x1D880]  }
0x340: {  	v4 =	vadd.f32 v5, v4;
	v5 =	vmul.f32 v9, v8;
	v8 =	vld [tilespmem:s1+$0x19900]  }
0x341: {  	s5 =	sor.u32 $0x3180, s5;
	v9 =	vld [tilespmem:s1+$0x1D900]  }
0x342: {  	v4 =	vadd.f32 v5, v4;
	v5 =	vmul.f32 v10, v6;
	v6 =	vld [tilespmem:s5+$0x16800]  }
0x343: {  	v10 =	vld [tilespmem:s5+$0x1A800]  }
0x344: {  	v4 =	vadd.f32 v5, v4;
	v5 =	vmul.f32 v11, v7;
	v7 =	vld [tilespmem:s1+$0x19A00]  }
0x345: {  	v11 =	vld [tilespmem:s1+$0x1DA00]  }
0x346: {  	v4 =	vadd.f32 v5, v4;
	v5 =	vmul.f32 v9, v8;
	v8 =	vld [tilespmem:s1+$0x19A80]  }
0x347: {  	v9 =	vld [tilespmem:s1+$0x1DA80]  }
0x348: {  	v4 =	vadd.f32 v5, v4;
	v5 =	vmul.f32 v10, v6;
	v6 =	vld [tilespmem:s1+$0x19B00]  }
0x349: {  	v10 =	vld [tilespmem:s1+$0x1DB00];
	s1 =	sor.u32 $0x3380, s6  }
0x34a: {  	v4 =	vadd.f32 v5, v4;
	v5 =	vmul.f32 v11, v7;
	v7 =	vld [tilespmem:s1+$0x16800]  }
0x34b: {  	v11 =	vld [tilespmem:s1+$0x1A800]  }
0x34c: {  	v4 =	vadd.f32 v5, v4;
	v5 =	vmul.f32 v9, v8;
	_ =	sdelay $0x1  }
0x34d: {  	v4 =	vadd.f32 v5, v4;
	v5 =	vmul.f32 v10, v6;
	_ =	sdelay $0x1  }
0x34e: {  	v4 =	vadd.f32 v5, v4;
	v5 =	vmul.f32 v11, v7;
	_ =	sdelay $0x1  }
0x34f: {  	v4 =	vadd.f32 v5, v4;
	_ =	sdelay $0x1  }
0x350: {  	v4 =	vsub.f32 $0.0e+00, v4;
	_ =	sdelay $0x1  }
0x351: {  	v4 =	vmul.f32 $1.442695020e+00, v4;
	_ =	sdelay $0x1  }
0x352: {  	(erf) = vpow2.f32 v4;
	_ =	sdelay $0x8  }
0x353: {  	v4 =	vpop (erf)  }
0x354: {  	v4 =	vadd.f32 $1.000000000e+00, v4;
	_ =	sdelay $0x1  }
0x355: {  	(erf) = vrcp.f32 v4;
	_ =	sdelay $0x5  }
.Ltmp2:
0x356: {  	(pc) =	sbr.rel @p0 .LBB2_6-.Ltmp2, $4  }
0x357: {  	_ = 	snop  }
0x358: {  	s3 =	sadd.s32 $0x80, s3  }
0x359: {  	s0 =	sadd.s32 $0x10, s0;
	s5 =	sand.u32 $0xC00, s3;
	s1 =	sand.u32 $0x70, s4;
	v4 =	vpop (erf)  }
0x35a: {  	s4 =	sadd.s32 $0x10, s4;
	s1 =	sor.u32 s1, s5;
	[tilespmem:s0+$0x0] =	vst v4  }
0x35b: {  	v4 =	vld [tilespmem:s1+$0x1A800]  }
0x35c: {  	v5 =	vld [tilespmem:s1+$0x16800]  }
0x35d: {  	v6 =	vld [tilespmem:s1+$0x16880]  }
0x35e: {  	s4 =	sand.u32 $0xFFFFFC00, s3;
	v7 =	vld [tilespmem:s1+$0x1A880]  }
0x35f: {  	v8 =	vld [tilespmem:s1+$0x16900];
	s4 =	sadd.s32 s4, s2  }
0x360: {  	v9 =	vld [tilespmem:s1+$0x1A900];
	s5 =	sor.u32 $0x180, s4  }
0x361: {  	v10 =	vld [tilespmem:s5+$0x1A800];
	v4 =	vmul.f32 v4, v5  }
0x362: {  	v5 =	vld [tilespmem:s5+$0x16800]  }
0x363: {  	v60 =	vld [tilespmem:s1+$0x16A00];
	v6 =	vmul.f32 v7, v6;
	v4 =	vadd.f32 $0.0e+00, v4  }
0x364: {  	v11 =	vld [tilespmem:s1+$0x1AA00]  }
0x365: {  	v62 =	vld [tilespmem:s1+$0x16A80];
	v61 =	vmul.f32 v9, v8;
	v4 =	vadd.f32 v6, v4  }
0x366: {  	v63 =	vld [tilespmem:s1+$0x1AA80]  }
0x367: {  	v12 =	vld [tilespmem:s1+$0x16B00];
	s20 =	sor.u32 s2, s3;
	v5 =	vmul.f32 v10, v5;
	v4 =	vadd.f32 v61, v4  }
0x368: {  	v13 =	vld [tilespmem:s1+$0x1AB00];
	s3 =	sor.u32 $0x380, s20  }
0x369: {  	v14 =	vld [tilespmem:s3+$0x16800];
	v4 =	vadd.f32 v5, v4;
	v5 =	vmul.f32 v11, v60  }
0x36a: {  	v15 =	vld [tilespmem:s3+$0x1A800]  }
0x36b: {  	v16 =	vld [tilespmem:s1+$0x17800];
	v4 =	vadd.f32 v5, v4;
	v5 =	vmul.f32 v63, v62  }
0x36c: {  	v17 =	vld [tilespmem:s1+$0x1B800]  }
0x36d: {  	v18 =	vld [tilespmem:s1+$0x17880];
	v4 =	vadd.f32 v5, v4;
	v5 =	vmul.f32 v13, v12  }
0x36e: {  	v19 =	vld [tilespmem:s1+$0x1B880]  }
0x36f: {  	v20 =	vld [tilespmem:s1+$0x17900];
	v4 =	vadd.f32 v5, v4;
	v5 =	vmul.f32 v15, v14  }
0x370: {  	v21 =	vld [tilespmem:s1+$0x1B900];
	s21 =	sor.u32 $0x1180, s4  }
0x371: {  	v22 =	vld [tilespmem:s21+$0x16800];
	v4 =	vadd.f32 v5, v4;
	v5 =	vmul.f32 v17, v16  }
0x372: {  	v23 =	vld [tilespmem:s21+$0x1A800]  }
0x373: {  	v24 =	vld [tilespmem:s1+$0x17A00];
	v4 =	vadd.f32 v5, v4;
	v5 =	vmul.f32 v19, v18  }
0x374: {  	v25 =	vld [tilespmem:s1+$0x1BA00]  }
0x375: {  	v26 =	vld [tilespmem:s1+$0x17A80];
	v4 =	vadd.f32 v5, v4;
	v5 =	vmul.f32 v21, v20  }
0x376: {  	v27 =	vld [tilespmem:s1+$0x1BA80]  }
0x377: {  	v28 =	vld [tilespmem:s1+$0x17B00];
	v4 =	vadd.f32 v5, v4;
	v5 =	vmul.f32 v23, v22  }
0x378: {  	v29 =	vld [tilespmem:s1+$0x1BB00];
	s22 =	sor.u32 $0x1380, s20  }
0x379: {  	v30 =	vld [tilespmem:s22+$0x16800];
	v4 =	vadd.f32 v5, v4;
	v5 =	vmul.f32 v25, v24  }
0x37a: {  	v31 =	vld [tilespmem:s22+$0x1A800]  }
0x37b: {  	v32 =	vld [tilespmem:s1+$0x18800];
	v4 =	vadd.f32 v5, v4;
	v5 =	vmul.f32 v27, v26  }
0x37c: {  	v33 =	vld [tilespmem:s1+$0x1C800]  }
0x37d: {  	v34 =	vld [tilespmem:s1+$0x18880];
	v4 =	vadd.f32 v5, v4;
	v5 =	vmul.f32 v29, v28  }
0x37e: {  	v35 =	vld [tilespmem:s1+$0x1C880]  }
0x37f: {  	v36 =	vld [tilespmem:s1+$0x18900];
	v4 =	vadd.f32 v5, v4;
	v5 =	vmul.f32 v31, v30  }
0x380: {  	v37 =	vld [tilespmem:s1+$0x1C900];
	s23 =	sor.u32 $0x2180, s4  }
0x381: {  	v38 =	vld [tilespmem:s23+$0x16800];
	v4 =	vadd.f32 v5, v4;
	v5 =	vmul.f32 v33, v32  }
0x382: {  	v39 =	vld [tilespmem:s23+$0x1A800]  }
0x383: {  	v40 =	vld [tilespmem:s1+$0x18A00];
	v4 =	vadd.f32 v5, v4;
	v5 =	vmul.f32 v35, v34  }
0x384: {  	v41 =	vld [tilespmem:s1+$0x1CA00]  }
0x385: {  	v42 =	vld [tilespmem:s1+$0x18A80];
	v4 =	vadd.f32 v5, v4;
	v5 =	vmul.f32 v37, v36  }
0x386: {  	v43 =	vld [tilespmem:s1+$0x1CA80]  }
0x387: {  	v44 =	vld [tilespmem:s1+$0x18B00];
	v4 =	vadd.f32 v5, v4;
	v5 =	vmul.f32 v39, v38  }
0x388: {  	v45 =	vld [tilespmem:s1+$0x1CB00];
	s24 =	sor.u32 $0x2380, s20  }
0x389: {  	v46 =	vld [tilespmem:s24+$0x16800];
	v4 =	vadd.f32 v5, v4;
	v5 =	vmul.f32 v41, v40  }
0x38a: {  	v47 =	vld [tilespmem:s24+$0x1A800]  }
0x38b: {  	v48 =	vld [tilespmem:s1+$0x19800];
	v4 =	vadd.f32 v5, v4;
	v5 =	vmul.f32 v43, v42  }
0x38c: {  	v49 =	vld [tilespmem:s1+$0x1D800]  }
0x38d: {  	v50 =	vld [tilespmem:s1+$0x19880];
	v4 =	vadd.f32 v5, v4;
	v5 =	vmul.f32 v45, v44  }
0x38e: {  	v51 =	vld [tilespmem:s1+$0x1D880]  }
0x38f: {  	v52 =	vld [tilespmem:s1+$0x19900];
	v4 =	vadd.f32 v5, v4;
	v5 =	vmul.f32 v47, v46  }
0x390: {  	v53 =	vld [tilespmem:s1+$0x1D900];
	s25 =	sor.u32 $0x3180, s4  }
0x391: {  	v54 =	vld [tilespmem:s25+$0x16800];
	v4 =	vadd.f32 v5, v4;
	v5 =	vmul.f32 v49, v48  }
0x392: {  	v55 =	vld [tilespmem:s25+$0x1A800]  }
0x393: {  	v56 =	vld [tilespmem:s1+$0x19A00];
	v4 =	vadd.f32 v5, v4;
	v5 =	vmul.f32 v51, v50  }
0x394: {  	v57 =	vld [tilespmem:s1+$0x1DA00]  }
0x395: {  	v58 =	vld [tilespmem:s1+$0x19A80];
	v4 =	vadd.f32 v5, v4;
	v5 =	vmul.f32 v53, v52  }
0x396: {  	v59 =	vld [tilespmem:s1+$0x1DA80]  }
0x397: {  	v61 =	vld [tilespmem:s1+$0x1DB00];
	v4 =	vadd.f32 v5, v4;
	v5 =	vmul.f32 v55, v54  }
0x398: {  	s26 =	sor.u32 $0x3380, s20;
	v60 =	vld [tilespmem:s1+$0x19B00]  }
0x399: {  	v62 =	vld [tilespmem:s26+$0x16800];
	v4 =	vadd.f32 v5, v4;
	v5 =	vmul.f32 v57, v56  }
0x39a: {  	v63 =	vld [tilespmem:s26+$0x1A800]  }
0x39b: {  	v4 =	vadd.f32 v5, v4;
	v5 =	vmul.f32 v59, v58;
	_ =	sdelay $0x1  }
0x39c: {  	v4 =	vadd.f32 v5, v4;
	v5 =	vmul.f32 v61, v60;
	_ =	sdelay $0x1  }
0x39d: {  	v4 =	vadd.f32 v5, v4;
	v5 =	vmul.f32 v63, v62;
	_ =	sdelay $0x1  }
0x39e: {  	v4 =	vadd.f32 v5, v4;
	_ =	sdelay $0x1  }
0x39f: {  	v4 =	vsub.f32 $0.0e+00, v4;
	_ =	sdelay $0x1  }
0x3a0: {  	v4 =	vmul.f32 $1.442695020e+00, v4;
	_ =	sdelay $0x1  }
0x3a1: {  	(erf) = vpow2.f32 v4;
	_ =	sdelay $0x8  }
0x3a2: {  	v4 =	vpop (erf)  }
0x3a3: {  	v4 =	vadd.f32 $1.000000000e+00, v4;
	_ =	sdelay $0x1  }
0x3a4: {  	(erf) = vrcp.f32 v4;
	_ =	sdelay $0x8  }
0x3a5: {  	s0 =	sadd.s32 $0x10, s0;
	v4 =	vpop (erf)  }
0x3a6: {  	s28 =	rddreg [dreg:$0x7];
	s29 =	simm.s32 $0x1E800;
	s2 =	simm.s32 $0xC;
	[tilespmem:s0+$0x0] =	vst v4  }
0x3a7: {  	[hbm4b:s28+s8] =	stream.linear.scatter [tilespmem:s29], [sflag:$0xC], $0x200, $0x38;
	[tilespmem:$0x1EA00] =	vst v63  }
0x3a8: {  	_ =	swait.ge [sflag:s2], $0x200  }
0x3a9: {  	s30 =	rddreg [dreg:$0x9]  }
0x3aa: {  	s31 =	rddreg [dreg:$0x8];
	s1 =	sadd.s32 $0x1, s30  }
0x3ab: {  	p0 =	sne.s32 s1, s31  }
.Ltmp3:
0x3ac: {  	_ = 	snop;
	(pc) =	sbr.rel @p0 .LBB2_1-.Ltmp3, $3  }
0x3ad: {  	_ =	sdelay $0x1  }
0x3ae: {  	[sflag:s2] =	ssyncset.done $0x0  }
0x3af: {  	[sflag:s2] =	ssyncadd.s32 $0xFFFFFE00  }
0x3b0: {  	_ =	sfence.sel $0x180000  }
0x3b1: {  	[bflag:$0x0] =	sbarrier.arrive $0xFFFF  }
0x3b2: {  	_ =	strace $0x90000047  }
0x3b3: {  	s0 =	stileid.u32;
	[bflag:$0x2] =	sbarrier.arrive $0xFFFF  }
0x3b4: {  	p0 =	sne.s32 s0, $0x0;
	s0 =	rddreg [dreg:$0x4]  }
0x3b5: {  	s0 =	sadd.s32 @!p0 $0x100000, s0  }
0x3b6: {  	[sflag:s0] =	ssyncadd.tile.s32 @!p0 $0x1;
	_ =	shalt  }
.Lfunc_end2:
_tile_overlayer_lowered:
.L_overlay_start_2:
0x3b7: {  	(tag) =	ssettag $0x2  }
0x3b8: {  	s0 =	rddreg [dreg:$0x0];
	s2 =	stileid.u32  }
0x3b9: {  	s1 =	rddreg [dreg:$0x1];
	p0 =	sne.s32 s2, $0x0  }
0x3ba: {  	s3 =	rddreg [dreg:$0x2];
	[bflag:$0x3] =	sbarrier.arrive $0xFFFF;
	s2 =	simm.s32 @!p0 $0x1C0C  }
0x3bb: {  	[timem:s3], [sflag:s2] =	dma.local @!p0 [hbm:s0], s1  }
0x3bc: {  	s0 =	simm.s32 @!p0 $0xC  }
0x3bd: {  	_ =	swait.ge @!p0 [sflag:s0], s1  }
0x3be: {  	s1 =	ssub.s32 @!p0 $0x0, s1;
	[sflag:s0] =	ssyncset.done @!p0 $0x0  }
0x3bf: {  	[sflag:s0] =	ssyncadd.s32 @!p0 s1  }
0x3c0: {  	[bflag:$0x3] =	sbarrier.arrive $0xFFFF  }
0x3c1: {  	_ =	shalt  }

</sc_bundles>
